<compile_context>
chip_gen: v7x
topology: tpu7x:2x2x1
jax: 0.10.2.dev20260603
libtpu: 0.0.44.dev20260713+nightly
codegen_flags: <defaults>
</compile_context>

<pallas_src>
import functools

import jax
import jax.numpy as jnp
from jax import lax
from jax.experimental import pallas as pl
from jax.experimental.pallas import tpu as pltpu
from jax.experimental.pallas import tpu_sc as plsc

_EMB = 64
_SCALE = 8.0

_NC, _NS = 2, 16
_NW = _NC * _NS
_LANES = 16
_SLAB = 128
_NBUF = 2


def _gather_body(seq_len, table_hbm, tok_hbm, out_hbm,
                 tok_v, tok_t, rows_v, obuf, gsem, osem):
    w = lax.axis_index("s") * _NC + lax.axis_index("c")
    pltpu.sync_copy(tok_hbm.at[pl.ds(w * _SLAB, _SLAB)], tok_v)
    iota = lax.iota(jnp.int32, _LANES)
    n_sb = _SLAB // _LANES

    def tok_tr(t, c):
        col = jnp.zeros((_LANES,), jnp.int32) + t
        for sb in range(n_sb):
            v = plsc.load_gather(tok_v, [sb * _LANES + iota, col])
            tok_t[t, pl.ds(sb * _LANES, _LANES)] = v
        return c

    lax.fori_loop(0, seq_len, tok_tr, 0)

    def gather_src(t):
        return table_hbm.at[tok_t.at[t]]

    def out_dst(t):
        return out_hbm.at[t, :, w]

    def rows_dst(b):
        return rows_v.at[b]

    rot = [lax.rem(iota + k, _LANES) for k in range(_LANES)]

    for b in range(_NBUF):
        pltpu.async_copy(gather_src(b), rows_dst(b), gsem.at[b])

    n_groups = seq_len // _NBUF

    def group(g, c):
        for b in range(_NBUF):
            t = g * _NBUF + b
            pltpu.make_async_copy(gather_src(t), rows_dst(b), gsem.at[b]).wait()

            @pl.when(g > 0)
            def _():
                pltpu.make_async_copy(obuf.at[b], out_dst(t - _NBUF), osem.at[b]).wait()

            def emb_tr(sb, cc, b=b):
                row = sb * _LANES + iota
                for e0 in range(0, _EMB, _LANES):
                    for k in range(_LANES):
                        col = rot[k] + e0
                        v = plsc.load_gather(rows_v.at[b], [row, col])
                        et = jnp.right_shift(col, 3)
                        ei = jnp.bitwise_and(col, 7)
                        plsc.store_scatter(
                            obuf.at[b], [et, ei, row], v * _SCALE
                        )
                return cc

            lax.fori_loop(0, n_sb, emb_tr, 0)

            @pl.when(t + _NBUF < seq_len)
            def _():
                pltpu.async_copy(gather_src(t + _NBUF), rows_dst(b), gsem.at[b])

            pltpu.async_copy(obuf.at[b], out_dst(t), osem.at[b])
        return c

    lax.fori_loop(0, n_groups, group, 0)

    for b in range(_NBUF):
        t = seq_len - _NBUF + b
        pltpu.make_async_copy(obuf.at[b], out_dst(t), osem.at[b]).wait()


def kernel(tokens, table):
    n_seq, seq_len = tokens.shape
    assert n_seq == _NW * _SLAB and seq_len % _NBUF == 0 and _EMB % 8 == 0
    tok = tokens.astype(jnp.int32)

    mesh = plsc.VectorSubcoreMesh(core_axis_name="c", subcore_axis_name="s")
    out5 = pl.kernel(
        functools.partial(_gather_body, seq_len),
        out_type=jax.ShapeDtypeStruct(
            (seq_len, _EMB // 8, n_seq // _SLAB, 8, _SLAB), jnp.float32
        ),
        mesh=mesh,
        compiler_params=pltpu.CompilerParams(
            use_tc_tiling_on_sc=False, needs_layout_passes=False,
            disable_bounds_checks=True
        ),
        scratch_types=[
            pltpu.VMEM((_SLAB, seq_len), jnp.int32),
            pltpu.VMEM((seq_len, _SLAB), jnp.int32),
            pltpu.VMEM((_NBUF, _SLAB, _EMB), jnp.float32),
            pltpu.VMEM((_NBUF, _EMB // 8, 8, _SLAB), jnp.float32),
            pltpu.SemaphoreType.DMA((_NBUF,)),
            pltpu.SemaphoreType.DMA((_NBUF,)),
        ],
    )(table, tok)
    out = jnp.transpose(out5, (2, 4, 0, 1, 3)).reshape(n_seq, seq_len, _EMB)
    return out

# --- scband reference (transcript-rebuilt; emitter-appended) ---
"""Pipeline reference for scband-token-embedding-3315714752824 (READ-ONLY COPY).

The authoritative reference and input builder live on the scoring server;
editing this copy changes nothing except your own understanding.
"""

import jax, jax.numpy as jnp
import numpy as np
import math

VOCAB_SIZE = 100000
EMB_SIZE = 64

def setup_inputs(seed: int = 0) -> dict:
    key = jax.random.key(seed)
    k_tok, k_tab = jax.random.split(key)
    tokens = jax.random.randint(k_tok, (4096, 200), 0, VOCAB_SIZE, dtype=jnp.int64 if jax.config.jax_enable_x64 else jnp.int32)
    table = jax.random.normal(k_tab, (VOCAB_SIZE, EMB_SIZE), dtype=jnp.float32)
    return {"tokens": tokens, "table": table}

def reference(tokens, table):
    # embedding lookup + sqrt(emb_size) scaling, faithful to TokenEmbedding.forward
    emb = jnp.take(table, tokens, axis=0)
    return emb * math.sqrt(EMB_SIZE)

if __name__ == "__main__":
    import jax
    _d = setup_inputs()
    print(jax.jit(kernel)(*tuple(_d.values())))

</pallas_src>

<mosaic_0001>
#map = affine_map<(d0, d1) -> (0, 0)>
#map1 = affine_map<(d0, d1) -> (0, 0, 0, 0, 0)>
module attributes {stable_mosaic.version = 14 : i64} {
  func.func @_gather_body(%arg0: i32, %arg1: i32, %arg2: memref<100000x64xf32, #tpu.memory_space<hbm>>, %arg3: memref<4096x200xi32, #tpu.memory_space<hbm>>, %arg4: memref<200x8x32x8x128xf32, #tpu.memory_space<hbm>>, %arg5: memref<128x200xi32, #tpu.memory_space<vmem>>, %arg6: memref<200x128xi32, #tpu.memory_space<vmem>>, %arg7: memref<2x128x64xf32, #tpu.memory_space<vmem>>, %arg8: memref<2x8x8x128xf32, #tpu.memory_space<vmem>>, %arg9: memref<2x!tpu.dma_semaphore, #tpu.memory_space<semaphore_mem>>, %arg10: memref<2x!tpu.dma_semaphore, #tpu.memory_space<semaphore_mem>>) attributes {dimension_semantics = [#tpu.dimension_semantics<core_parallel>, #tpu.dimension_semantics<subcore_parallel>], iteration_bounds = array<i64: 2, 16>, scalar_prefetch = 0 : i64, scratch_operands = 6 : i64, tpu.core_type = #tpu.core_type<sc_vector_subcore>, window_params = [{transform_indices = #map}, {transform_indices = #map}, {transform_indices = #map1}]} {
    %mul3A = arith.constant 2 : i32
    %mul3A_0 = arith.muli %arg1, %mul3A : i32
    %add3A = arith.addi %mul3A_0, %arg0 : i32
    %mul3A_1 = arith.constant 128 : i32
    %mul3A_2 = arith.muli %add3A, %mul3A_1 : i32
    "tpu.region"() ({
      %run_scoped3A = tpu.sem_alloc : memref<!tpu.dma_semaphore, #tpu.memory_space<semaphore_mem>>
      %dma_start3A_187 = arith.constant 0 : i32
      %dma_start3A_188 = tpu.memref_slice %arg3[%mul3A_2, %dma_start3A_187] : memref<4096x200xi32, #tpu.memory_space<hbm>> -> memref<128x200xi32, #tpu.memory_space<hbm>>
      %dma_start3A_189 = arith.constant 0 : i32
      %dma_start3A_190 = tpu.memref_slice %arg3[%mul3A_2, %dma_start3A_189] : memref<4096x200xi32, #tpu.memory_space<hbm>> -> memref<128x200xi32, #tpu.memory_space<hbm>>
      tpu.enqueue_dma source(%dma_start3A_190 : memref<128x200xi32, #tpu.memory_space<hbm>>) target(%arg5 : memref<128x200xi32, #tpu.memory_space<vmem>>) target_semaphore(%run_scoped3A : memref<!tpu.dma_semaphore, #tpu.memory_space<semaphore_mem>>)
      %dma_wait3A_191 = arith.constant 0 : i32
      %dma_wait3A_192 = tpu.memref_slice %arg3[%mul3A_2, %dma_wait3A_191] : memref<4096x200xi32, #tpu.memory_space<hbm>> -> memref<128x200xi32, #tpu.memory_space<hbm>>
      %dma_wait3A_193 = arith.constant 0 : i32
      %dma_wait3A_194 = tpu.memref_slice %arg3[%mul3A_2, %dma_wait3A_193] : memref<4096x200xi32, #tpu.memory_space<hbm>> -> memref<128x200xi32, #tpu.memory_space<hbm>>
      tpu.wait_dma2 semaphore(%run_scoped3A : memref<!tpu.dma_semaphore, #tpu.memory_space<semaphore_mem>>) src(%dma_wait3A_194 : memref<128x200xi32, #tpu.memory_space<hbm>>) dst(%arg5 : memref<128x200xi32, #tpu.memory_space<vmem>>)
      tpu.yield
    }) : () -> ()
    %iota3A = tpu.iota {dimensions = array<i32: 0>} : vector<16xi32>
    %scan3A = arith.constant 0 : i32
    %scan3A_3 = arith.constant 0 : i32
    %scan3A_4 = arith.constant 200 : i32
    %scan3A_5 = arith.addi %scan3A_3, %scan3A_4 : i32
    %scan3A_6 = arith.constant 1 : i32
    scf.for %scan3A_187 = %scan3A_3 to %scan3A_5 step %scan3A_6  : i32 {
      %broadcast_in_dim3A = arith.constant 0 : i32
      %broadcast_in_dim3A_188 = vector.broadcast %broadcast_in_dim3A : i32 to vector<16xi32>
      %add3A_189 = vector.broadcast %scan3A_187 : i32 to vector<16xi32>
      %add3A_190 = arith.addi %broadcast_in_dim3A_188, %add3A_189 : vector<16xi32>
      %add3A_191 = arith.constant 0 : i32
      %add3A_192 = vector.broadcast %add3A_191 : i32 to vector<16xi32>
      %add3A_193 = arith.addi %add3A_192, %iota3A : vector<16xi32>
      %gather3A = tpu.vector_load_idx %arg5[%add3A_193, %add3A_190] : memref<128x200xi32, #tpu.memory_space<vmem>>[vector<16xi32>, vector<16xi32>], vector<16xi32>,
      %swap3A = arith.index_cast %scan3A_187 : i32 to index
      %swap3A_194 = arith.constant 0 : index
      %swap3A_195 = tpu.vector_load %arg6[%swap3A, %swap3A_194] {strides = array<i32>} : memref<200x128xi32, #tpu.memory_space<vmem>>, vector<16xi32>,
      tpu.vector_store %arg6[%swap3A, %swap3A_194], %gather3A {strides = array<i32>} : memref<200x128xi32, #tpu.memory_space<vmem>>, vector<16xi32>,
      %add3A_196 = arith.constant 16 : i32
      %add3A_197 = vector.broadcast %add3A_196 : i32 to vector<16xi32>
      %add3A_198 = arith.addi %add3A_197, %iota3A : vector<16xi32>
      %gather3A_199 = tpu.vector_load_idx %arg5[%add3A_198, %add3A_190] : memref<128x200xi32, #tpu.memory_space<vmem>>[vector<16xi32>, vector<16xi32>], vector<16xi32>,
      %swap3A_200 = arith.index_cast %scan3A_187 : i32 to index
      %swap3A_201 = arith.constant 16 : index
      %swap3A_202 = tpu.vector_load %arg6[%swap3A_200, %swap3A_201] {strides = array<i32>} : memref<200x128xi32, #tpu.memory_space<vmem>>, vector<16xi32>,
      tpu.vector_store %arg6[%swap3A_200, %swap3A_201], %gather3A_199 {strides = array<i32>} : memref<200x128xi32, #tpu.memory_space<vmem>>, vector<16xi32>,
      %add3A_203 = arith.constant 32 : i32
      %add3A_204 = vector.broadcast %add3A_203 : i32 to vector<16xi32>
      %add3A_205 = arith.addi %add3A_204, %iota3A : vector<16xi32>
      %gather3A_206 = tpu.vector_load_idx %arg5[%add3A_205, %add3A_190] : memref<128x200xi32, #tpu.memory_space<vmem>>[vector<16xi32>, vector<16xi32>], vector<16xi32>,
      %swap3A_207 = arith.index_cast %scan3A_187 : i32 to index
      %swap3A_208 = arith.constant 32 : index
      %swap3A_209 = tpu.vector_load %arg6[%swap3A_207, %swap3A_208] {strides = array<i32>} : memref<200x128xi32, #tpu.memory_space<vmem>>, vector<16xi32>,
      tpu.vector_store %arg6[%swap3A_207, %swap3A_208], %gather3A_206 {strides = array<i32>} : memref<200x128xi32, #tpu.memory_space<vmem>>, vector<16xi32>,
      %add3A_210 = arith.constant 48 : i32
      %add3A_211 = vector.broadcast %add3A_210 : i32 to vector<16xi32>
      %add3A_212 = arith.addi %add3A_211, %iota3A : vector<16xi32>
      %gather3A_213 = tpu.vector_load_idx %arg5[%add3A_212, %add3A_190] : memref<128x200xi32, #tpu.memory_space<vmem>>[vector<16xi32>, vector<16xi32>], vector<16xi32>,
      %swap3A_214 = arith.index_cast %scan3A_187 : i32 to index
      %swap3A_215 = arith.constant 48 : index
      %swap3A_216 = tpu.vector_load %arg6[%swap3A_214, %swap3A_215] {strides = array<i32>} : memref<200x128xi32, #tpu.memory_space<vmem>>, vector<16xi32>,
      tpu.vector_store %arg6[%swap3A_214, %swap3A_215], %gather3A_213 {strides = array<i32>} : memref<200x128xi32, #tpu.memory_space<vmem>>, vector<16xi32>,
      %add3A_217 = arith.constant 64 : i32
      %add3A_218 = vector.broadcast %add3A_217 : i32 to vector<16xi32>
      %add3A_219 = arith.addi %add3A_218, %iota3A : vector<16xi32>
      %gather3A_220 = tpu.vector_load_idx %arg5[%add3A_219, %add3A_190] : memref<128x200xi32, #tpu.memory_space<vmem>>[vector<16xi32>, vector<16xi32>], vector<16xi32>,
      %swap3A_221 = arith.index_cast %scan3A_187 : i32 to index
      %swap3A_222 = arith.constant 64 : index
      %swap3A_223 = tpu.vector_load %arg6[%swap3A_221, %swap3A_222] {strides = array<i32>} : memref<200x128xi32, #tpu.memory_space<vmem>>, vector<16xi32>,
      tpu.vector_store %arg6[%swap3A_221, %swap3A_222], %gather3A_220 {strides = array<i32>} : memref<200x128xi32, #tpu.memory_space<vmem>>, vector<16xi32>,
      %add3A_224 = arith.constant 80 : i32
      %add3A_225 = vector.broadcast %add3A_224 : i32 to vector<16xi32>
      %add3A_226 = arith.addi %add3A_225, %iota3A : vector<16xi32>
      %gather3A_227 = tpu.vector_load_idx %arg5[%add3A_226, %add3A_190] : memref<128x200xi32, #tpu.memory_space<vmem>>[vector<16xi32>, vector<16xi32>], vector<16xi32>,
      %swap3A_228 = arith.index_cast %scan3A_187 : i32 to index
      %swap3A_229 = arith.constant 80 : index
      %swap3A_230 = tpu.vector_load %arg6[%swap3A_228, %swap3A_229] {strides = array<i32>} : memref<200x128xi32, #tpu.memory_space<vmem>>, vector<16xi32>,
      tpu.vector_store %arg6[%swap3A_228, %swap3A_229], %gather3A_227 {strides = array<i32>} : memref<200x128xi32, #tpu.memory_space<vmem>>, vector<16xi32>,
      %add3A_231 = arith.constant 96 : i32
      %add3A_232 = vector.broadcast %add3A_231 : i32 to vector<16xi32>
      %add3A_233 = arith.addi %add3A_232, %iota3A : vector<16xi32>
      %gather3A_234 = tpu.vector_load_idx %arg5[%add3A_233, %add3A_190] : memref<128x200xi32, #tpu.memory_space<vmem>>[vector<16xi32>, vector<16xi32>], vector<16xi32>,
      %swap3A_235 = arith.index_cast %scan3A_187 : i32 to index
      %swap3A_236 = arith.constant 96 : index
      %swap3A_237 = tpu.vector_load %arg6[%swap3A_235, %swap3A_236] {strides = array<i32>} : memref<200x128xi32, #tpu.memory_space<vmem>>, vector<16xi32>,
      tpu.vector_store %arg6[%swap3A_235, %swap3A_236], %gather3A_234 {strides = array<i32>} : memref<200x128xi32, #tpu.memory_space<vmem>>, vector<16xi32>,
      %add3A_238 = arith.constant 112 : i32
      %add3A_239 = vector.broadcast %add3A_238 : i32 to vector<16xi32>
      %add3A_240 = arith.addi %add3A_239, %iota3A : vector<16xi32>
      %gather3A_241 = tpu.vector_load_idx %arg5[%add3A_240, %add3A_190] : memref<128x200xi32, #tpu.memory_space<vmem>>[vector<16xi32>, vector<16xi32>], vector<16xi32>,
      %swap3A_242 = arith.index_cast %scan3A_187 : i32 to index
      %swap3A_243 = arith.constant 112 : index
      %swap3A_244 = tpu.vector_load %arg6[%swap3A_242, %swap3A_243] {strides = array<i32>} : memref<200x128xi32, #tpu.memory_space<vmem>>, vector<16xi32>,
      tpu.vector_store %arg6[%swap3A_242, %swap3A_243], %gather3A_241 {strides = array<i32>} : memref<200x128xi32, #tpu.memory_space<vmem>>, vector<16xi32>,
    }
    %scan3A_7 = arith.constant 200 : i32
    %add3A_8 = arith.constant 0 : i32
    %add3A_9 = vector.broadcast %add3A_8 : i32 to vector<16xi32>
    %add3A_10 = arith.addi %iota3A, %add3A_9 : vector<16xi32>
    %rem3A = arith.constant 16 : i32
    %rem3A_11 = vector.broadcast %rem3A : i32 to vector<16xi32>
    %rem3A_12 = arith.remsi %add3A_10, %rem3A_11 : vector<16xi32>
    %add3A_13 = arith.constant 1 : i32
    %add3A_14 = vector.broadcast %add3A_13 : i32 to vector<16xi32>
    %add3A_15 = arith.addi %iota3A, %add3A_14 : vector<16xi32>
    %rem3A_16 = arith.constant 16 : i32
    %rem3A_17 = vector.broadcast %rem3A_16 : i32 to vector<16xi32>
    %rem3A_18 = arith.remsi %add3A_15, %rem3A_17 : vector<16xi32>
    %add3A_19 = arith.constant 2 : i32
    %add3A_20 = vector.broadcast %add3A_19 : i32 to vector<16xi32>
    %add3A_21 = arith.addi %iota3A, %add3A_20 : vector<16xi32>
    %rem3A_22 = arith.constant 16 : i32
    %rem3A_23 = vector.broadcast %rem3A_22 : i32 to vector<16xi32>
    %rem3A_24 = arith.remsi %add3A_21, %rem3A_23 : vector<16xi32>
    %add3A_25 = arith.constant 3 : i32
    %add3A_26 = vector.broadcast %add3A_25 : i32 to vector<16xi32>
    %add3A_27 = arith.addi %iota3A, %add3A_26 : vector<16xi32>
    %rem3A_28 = arith.constant 16 : i32
    %rem3A_29 = vector.broadcast %rem3A_28 : i32 to vector<16xi32>
    %rem3A_30 = arith.remsi %add3A_27, %rem3A_29 : vector<16xi32>
    %add3A_31 = arith.constant 4 : i32
    %add3A_32 = vector.broadcast %add3A_31 : i32 to vector<16xi32>
    %add3A_33 = arith.addi %iota3A, %add3A_32 : vector<16xi32>
    %rem3A_34 = arith.constant 16 : i32
    %rem3A_35 = vector.broadcast %rem3A_34 : i32 to vector<16xi32>
    %rem3A_36 = arith.remsi %add3A_33, %rem3A_35 : vector<16xi32>
    %add3A_37 = arith.constant 5 : i32
    %add3A_38 = vector.broadcast %add3A_37 : i32 to vector<16xi32>
    %add3A_39 = arith.addi %iota3A, %add3A_38 : vector<16xi32>
    %rem3A_40 = arith.constant 16 : i32
    %rem3A_41 = vector.broadcast %rem3A_40 : i32 to vector<16xi32>
    %rem3A_42 = arith.remsi %add3A_39, %rem3A_41 : vector<16xi32>
    %add3A_43 = arith.constant 6 : i32
    %add3A_44 = vector.broadcast %add3A_43 : i32 to vector<16xi32>
    %add3A_45 = arith.addi %iota3A, %add3A_44 : vector<16xi32>
    %rem3A_46 = arith.constant 16 : i32
    %rem3A_47 = vector.broadcast %rem3A_46 : i32 to vector<16xi32>
    %rem3A_48 = arith.remsi %add3A_45, %rem3A_47 : vector<16xi32>
    %add3A_49 = arith.constant 7 : i32
    %add3A_50 = vector.broadcast %add3A_49 : i32 to vector<16xi32>
    %add3A_51 = arith.addi %iota3A, %add3A_50 : vector<16xi32>
    %rem3A_52 = arith.constant 16 : i32
    %rem3A_53 = vector.broadcast %rem3A_52 : i32 to vector<16xi32>
    %rem3A_54 = arith.remsi %add3A_51, %rem3A_53 : vector<16xi32>
    %add3A_55 = arith.constant 8 : i32
    %add3A_56 = vector.broadcast %add3A_55 : i32 to vector<16xi32>
    %add3A_57 = arith.addi %iota3A, %add3A_56 : vector<16xi32>
    %rem3A_58 = arith.constant 16 : i32
    %rem3A_59 = vector.broadcast %rem3A_58 : i32 to vector<16xi32>
    %rem3A_60 = arith.remsi %add3A_57, %rem3A_59 : vector<16xi32>
    %add3A_61 = arith.constant 9 : i32
    %add3A_62 = vector.broadcast %add3A_61 : i32 to vector<16xi32>
    %add3A_63 = arith.addi %iota3A, %add3A_62 : vector<16xi32>
    %rem3A_64 = arith.constant 16 : i32
    %rem3A_65 = vector.broadcast %rem3A_64 : i32 to vector<16xi32>
    %rem3A_66 = arith.remsi %add3A_63, %rem3A_65 : vector<16xi32>
    %add3A_67 = arith.constant 10 : i32
    %add3A_68 = vector.broadcast %add3A_67 : i32 to vector<16xi32>
    %add3A_69 = arith.addi %iota3A, %add3A_68 : vector<16xi32>
    %rem3A_70 = arith.constant 16 : i32
    %rem3A_71 = vector.broadcast %rem3A_70 : i32 to vector<16xi32>
    %rem3A_72 = arith.remsi %add3A_69, %rem3A_71 : vector<16xi32>
    %add3A_73 = arith.constant 11 : i32
    %add3A_74 = vector.broadcast %add3A_73 : i32 to vector<16xi32>
    %add3A_75 = arith.addi %iota3A, %add3A_74 : vector<16xi32>
    %rem3A_76 = arith.constant 16 : i32
    %rem3A_77 = vector.broadcast %rem3A_76 : i32 to vector<16xi32>
    %rem3A_78 = arith.remsi %add3A_75, %rem3A_77 : vector<16xi32>
    %add3A_79 = arith.constant 12 : i32
    %add3A_80 = vector.broadcast %add3A_79 : i32 to vector<16xi32>
    %add3A_81 = arith.addi %iota3A, %add3A_80 : vector<16xi32>
    %rem3A_82 = arith.constant 16 : i32
    %rem3A_83 = vector.broadcast %rem3A_82 : i32 to vector<16xi32>
    %rem3A_84 = arith.remsi %add3A_81, %rem3A_83 : vector<16xi32>
    %add3A_85 = arith.constant 13 : i32
    %add3A_86 = vector.broadcast %add3A_85 : i32 to vector<16xi32>
    %add3A_87 = arith.addi %iota3A, %add3A_86 : vector<16xi32>
    %rem3A_88 = arith.constant 16 : i32
    %rem3A_89 = vector.broadcast %rem3A_88 : i32 to vector<16xi32>
    %rem3A_90 = arith.remsi %add3A_87, %rem3A_89 : vector<16xi32>
    %add3A_91 = arith.constant 14 : i32
    %add3A_92 = vector.broadcast %add3A_91 : i32 to vector<16xi32>
    %add3A_93 = arith.addi %iota3A, %add3A_92 : vector<16xi32>
    %rem3A_94 = arith.constant 16 : i32
    %rem3A_95 = vector.broadcast %rem3A_94 : i32 to vector<16xi32>
    %rem3A_96 = arith.remsi %add3A_93, %rem3A_95 : vector<16xi32>
    %add3A_97 = arith.constant 15 : i32
    %add3A_98 = vector.broadcast %add3A_97 : i32 to vector<16xi32>
    %add3A_99 = arith.addi %iota3A, %add3A_98 : vector<16xi32>
    %rem3A_100 = arith.constant 16 : i32
    %rem3A_101 = vector.broadcast %rem3A_100 : i32 to vector<16xi32>
    %rem3A_102 = arith.remsi %add3A_99, %rem3A_101 : vector<16xi32>
    %dma_start3A = arith.constant 0 : i32
    %dma_start3A_103 = arith.constant 0 : i32
    %dma_start3A_104 = arith.constant 0 : i32
    %dma_start3A_105 = arith.constant 0 : i32
    %dma_start3A_106 = arith.constant 0 : i32
    %dma_start3A_107 = tpu.memref_slice %arg7[%dma_start3A_103, %dma_start3A_105, %dma_start3A_106] : memref<2x128x64xf32, #tpu.memory_space<vmem>> -> memref<1x128x64xf32, #tpu.memory_space<vmem>>
    %dma_start3A_108 = tpu.memref_squeeze %dma_start3A_107 : memref<1x128x64xf32, #tpu.memory_space<vmem>> -> memref<128x64xf32, #tpu.memory_space<vmem>>
    %dma_start3A_109 = arith.constant 0 : i32
    %dma_start3A_110 = tpu.memref_slice %arg6[%dma_start3A, %dma_start3A_109] : memref<200x128xi32, #tpu.memory_space<vmem>> -> memref<1x128xi32, #tpu.memory_space<vmem>>
    %dma_start3A_111 = tpu.memref_squeeze %dma_start3A_110 : memref<1x128xi32, #tpu.memory_space<vmem>> -> memref<128xi32, #tpu.memory_space<vmem>>
    %dma_start3A_112 = arith.constant 0 : i32
    %dma_start3A_113 = arith.constant 0 : i32
    %dma_start3A_114 = tpu.memref_slice %arg2[%dma_start3A_112, %dma_start3A_113] : memref<100000x64xf32, #tpu.memory_space<hbm>> -> memref<100000x64xf32, #tpu.memory_space<hbm>>
    %dma_start3A_115 = tpu.memref_slice %arg9[%dma_start3A_104] : memref<2x!tpu.dma_semaphore, #tpu.memory_space<semaphore_mem>> -> memref<1x!tpu.dma_semaphore, #tpu.memory_space<semaphore_mem>>
    %dma_start3A_116 = tpu.memref_squeeze %dma_start3A_115 : memref<1x!tpu.dma_semaphore, #tpu.memory_space<semaphore_mem>> -> memref<!tpu.dma_semaphore, #tpu.memory_space<semaphore_mem>>
    tpu.enqueue_indirect_dma source(%dma_start3A_114 : memref<100000x64xf32, #tpu.memory_space<hbm>>) target(%dma_start3A_108 : memref<128x64xf32, #tpu.memory_space<vmem>>) offsets(%dma_start3A_111 : memref<128xi32, #tpu.memory_space<vmem>>) semaphore(%dma_start3A_116 : memref<!tpu.dma_semaphore, #tpu.memory_space<semaphore_mem>>)
    %dma_start3A_117 = arith.constant 1 : i32
    %dma_start3A_118 = arith.constant 1 : i32
    %dma_start3A_119 = arith.constant 1 : i32
    %dma_start3A_120 = arith.constant 0 : i32
    %dma_start3A_121 = arith.constant 0 : i32
    %dma_start3A_122 = tpu.memref_slice %arg7[%dma_start3A_118, %dma_start3A_120, %dma_start3A_121] : memref<2x128x64xf32, #tpu.memory_space<vmem>> -> memref<1x128x64xf32, #tpu.memory_space<vmem>>
    %dma_start3A_123 = tpu.memref_squeeze %dma_start3A_122 : memref<1x128x64xf32, #tpu.memory_space<vmem>> -> memref<128x64xf32, #tpu.memory_space<vmem>>
    %dma_start3A_124 = arith.constant 0 : i32
    %dma_start3A_125 = tpu.memref_slice %arg6[%dma_start3A_117, %dma_start3A_124] : memref<200x128xi32, #tpu.memory_space<vmem>> -> memref<1x128xi32, #tpu.memory_space<vmem>>
    %dma_start3A_126 = tpu.memref_squeeze %dma_start3A_125 : memref<1x128xi32, #tpu.memory_space<vmem>> -> memref<128xi32, #tpu.memory_space<vmem>>
    %dma_start3A_127 = arith.constant 0 : i32
    %dma_start3A_128 = arith.constant 0 : i32
    %dma_start3A_129 = tpu.memref_slice %arg2[%dma_start3A_127, %dma_start3A_128] : memref<100000x64xf32, #tpu.memory_space<hbm>> -> memref<100000x64xf32, #tpu.memory_space<hbm>>
    %dma_start3A_130 = tpu.memref_slice %arg9[%dma_start3A_119] : memref<2x!tpu.dma_semaphore, #tpu.memory_space<semaphore_mem>> -> memref<1x!tpu.dma_semaphore, #tpu.memory_space<semaphore_mem>>
    %dma_start3A_131 = tpu.memref_squeeze %dma_start3A_130 : memref<1x!tpu.dma_semaphore, #tpu.memory_space<semaphore_mem>> -> memref<!tpu.dma_semaphore, #tpu.memory_space<semaphore_mem>>
    tpu.enqueue_indirect_dma source(%dma_start3A_129 : memref<100000x64xf32, #tpu.memory_space<hbm>>) target(%dma_start3A_123 : memref<128x64xf32, #tpu.memory_space<vmem>>) offsets(%dma_start3A_126 : memref<128xi32, #tpu.memory_space<vmem>>) semaphore(%dma_start3A_131 : memref<!tpu.dma_semaphore, #tpu.memory_space<semaphore_mem>>)
    %scan3A_132 = arith.constant 0 : i32
    %scan3A_133 = arith.constant 0 : i32
    %scan3A_134 = arith.constant 100 : i32
    %scan3A_135 = arith.addi %scan3A_133, %scan3A_134 : i32
    %scan3A_136 = arith.constant 1 : i32
    scf.for %scan3A_187 = %scan3A_133 to %scan3A_135 step %scan3A_136  : i32 {
      %mul3A_188 = arith.constant 2 : i32
      %mul3A_189 = arith.muli %scan3A_187, %mul3A_188 : i32
      %add3A_190 = arith.constant 0 : i32
      %add3A_191 = arith.addi %mul3A_189, %add3A_190 : i32
      %dma_wait3A_192 = arith.constant 0 : i32
      %dma_wait3A_193 = arith.constant 0 : i32
      %dma_wait3A_194 = arith.constant 0 : i32
      %dma_wait3A_195 = arith.constant 0 : i32
      %dma_wait3A_196 = tpu.memref_slice %arg7[%dma_wait3A_192, %dma_wait3A_194, %dma_wait3A_195] : memref<2x128x64xf32, #tpu.memory_space<vmem>> -> memref<1x128x64xf32, #tpu.memory_space<vmem>>
      %dma_wait3A_197 = tpu.memref_squeeze %dma_wait3A_196 : memref<1x128x64xf32, #tpu.memory_space<vmem>> -> memref<128x64xf32, #tpu.memory_space<vmem>>
      %dma_wait3A_198 = arith.constant 0 : i32
      %dma_wait3A_199 = tpu.memref_slice %arg6[%add3A_191, %dma_wait3A_198] : memref<200x128xi32, #tpu.memory_space<vmem>> -> memref<1x128xi32, #tpu.memory_space<vmem>>
      %dma_wait3A_200 = tpu.memref_squeeze %dma_wait3A_199 : memref<1x128xi32, #tpu.memory_space<vmem>> -> memref<128xi32, #tpu.memory_space<vmem>>
      %dma_wait3A_201 = arith.constant 0 : i32
      %dma_wait3A_202 = arith.constant 0 : i32
      %dma_wait3A_203 = tpu.memref_slice %arg2[%dma_wait3A_201, %dma_wait3A_202] : memref<100000x64xf32, #tpu.memory_space<hbm>> -> memref<100000x64xf32, #tpu.memory_space<hbm>>
      %dma_wait3A_204 = tpu.memref_slice %arg9[%dma_wait3A_193] : memref<2x!tpu.dma_semaphore, #tpu.memory_space<semaphore_mem>> -> memref<1x!tpu.dma_semaphore, #tpu.memory_space<semaphore_mem>>
      %dma_wait3A_205 = tpu.memref_squeeze %dma_wait3A_204 : memref<1x!tpu.dma_semaphore, #tpu.memory_space<semaphore_mem>> -> memref<!tpu.dma_semaphore, #tpu.memory_space<semaphore_mem>>
      tpu.wait_indirect_dma semaphore(%dma_wait3A_205 : memref<!tpu.dma_semaphore, #tpu.memory_space<semaphore_mem>>) src(%dma_wait3A_203 : memref<100000x64xf32, #tpu.memory_space<hbm>>) dst(%dma_wait3A_197 : memref<128x64xf32, #tpu.memory_space<vmem>>)
      %gt3A = arith.constant 0 : i32
      %gt3A_206 = arith.cmpi sgt, %scan3A_187, %gt3A : i32
      %convert_element_type3A = arith.extui %gt3A_206 : i1 to i32
      %cond3A = arith.constant 0 : i32
      %cond3A_207 = arith.cmpi ne, %convert_element_type3A, %cond3A : i32
      scf.if %cond3A_207 {
        %sub3A = arith.constant 2 : i32
        %sub3A_304 = arith.subi %add3A_191, %sub3A : i32
        %dma_wait3A_305 = arith.constant 0 : i32
        %dma_wait3A_306 = arith.constant 0 : i32
        %dma_wait3A_307 = arith.constant 0 : i32
        %dma_wait3A_308 = arith.constant 0 : i32
        %dma_wait3A_309 = arith.constant 0 : i32
        %dma_wait3A_310 = tpu.memref_slice %arg8[%dma_wait3A_305, %dma_wait3A_307, %dma_wait3A_308, %dma_wait3A_309] : memref<2x8x8x128xf32, #tpu.memory_space<vmem>> -> memref<1x8x8x128xf32, #tpu.memory_space<vmem>>
        %dma_wait3A_311 = tpu.memref_squeeze %dma_wait3A_310 : memref<1x8x8x128xf32, #tpu.memory_space<vmem>> -> memref<8x8x128xf32, #tpu.memory_space<vmem>>
        %dma_wait3A_312 = arith.constant 0 : i32
        %dma_wait3A_313 = arith.constant 0 : i32
        %dma_wait3A_314 = arith.constant 0 : i32
        %dma_wait3A_315 = tpu.memref_slice %arg4[%sub3A_304, %dma_wait3A_312, %add3A, %dma_wait3A_313, %dma_wait3A_314] : memref<200x8x32x8x128xf32, #tpu.memory_space<hbm>> -> memref<1x8x1x8x128xf32, #tpu.memory_space<hbm>>
        %dma_wait3A_316 = tpu.memref_squeeze %dma_wait3A_315 : memref<1x8x1x8x128xf32, #tpu.memory_space<hbm>> -> memref<8x8x128xf32, #tpu.memory_space<hbm>>
        %dma_wait3A_317 = tpu.memref_slice %arg10[%dma_wait3A_306] : memref<2x!tpu.dma_semaphore, #tpu.memory_space<semaphore_mem>> -> memref<1x!tpu.dma_semaphore, #tpu.memory_space<semaphore_mem>>
        %dma_wait3A_318 = tpu.memref_squeeze %dma_wait3A_317 : memref<1x!tpu.dma_semaphore, #tpu.memory_space<semaphore_mem>> -> memref<!tpu.dma_semaphore, #tpu.memory_space<semaphore_mem>>
        %dma_wait3A_319 = arith.constant 0 : i32
        %dma_wait3A_320 = arith.constant 0 : i32
        %dma_wait3A_321 = arith.constant 0 : i32
        %dma_wait3A_322 = tpu.memref_slice %arg4[%sub3A_304, %dma_wait3A_319, %add3A, %dma_wait3A_320, %dma_wait3A_321] : memref<200x8x32x8x128xf32, #tpu.memory_space<hbm>> -> memref<1x8x1x8x128xf32, #tpu.memory_space<hbm>>
        %dma_wait3A_323 = tpu.memref_squeeze %dma_wait3A_322 : memref<1x8x1x8x128xf32, #tpu.memory_space<hbm>> -> memref<8x8x128xf32, #tpu.memory_space<hbm>>
        %dma_wait3A_324 = arith.constant 0 : i32
        %dma_wait3A_325 = arith.constant 0 : i32
        %dma_wait3A_326 = arith.constant 0 : i32
        %dma_wait3A_327 = tpu.memref_slice %arg8[%dma_wait3A_305, %dma_wait3A_324, %dma_wait3A_325, %dma_wait3A_326] : memref<2x8x8x128xf32, #tpu.memory_space<vmem>> -> memref<1x8x8x128xf32, #tpu.memory_space<vmem>>
        %dma_wait3A_328 = tpu.memref_squeeze %dma_wait3A_327 : memref<1x8x8x128xf32, #tpu.memory_space<vmem>> -> memref<8x8x128xf32, #tpu.memory_space<vmem>>
        tpu.wait_dma2 semaphore(%dma_wait3A_318 : memref<!tpu.dma_semaphore, #tpu.memory_space<semaphore_mem>>) src(%dma_wait3A_328 : memref<8x8x128xf32, #tpu.memory_space<vmem>>) dst(%dma_wait3A_323 : memref<8x8x128xf32, #tpu.memory_space<hbm>>)
      } else {
      }
      %scan3A_208 = arith.constant 0 : i32
      %scan3A_209 = arith.constant 0 : i32
      %scan3A_210 = arith.constant 8 : i32
      %scan3A_211 = arith.addi %scan3A_209, %scan3A_210 : i32
      %scan3A_212 = arith.constant 1 : i32
      scf.for %scan3A_304 = %scan3A_209 to %scan3A_211 step %scan3A_212  : i32 {
        %mul3A_305 = arith.constant 16 : i32
        %mul3A_306 = arith.muli %scan3A_304, %mul3A_305 : i32
        %add3A_307 = vector.broadcast %mul3A_306 : i32 to vector<16xi32>
        %add3A_308 = arith.addi %add3A_307, %iota3A : vector<16xi32>
        %add3A_309 = arith.constant 0 : i32
        %add3A_310 = vector.broadcast %add3A_309 : i32 to vector<16xi32>
        %add3A_311 = arith.addi %rem3A_12, %add3A_310 : vector<16xi32>
        %gather3A = arith.constant 0 : i32
        %gather3A_312 = arith.constant 0 : i32
        %gather3A_313 = arith.constant 0 : i32
        %gather3A_314 = tpu.memref_slice %arg7[%gather3A, %gather3A_312, %gather3A_313] : memref<2x128x64xf32, #tpu.memory_space<vmem>> -> memref<1x128x64xf32, #tpu.memory_space<vmem>>
        %gather3A_315 = tpu.memref_squeeze %gather3A_314 : memref<1x128x64xf32, #tpu.memory_space<vmem>> -> memref<128x64xf32, #tpu.memory_space<vmem>>
        %gather3A_316 = tpu.vector_load_idx %gather3A_315[%add3A_308, %add3A_311] : memref<128x64xf32, #tpu.memory_space<vmem>>[vector<16xi32>, vector<16xi32>], vector<16xf32>,
        %shift_right_arithmetic3A = arith.constant 3 : i32
        %shift_right_arithmetic3A_317 = vector.broadcast %shift_right_arithmetic3A : i32 to vector<16xi32>
        %shift_right_arithmetic3A_318 = arith.shrsi %add3A_311, %shift_right_arithmetic3A_317 : vector<16xi32>
        %and3A = arith.constant 7 : i32
        %and3A_319 = vector.broadcast %and3A : i32 to vector<16xi32>
        %and3A_320 = arith.andi %add3A_311, %and3A_319 : vector<16xi32>
        %mul3A_321 = arith.constant 8.000000e+00 : f32
        %mul3A_322 = vector.broadcast %mul3A_321 : f32 to vector<16xf32>
        %mul3A_323 = arith.mulf %gather3A_316, %mul3A_322 : vector<16xf32>
        %scatter3A = arith.constant 0 : i32
        %scatter3A_324 = arith.constant 0 : i32
        %scatter3A_325 = arith.constant 0 : i32
        %scatter3A_326 = arith.constant 0 : i32
        %scatter3A_327 = tpu.memref_slice %arg8[%scatter3A, %scatter3A_324, %scatter3A_325, %scatter3A_326] : memref<2x8x8x128xf32, #tpu.memory_space<vmem>> -> memref<1x8x8x128xf32, #tpu.memory_space<vmem>>
        %scatter3A_328 = tpu.memref_squeeze %scatter3A_327 : memref<1x8x8x128xf32, #tpu.memory_space<vmem>> -> memref<8x8x128xf32, #tpu.memory_space<vmem>>
        tpu.vector_store_idx %scatter3A_328[%shift_right_arithmetic3A_318, %and3A_320, %add3A_308], %mul3A_323 : memref<8x8x128xf32, #tpu.memory_space<vmem>>[vector<16xi32>, vector<16xi32>, vector<16xi32>], vector<16xf32>,
        %add3A_329 = arith.constant 0 : i32
        %add3A_330 = vector.broadcast %add3A_329 : i32 to vector<16xi32>
        %add3A_331 = arith.addi %rem3A_18, %add3A_330 : vector<16xi32>
        %gather3A_332 = arith.constant 0 : i32
        %gather3A_333 = arith.constant 0 : i32
        %gather3A_334 = arith.constant 0 : i32
        %gather3A_335 = tpu.memref_slice %arg7[%gather3A_332, %gather3A_333, %gather3A_334] : memref<2x128x64xf32, #tpu.memory_space<vmem>> -> memref<1x128x64xf32, #tpu.memory_space<vmem>>
        %gather3A_336 = tpu.memref_squeeze %gather3A_335 : memref<1x128x64xf32, #tpu.memory_space<vmem>> -> memref<128x64xf32, #tpu.memory_space<vmem>>
        %gather3A_337 = tpu.vector_load_idx %gather3A_336[%add3A_308, %add3A_331] : memref<128x64xf32, #tpu.memory_space<vmem>>[vector<16xi32>, vector<16xi32>], vector<16xf32>,
        %shift_right_arithmetic3A_338 = arith.constant 3 : i32
        %shift_right_arithmetic3A_339 = vector.broadcast %shift_right_arithmetic3A_338 : i32 to vector<16xi32>
        %shift_right_arithmetic3A_340 = arith.shrsi %add3A_331, %shift_right_arithmetic3A_339 : vector<16xi32>
        %and3A_341 = arith.constant 7 : i32
        %and3A_342 = vector.broadcast %and3A_341 : i32 to vector<16xi32>
        %and3A_343 = arith.andi %add3A_331, %and3A_342 : vector<16xi32>
        %mul3A_344 = arith.constant 8.000000e+00 : f32
        %mul3A_345 = vector.broadcast %mul3A_344 : f32 to vector<16xf32>
        %mul3A_346 = arith.mulf %gather3A_337, %mul3A_345 : vector<16xf32>
        %scatter3A_347 = arith.constant 0 : i32
        %scatter3A_348 = arith.constant 0 : i32
        %scatter3A_349 = arith.constant 0 : i32
        %scatter3A_350 = arith.constant 0 : i32
        %scatter3A_351 = tpu.memref_slice %arg8[%scatter3A_347, %scatter3A_348, %scatter3A_349, %scatter3A_350] : memref<2x8x8x128xf32, #tpu.memory_space<vmem>> -> memref<1x8x8x128xf32, #tpu.memory_space<vmem>>
        %scatter3A_352 = tpu.memref_squeeze %scatter3A_351 : memref<1x8x8x128xf32, #tpu.memory_space<vmem>> -> memref<8x8x128xf32, #tpu.memory_space<vmem>>
        tpu.vector_store_idx %scatter3A_352[%shift_right_arithmetic3A_340, %and3A_343, %add3A_308], %mul3A_346 : memref<8x8x128xf32, #tpu.memory_space<vmem>>[vector<16xi32>, vector<16xi32>, vector<16xi32>], vector<16xf32>,
        %add3A_353 = arith.constant 0 : i32
        %add3A_354 = vector.broadcast %add3A_353 : i32 to vector<16xi32>
        %add3A_355 = arith.addi %rem3A_24, %add3A_354 : vector<16xi32>
        %gather3A_356 = arith.constant 0 : i32
        %gather3A_357 = arith.constant 0 : i32
        %gather3A_358 = arith.constant 0 : i32
        %gather3A_359 = tpu.memref_slice %arg7[%gather3A_356, %gather3A_357, %gather3A_358] : memref<2x128x64xf32, #tpu.memory_space<vmem>> -> memref<1x128x64xf32, #tpu.memory_space<vmem>>
        %gather3A_360 = tpu.memref_squeeze %gather3A_359 : memref<1x128x64xf32, #tpu.memory_space<vmem>> -> memref<128x64xf32, #tpu.memory_space<vmem>>
        %gather3A_361 = tpu.vector_load_idx %gather3A_360[%add3A_308, %add3A_355] : memref<128x64xf32, #tpu.memory_space<vmem>>[vector<16xi32>, vector<16xi32>], vector<16xf32>,
        %shift_right_arithmetic3A_362 = arith.constant 3 : i32
        %shift_right_arithmetic3A_363 = vector.broadcast %shift_right_arithmetic3A_362 : i32 to vector<16xi32>
        %shift_right_arithmetic3A_364 = arith.shrsi %add3A_355, %shift_right_arithmetic3A_363 : vector<16xi32>
        %and3A_365 = arith.constant 7 : i32
        %and3A_366 = vector.broadcast %and3A_365 : i32 to vector<16xi32>
        %and3A_367 = arith.andi %add3A_355, %and3A_366 : vector<16xi32>
        %mul3A_368 = arith.constant 8.000000e+00 : f32
        %mul3A_369 = vector.broadcast %mul3A_368 : f32 to vector<16xf32>
        %mul3A_370 = arith.mulf %gather3A_361, %mul3A_369 : vector<16xf32>
        %scatter3A_371 = arith.constant 0 : i32
        %scatter3A_372 = arith.constant 0 : i32
        %scatter3A_373 = arith.constant 0 : i32
        %scatter3A_374 = arith.constant 0 : i32
        %scatter3A_375 = tpu.memref_slice %arg8[%scatter3A_371, %scatter3A_372, %scatter3A_373, %scatter3A_374] : memref<2x8x8x128xf32, #tpu.memory_space<vmem>> -> memref<1x8x8x128xf32, #tpu.memory_space<vmem>>
        %scatter3A_376 = tpu.memref_squeeze %scatter3A_375 : memref<1x8x8x128xf32, #tpu.memory_space<vmem>> -> memref<8x8x128xf32, #tpu.memory_space<vmem>>
        tpu.vector_store_idx %scatter3A_376[%shift_right_arithmetic3A_364, %and3A_367, %add3A_308], %mul3A_370 : memref<8x8x128xf32, #tpu.memory_space<vmem>>[vector<16xi32>, vector<16xi32>, vector<16xi32>], vector<16xf32>,
        %add3A_377 = arith.constant 0 : i32
        %add3A_378 = vector.broadcast %add3A_377 : i32 to vector<16xi32>
        %add3A_379 = arith.addi %rem3A_30, %add3A_378 : vector<16xi32>
        %gather3A_380 = arith.constant 0 : i32
        %gather3A_381 = arith.constant 0 : i32
        %gather3A_382 = arith.constant 0 : i32
        %gather3A_383 = tpu.memref_slice %arg7[%gather3A_380, %gather3A_381, %gather3A_382] : memref<2x128x64xf32, #tpu.memory_space<vmem>> -> memref<1x128x64xf32, #tpu.memory_space<vmem>>
        %gather3A_384 = tpu.memref_squeeze %gather3A_383 : memref<1x128x64xf32, #tpu.memory_space<vmem>> -> memref<128x64xf32, #tpu.memory_space<vmem>>
        %gather3A_385 = tpu.vector_load_idx %gather3A_384[%add3A_308, %add3A_379] : memref<128x64xf32, #tpu.memory_space<vmem>>[vector<16xi32>, vector<16xi32>], vector<16xf32>,
        %shift_right_arithmetic3A_386 = arith.constant 3 : i32
        %shift_right_arithmetic3A_387 = vector.broadcast %shift_right_arithmetic3A_386 : i32 to vector<16xi32>
        %shift_right_arithmetic3A_388 = arith.shrsi %add3A_379, %shift_right_arithmetic3A_387 : vector<16xi32>
        %and3A_389 = arith.constant 7 : i32
        %and3A_390 = vector.broadcast %and3A_389 : i32 to vector<16xi32>
        %and3A_391 = arith.andi %add3A_379, %and3A_390 : vector<16xi32>
        %mul3A_392 = arith.constant 8.000000e+00 : f32
        %mul3A_393 = vector.broadcast %mul3A_392 : f32 to vector<16xf32>
        %mul3A_394 = arith.mulf %gather3A_385, %mul3A_393 : vector<16xf32>
        %scatter3A_395 = arith.constant 0 : i32
        %scatter3A_396 = arith.constant 0 : i32
        %scatter3A_397 = arith.constant 0 : i32
        %scatter3A_398 = arith.constant 0 : i32
        %scatter3A_399 = tpu.memref_slice %arg8[%scatter3A_395, %scatter3A_396, %scatter3A_397, %scatter3A_398] : memref<2x8x8x128xf32, #tpu.memory_space<vmem>> -> memref<1x8x8x128xf32, #tpu.memory_space<vmem>>
        %scatter3A_400 = tpu.memref_squeeze %scatter3A_399 : memref<1x8x8x128xf32, #tpu.memory_space<vmem>> -> memref<8x8x128xf32, #tpu.memory_space<vmem>>
        tpu.vector_store_idx %scatter3A_400[%shift_right_arithmetic3A_388, %and3A_391, %add3A_308], %mul3A_394 : memref<8x8x128xf32, #tpu.memory_space<vmem>>[vector<16xi32>, vector<16xi32>, vector<16xi32>], vector<16xf32>,
        %add3A_401 = arith.constant 0 : i32
        %add3A_402 = vector.broadcast %add3A_401 : i32 to vector<16xi32>
        %add3A_403 = arith.addi %rem3A_36, %add3A_402 : vector<16xi32>
        %gather3A_404 = arith.constant 0 : i32
        %gather3A_405 = arith.constant 0 : i32
        %gather3A_406 = arith.constant 0 : i32
        %gather3A_407 = tpu.memref_slice %arg7[%gather3A_404, %gather3A_405, %gather3A_406] : memref<2x128x64xf32, #tpu.memory_space<vmem>> -> memref<1x128x64xf32, #tpu.memory_space<vmem>>
        %gather3A_408 = tpu.memref_squeeze %gather3A_407 : memref<1x128x64xf32, #tpu.memory_space<vmem>> -> memref<128x64xf32, #tpu.memory_space<vmem>>
        %gather3A_409 = tpu.vector_load_idx %gather3A_408[%add3A_308, %add3A_403] : memref<128x64xf32, #tpu.memory_space<vmem>>[vector<16xi32>, vector<16xi32>], vector<16xf32>,
        %shift_right_arithmetic3A_410 = arith.constant 3 : i32
        %shift_right_arithmetic3A_411 = vector.broadcast %shift_right_arithmetic3A_410 : i32 to vector<16xi32>
        %shift_right_arithmetic3A_412 = arith.shrsi %add3A_403, %shift_right_arithmetic3A_411 : vector<16xi32>
        %and3A_413 = arith.constant 7 : i32
        %and3A_414 = vector.broadcast %and3A_413 : i32 to vector<16xi32>
        %and3A_415 = arith.andi %add3A_403, %and3A_414 : vector<16xi32>
        %mul3A_416 = arith.constant 8.000000e+00 : f32
        %mul3A_417 = vector.broadcast %mul3A_416 : f32 to vector<16xf32>
        %mul3A_418 = arith.mulf %gather3A_409, %mul3A_417 : vector<16xf32>
        %scatter3A_419 = arith.constant 0 : i32
        %scatter3A_420 = arith.constant 0 : i32
        %scatter3A_421 = arith.constant 0 : i32
        %scatter3A_422 = arith.constant 0 : i32
        %scatter3A_423 = tpu.memref_slice %arg8[%scatter3A_419, %scatter3A_420, %scatter3A_421, %scatter3A_422] : memref<2x8x8x128xf32, #tpu.memory_space<vmem>> -> memref<1x8x8x128xf32, #tpu.memory_space<vmem>>
        %scatter3A_424 = tpu.memref_squeeze %scatter3A_423 : memref<1x8x8x128xf32, #tpu.memory_space<vmem>> -> memref<8x8x128xf32, #tpu.memory_space<vmem>>
        tpu.vector_store_idx %scatter3A_424[%shift_right_arithmetic3A_412, %and3A_415, %add3A_308], %mul3A_418 : memref<8x8x128xf32, #tpu.memory_space<vmem>>[vector<16xi32>, vector<16xi32>, vector<16xi32>], vector<16xf32>,
        %add3A_425 = arith.constant 0 : i32
        %add3A_426 = vector.broadcast %add3A_425 : i32 to vector<16xi32>
        %add3A_427 = arith.addi %rem3A_42, %add3A_426 : vector<16xi32>
        %gather3A_428 = arith.constant 0 : i32
        %gather3A_429 = arith.constant 0 : i32
        %gather3A_430 = arith.constant 0 : i32
        %gather3A_431 = tpu.memref_slice %arg7[%gather3A_428, %gather3A_429, %gather3A_430] : memref<2x128x64xf32, #tpu.memory_space<vmem>> -> memref<1x128x64xf32, #tpu.memory_space<vmem>>
        %gather3A_432 = tpu.memref_squeeze %gather3A_431 : memref<1x128x64xf32, #tpu.memory_space<vmem>> -> memref<128x64xf32, #tpu.memory_space<vmem>>
        %gather3A_433 = tpu.vector_load_idx %gather3A_432[%add3A_308, %add3A_427] : memref<128x64xf32, #tpu.memory_space<vmem>>[vector<16xi32>, vector<16xi32>], vector<16xf32>,
        %shift_right_arithmetic3A_434 = arith.constant 3 : i32
        %shift_right_arithmetic3A_435 = vector.broadcast %shift_right_arithmetic3A_434 : i32 to vector<16xi32>
        %shift_right_arithmetic3A_436 = arith.shrsi %add3A_427, %shift_right_arithmetic3A_435 : vector<16xi32>
        %and3A_437 = arith.constant 7 : i32
        %and3A_438 = vector.broadcast %and3A_437 : i32 to vector<16xi32>
        %and3A_439 = arith.andi %add3A_427, %and3A_438 : vector<16xi32>
        %mul3A_440 = arith.constant 8.000000e+00 : f32
        %mul3A_441 = vector.broadcast %mul3A_440 : f32 to vector<16xf32>
        %mul3A_442 = arith.mulf %gather3A_433, %mul3A_441 : vector<16xf32>
        %scatter3A_443 = arith.constant 0 : i32
        %scatter3A_444 = arith.constant 0 : i32
        %scatter3A_445 = arith.constant 0 : i32
        %scatter3A_446 = arith.constant 0 : i32
        %scatter3A_447 = tpu.memref_slice %arg8[%scatter3A_443, %scatter3A_444, %scatter3A_445, %scatter3A_446] : memref<2x8x8x128xf32, #tpu.memory_space<vmem>> -> memref<1x8x8x128xf32, #tpu.memory_space<vmem>>
        %scatter3A_448 = tpu.memref_squeeze %scatter3A_447 : memref<1x8x8x128xf32, #tpu.memory_space<vmem>> -> memref<8x8x128xf32, #tpu.memory_space<vmem>>
        tpu.vector_store_idx %scatter3A_448[%shift_right_arithmetic3A_436, %and3A_439, %add3A_308], %mul3A_442 : memref<8x8x128xf32, #tpu.memory_space<vmem>>[vector<16xi32>, vector<16xi32>, vector<16xi32>], vector<16xf32>,
        %add3A_449 = arith.constant 0 : i32
        %add3A_450 = vector.broadcast %add3A_449 : i32 to vector<16xi32>
        %add3A_451 = arith.addi %rem3A_48, %add3A_450 : vector<16xi32>
        %gather3A_452 = arith.constant 0 : i32
        %gather3A_453 = arith.constant 0 : i32
        %gather3A_454 = arith.constant 0 : i32
        %gather3A_455 = tpu.memref_slice %arg7[%gather3A_452, %gather3A_453, %gather3A_454] : memref<2x128x64xf32, #tpu.memory_space<vmem>> -> memref<1x128x64xf32, #tpu.memory_space<vmem>>
        %gather3A_456 = tpu.memref_squeeze %gather3A_455 : memref<1x128x64xf32, #tpu.memory_space<vmem>> -> memref<128x64xf32, #tpu.memory_space<vmem>>
        %gather3A_457 = tpu.vector_load_idx %gather3A_456[%add3A_308, %add3A_451] : memref<128x64xf32, #tpu.memory_space<vmem>>[vector<16xi32>, vector<16xi32>], vector<16xf32>,
        %shift_right_arithmetic3A_458 = arith.constant 3 : i32
        %shift_right_arithmetic3A_459 = vector.broadcast %shift_right_arithmetic3A_458 : i32 to vector<16xi32>
        %shift_right_arithmetic3A_460 = arith.shrsi %add3A_451, %shift_right_arithmetic3A_459 : vector<16xi32>
        %and3A_461 = arith.constant 7 : i32
        %and3A_462 = vector.broadcast %and3A_461 : i32 to vector<16xi32>
        %and3A_463 = arith.andi %add3A_451, %and3A_462 : vector<16xi32>
        %mul3A_464 = arith.constant 8.000000e+00 : f32
        %mul3A_465 = vector.broadcast %mul3A_464 : f32 to vector<16xf32>
        %mul3A_466 = arith.mulf %gather3A_457, %mul3A_465 : vector<16xf32>
        %scatter3A_467 = arith.constant 0 : i32
        %scatter3A_468 = arith.constant 0 : i32
        %scatter3A_469 = arith.constant 0 : i32
        %scatter3A_470 = arith.constant 0 : i32
        %scatter3A_471 = tpu.memref_slice %arg8[%scatter3A_467, %scatter3A_468, %scatter3A_469, %scatter3A_470] : memref<2x8x8x128xf32, #tpu.memory_space<vmem>> -> memref<1x8x8x128xf32, #tpu.memory_space<vmem>>
        %scatter3A_472 = tpu.memref_squeeze %scatter3A_471 : memref<1x8x8x128xf32, #tpu.memory_space<vmem>> -> memref<8x8x128xf32, #tpu.memory_space<vmem>>
        tpu.vector_store_idx %scatter3A_472[%shift_right_arithmetic3A_460, %and3A_463, %add3A_308], %mul3A_466 : memref<8x8x128xf32, #tpu.memory_space<vmem>>[vector<16xi32>, vector<16xi32>, vector<16xi32>], vector<16xf32>,
        %add3A_473 = arith.constant 0 : i32
        %add3A_474 = vector.broadcast %add3A_473 : i32 to vector<16xi32>
        %add3A_475 = arith.addi %rem3A_54, %add3A_474 : vector<16xi32>
        %gather3A_476 = arith.constant 0 : i32
        %gather3A_477 = arith.constant 0 : i32
        %gather3A_478 = arith.constant 0 : i32
        %gather3A_479 = tpu.memref_slice %arg7[%gather3A_476, %gather3A_477, %gather3A_478] : memref<2x128x64xf32, #tpu.memory_space<vmem>> -> memref<1x128x64xf32, #tpu.memory_space<vmem>>
        %gather3A_480 = tpu.memref_squeeze %gather3A_479 : memref<1x128x64xf32, #tpu.memory_space<vmem>> -> memref<128x64xf32, #tpu.memory_space<vmem>>
        %gather3A_481 = tpu.vector_load_idx %gather3A_480[%add3A_308, %add3A_475] : memref<128x64xf32, #tpu.memory_space<vmem>>[vector<16xi32>, vector<16xi32>], vector<16xf32>,
        %shift_right_arithmetic3A_482 = arith.constant 3 : i32
        %shift_right_arithmetic3A_483 = vector.broadcast %shift_right_arithmetic3A_482 : i32 to vector<16xi32>
        %shift_right_arithmetic3A_484 = arith.shrsi %add3A_475, %shift_right_arithmetic3A_483 : vector<16xi32>
        %and3A_485 = arith.constant 7 : i32
        %and3A_486 = vector.broadcast %and3A_485 : i32 to vector<16xi32>
        %and3A_487 = arith.andi %add3A_475, %and3A_486 : vector<16xi32>
        %mul3A_488 = arith.constant 8.000000e+00 : f32
        %mul3A_489 = vector.broadcast %mul3A_488 : f32 to vector<16xf32>
        %mul3A_490 = arith.mulf %gather3A_481, %mul3A_489 : vector<16xf32>
        %scatter3A_491 = arith.constant 0 : i32
        %scatter3A_492 = arith.constant 0 : i32
        %scatter3A_493 = arith.constant 0 : i32
        %scatter3A_494 = arith.constant 0 : i32
        %scatter3A_495 = tpu.memref_slice %arg8[%scatter3A_491, %scatter3A_492, %scatter3A_493, %scatter3A_494] : memref<2x8x8x128xf32, #tpu.memory_space<vmem>> -> memref<1x8x8x128xf32, #tpu.memory_space<vmem>>
        %scatter3A_496 = tpu.memref_squeeze %scatter3A_495 : memref<1x8x8x128xf32, #tpu.memory_space<vmem>> -> memref<8x8x128xf32, #tpu.memory_space<vmem>>
        tpu.vector_store_idx %scatter3A_496[%shift_right_arithmetic3A_484, %and3A_487, %add3A_308], %mul3A_490 : memref<8x8x128xf32, #tpu.memory_space<vmem>>[vector<16xi32>, vector<16xi32>, vector<16xi32>], vector<16xf32>,
        %add3A_497 = arith.constant 0 : i32
        %add3A_498 = vector.broadcast %add3A_497 : i32 to vector<16xi32>
        %add3A_499 = arith.addi %rem3A_60, %add3A_498 : vector<16xi32>
        %gather3A_500 = arith.constant 0 : i32
        %gather3A_501 = arith.constant 0 : i32
        %gather3A_502 = arith.constant 0 : i32
        %gather3A_503 = tpu.memref_slice %arg7[%gather3A_500, %gather3A_501, %gather3A_502] : memref<2x128x64xf32, #tpu.memory_space<vmem>> -> memref<1x128x64xf32, #tpu.memory_space<vmem>>
        %gather3A_504 = tpu.memref_squeeze %gather3A_503 : memref<1x128x64xf32, #tpu.memory_space<vmem>> -> memref<128x64xf32, #tpu.memory_space<vmem>>
        %gather3A_505 = tpu.vector_load_idx %gather3A_504[%add3A_308, %add3A_499] : memref<128x64xf32, #tpu.memory_space<vmem>>[vector<16xi32>, vector<16xi32>], vector<16xf32>,
        %shift_right_arithmetic3A_506 = arith.constant 3 : i32
        %shift_right_arithmetic3A_507 = vector.broadcast %shift_right_arithmetic3A_506 : i32 to vector<16xi32>
        %shift_right_arithmetic3A_508 = arith.shrsi %add3A_499, %shift_right_arithmetic3A_507 : vector<16xi32>
        %and3A_509 = arith.constant 7 : i32
        %and3A_510 = vector.broadcast %and3A_509 : i32 to vector<16xi32>
        %and3A_511 = arith.andi %add3A_499, %and3A_510 : vector<16xi32>
        %mul3A_512 = arith.constant 8.000000e+00 : f32
        %mul3A_513 = vector.broadcast %mul3A_512 : f32 to vector<16xf32>
        %mul3A_514 = arith.mulf %gather3A_505, %mul3A_513 : vector<16xf32>
        %scatter3A_515 = arith.constant 0 : i32
        %scatter3A_516 = arith.constant 0 : i32
        %scatter3A_517 = arith.constant 0 : i32
        %scatter3A_518 = arith.constant 0 : i32
        %scatter3A_519 = tpu.memref_slice %arg8[%scatter3A_515, %scatter3A_516, %scatter3A_517, %scatter3A_518] : memref<2x8x8x128xf32, #tpu.memory_space<vmem>> -> memref<1x8x8x128xf32, #tpu.memory_space<vmem>>
        %scatter3A_520 = tpu.memref_squeeze %scatter3A_519 : memref<1x8x8x128xf32, #tpu.memory_space<vmem>> -> memref<8x8x128xf32, #tpu.memory_space<vmem>>
        tpu.vector_store_idx %scatter3A_520[%shift_right_arithmetic3A_508, %and3A_511, %add3A_308], %mul3A_514 : memref<8x8x128xf32, #tpu.memory_space<vmem>>[vector<16xi32>, vector<16xi32>, vector<16xi32>], vector<16xf32>,
        %add3A_521 = arith.constant 0 : i32
        %add3A_522 = vector.broadcast %add3A_521 : i32 to vector<16xi32>
        %add3A_523 = arith.addi %rem3A_66, %add3A_522 : vector<16xi32>
        %gather3A_524 = arith.constant 0 : i32
        %gather3A_525 = arith.constant 0 : i32
        %gather3A_526 = arith.constant 0 : i32
        %gather3A_527 = tpu.memref_slice %arg7[%gather3A_524, %gather3A_525, %gather3A_526] : memref<2x128x64xf32, #tpu.memory_space<vmem>> -> memref<1x128x64xf32, #tpu.memory_space<vmem>>
        %gather3A_528 = tpu.memref_squeeze %gather3A_527 : memref<1x128x64xf32, #tpu.memory_space<vmem>> -> memref<128x64xf32, #tpu.memory_space<vmem>>
        %gather3A_529 = tpu.vector_load_idx %gather3A_528[%add3A_308, %add3A_523] : memref<128x64xf32, #tpu.memory_space<vmem>>[vector<16xi32>, vector<16xi32>], vector<16xf32>,
        %shift_right_arithmetic3A_530 = arith.constant 3 : i32
        %shift_right_arithmetic3A_531 = vector.broadcast %shift_right_arithmetic3A_530 : i32 to vector<16xi32>
        %shift_right_arithmetic3A_532 = arith.shrsi %add3A_523, %shift_right_arithmetic3A_531 : vector<16xi32>
        %and3A_533 = arith.constant 7 : i32
        %and3A_534 = vector.broadcast %and3A_533 : i32 to vector<16xi32>
        %and3A_535 = arith.andi %add3A_523, %and3A_534 : vector<16xi32>
        %mul3A_536 = arith.constant 8.000000e+00 : f32
        %mul3A_537 = vector.broadcast %mul3A_536 : f32 to vector<16xf32>
        %mul3A_538 = arith.mulf %gather3A_529, %mul3A_537 : vector<16xf32>
        %scatter3A_539 = arith.constant 0 : i32
        %scatter3A_540 = arith.constant 0 : i32
        %scatter3A_541 = arith.constant 0 : i32
        %scatter3A_542 = arith.constant 0 : i32
        %scatter3A_543 = tpu.memref_slice %arg8[%scatter3A_539, %scatter3A_540, %scatter3A_541, %scatter3A_542] : memref<2x8x8x128xf32, #tpu.memory_space<vmem>> -> memref<1x8x8x128xf32, #tpu.memory_space<vmem>>
        %scatter3A_544 = tpu.memref_squeeze %scatter3A_543 : memref<1x8x8x128xf32, #tpu.memory_space<vmem>> -> memref<8x8x128xf32, #tpu.memory_space<vmem>>
        tpu.vector_store_idx %scatter3A_544[%shift_right_arithmetic3A_532, %and3A_535, %add3A_308], %mul3A_538 : memref<8x8x128xf32, #tpu.memory_space<vmem>>[vector<16xi32>, vector<16xi32>, vector<16xi32>], vector<16xf32>,
        %add3A_545 = arith.constant 0 : i32
        %add3A_546 = vector.broadcast %add3A_545 : i32 to vector<16xi32>
        %add3A_547 = arith.addi %rem3A_72, %add3A_546 : vector<16xi32>
        %gather3A_548 = arith.constant 0 : i32
        %gather3A_549 = arith.constant 0 : i32
        %gather3A_550 = arith.constant 0 : i32
        %gather3A_551 = tpu.memref_slice %arg7[%gather3A_548, %gather3A_549, %gather3A_550] : memref<2x128x64xf32, #tpu.memory_space<vmem>> -> memref<1x128x64xf32, #tpu.memory_space<vmem>>
        %gather3A_552 = tpu.memref_squeeze %gather3A_551 : memref<1x128x64xf32, #tpu.memory_space<vmem>> -> memref<128x64xf32, #tpu.memory_space<vmem>>
        %gather3A_553 = tpu.vector_load_idx %gather3A_552[%add3A_308, %add3A_547] : memref<128x64xf32, #tpu.memory_space<vmem>>[vector<16xi32>, vector<16xi32>], vector<16xf32>,
        %shift_right_arithmetic3A_554 = arith.constant 3 : i32
        %shift_right_arithmetic3A_555 = vector.broadcast %shift_right_arithmetic3A_554 : i32 to vector<16xi32>
        %shift_right_arithmetic3A_556 = arith.shrsi %add3A_547, %shift_right_arithmetic3A_555 : vector<16xi32>
        %and3A_557 = arith.constant 7 : i32
        %and3A_558 = vector.broadcast %and3A_557 : i32 to vector<16xi32>
        %and3A_559 = arith.andi %add3A_547, %and3A_558 : vector<16xi32>
        %mul3A_560 = arith.constant 8.000000e+00 : f32
        %mul3A_561 = vector.broadcast %mul3A_560 : f32 to vector<16xf32>
        %mul3A_562 = arith.mulf %gather3A_553, %mul3A_561 : vector<16xf32>
        %scatter3A_563 = arith.constant 0 : i32
        %scatter3A_564 = arith.constant 0 : i32
        %scatter3A_565 = arith.constant 0 : i32
        %scatter3A_566 = arith.constant 0 : i32
        %scatter3A_567 = tpu.memref_slice %arg8[%scatter3A_563, %scatter3A_564, %scatter3A_565, %scatter3A_566] : memref<2x8x8x128xf32, #tpu.memory_space<vmem>> -> memref<1x8x8x128xf32, #tpu.memory_space<vmem>>
        %scatter3A_568 = tpu.memref_squeeze %scatter3A_567 : memref<1x8x8x128xf32, #tpu.memory_space<vmem>> -> memref<8x8x128xf32, #tpu.memory_space<vmem>>
        tpu.vector_store_idx %scatter3A_568[%shift_right_arithmetic3A_556, %and3A_559, %add3A_308], %mul3A_562 : memref<8x8x128xf32, #tpu.memory_space<vmem>>[vector<16xi32>, vector<16xi32>, vector<16xi32>], vector<16xf32>,
        %add3A_569 = arith.constant 0 : i32
        %add3A_570 = vector.broadcast %add3A_569 : i32 to vector<16xi32>
        %add3A_571 = arith.addi %rem3A_78, %add3A_570 : vector<16xi32>
        %gather3A_572 = arith.constant 0 : i32
        %gather3A_573 = arith.constant 0 : i32
        %gather3A_574 = arith.constant 0 : i32
        %gather3A_575 = tpu.memref_slice %arg7[%gather3A_572, %gather3A_573, %gather3A_574] : memref<2x128x64xf32, #tpu.memory_space<vmem>> -> memref<1x128x64xf32, #tpu.memory_space<vmem>>
        %gather3A_576 = tpu.memref_squeeze %gather3A_575 : memref<1x128x64xf32, #tpu.memory_space<vmem>> -> memref<128x64xf32, #tpu.memory_space<vmem>>
        %gather3A_577 = tpu.vector_load_idx %gather3A_576[%add3A_308, %add3A_571] : memref<128x64xf32, #tpu.memory_space<vmem>>[vector<16xi32>, vector<16xi32>], vector<16xf32>,
        %shift_right_arithmetic3A_578 = arith.constant 3 : i32
        %shift_right_arithmetic3A_579 = vector.broadcast %shift_right_arithmetic3A_578 : i32 to vector<16xi32>
        %shift_right_arithmetic3A_580 = arith.shrsi %add3A_571, %shift_right_arithmetic3A_579 : vector<16xi32>
        %and3A_581 = arith.constant 7 : i32
        %and3A_582 = vector.broadcast %and3A_581 : i32 to vector<16xi32>
        %and3A_583 = arith.andi %add3A_571, %and3A_582 : vector<16xi32>
        %mul3A_584 = arith.constant 8.000000e+00 : f32
        %mul3A_585 = vector.broadcast %mul3A_584 : f32 to vector<16xf32>
        %mul3A_586 = arith.mulf %gather3A_577, %mul3A_585 : vector<16xf32>
        %scatter3A_587 = arith.constant 0 : i32
        %scatter3A_588 = arith.constant 0 : i32
        %scatter3A_589 = arith.constant 0 : i32
        %scatter3A_590 = arith.constant 0 : i32
        %scatter3A_591 = tpu.memref_slice %arg8[%scatter3A_587, %scatter3A_588, %scatter3A_589, %scatter3A_590] : memref<2x8x8x128xf32, #tpu.memory_space<vmem>> -> memref<1x8x8x128xf32, #tpu.memory_space<vmem>>
        %scatter3A_592 = tpu.memref_squeeze %scatter3A_591 : memref<1x8x8x128xf32, #tpu.memory_space<vmem>> -> memref<8x8x128xf32, #tpu.memory_space<vmem>>
        tpu.vector_store_idx %scatter3A_592[%shift_right_arithmetic3A_580, %and3A_583, %add3A_308], %mul3A_586 : memref<8x8x128xf32, #tpu.memory_space<vmem>>[vector<16xi32>, vector<16xi32>, vector<16xi32>], vector<16xf32>,
        %add3A_593 = arith.constant 0 : i32
        %add3A_594 = vector.broadcast %add3A_593 : i32 to vector<16xi32>
        %add3A_595 = arith.addi %rem3A_84, %add3A_594 : vector<16xi32>
        %gather3A_596 = arith.constant 0 : i32
        %gather3A_597 = arith.constant 0 : i32
        %gather3A_598 = arith.constant 0 : i32
        %gather3A_599 = tpu.memref_slice %arg7[%gather3A_596, %gather3A_597, %gather3A_598] : memref<2x128x64xf32, #tpu.memory_space<vmem>> -> memref<1x128x64xf32, #tpu.memory_space<vmem>>
        %gather3A_600 = tpu.memref_squeeze %gather3A_599 : memref<1x128x64xf32, #tpu.memory_space<vmem>> -> memref<128x64xf32, #tpu.memory_space<vmem>>
        %gather3A_601 = tpu.vector_load_idx %gather3A_600[%add3A_308, %add3A_595] : memref<128x64xf32, #tpu.memory_space<vmem>>[vector<16xi32>, vector<16xi32>], vector<16xf32>,
        %shift_right_arithmetic3A_602 = arith.constant 3 : i32
        %shift_right_arithmetic3A_603 = vector.broadcast %shift_right_arithmetic3A_602 : i32 to vector<16xi32>
        %shift_right_arithmetic3A_604 = arith.shrsi %add3A_595, %shift_right_arithmetic3A_603 : vector<16xi32>
        %and3A_605 = arith.constant 7 : i32
        %and3A_606 = vector.broadcast %and3A_605 : i32 to vector<16xi32>
        %and3A_607 = arith.andi %add3A_595, %and3A_606 : vector<16xi32>
        %mul3A_608 = arith.constant 8.000000e+00 : f32
        %mul3A_609 = vector.broadcast %mul3A_608 : f32 to vector<16xf32>
        %mul3A_610 = arith.mulf %gather3A_601, %mul3A_609 : vector<16xf32>
        %scatter3A_611 = arith.constant 0 : i32
        %scatter3A_612 = arith.constant 0 : i32
        %scatter3A_613 = arith.constant 0 : i32
        %scatter3A_614 = arith.constant 0 : i32
        %scatter3A_615 = tpu.memref_slice %arg8[%scatter3A_611, %scatter3A_612, %scatter3A_613, %scatter3A_614] : memref<2x8x8x128xf32, #tpu.memory_space<vmem>> -> memref<1x8x8x128xf32, #tpu.memory_space<vmem>>
        %scatter3A_616 = tpu.memref_squeeze %scatter3A_615 : memref<1x8x8x128xf32, #tpu.memory_space<vmem>> -> memref<8x8x128xf32, #tpu.memory_space<vmem>>
        tpu.vector_store_idx %scatter3A_616[%shift_right_arithmetic3A_604, %and3A_607, %add3A_308], %mul3A_610 : memref<8x8x128xf32, #tpu.memory_space<vmem>>[vector<16xi32>, vector<16xi32>, vector<16xi32>], vector<16xf32>,
        %add3A_617 = arith.constant 0 : i32
        %add3A_618 = vector.broadcast %add3A_617 : i32 to vector<16xi32>
        %add3A_619 = arith.addi %rem3A_90, %add3A_618 : vector<16xi32>
        %gather3A_620 = arith.constant 0 : i32
        %gather3A_621 = arith.constant 0 : i32
        %gather3A_622 = arith.constant 0 : i32
        %gather3A_623 = tpu.memref_slice %arg7[%gather3A_620, %gather3A_621, %gather3A_622] : memref<2x128x64xf32, #tpu.memory_space<vmem>> -> memref<1x128x64xf32, #tpu.memory_space<vmem>>
        %gather3A_624 = tpu.memref_squeeze %gather3A_623 : memref<1x128x64xf32, #tpu.memory_space<vmem>> -> memref<128x64xf32, #tpu.memory_space<vmem>>
        %gather3A_625 = tpu.vector_load_idx %gather3A_624[%add3A_308, %add3A_619] : memref<128x64xf32, #tpu.memory_space<vmem>>[vector<16xi32>, vector<16xi32>], vector<16xf32>,
        %shift_right_arithmetic3A_626 = arith.constant 3 : i32
        %shift_right_arithmetic3A_627 = vector.broadcast %shift_right_arithmetic3A_626 : i32 to vector<16xi32>
        %shift_right_arithmetic3A_628 = arith.shrsi %add3A_619, %shift_right_arithmetic3A_627 : vector<16xi32>
        %and3A_629 = arith.constant 7 : i32
        %and3A_630 = vector.broadcast %and3A_629 : i32 to vector<16xi32>
        %and3A_631 = arith.andi %add3A_619, %and3A_630 : vector<16xi32>
        %mul3A_632 = arith.constant 8.000000e+00 : f32
        %mul3A_633 = vector.broadcast %mul3A_632 : f32 to vector<16xf32>
        %mul3A_634 = arith.mulf %gather3A_625, %mul3A_633 : vector<16xf32>
        %scatter3A_635 = arith.constant 0 : i32
        %scatter3A_636 = arith.constant 0 : i32
        %scatter3A_637 = arith.constant 0 : i32
        %scatter3A_638 = arith.constant 0 : i32
        %scatter3A_639 = tpu.memref_slice %arg8[%scatter3A_635, %scatter3A_636, %scatter3A_637, %scatter3A_638] : memref<2x8x8x128xf32, #tpu.memory_space<vmem>> -> memref<1x8x8x128xf32, #tpu.memory_space<vmem>>
        %scatter3A_640 = tpu.memref_squeeze %scatter3A_639 : memref<1x8x8x128xf32, #tpu.memory_space<vmem>> -> memref<8x8x128xf32, #tpu.memory_space<vmem>>
        tpu.vector_store_idx %scatter3A_640[%shift_right_arithmetic3A_628, %and3A_631, %add3A_308], %mul3A_634 : memref<8x8x128xf32, #tpu.memory_space<vmem>>[vector<16xi32>, vector<16xi32>, vector<16xi32>], vector<16xf32>,
        %add3A_641 = arith.constant 0 : i32
        %add3A_642 = vector.broadcast %add3A_641 : i32 to vector<16xi32>
        %add3A_643 = arith.addi %rem3A_96, %add3A_642 : vector<16xi32>
        %gather3A_644 = arith.constant 0 : i32
        %gather3A_645 = arith.constant 0 : i32
        %gather3A_646 = arith.constant 0 : i32
        %gather3A_647 = tpu.memref_slice %arg7[%gather3A_644, %gather3A_645, %gather3A_646] : memref<2x128x64xf32, #tpu.memory_space<vmem>> -> memref<1x128x64xf32, #tpu.memory_space<vmem>>
        %gather3A_648 = tpu.memref_squeeze %gather3A_647 : memref<1x128x64xf32, #tpu.memory_space<vmem>> -> memref<128x64xf32, #tpu.memory_space<vmem>>
        %gather3A_649 = tpu.vector_load_idx %gather3A_648[%add3A_308, %add3A_643] : memref<128x64xf32, #tpu.memory_space<vmem>>[vector<16xi32>, vector<16xi32>], vector<16xf32>,
        %shift_right_arithmetic3A_650 = arith.constant 3 : i32
        %shift_right_arithmetic3A_651 = vector.broadcast %shift_right_arithmetic3A_650 : i32 to vector<16xi32>
        %shift_right_arithmetic3A_652 = arith.shrsi %add3A_643, %shift_right_arithmetic3A_651 : vector<16xi32>
        %and3A_653 = arith.constant 7 : i32
        %and3A_654 = vector.broadcast %and3A_653 : i32 to vector<16xi32>
        %and3A_655 = arith.andi %add3A_643, %and3A_654 : vector<16xi32>
        %mul3A_656 = arith.constant 8.000000e+00 : f32
        %mul3A_657 = vector.broadcast %mul3A_656 : f32 to vector<16xf32>
        %mul3A_658 = arith.mulf %gather3A_649, %mul3A_657 : vector<16xf32>
        %scatter3A_659 = arith.constant 0 : i32
        %scatter3A_660 = arith.constant 0 : i32
        %scatter3A_661 = arith.constant 0 : i32
        %scatter3A_662 = arith.constant 0 : i32
        %scatter3A_663 = tpu.memref_slice %arg8[%scatter3A_659, %scatter3A_660, %scatter3A_661, %scatter3A_662] : memref<2x8x8x128xf32, #tpu.memory_space<vmem>> -> memref<1x8x8x128xf32, #tpu.memory_space<vmem>>
        %scatter3A_664 = tpu.memref_squeeze %scatter3A_663 : memref<1x8x8x128xf32, #tpu.memory_space<vmem>> -> memref<8x8x128xf32, #tpu.memory_space<vmem>>
        tpu.vector_store_idx %scatter3A_664[%shift_right_arithmetic3A_652, %and3A_655, %add3A_308], %mul3A_658 : memref<8x8x128xf32, #tpu.memory_space<vmem>>[vector<16xi32>, vector<16xi32>, vector<16xi32>], vector<16xf32>,
        %add3A_665 = arith.constant 0 : i32
        %add3A_666 = vector.broadcast %add3A_665 : i32 to vector<16xi32>
        %add3A_667 = arith.addi %rem3A_102, %add3A_666 : vector<16xi32>
        %gather3A_668 = arith.constant 0 : i32
        %gather3A_669 = arith.constant 0 : i32
        %gather3A_670 = arith.constant 0 : i32
        %gather3A_671 = tpu.memref_slice %arg7[%gather3A_668, %gather3A_669, %gather3A_670] : memref<2x128x64xf32, #tpu.memory_space<vmem>> -> memref<1x128x64xf32, #tpu.memory_space<vmem>>
        %gather3A_672 = tpu.memref_squeeze %gather3A_671 : memref<1x128x64xf32, #tpu.memory_space<vmem>> -> memref<128x64xf32, #tpu.memory_space<vmem>>
        %gather3A_673 = tpu.vector_load_idx %gather3A_672[%add3A_308, %add3A_667] : memref<128x64xf32, #tpu.memory_space<vmem>>[vector<16xi32>, vector<16xi32>], vector<16xf32>,
        %shift_right_arithmetic3A_674 = arith.constant 3 : i32
        %shift_right_arithmetic3A_675 = vector.broadcast %shift_right_arithmetic3A_674 : i32 to vector<16xi32>
        %shift_right_arithmetic3A_676 = arith.shrsi %add3A_667, %shift_right_arithmetic3A_675 : vector<16xi32>
        %and3A_677 = arith.constant 7 : i32
        %and3A_678 = vector.broadcast %and3A_677 : i32 to vector<16xi32>
        %and3A_679 = arith.andi %add3A_667, %and3A_678 : vector<16xi32>
        %mul3A_680 = arith.constant 8.000000e+00 : f32
        %mul3A_681 = vector.broadcast %mul3A_680 : f32 to vector<16xf32>
        %mul3A_682 = arith.mulf %gather3A_673, %mul3A_681 : vector<16xf32>
        %scatter3A_683 = arith.constant 0 : i32
        %scatter3A_684 = arith.constant 0 : i32
        %scatter3A_685 = arith.constant 0 : i32
        %scatter3A_686 = arith.constant 0 : i32
        %scatter3A_687 = tpu.memref_slice %arg8[%scatter3A_683, %scatter3A_684, %scatter3A_685, %scatter3A_686] : memref<2x8x8x128xf32, #tpu.memory_space<vmem>> -> memref<1x8x8x128xf32, #tpu.memory_space<vmem>>
        %scatter3A_688 = tpu.memref_squeeze %scatter3A_687 : memref<1x8x8x128xf32, #tpu.memory_space<vmem>> -> memref<8x8x128xf32, #tpu.memory_space<vmem>>
        tpu.vector_store_idx %scatter3A_688[%shift_right_arithmetic3A_676, %and3A_679, %add3A_308], %mul3A_682 : memref<8x8x128xf32, #tpu.memory_space<vmem>>[vector<16xi32>, vector<16xi32>, vector<16xi32>], vector<16xf32>,
        %add3A_689 = arith.constant 16 : i32
        %add3A_690 = vector.broadcast %add3A_689 : i32 to vector<16xi32>
        %add3A_691 = arith.addi %rem3A_12, %add3A_690 : vector<16xi32>
        %gather3A_692 = arith.constant 0 : i32
        %gather3A_693 = arith.constant 0 : i32
        %gather3A_694 = arith.constant 0 : i32
        %gather3A_695 = tpu.memref_slice %arg7[%gather3A_692, %gather3A_693, %gather3A_694] : memref<2x128x64xf32, #tpu.memory_space<vmem>> -> memref<1x128x64xf32, #tpu.memory_space<vmem>>
        %gather3A_696 = tpu.memref_squeeze %gather3A_695 : memref<1x128x64xf32, #tpu.memory_space<vmem>> -> memref<128x64xf32, #tpu.memory_space<vmem>>
        %gather3A_697 = tpu.vector_load_idx %gather3A_696[%add3A_308, %add3A_691] : memref<128x64xf32, #tpu.memory_space<vmem>>[vector<16xi32>, vector<16xi32>], vector<16xf32>,
        %shift_right_arithmetic3A_698 = arith.constant 3 : i32
        %shift_right_arithmetic3A_699 = vector.broadcast %shift_right_arithmetic3A_698 : i32 to vector<16xi32>
        %shift_right_arithmetic3A_700 = arith.shrsi %add3A_691, %shift_right_arithmetic3A_699 : vector<16xi32>
        %and3A_701 = arith.constant 7 : i32
        %and3A_702 = vector.broadcast %and3A_701 : i32 to vector<16xi32>
        %and3A_703 = arith.andi %add3A_691, %and3A_702 : vector<16xi32>
        %mul3A_704 = arith.constant 8.000000e+00 : f32
        %mul3A_705 = vector.broadcast %mul3A_704 : f32 to vector<16xf32>
        %mul3A_706 = arith.mulf %gather3A_697, %mul3A_705 : vector<16xf32>
        %scatter3A_707 = arith.constant 0 : i32
        %scatter3A_708 = arith.constant 0 : i32
        %scatter3A_709 = arith.constant 0 : i32
        %scatter3A_710 = arith.constant 0 : i32
        %scatter3A_711 = tpu.memref_slice %arg8[%scatter3A_707, %scatter3A_708, %scatter3A_709, %scatter3A_710] : memref<2x8x8x128xf32, #tpu.memory_space<vmem>> -> memref<1x8x8x128xf32, #tpu.memory_space<vmem>>
        %scatter3A_712 = tpu.memref_squeeze %scatter3A_711 : memref<1x8x8x128xf32, #tpu.memory_space<vmem>> -> memref<8x8x128xf32, #tpu.memory_space<vmem>>
        tpu.vector_store_idx %scatter3A_712[%shift_right_arithmetic3A_700, %and3A_703, %add3A_308], %mul3A_706 : memref<8x8x128xf32, #tpu.memory_space<vmem>>[vector<16xi32>, vector<16xi32>, vector<16xi32>], vector<16xf32>,
        %add3A_713 = arith.constant 16 : i32
        %add3A_714 = vector.broadcast %add3A_713 : i32 to vector<16xi32>
        %add3A_715 = arith.addi %rem3A_18, %add3A_714 : vector<16xi32>
        %gather3A_716 = arith.constant 0 : i32
        %gather3A_717 = arith.constant 0 : i32
        %gather3A_718 = arith.constant 0 : i32
        %gather3A_719 = tpu.memref_slice %arg7[%gather3A_716, %gather3A_717, %gather3A_718] : memref<2x128x64xf32, #tpu.memory_space<vmem>> -> memref<1x128x64xf32, #tpu.memory_space<vmem>>
        %gather3A_720 = tpu.memref_squeeze %gather3A_719 : memref<1x128x64xf32, #tpu.memory_space<vmem>> -> memref<128x64xf32, #tpu.memory_space<vmem>>
        %gather3A_721 = tpu.vector_load_idx %gather3A_720[%add3A_308, %add3A_715] : memref<128x64xf32, #tpu.memory_space<vmem>>[vector<16xi32>, vector<16xi32>], vector<16xf32>,
        %shift_right_arithmetic3A_722 = arith.constant 3 : i32
        %shift_right_arithmetic3A_723 = vector.broadcast %shift_right_arithmetic3A_722 : i32 to vector<16xi32>
        %shift_right_arithmetic3A_724 = arith.shrsi %add3A_715, %shift_right_arithmetic3A_723 : vector<16xi32>
        %and3A_725 = arith.constant 7 : i32
        %and3A_726 = vector.broadcast %and3A_725 : i32 to vector<16xi32>
        %and3A_727 = arith.andi %add3A_715, %and3A_726 : vector<16xi32>
        %mul3A_728 = arith.constant 8.000000e+00 : f32
        %mul3A_729 = vector.broadcast %mul3A_728 : f32 to vector<16xf32>
        %mul3A_730 = arith.mulf %gather3A_721, %mul3A_729 : vector<16xf32>
        %scatter3A_731 = arith.constant 0 : i32
        %scatter3A_732 = arith.constant 0 : i32
        %scatter3A_733 = arith.constant 0 : i32
        %scatter3A_734 = arith.constant 0 : i32
        %scatter3A_735 = tpu.memref_slice %arg8[%scatter3A_731, %scatter3A_732, %scatter3A_733, %scatter3A_734] : memref<2x8x8x128xf32, #tpu.memory_space<vmem>> -> memref<1x8x8x128xf32, #tpu.memory_space<vmem>>
        %scatter3A_736 = tpu.memref_squeeze %scatter3A_735 : memref<1x8x8x128xf32, #tpu.memory_space<vmem>> -> memref<8x8x128xf32, #tpu.memory_space<vmem>>
        tpu.vector_store_idx %scatter3A_736[%shift_right_arithmetic3A_724, %and3A_727, %add3A_308], %mul3A_730 : memref<8x8x128xf32, #tpu.memory_space<vmem>>[vector<16xi32>, vector<16xi32>, vector<16xi32>], vector<16xf32>,
        %add3A_737 = arith.constant 16 : i32
        %add3A_738 = vector.broadcast %add3A_737 : i32 to vector<16xi32>
        %add3A_739 = arith.addi %rem3A_24, %add3A_738 : vector<16xi32>
        %gather3A_740 = arith.constant 0 : i32
        %gather3A_741 = arith.constant 0 : i32
        %gather3A_742 = arith.constant 0 : i32
        %gather3A_743 = tpu.memref_slice %arg7[%gather3A_740, %gather3A_741, %gather3A_742] : memref<2x128x64xf32, #tpu.memory_space<vmem>> -> memref<1x128x64xf32, #tpu.memory_space<vmem>>
        %gather3A_744 = tpu.memref_squeeze %gather3A_743 : memref<1x128x64xf32, #tpu.memory_space<vmem>> -> memref<128x64xf32, #tpu.memory_space<vmem>>
        %gather3A_745 = tpu.vector_load_idx %gather3A_744[%add3A_308, %add3A_739] : memref<128x64xf32, #tpu.memory_space<vmem>>[vector<16xi32>, vector<16xi32>], vector<16xf32>,
        %shift_right_arithmetic3A_746 = arith.constant 3 : i32
        %shift_right_arithmetic3A_747 = vector.broadcast %shift_right_arithmetic3A_746 : i32 to vector<16xi32>
        %shift_right_arithmetic3A_748 = arith.shrsi %add3A_739, %shift_right_arithmetic3A_747 : vector<16xi32>
        %and3A_749 = arith.constant 7 : i32
        %and3A_750 = vector.broadcast %and3A_749 : i32 to vector<16xi32>
        %and3A_751 = arith.andi %add3A_739, %and3A_750 : vector<16xi32>
        %mul3A_752 = arith.constant 8.000000e+00 : f32
        %mul3A_753 = vector.broadcast %mul3A_752 : f32 to vector<16xf32>
        %mul3A_754 = arith.mulf %gather3A_745, %mul3A_753 : vector<16xf32>
        %scatter3A_755 = arith.constant 0 : i32
        %scatter3A_756 = arith.constant 0 : i32
        %scatter3A_757 = arith.constant 0 : i32
        %scatter3A_758 = arith.constant 0 : i32
        %scatter3A_759 = tpu.memref_slice %arg8[%scatter3A_755, %scatter3A_756, %scatter3A_757, %scatter3A_758] : memref<2x8x8x128xf32, #tpu.memory_space<vmem>> -> memref<1x8x8x128xf32, #tpu.memory_space<vmem>>
        %scatter3A_760 = tpu.memref_squeeze %scatter3A_759 : memref<1x8x8x128xf32, #tpu.memory_space<vmem>> -> memref<8x8x128xf32, #tpu.memory_space<vmem>>
        tpu.vector_store_idx %scatter3A_760[%shift_right_arithmetic3A_748, %and3A_751, %add3A_308], %mul3A_754 : memref<8x8x128xf32, #tpu.memory_space<vmem>>[vector<16xi32>, vector<16xi32>, vector<16xi32>], vector<16xf32>,
        %add3A_761 = arith.constant 16 : i32
        %add3A_762 = vector.broadcast %add3A_761 : i32 to vector<16xi32>
        %add3A_763 = arith.addi %rem3A_30, %add3A_762 : vector<16xi32>
        %gather3A_764 = arith.constant 0 : i32
        %gather3A_765 = arith.constant 0 : i32
        %gather3A_766 = arith.constant 0 : i32
        %gather3A_767 = tpu.memref_slice %arg7[%gather3A_764, %gather3A_765, %gather3A_766] : memref<2x128x64xf32, #tpu.memory_space<vmem>> -> memref<1x128x64xf32, #tpu.memory_space<vmem>>
        %gather3A_768 = tpu.memref_squeeze %gather3A_767 : memref<1x128x64xf32, #tpu.memory_space<vmem>> -> memref<128x64xf32, #tpu.memory_space<vmem>>
        %gather3A_769 = tpu.vector_load_idx %gather3A_768[%add3A_308, %add3A_763] : memref<128x64xf32, #tpu.memory_space<vmem>>[vector<16xi32>, vector<16xi32>], vector<16xf32>,
        %shift_right_arithmetic3A_770 = arith.constant 3 : i32
        %shift_right_arithmetic3A_771 = vector.broadcast %shift_right_arithmetic3A_770 : i32 to vector<16xi32>
        %shift_right_arithmetic3A_772 = arith.shrsi %add3A_763, %shift_right_arithmetic3A_771 : vector<16xi32>
        %and3A_773 = arith.constant 7 : i32
        %and3A_774 = vector.broadcast %and3A_773 : i32 to vector<16xi32>
        %and3A_775 = arith.andi %add3A_763, %and3A_774 : vector<16xi32>
        %mul3A_776 = arith.constant 8.000000e+00 : f32
        %mul3A_777 = vector.broadcast %mul3A_776 : f32 to vector<16xf32>
        %mul3A_778 = arith.mulf %gather3A_769, %mul3A_777 : vector<16xf32>
        %scatter3A_779 = arith.constant 0 : i32
        %scatter3A_780 = arith.constant 0 : i32
        %scatter3A_781 = arith.constant 0 : i32
        %scatter3A_782 = arith.constant 0 : i32
        %scatter3A_783 = tpu.memref_slice %arg8[%scatter3A_779, %scatter3A_780, %scatter3A_781, %scatter3A_782] : memref<2x8x8x128xf32, #tpu.memory_space<vmem>> -> memref<1x8x8x128xf32, #tpu.memory_space<vmem>>
        %scatter3A_784 = tpu.memref_squeeze %scatter3A_783 : memref<1x8x8x128xf32, #tpu.memory_space<vmem>> -> memref<8x8x128xf32, #tpu.memory_space<vmem>>
        tpu.vector_store_idx %scatter3A_784[%shift_right_arithmetic3A_772, %and3A_775, %add3A_308], %mul3A_778 : memref<8x8x128xf32, #tpu.memory_space<vmem>>[vector<16xi32>, vector<16xi32>, vector<16xi32>], vector<16xf32>,
        %add3A_785 = arith.constant 16 : i32
        %add3A_786 = vector.broadcast %add3A_785 : i32 to vector<16xi32>
        %add3A_787 = arith.addi %rem3A_36, %add3A_786 : vector<16xi32>
        %gather3A_788 = arith.constant 0 : i32
        %gather3A_789 = arith.constant 0 : i32
        %gather3A_790 = arith.constant 0 : i32
        %gather3A_791 = tpu.memref_slice %arg7[%gather3A_788, %gather3A_789, %gather3A_790] : memref<2x128x64xf32, #tpu.memory_space<vmem>> -> memref<1x128x64xf32, #tpu.memory_space<vmem>>
        %gather3A_792 = tpu.memref_squeeze %gather3A_791 : memref<1x128x64xf32, #tpu.memory_space<vmem>> -> memref<128x64xf32, #tpu.memory_space<vmem>>
        %gather3A_793 = tpu.vector_load_idx %gather3A_792[%add3A_308, %add3A_787] : memref<128x64xf32, #tpu.memory_space<vmem>>[vector<16xi32>, vector<16xi32>], vector<16xf32>,
        %shift_right_arithmetic3A_794 = arith.constant 3 : i32
        %shift_right_arithmetic3A_795 = vector.broadcast %shift_right_arithmetic3A_794 : i32 to vector<16xi32>
        %shift_right_arithmetic3A_796 = arith.shrsi %add3A_787, %shift_right_arithmetic3A_795 : vector<16xi32>
        %and3A_797 = arith.constant 7 : i32
        %and3A_798 = vector.broadcast %and3A_797 : i32 to vector<16xi32>
        %and3A_799 = arith.andi %add3A_787, %and3A_798 : vector<16xi32>
        %mul3A_800 = arith.constant 8.000000e+00 : f32
        %mul3A_801 = vector.broadcast %mul3A_800 : f32 to vector<16xf32>
        %mul3A_802 = arith.mulf %gather3A_793, %mul3A_801 : vector<16xf32>
        %scatter3A_803 = arith.constant 0 : i32
        %scatter3A_804 = arith.constant 0 : i32
        %scatter3A_805 = arith.constant 0 : i32
        %scatter3A_806 = arith.constant 0 : i32
        %scatter3A_807 = tpu.memref_slice %arg8[%scatter3A_803, %scatter3A_804, %scatter3A_805, %scatter3A_806] : memref<2x8x8x128xf32, #tpu.memory_space<vmem>> -> memref<1x8x8x128xf32, #tpu.memory_space<vmem>>
        %scatter3A_808 = tpu.memref_squeeze %scatter3A_807 : memref<1x8x8x128xf32, #tpu.memory_space<vmem>> -> memref<8x8x128xf32, #tpu.memory_space<vmem>>
        tpu.vector_store_idx %scatter3A_808[%shift_right_arithmetic3A_796, %and3A_799, %add3A_308], %mul3A_802 : memref<8x8x128xf32, #tpu.memory_space<vmem>>[vector<16xi32>, vector<16xi32>, vector<16xi32>], vector<16xf32>,
        %add3A_809 = arith.constant 16 : i32
        %add3A_810 = vector.broadcast %add3A_809 : i32 to vector<16xi32>
        %add3A_811 = arith.addi %rem3A_42, %add3A_810 : vector<16xi32>
        %gather3A_812 = arith.constant 0 : i32
        %gather3A_813 = arith.constant 0 : i32
        %gather3A_814 = arith.constant 0 : i32
        %gather3A_815 = tpu.memref_slice %arg7[%gather3A_812, %gather3A_813, %gather3A_814] : memref<2x128x64xf32, #tpu.memory_space<vmem>> -> memref<1x128x64xf32, #tpu.memory_space<vmem>>
        %gather3A_816 = tpu.memref_squeeze %gather3A_815 : memref<1x128x64xf32, #tpu.memory_space<vmem>> -> memref<128x64xf32, #tpu.memory_space<vmem>>
        %gather3A_817 = tpu.vector_load_idx %gather3A_816[%add3A_308, %add3A_811] : memref<128x64xf32, #tpu.memory_space<vmem>>[vector<16xi32>, vector<16xi32>], vector<16xf32>,
        %shift_right_arithmetic3A_818 = arith.constant 3 : i32
        %shift_right_arithmetic3A_819 = vector.broadcast %shift_right_arithmetic3A_818 : i32 to vector<16xi32>
        %shift_right_arithmetic3A_820 = arith.shrsi %add3A_811, %shift_right_arithmetic3A_819 : vector<16xi32>
        %and3A_821 = arith.constant 7 : i32
        %and3A_822 = vector.broadcast %and3A_821 : i32 to vector<16xi32>
        %and3A_823 = arith.andi %add3A_811, %and3A_822 : vector<16xi32>
        %mul3A_824 = arith.constant 8.000000e+00 : f32
        %mul3A_825 = vector.broadcast %mul3A_824 : f32 to vector<16xf32>
        %mul3A_826 = arith.mulf %gather3A_817, %mul3A_825 : vector<16xf32>
        %scatter3A_827 = arith.constant 0 : i32
        %scatter3A_828 = arith.constant 0 : i32
        %scatter3A_829 = arith.constant 0 : i32
        %scatter3A_830 = arith.constant 0 : i32
        %scatter3A_831 = tpu.memref_slice %arg8[%scatter3A_827, %scatter3A_828, %scatter3A_829, %scatter3A_830] : memref<2x8x8x128xf32, #tpu.memory_space<vmem>> -> memref<1x8x8x128xf32, #tpu.memory_space<vmem>>
        %scatter3A_832 = tpu.memref_squeeze %scatter3A_831 : memref<1x8x8x128xf32, #tpu.memory_space<vmem>> -> memref<8x8x128xf32, #tpu.memory_space<vmem>>
        tpu.vector_store_idx %scatter3A_832[%shift_right_arithmetic3A_820, %and3A_823, %add3A_308], %mul3A_826 : memref<8x8x128xf32, #tpu.memory_space<vmem>>[vector<16xi32>, vector<16xi32>, vector<16xi32>], vector<16xf32>,
        %add3A_833 = arith.constant 16 : i32
        %add3A_834 = vector.broadcast %add3A_833 : i32 to vector<16xi32>
        %add3A_835 = arith.addi %rem3A_48, %add3A_834 : vector<16xi32>
        %gather3A_836 = arith.constant 0 : i32
        %gather3A_837 = arith.constant 0 : i32
        %gather3A_838 = arith.constant 0 : i32
        %gather3A_839 = tpu.memref_slice %arg7[%gather3A_836, %gather3A_837, %gather3A_838] : memref<2x128x64xf32, #tpu.memory_space<vmem>> -> memref<1x128x64xf32, #tpu.memory_space<vmem>>
        %gather3A_840 = tpu.memref_squeeze %gather3A_839 : memref<1x128x64xf32, #tpu.memory_space<vmem>> -> memref<128x64xf32, #tpu.memory_space<vmem>>
        %gather3A_841 = tpu.vector_load_idx %gather3A_840[%add3A_308, %add3A_835] : memref<128x64xf32, #tpu.memory_space<vmem>>[vector<16xi32>, vector<16xi32>], vector<16xf32>,
        %shift_right_arithmetic3A_842 = arith.constant 3 : i32
        %shift_right_arithmetic3A_843 = vector.broadcast %shift_right_arithmetic3A_842 : i32 to vector<16xi32>
        %shift_right_arithmetic3A_844 = arith.shrsi %add3A_835, %shift_right_arithmetic3A_843 : vector<16xi32>
        %and3A_845 = arith.constant 7 : i32
        %and3A_846 = vector.broadcast %and3A_845 : i32 to vector<16xi32>
        %and3A_847 = arith.andi %add3A_835, %and3A_846 : vector<16xi32>
        %mul3A_848 = arith.constant 8.000000e+00 : f32
        %mul3A_849 = vector.broadcast %mul3A_848 : f32 to vector<16xf32>
        %mul3A_850 = arith.mulf %gather3A_841, %mul3A_849 : vector<16xf32>
        %scatter3A_851 = arith.constant 0 : i32
        %scatter3A_852 = arith.constant 0 : i32
        %scatter3A_853 = arith.constant 0 : i32
        %scatter3A_854 = arith.constant 0 : i32
        %scatter3A_855 = tpu.memref_slice %arg8[%scatter3A_851, %scatter3A_852, %scatter3A_853, %scatter3A_854] : memref<2x8x8x128xf32, #tpu.memory_space<vmem>> -> memref<1x8x8x128xf32, #tpu.memory_space<vmem>>
        %scatter3A_856 = tpu.memref_squeeze %scatter3A_855 : memref<1x8x8x128xf32, #tpu.memory_space<vmem>> -> memref<8x8x128xf32, #tpu.memory_space<vmem>>
        tpu.vector_store_idx %scatter3A_856[%shift_right_arithmetic3A_844, %and3A_847, %add3A_308], %mul3A_850 : memref<8x8x128xf32, #tpu.memory_space<vmem>>[vector<16xi32>, vector<16xi32>, vector<16xi32>], vector<16xf32>,
        %add3A_857 = arith.constant 16 : i32
        %add3A_858 = vector.broadcast %add3A_857 : i32 to vector<16xi32>
        %add3A_859 = arith.addi %rem3A_54, %add3A_858 : vector<16xi32>
        %gather3A_860 = arith.constant 0 : i32
        %gather3A_861 = arith.constant 0 : i32
        %gather3A_862 = arith.constant 0 : i32
        %gather3A_863 = tpu.memref_slice %arg7[%gather3A_860, %gather3A_861, %gather3A_862] : memref<2x128x64xf32, #tpu.memory_space<vmem>> -> memref<1x128x64xf32, #tpu.memory_space<vmem>>
        %gather3A_864 = tpu.memref_squeeze %gather3A_863 : memref<1x128x64xf32, #tpu.memory_space<vmem>> -> memref<128x64xf32, #tpu.memory_space<vmem>>
        %gather3A_865 = tpu.vector_load_idx %gather3A_864[%add3A_308, %add3A_859] : memref<128x64xf32, #tpu.memory_space<vmem>>[vector<16xi32>, vector<16xi32>], vector<16xf32>,
        %shift_right_arithmetic3A_866 = arith.constant 3 : i32
        %shift_right_arithmetic3A_867 = vector.broadcast %shift_right_arithmetic3A_866 : i32 to vector<16xi32>
        %shift_right_arithmetic3A_868 = arith.shrsi %add3A_859, %shift_right_arithmetic3A_867 : vector<16xi32>
        %and3A_869 = arith.constant 7 : i32
        %and3A_870 = vector.broadcast %and3A_869 : i32 to vector<16xi32>
        %and3A_871 = arith.andi %add3A_859, %and3A_870 : vector<16xi32>
        %mul3A_872 = arith.constant 8.000000e+00 : f32
        %mul3A_873 = vector.broadcast %mul3A_872 : f32 to vector<16xf32>
        %mul3A_874 = arith.mulf %gather3A_865, %mul3A_873 : vector<16xf32>
        %scatter3A_875 = arith.constant 0 : i32
        %scatter3A_876 = arith.constant 0 : i32
        %scatter3A_877 = arith.constant 0 : i32
        %scatter3A_878 = arith.constant 0 : i32
        %scatter3A_879 = tpu.memref_slice %arg8[%scatter3A_875, %scatter3A_876, %scatter3A_877, %scatter3A_878] : memref<2x8x8x128xf32, #tpu.memory_space<vmem>> -> memref<1x8x8x128xf32, #tpu.memory_space<vmem>>
        %scatter3A_880 = tpu.memref_squeeze %scatter3A_879 : memref<1x8x8x128xf32, #tpu.memory_space<vmem>> -> memref<8x8x128xf32, #tpu.memory_space<vmem>>
        tpu.vector_store_idx %scatter3A_880[%shift_right_arithmetic3A_868, %and3A_871, %add3A_308], %mul3A_874 : memref<8x8x128xf32, #tpu.memory_space<vmem>>[vector<16xi32>, vector<16xi32>, vector<16xi32>], vector<16xf32>,
        %add3A_881 = arith.constant 16 : i32
        %add3A_882 = vector.broadcast %add3A_881 : i32 to vector<16xi32>
        %add3A_883 = arith.addi %rem3A_60, %add3A_882 : vector<16xi32>
        %gather3A_884 = arith.constant 0 : i32
        %gather3A_885 = arith.constant 0 : i32
        %gather3A_886 = arith.constant 0 : i32
        %gather3A_887 = tpu.memref_slice %arg7[%gather3A_884, %gather3A_885, %gather3A_886] : memref<2x128x64xf32, #tpu.memory_space<vmem>> -> memref<1x128x64xf32, #tpu.memory_space<vmem>>
        %gather3A_888 = tpu.memref_squeeze %gather3A_887 : memref<1x128x64xf32, #tpu.memory_space<vmem>> -> memref<128x64xf32, #tpu.memory_space<vmem>>
        %gather3A_889 = tpu.vector_load_idx %gather3A_888[%add3A_308, %add3A_883] : memref<128x64xf32, #tpu.memory_space<vmem>>[vector<16xi32>, vector<16xi32>], vector<16xf32>,
        %shift_right_arithmetic3A_890 = arith.constant 3 : i32
        %shift_right_arithmetic3A_891 = vector.broadcast %shift_right_arithmetic3A_890 : i32 to vector<16xi32>
        %shift_right_arithmetic3A_892 = arith.shrsi %add3A_883, %shift_right_arithmetic3A_891 : vector<16xi32>
        %and3A_893 = arith.constant 7 : i32
        %and3A_894 = vector.broadcast %and3A_893 : i32 to vector<16xi32>
        %and3A_895 = arith.andi %add3A_883, %and3A_894 : vector<16xi32>
        %mul3A_896 = arith.constant 8.000000e+00 : f32
        %mul3A_897 = vector.broadcast %mul3A_896 : f32 to vector<16xf32>
        %mul3A_898 = arith.mulf %gather3A_889, %mul3A_897 : vector<16xf32>
        %scatter3A_899 = arith.constant 0 : i32
        %scatter3A_900 = arith.constant 0 : i32
        %scatter3A_901 = arith.constant 0 : i32
        %scatter3A_902 = arith.constant 0 : i32
        %scatter3A_903 = tpu.memref_slice %arg8[%scatter3A_899, %scatter3A_900, %scatter3A_901, %scatter3A_902] : memref<2x8x8x128xf32, #tpu.memory_space<vmem>> -> memref<1x8x8x128xf32, #tpu.memory_space<vmem>>
        %scatter3A_904 = tpu.memref_squeeze %scatter3A_903 : memref<1x8x8x128xf32, #tpu.memory_space<vmem>> -> memref<8x8x128xf32, #tpu.memory_space<vmem>>
        tpu.vector_store_idx %scatter3A_904[%shift_right_arithmetic3A_892, %and3A_895, %add3A_308], %mul3A_898 : memref<8x8x128xf32, #tpu.memory_space<vmem>>[vector<16xi32>, vector<16xi32>, vector<16xi32>], vector<16xf32>,
        %add3A_905 = arith.constant 16 : i32
        %add3A_906 = vector.broadcast %add3A_905 : i32 to vector<16xi32>
        %add3A_907 = arith.addi %rem3A_66, %add3A_906 : vector<16xi32>
        %gather3A_908 = arith.constant 0 : i32
        %gather3A_909 = arith.constant 0 : i32
        %gather3A_910 = arith.constant 0 : i32
        %gather3A_911 = tpu.memref_slice %arg7[%gather3A_908, %gather3A_909, %gather3A_910] : memref<2x128x64xf32, #tpu.memory_space<vmem>> -> memref<1x128x64xf32, #tpu.memory_space<vmem>>
        %gather3A_912 = tpu.memref_squeeze %gather3A_911 : memref<1x128x64xf32, #tpu.memory_space<vmem>> -> memref<128x64xf32, #tpu.memory_space<vmem>>
        %gather3A_913 = tpu.vector_load_idx %gather3A_912[%add3A_308, %add3A_907] : memref<128x64xf32, #tpu.memory_space<vmem>>[vector<16xi32>, vector<16xi32>], vector<16xf32>,
        %shift_right_arithmetic3A_914 = arith.constant 3 : i32
        %shift_right_arithmetic3A_915 = vector.broadcast %shift_right_arithmetic3A_914 : i32 to vector<16xi32>
        %shift_right_arithmetic3A_916 = arith.shrsi %add3A_907, %shift_right_arithmetic3A_915 : vector<16xi32>
        %and3A_917 = arith.constant 7 : i32
        %and3A_918 = vector.broadcast %and3A_917 : i32 to vector<16xi32>
        %and3A_919 = arith.andi %add3A_907, %and3A_918 : vector<16xi32>
        %mul3A_920 = arith.constant 8.000000e+00 : f32
        %mul3A_921 = vector.broadcast %mul3A_920 : f32 to vector<16xf32>
        %mul3A_922 = arith.mulf %gather3A_913, %mul3A_921 : vector<16xf32>
        %scatter3A_923 = arith.constant 0 : i32
        %scatter3A_924 = arith.constant 0 : i32
        %scatter3A_925 = arith.constant 0 : i32
        %scatter3A_926 = arith.constant 0 : i32
        %scatter3A_927 = tpu.memref_slice %arg8[%scatter3A_923, %scatter3A_924, %scatter3A_925, %scatter3A_926] : memref<2x8x8x128xf32, #tpu.memory_space<vmem>> -> memref<1x8x8x128xf32, #tpu.memory_space<vmem>>
        %scatter3A_928 = tpu.memref_squeeze %scatter3A_927 : memref<1x8x8x128xf32, #tpu.memory_space<vmem>> -> memref<8x8x128xf32, #tpu.memory_space<vmem>>
        tpu.vector_store_idx %scatter3A_928[%shift_right_arithmetic3A_916, %and3A_919, %add3A_308], %mul3A_922 : memref<8x8x128xf32, #tpu.memory_space<vmem>>[vector<16xi32>, vector<16xi32>, vector<16xi32>], vector<16xf32>,
        %add3A_929 = arith.constant 16 : i32
        %add3A_930 = vector.broadcast %add3A_929 : i32 to vector<16xi32>
        %add3A_931 = arith.addi %rem3A_72, %add3A_930 : vector<16xi32>
        %gather3A_932 = arith.constant 0 : i32
        %gather3A_933 = arith.constant 0 : i32
        %gather3A_934 = arith.constant 0 : i32
        %gather3A_935 = tpu.memref_slice %arg7[%gather3A_932, %gather3A_933, %gather3A_934] : memref<2x128x64xf32, #tpu.memory_space<vmem>> -> memref<1x128x64xf32, #tpu.memory_space<vmem>>
        %gather3A_936 = tpu.memref_squeeze %gather3A_935 : memref<1x128x64xf32, #tpu.memory_space<vmem>> -> memref<128x64xf32, #tpu.memory_space<vmem>>
        %gather3A_937 = tpu.vector_load_idx %gather3A_936[%add3A_308, %add3A_931] : memref<128x64xf32, #tpu.memory_space<vmem>>[vector<16xi32>, vector<16xi32>], vector<16xf32>,
        %shift_right_arithmetic3A_938 = arith.constant 3 : i32
        %shift_right_arithmetic3A_939 = vector.broadcast %shift_right_arithmetic3A_938 : i32 to vector<16xi32>
        %shift_right_arithmetic3A_940 = arith.shrsi %add3A_931, %shift_right_arithmetic3A_939 : vector<16xi32>
        %and3A_941 = arith.constant 7 : i32
        %and3A_942 = vector.broadcast %and3A_941 : i32 to vector<16xi32>
        %and3A_943 = arith.andi %add3A_931, %and3A_942 : vector<16xi32>
        %mul3A_944 = arith.constant 8.000000e+00 : f32
        %mul3A_945 = vector.broadcast %mul3A_944 : f32 to vector<16xf32>
        %mul3A_946 = arith.mulf %gather3A_937, %mul3A_945 : vector<16xf32>
        %scatter3A_947 = arith.constant 0 : i32
        %scatter3A_948 = arith.constant 0 : i32
        %scatter3A_949 = arith.constant 0 : i32
        %scatter3A_950 = arith.constant 0 : i32
        %scatter3A_951 = tpu.memref_slice %arg8[%scatter3A_947, %scatter3A_948, %scatter3A_949, %scatter3A_950] : memref<2x8x8x128xf32, #tpu.memory_space<vmem>> -> memref<1x8x8x128xf32, #tpu.memory_space<vmem>>
        %scatter3A_952 = tpu.memref_squeeze %scatter3A_951 : memref<1x8x8x128xf32, #tpu.memory_space<vmem>> -> memref<8x8x128xf32, #tpu.memory_space<vmem>>
        tpu.vector_store_idx %scatter3A_952[%shift_right_arithmetic3A_940, %and3A_943, %add3A_308], %mul3A_946 : memref<8x8x128xf32, #tpu.memory_space<vmem>>[vector<16xi32>, vector<16xi32>, vector<16xi32>], vector<16xf32>,
        %add3A_953 = arith.constant 16 : i32
        %add3A_954 = vector.broadcast %add3A_953 : i32 to vector<16xi32>
        %add3A_955 = arith.addi %rem3A_78, %add3A_954 : vector<16xi32>
        %gather3A_956 = arith.constant 0 : i32
        %gather3A_957 = arith.constant 0 : i32
        %gather3A_958 = arith.constant 0 : i32
        %gather3A_959 = tpu.memref_slice %arg7[%gather3A_956, %gather3A_957, %gather3A_958] : memref<2x128x64xf32, #tpu.memory_space<vmem>> -> memref<1x128x64xf32, #tpu.memory_space<vmem>>
        %gather3A_960 = tpu.memref_squeeze %gather3A_959 : memref<1x128x64xf32, #tpu.memory_space<vmem>> -> memref<128x64xf32, #tpu.memory_space<vmem>>
        %gather3A_961 = tpu.vector_load_idx %gather3A_960[%add3A_308, %add3A_955] : memref<128x64xf32, #tpu.memory_space<vmem>>[vector<16xi32>, vector<16xi32>], vector<16xf32>,
        %shift_right_arithmetic3A_962 = arith.constant 3 : i32
        %shift_right_arithmetic3A_963 = vector.broadcast %shift_right_arithmetic3A_962 : i32 to vector<16xi32>
        %shift_right_arithmetic3A_964 = arith.shrsi %add3A_955, %shift_right_arithmetic3A_963 : vector<16xi32>
        %and3A_965 = arith.constant 7 : i32
        %and3A_966 = vector.broadcast %and3A_965 : i32 to vector<16xi32>
        %and3A_967 = arith.andi %add3A_955, %and3A_966 : vector<16xi32>
        %mul3A_968 = arith.constant 8.000000e+00 : f32
        %mul3A_969 = vector.broadcast %mul3A_968 : f32 to vector<16xf32>
        %mul3A_970 = arith.mulf %gather3A_961, %mul3A_969 : vector<16xf32>
        %scatter3A_971 = arith.constant 0 : i32
        %scatter3A_972 = arith.constant 0 : i32
        %scatter3A_973 = arith.constant 0 : i32
        %scatter3A_974 = arith.constant 0 : i32
        %scatter3A_975 = tpu.memref_slice %arg8[%scatter3A_971, %scatter3A_972, %scatter3A_973, %scatter3A_974] : memref<2x8x8x128xf32, #tpu.memory_space<vmem>> -> memref<1x8x8x128xf32, #tpu.memory_space<vmem>>
        %scatter3A_976 = tpu.memref_squeeze %scatter3A_975 : memref<1x8x8x128xf32, #tpu.memory_space<vmem>> -> memref<8x8x128xf32, #tpu.memory_space<vmem>>
        tpu.vector_store_idx %scatter3A_976[%shift_right_arithmetic3A_964, %and3A_967, %add3A_308], %mul3A_970 : memref<8x8x128xf32, #tpu.memory_space<vmem>>[vector<16xi32>, vector<16xi32>, vector<16xi32>], vector<16xf32>,
        %add3A_977 = arith.constant 16 : i32
        %add3A_978 = vector.broadcast %add3A_977 : i32 to vector<16xi32>
        %add3A_979 = arith.addi %rem3A_84, %add3A_978 : vector<16xi32>
        %gather3A_980 = arith.constant 0 : i32
        %gather3A_981 = arith.constant 0 : i32
        %gather3A_982 = arith.constant 0 : i32
        %gather3A_983 = tpu.memref_slice %arg7[%gather3A_980, %gather3A_981, %gather3A_982] : memref<2x128x64xf32, #tpu.memory_space<vmem>> -> memref<1x128x64xf32, #tpu.memory_space<vmem>>
        %gather3A_984 = tpu.memref_squeeze %gather3A_983 : memref<1x128x64xf32, #tpu.memory_space<vmem>> -> memref<128x64xf32, #tpu.memory_space<vmem>>
        %gather3A_985 = tpu.vector_load_idx %gather3A_984[%add3A_308, %add3A_979] : memref<128x64xf32, #tpu.memory_space<vmem>>[vector<16xi32>, vector<16xi32>], vector<16xf32>,
        %shift_right_arithmetic3A_986 = arith.constant 3 : i32
        %shift_right_arithmetic3A_987 = vector.broadcast %shift_right_arithmetic3A_986 : i32 to vector<16xi32>
        %shift_right_arithmetic3A_988 = arith.shrsi %add3A_979, %shift_right_arithmetic3A_987 : vector<16xi32>
        %and3A_989 = arith.constant 7 : i32
        %and3A_990 = vector.broadcast %and3A_989 : i32 to vector<16xi32>
        %and3A_991 = arith.andi %add3A_979, %and3A_990 : vector<16xi32>
        %mul3A_992 = arith.constant 8.000000e+00 : f32
        %mul3A_993 = vector.broadcast %mul3A_992 : f32 to vector<16xf32>
        %mul3A_994 = arith.mulf %gather3A_985, %mul3A_993 : vector<16xf32>
        %scatter3A_995 = arith.constant 0 : i32
        %scatter3A_996 = arith.constant 0 : i32
        %scatter3A_997 = arith.constant 0 : i32
        %scatter3A_998 = arith.constant 0 : i32
        %scatter3A_999 = tpu.memref_slice %arg8[%scatter3A_995, %scatter3A_996, %scatter3A_997, %scatter3A_998] : memref<2x8x8x128xf32, #tpu.memory_space<vmem>> -> memref<1x8x8x128xf32, #tpu.memory_space<vmem>>
        %scatter3A_1000 = tpu.memref_squeeze %scatter3A_999 : memref<1x8x8x128xf32, #tpu.memory_space<vmem>> -> memref<8x8x128xf32, #tpu.memory_space<vmem>>
        tpu.vector_store_idx %scatter3A_1000[%shift_right_arithmetic3A_988, %and3A_991, %add3A_308], %mul3A_994 : memref<8x8x128xf32, #tpu.memory_space<vmem>>[vector<16xi32>, vector<16xi32>, vector<16xi32>], vector<16xf32>,
        %add3A_1001 = arith.constant 16 : i32
        %add3A_1002 = vector.broadcast %add3A_1001 : i32 to vector<16xi32>
        %add3A_1003 = arith.addi %rem3A_90, %add3A_1002 : vector<16xi32>
        %gather3A_1004 = arith.constant 0 : i32
        %gather3A_1005 = arith.constant 0 : i32
        %gather3A_1006 = arith.constant 0 : i32
        %gather3A_1007 = tpu.memref_slice %arg7[%gather3A_1004, %gather3A_1005, %gather3A_1006] : memref<2x128x64xf32, #tpu.memory_space<vmem>> -> memref<1x128x64xf32, #tpu.memory_space<vmem>>
        %gather3A_1008 = tpu.memref_squeeze %gather3A_1007 : memref<1x128x64xf32, #tpu.memory_space<vmem>> -> memref<128x64xf32, #tpu.memory_space<vmem>>
        %gather3A_1009 = tpu.vector_load_idx %gather3A_1008[%add3A_308, %add3A_1003] : memref<128x64xf32, #tpu.memory_space<vmem>>[vector<16xi32>, vector<16xi32>], vector<16xf32>,
        %shift_right_arithmetic3A_1010 = arith.constant 3 : i32
        %shift_right_arithmetic3A_1011 = vector.broadcast %shift_right_arithmetic3A_1010 : i32 to vector<16xi32>
        %shift_right_arithmetic3A_1012 = arith.shrsi %add3A_1003, %shift_right_arithmetic3A_1011 : vector<16xi32>
        %and3A_1013 = arith.constant 7 : i32
        %and3A_1014 = vector.broadcast %and3A_1013 : i32 to vector<16xi32>
        %and3A_1015 = arith.andi %add3A_1003, %and3A_1014 : vector<16xi32>
        %mul3A_1016 = arith.constant 8.000000e+00 : f32
        %mul3A_1017 = vector.broadcast %mul3A_1016 : f32 to vector<16xf32>
        %mul3A_1018 = arith.mulf %gather3A_1009, %mul3A_1017 : vector<16xf32>
        %scatter3A_1019 = arith.constant 0 : i32
        %scatter3A_1020 = arith.constant 0 : i32
        %scatter3A_1021 = arith.constant 0 : i32
        %scatter3A_1022 = arith.constant 0 : i32
        %scatter3A_1023 = tpu.memref_slice %arg8[%scatter3A_1019, %scatter3A_1020, %scatter3A_1021, %scatter3A_1022] : memref<2x8x8x128xf32, #tpu.memory_space<vmem>> -> memref<1x8x8x128xf32, #tpu.memory_space<vmem>>
        %scatter3A_1024 = tpu.memref_squeeze %scatter3A_1023 : memref<1x8x8x128xf32, #tpu.memory_space<vmem>> -> memref<8x8x128xf32, #tpu.memory_space<vmem>>
        tpu.vector_store_idx %scatter3A_1024[%shift_right_arithmetic3A_1012, %and3A_1015, %add3A_308], %mul3A_1018 : memref<8x8x128xf32, #tpu.memory_space<vmem>>[vector<16xi32>, vector<16xi32>, vector<16xi32>], vector<16xf32>,
        %add3A_1025 = arith.constant 16 : i32
        %add3A_1026 = vector.broadcast %add3A_1025 : i32 to vector<16xi32>
        %add3A_1027 = arith.addi %rem3A_96, %add3A_1026 : vector<16xi32>
        %gather3A_1028 = arith.constant 0 : i32
        %gather3A_1029 = arith.constant 0 : i32
        %gather3A_1030 = arith.constant 0 : i32
        %gather3A_1031 = tpu.memref_slice %arg7[%gather3A_1028, %gather3A_1029, %gather3A_1030] : memref<2x128x64xf32, #tpu.memory_space<vmem>> -> memref<1x128x64xf32, #tpu.memory_space<vmem>>
        %gather3A_1032 = tpu.memref_squeeze %gather3A_1031 : memref<1x128x64xf32, #tpu.memory_space<vmem>> -> memref<128x64xf32, #tpu.memory_space<vmem>>
        %gather3A_1033 = tpu.vector_load_idx %gather3A_1032[%add3A_308, %add3A_1027] : memref<128x64xf32, #tpu.memory_space<vmem>>[vector<16xi32>, vector<16xi32>], vector<16xf32>,
        %shift_right_arithmetic3A_1034 = arith.constant 3 : i32
        %shift_right_arithmetic3A_1035 = vector.broadcast %shift_right_arithmetic3A_1034 : i32 to vector<16xi32>
        %shift_right_arithmetic3A_1036 = arith.shrsi %add3A_1027, %shift_right_arithmetic3A_1035 : vector<16xi32>
        %and3A_1037 = arith.constant 7 : i32
        %and3A_1038 = vector.broadcast %and3A_1037 : i32 to vector<16xi32>
        %and3A_1039 = arith.andi %add3A_1027, %and3A_1038 : vector<16xi32>
        %mul3A_1040 = arith.constant 8.000000e+00 : f32
        %mul3A_1041 = vector.broadcast %mul3A_1040 : f32 to vector<16xf32>
        %mul3A_1042 = arith.mulf %gather3A_1033, %mul3A_1041 : vector<16xf32>
        %scatter3A_1043 = arith.constant 0 : i32
        %scatter3A_1044 = arith.constant 0 : i32
        %scatter3A_1045 = arith.constant 0 : i32
        %scatter3A_1046 = arith.constant 0 : i32
        %scatter3A_1047 = tpu.memref_slice %arg8[%scatter3A_1043, %scatter3A_1044, %scatter3A_1045, %scatter3A_1046] : memref<2x8x8x128xf32, #tpu.memory_space<vmem>> -> memref<1x8x8x128xf32, #tpu.memory_space<vmem>>
        %scatter3A_1048 = tpu.memref_squeeze %scatter3A_1047 : memref<1x8x8x128xf32, #tpu.memory_space<vmem>> -> memref<8x8x128xf32, #tpu.memory_space<vmem>>
        tpu.vector_store_idx %scatter3A_1048[%shift_right_arithmetic3A_1036, %and3A_1039, %add3A_308], %mul3A_1042 : memref<8x8x128xf32, #tpu.memory_space<vmem>>[vector<16xi32>, vector<16xi32>, vector<16xi32>], vector<16xf32>,
        %add3A_1049 = arith.constant 16 : i32
        %add3A_1050 = vector.broadcast %add3A_1049 : i32 to vector<16xi32>
        %add3A_1051 = arith.addi %rem3A_102, %add3A_1050 : vector<16xi32>
        %gather3A_1052 = arith.constant 0 : i32
        %gather3A_1053 = arith.constant 0 : i32
        %gather3A_1054 = arith.constant 0 : i32
        %gather3A_1055 = tpu.memref_slice %arg7[%gather3A_1052, %gather3A_1053, %gather3A_1054] : memref<2x128x64xf32, #tpu.memory_space<vmem>> -> memref<1x128x64xf32, #tpu.memory_space<vmem>>
        %gather3A_1056 = tpu.memref_squeeze %gather3A_1055 : memref<1x128x64xf32, #tpu.memory_space<vmem>> -> memref<128x64xf32, #tpu.memory_space<vmem>>
        %gather3A_1057 = tpu.vector_load_idx %gather3A_1056[%add3A_308, %add3A_1051] : memref<128x64xf32, #tpu.memory_space<vmem>>[vector<16xi32>, vector<16xi32>], vector<16xf32>,
        %shift_right_arithmetic3A_1058 = arith.constant 3 : i32
        %shift_right_arithmetic3A_1059 = vector.broadcast %shift_right_arithmetic3A_1058 : i32 to vector<16xi32>
        %shift_right_arithmetic3A_1060 = arith.shrsi %add3A_1051, %shift_right_arithmetic3A_1059 : vector<16xi32>
        %and3A_1061 = arith.constant 7 : i32
        %and3A_1062 = vector.broadcast %and3A_1061 : i32 to vector<16xi32>
        %and3A_1063 = arith.andi %add3A_1051, %and3A_1062 : vector<16xi32>
        %mul3A_1064 = arith.constant 8.000000e+00 : f32
        %mul3A_1065 = vector.broadcast %mul3A_1064 : f32 to vector<16xf32>
        %mul3A_1066 = arith.mulf %gather3A_1057, %mul3A_1065 : vector<16xf32>
        %scatter3A_1067 = arith.constant 0 : i32
        %scatter3A_1068 = arith.constant 0 : i32
        %scatter3A_1069 = arith.constant 0 : i32
        %scatter3A_1070 = arith.constant 0 : i32
        %scatter3A_1071 = tpu.memref_slice %arg8[%scatter3A_1067, %scatter3A_1068, %scatter3A_1069, %scatter3A_1070] : memref<2x8x8x128xf32, #tpu.memory_space<vmem>> -> memref<1x8x8x128xf32, #tpu.memory_space<vmem>>
        %scatter3A_1072 = tpu.memref_squeeze %scatter3A_1071 : memref<1x8x8x128xf32, #tpu.memory_space<vmem>> -> memref<8x8x128xf32, #tpu.memory_space<vmem>>
        tpu.vector_store_idx %scatter3A_1072[%shift_right_arithmetic3A_1060, %and3A_1063, %add3A_308], %mul3A_1066 : memref<8x8x128xf32, #tpu.memory_space<vmem>>[vector<16xi32>, vector<16xi32>, vector<16xi32>], vector<16xf32>,
        %add3A_1073 = arith.constant 32 : i32
        %add3A_1074 = vector.broadcast %add3A_1073 : i32 to vector<16xi32>
        %add3A_1075 = arith.addi %rem3A_12, %add3A_1074 : vector<16xi32>
        %gather3A_1076 = arith.constant 0 : i32
        %gather3A_1077 = arith.constant 0 : i32
        %gather3A_1078 = arith.constant 0 : i32
        %gather3A_1079 = tpu.memref_slice %arg7[%gather3A_1076, %gather3A_1077, %gather3A_1078] : memref<2x128x64xf32, #tpu.memory_space<vmem>> -> memref<1x128x64xf32, #tpu.memory_space<vmem>>
        %gather3A_1080 = tpu.memref_squeeze %gather3A_1079 : memref<1x128x64xf32, #tpu.memory_space<vmem>> -> memref<128x64xf32, #tpu.memory_space<vmem>>
        %gather3A_1081 = tpu.vector_load_idx %gather3A_1080[%add3A_308, %add3A_1075] : memref<128x64xf32, #tpu.memory_space<vmem>>[vector<16xi32>, vector<16xi32>], vector<16xf32>,
        %shift_right_arithmetic3A_1082 = arith.constant 3 : i32
        %shift_right_arithmetic3A_1083 = vector.broadcast %shift_right_arithmetic3A_1082 : i32 to vector<16xi32>
        %shift_right_arithmetic3A_1084 = arith.shrsi %add3A_1075, %shift_right_arithmetic3A_1083 : vector<16xi32>
        %and3A_1085 = arith.constant 7 : i32
        %and3A_1086 = vector.broadcast %and3A_1085 : i32 to vector<16xi32>
        %and3A_1087 = arith.andi %add3A_1075, %and3A_1086 : vector<16xi32>
        %mul3A_1088 = arith.constant 8.000000e+00 : f32
        %mul3A_1089 = vector.broadcast %mul3A_1088 : f32 to vector<16xf32>
        %mul3A_1090 = arith.mulf %gather3A_1081, %mul3A_1089 : vector<16xf32>
        %scatter3A_1091 = arith.constant 0 : i32
        %scatter3A_1092 = arith.constant 0 : i32
        %scatter3A_1093 = arith.constant 0 : i32
        %scatter3A_1094 = arith.constant 0 : i32
        %scatter3A_1095 = tpu.memref_slice %arg8[%scatter3A_1091, %scatter3A_1092, %scatter3A_1093, %scatter3A_1094] : memref<2x8x8x128xf32, #tpu.memory_space<vmem>> -> memref<1x8x8x128xf32, #tpu.memory_space<vmem>>
        %scatter3A_1096 = tpu.memref_squeeze %scatter3A_1095 : memref<1x8x8x128xf32, #tpu.memory_space<vmem>> -> memref<8x8x128xf32, #tpu.memory_space<vmem>>
        tpu.vector_store_idx %scatter3A_1096[%shift_right_arithmetic3A_1084, %and3A_1087, %add3A_308], %mul3A_1090 : memref<8x8x128xf32, #tpu.memory_space<vmem>>[vector<16xi32>, vector<16xi32>, vector<16xi32>], vector<16xf32>,
        %add3A_1097 = arith.constant 32 : i32
        %add3A_1098 = vector.broadcast %add3A_1097 : i32 to vector<16xi32>
        %add3A_1099 = arith.addi %rem3A_18, %add3A_1098 : vector<16xi32>
        %gather3A_1100 = arith.constant 0 : i32
        %gather3A_1101 = arith.constant 0 : i32
        %gather3A_1102 = arith.constant 0 : i32
        %gather3A_1103 = tpu.memref_slice %arg7[%gather3A_1100, %gather3A_1101, %gather3A_1102] : memref<2x128x64xf32, #tpu.memory_space<vmem>> -> memref<1x128x64xf32, #tpu.memory_space<vmem>>
        %gather3A_1104 = tpu.memref_squeeze %gather3A_1103 : memref<1x128x64xf32, #tpu.memory_space<vmem>> -> memref<128x64xf32, #tpu.memory_space<vmem>>
        %gather3A_1105 = tpu.vector_load_idx %gather3A_1104[%add3A_308, %add3A_1099] : memref<128x64xf32, #tpu.memory_space<vmem>>[vector<16xi32>, vector<16xi32>], vector<16xf32>,
        %shift_right_arithmetic3A_1106 = arith.constant 3 : i32
        %shift_right_arithmetic3A_1107 = vector.broadcast %shift_right_arithmetic3A_1106 : i32 to vector<16xi32>
        %shift_right_arithmetic3A_1108 = arith.shrsi %add3A_1099, %shift_right_arithmetic3A_1107 : vector<16xi32>
        %and3A_1109 = arith.constant 7 : i32
        %and3A_1110 = vector.broadcast %and3A_1109 : i32 to vector<16xi32>
        %and3A_1111 = arith.andi %add3A_1099, %and3A_1110 : vector<16xi32>
        %mul3A_1112 = arith.constant 8.000000e+00 : f32
        %mul3A_1113 = vector.broadcast %mul3A_1112 : f32 to vector<16xf32>
        %mul3A_1114 = arith.mulf %gather3A_1105, %mul3A_1113 : vector<16xf32>
        %scatter3A_1115 = arith.constant 0 : i32
        %scatter3A_1116 = arith.constant 0 : i32
        %scatter3A_1117 = arith.constant 0 : i32
        %scatter3A_1118 = arith.constant 0 : i32
        %scatter3A_1119 = tpu.memref_slice %arg8[%scatter3A_1115, %scatter3A_1116, %scatter3A_1117, %scatter3A_1118] : memref<2x8x8x128xf32, #tpu.memory_space<vmem>> -> memref<1x8x8x128xf32, #tpu.memory_space<vmem>>
        %scatter3A_1120 = tpu.memref_squeeze %scatter3A_1119 : memref<1x8x8x128xf32, #tpu.memory_space<vmem>> -> memref<8x8x128xf32, #tpu.memory_space<vmem>>
        tpu.vector_store_idx %scatter3A_1120[%shift_right_arithmetic3A_1108, %and3A_1111, %add3A_308], %mul3A_1114 : memref<8x8x128xf32, #tpu.memory_space<vmem>>[vector<16xi32>, vector<16xi32>, vector<16xi32>], vector<16xf32>,
        %add3A_1121 = arith.constant 32 : i32
        %add3A_1122 = vector.broadcast %add3A_1121 : i32 to vector<16xi32>
        %add3A_1123 = arith.addi %rem3A_24, %add3A_1122 : vector<16xi32>
        %gather3A_1124 = arith.constant 0 : i32
        %gather3A_1125 = arith.constant 0 : i32
        %gather3A_1126 = arith.constant 0 : i32
        %gather3A_1127 = tpu.memref_slice %arg7[%gather3A_1124, %gather3A_1125, %gather3A_1126] : memref<2x128x64xf32, #tpu.memory_space<vmem>> -> memref<1x128x64xf32, #tpu.memory_space<vmem>>
        %gather3A_1128 = tpu.memref_squeeze %gather3A_1127 : memref<1x128x64xf32, #tpu.memory_space<vmem>> -> memref<128x64xf32, #tpu.memory_space<vmem>>
        %gather3A_1129 = tpu.vector_load_idx %gather3A_1128[%add3A_308, %add3A_1123] : memref<128x64xf32, #tpu.memory_space<vmem>>[vector<16xi32>, vector<16xi32>], vector<16xf32>,
        %shift_right_arithmetic3A_1130 = arith.constant 3 : i32
        %shift_right_arithmetic3A_1131 = vector.broadcast %shift_right_arithmetic3A_1130 : i32 to vector<16xi32>
        %shift_right_arithmetic3A_1132 = arith.shrsi %add3A_1123, %shift_right_arithmetic3A_1131 : vector<16xi32>
        %and3A_1133 = arith.constant 7 : i32
        %and3A_1134 = vector.broadcast %and3A_1133 : i32 to vector<16xi32>
        %and3A_1135 = arith.andi %add3A_1123, %and3A_1134 : vector<16xi32>
        %mul3A_1136 = arith.constant 8.000000e+00 : f32
        %mul3A_1137 = vector.broadcast %mul3A_1136 : f32 to vector<16xf32>
        %mul3A_1138 = arith.mulf %gather3A_1129, %mul3A_1137 : vector<16xf32>
        %scatter3A_1139 = arith.constant 0 : i32
        %scatter3A_1140 = arith.constant 0 : i32
        %scatter3A_1141 = arith.constant 0 : i32
        %scatter3A_1142 = arith.constant 0 : i32
        %scatter3A_1143 = tpu.memref_slice %arg8[%scatter3A_1139, %scatter3A_1140, %scatter3A_1141, %scatter3A_1142] : memref<2x8x8x128xf32, #tpu.memory_space<vmem>> -> memref<1x8x8x128xf32, #tpu.memory_space<vmem>>
        %scatter3A_1144 = tpu.memref_squeeze %scatter3A_1143 : memref<1x8x8x128xf32, #tpu.memory_space<vmem>> -> memref<8x8x128xf32, #tpu.memory_space<vmem>>
        tpu.vector_store_idx %scatter3A_1144[%shift_right_arithmetic3A_1132, %and3A_1135, %add3A_308], %mul3A_1138 : memref<8x8x128xf32, #tpu.memory_space<vmem>>[vector<16xi32>, vector<16xi32>, vector<16xi32>], vector<16xf32>,
        %add3A_1145 = arith.constant 32 : i32
        %add3A_1146 = vector.broadcast %add3A_1145 : i32 to vector<16xi32>
        %add3A_1147 = arith.addi %rem3A_30, %add3A_1146 : vector<16xi32>
        %gather3A_1148 = arith.constant 0 : i32
        %gather3A_1149 = arith.constant 0 : i32
        %gather3A_1150 = arith.constant 0 : i32
        %gather3A_1151 = tpu.memref_slice %arg7[%gather3A_1148, %gather3A_1149, %gather3A_1150] : memref<2x128x64xf32, #tpu.memory_space<vmem>> -> memref<1x128x64xf32, #tpu.memory_space<vmem>>
        %gather3A_1152 = tpu.memref_squeeze %gather3A_1151 : memref<1x128x64xf32, #tpu.memory_space<vmem>> -> memref<128x64xf32, #tpu.memory_space<vmem>>
        %gather3A_1153 = tpu.vector_load_idx %gather3A_1152[%add3A_308, %add3A_1147] : memref<128x64xf32, #tpu.memory_space<vmem>>[vector<16xi32>, vector<16xi32>], vector<16xf32>,
        %shift_right_arithmetic3A_1154 = arith.constant 3 : i32
        %shift_right_arithmetic3A_1155 = vector.broadcast %shift_right_arithmetic3A_1154 : i32 to vector<16xi32>
        %shift_right_arithmetic3A_1156 = arith.shrsi %add3A_1147, %shift_right_arithmetic3A_1155 : vector<16xi32>
        %and3A_1157 = arith.constant 7 : i32
        %and3A_1158 = vector.broadcast %and3A_1157 : i32 to vector<16xi32>
        %and3A_1159 = arith.andi %add3A_1147, %and3A_1158 : vector<16xi32>
        %mul3A_1160 = arith.constant 8.000000e+00 : f32
        %mul3A_1161 = vector.broadcast %mul3A_1160 : f32 to vector<16xf32>
        %mul3A_1162 = arith.mulf %gather3A_1153, %mul3A_1161 : vector<16xf32>
        %scatter3A_1163 = arith.constant 0 : i32
        %scatter3A_1164 = arith.constant 0 : i32
        %scatter3A_1165 = arith.constant 0 : i32
        %scatter3A_1166 = arith.constant 0 : i32
        %scatter3A_1167 = tpu.memref_slice %arg8[%scatter3A_1163, %scatter3A_1164, %scatter3A_1165, %scatter3A_1166] : memref<2x8x8x128xf32, #tpu.memory_space<vmem>> -> memref<1x8x8x128xf32, #tpu.memory_space<vmem>>
        %scatter3A_1168 = tpu.memref_squeeze %scatter3A_1167 : memref<1x8x8x128xf32, #tpu.memory_space<vmem>> -> memref<8x8x128xf32, #tpu.memory_space<vmem>>
        tpu.vector_store_idx %scatter3A_1168[%shift_right_arithmetic3A_1156, %and3A_1159, %add3A_308], %mul3A_1162 : memref<8x8x128xf32, #tpu.memory_space<vmem>>[vector<16xi32>, vector<16xi32>, vector<16xi32>], vector<16xf32>,
        %add3A_1169 = arith.constant 32 : i32
        %add3A_1170 = vector.broadcast %add3A_1169 : i32 to vector<16xi32>
        %add3A_1171 = arith.addi %rem3A_36, %add3A_1170 : vector<16xi32>
        %gather3A_1172 = arith.constant 0 : i32
        %gather3A_1173 = arith.constant 0 : i32
        %gather3A_1174 = arith.constant 0 : i32
        %gather3A_1175 = tpu.memref_slice %arg7[%gather3A_1172, %gather3A_1173, %gather3A_1174] : memref<2x128x64xf32, #tpu.memory_space<vmem>> -> memref<1x128x64xf32, #tpu.memory_space<vmem>>
        %gather3A_1176 = tpu.memref_squeeze %gather3A_1175 : memref<1x128x64xf32, #tpu.memory_space<vmem>> -> memref<128x64xf32, #tpu.memory_space<vmem>>
        %gather3A_1177 = tpu.vector_load_idx %gather3A_1176[%add3A_308, %add3A_1171] : memref<128x64xf32, #tpu.memory_space<vmem>>[vector<16xi32>, vector<16xi32>], vector<16xf32>,
        %shift_right_arithmetic3A_1178 = arith.constant 3 : i32
        %shift_right_arithmetic3A_1179 = vector.broadcast %shift_right_arithmetic3A_1178 : i32 to vector<16xi32>
        %shift_right_arithmetic3A_1180 = arith.shrsi %add3A_1171, %shift_right_arithmetic3A_1179 : vector<16xi32>
        %and3A_1181 = arith.constant 7 : i32
        %and3A_1182 = vector.broadcast %and3A_1181 : i32 to vector<16xi32>
        %and3A_1183 = arith.andi %add3A_1171, %and3A_1182 : vector<16xi32>
        %mul3A_1184 = arith.constant 8.000000e+00 : f32
        %mul3A_1185 = vector.broadcast %mul3A_1184 : f32 to vector<16xf32>
        %mul3A_1186 = arith.mulf %gather3A_1177, %mul3A_1185 : vector<16xf32>
        %scatter3A_1187 = arith.constant 0 : i32
        %scatter3A_1188 = arith.constant 0 : i32
        %scatter3A_1189 = arith.constant 0 : i32
        %scatter3A_1190 = arith.constant 0 : i32
        %scatter3A_1191 = tpu.memref_slice %arg8[%scatter3A_1187, %scatter3A_1188, %scatter3A_1189, %scatter3A_1190] : memref<2x8x8x128xf32, #tpu.memory_space<vmem>> -> memref<1x8x8x128xf32, #tpu.memory_space<vmem>>
        %scatter3A_1192 = tpu.memref_squeeze %scatter3A_1191 : memref<1x8x8x128xf32, #tpu.memory_space<vmem>> -> memref<8x8x128xf32, #tpu.memory_space<vmem>>
        tpu.vector_store_idx %scatter3A_1192[%shift_right_arithmetic3A_1180, %and3A_1183, %add3A_308], %mul3A_1186 : memref<8x8x128xf32, #tpu.memory_space<vmem>>[vector<16xi32>, vector<16xi32>, vector<16xi32>], vector<16xf32>,
        %add3A_1193 = arith.constant 32 : i32
        %add3A_1194 = vector.broadcast %add3A_1193 : i32 to vector<16xi32>
        %add3A_1195 = arith.addi %rem3A_42, %add3A_1194 : vector<16xi32>
        %gather3A_1196 = arith.constant 0 : i32
        %gather3A_1197 = arith.constant 0 : i32
        %gather3A_1198 = arith.constant 0 : i32
        %gather3A_1199 = tpu.memref_slice %arg7[%gather3A_1196, %gather3A_1197, %gather3A_1198] : memref<2x128x64xf32, #tpu.memory_space<vmem>> -> memref<1x128x64xf32, #tpu.memory_space<vmem>>
        %gather3A_1200 = tpu.memref_squeeze %gather3A_1199 : memref<1x128x64xf32, #tpu.memory_space<vmem>> -> memref<128x64xf32, #tpu.memory_space<vmem>>
        %gather3A_1201 = tpu.vector_load_idx %gather3A_1200[%add3A_308, %add3A_1195] : memref<128x64xf32, #tpu.memory_space<vmem>>[vector<16xi32>, vector<16xi32>], vector<16xf32>,
        %shift_right_arithmetic3A_1202 = arith.constant 3 : i32
        %shift_right_arithmetic3A_1203 = vector.broadcast %shift_right_arithmetic3A_1202 : i32 to vector<16xi32>
        %shift_right_arithmetic3A_1204 = arith.shrsi %add3A_1195, %shift_right_arithmetic3A_1203 : vector<16xi32>
        %and3A_1205 = arith.constant 7 : i32
        %and3A_1206 = vector.broadcast %and3A_1205 : i32 to vector<16xi32>
        %and3A_1207 = arith.andi %add3A_1195, %and3A_1206 : vector<16xi32>
        %mul3A_1208 = arith.constant 8.000000e+00 : f32
        %mul3A_1209 = vector.broadcast %mul3A_1208 : f32 to vector<16xf32>
        %mul3A_1210 = arith.mulf %gather3A_1201, %mul3A_1209 : vector<16xf32>
        %scatter3A_1211 = arith.constant 0 : i32
        %scatter3A_1212 = arith.constant 0 : i32
        %scatter3A_1213 = arith.constant 0 : i32
        %scatter3A_1214 = arith.constant 0 : i32
        %scatter3A_1215 = tpu.memref_slice %arg8[%scatter3A_1211, %scatter3A_1212, %scatter3A_1213, %scatter3A_1214] : memref<2x8x8x128xf32, #tpu.memory_space<vmem>> -> memref<1x8x8x128xf32, #tpu.memory_space<vmem>>
        %scatter3A_1216 = tpu.memref_squeeze %scatter3A_1215 : memref<1x8x8x128xf32, #tpu.memory_space<vmem>> -> memref<8x8x128xf32, #tpu.memory_space<vmem>>
        tpu.vector_store_idx %scatter3A_1216[%shift_right_arithmetic3A_1204, %and3A_1207, %add3A_308], %mul3A_1210 : memref<8x8x128xf32, #tpu.memory_space<vmem>>[vector<16xi32>, vector<16xi32>, vector<16xi32>], vector<16xf32>,
        %add3A_1217 = arith.constant 32 : i32
        %add3A_1218 = vector.broadcast %add3A_1217 : i32 to vector<16xi32>
        %add3A_1219 = arith.addi %rem3A_48, %add3A_1218 : vector<16xi32>
        %gather3A_1220 = arith.constant 0 : i32
        %gather3A_1221 = arith.constant 0 : i32
        %gather3A_1222 = arith.constant 0 : i32
        %gather3A_1223 = tpu.memref_slice %arg7[%gather3A_1220, %gather3A_1221, %gather3A_1222] : memref<2x128x64xf32, #tpu.memory_space<vmem>> -> memref<1x128x64xf32, #tpu.memory_space<vmem>>
        %gather3A_1224 = tpu.memref_squeeze %gather3A_1223 : memref<1x128x64xf32, #tpu.memory_space<vmem>> -> memref<128x64xf32, #tpu.memory_space<vmem>>
        %gather3A_1225 = tpu.vector_load_idx %gather3A_1224[%add3A_308, %add3A_1219] : memref<128x64xf32, #tpu.memory_space<vmem>>[vector<16xi32>, vector<16xi32>], vector<16xf32>,
        %shift_right_arithmetic3A_1226 = arith.constant 3 : i32
        %shift_right_arithmetic3A_1227 = vector.broadcast %shift_right_arithmetic3A_1226 : i32 to vector<16xi32>
        %shift_right_arithmetic3A_1228 = arith.shrsi %add3A_1219, %shift_right_arithmetic3A_1227 : vector<16xi32>
        %and3A_1229 = arith.constant 7 : i32
        %and3A_1230 = vector.broadcast %and3A_1229 : i32 to vector<16xi32>
        %and3A_1231 = arith.andi %add3A_1219, %and3A_1230 : vector<16xi32>
        %mul3A_1232 = arith.constant 8.000000e+00 : f32
        %mul3A_1233 = vector.broadcast %mul3A_1232 : f32 to vector<16xf32>
        %mul3A_1234 = arith.mulf %gather3A_1225, %mul3A_1233 : vector<16xf32>
        %scatter3A_1235 = arith.constant 0 : i32
        %scatter3A_1236 = arith.constant 0 : i32
        %scatter3A_1237 = arith.constant 0 : i32
        %scatter3A_1238 = arith.constant 0 : i32
        %scatter3A_1239 = tpu.memref_slice %arg8[%scatter3A_1235, %scatter3A_1236, %scatter3A_1237, %scatter3A_1238] : memref<2x8x8x128xf32, #tpu.memory_space<vmem>> -> memref<1x8x8x128xf32, #tpu.memory_space<vmem>>
        %scatter3A_1240 = tpu.memref_squeeze %scatter3A_1239 : memref<1x8x8x128xf32, #tpu.memory_space<vmem>> -> memref<8x8x128xf32, #tpu.memory_space<vmem>>
        tpu.vector_store_idx %scatter3A_1240[%shift_right_arithmetic3A_1228, %and3A_1231, %add3A_308], %mul3A_1234 : memref<8x8x128xf32, #tpu.memory_space<vmem>>[vector<16xi32>, vector<16xi32>, vector<16xi32>], vector<16xf32>,
        %add3A_1241 = arith.constant 32 : i32
        %add3A_1242 = vector.broadcast %add3A_1241 : i32 to vector<16xi32>
        %add3A_1243 = arith.addi %rem3A_54, %add3A_1242 : vector<16xi32>
        %gather3A_1244 = arith.constant 0 : i32
        %gather3A_1245 = arith.constant 0 : i32
        %gather3A_1246 = arith.constant 0 : i32
        %gather3A_1247 = tpu.memref_slice %arg7[%gather3A_1244, %gather3A_1245, %gather3A_1246] : memref<2x128x64xf32, #tpu.memory_space<vmem>> -> memref<1x128x64xf32, #tpu.memory_space<vmem>>
        %gather3A_1248 = tpu.memref_squeeze %gather3A_1247 : memref<1x128x64xf32, #tpu.memory_space<vmem>> -> memref<128x64xf32, #tpu.memory_space<vmem>>
        %gather3A_1249 = tpu.vector_load_idx %gather3A_1248[%add3A_308, %add3A_1243] : memref<128x64xf32, #tpu.memory_space<vmem>>[vector<16xi32>, vector<16xi32>], vector<16xf32>,
        %shift_right_arithmetic3A_1250 = arith.constant 3 : i32
        %shift_right_arithmetic3A_1251 = vector.broadcast %shift_right_arithmetic3A_1250 : i32 to vector<16xi32>
        %shift_right_arithmetic3A_1252 = arith.shrsi %add3A_1243, %shift_right_arithmetic3A_1251 : vector<16xi32>
        %and3A_1253 = arith.constant 7 : i32
        %and3A_1254 = vector.broadcast %and3A_1253 : i32 to vector<16xi32>
        %and3A_1255 = arith.andi %add3A_1243, %and3A_1254 : vector<16xi32>
        %mul3A_1256 = arith.constant 8.000000e+00 : f32
        %mul3A_1257 = vector.broadcast %mul3A_1256 : f32 to vector<16xf32>
        %mul3A_1258 = arith.mulf %gather3A_1249, %mul3A_1257 : vector<16xf32>
        %scatter3A_1259 = arith.constant 0 : i32
        %scatter3A_1260 = arith.constant 0 : i32
        %scatter3A_1261 = arith.constant 0 : i32
        %scatter3A_1262 = arith.constant 0 : i32
        %scatter3A_1263 = tpu.memref_slice %arg8[%scatter3A_1259, %scatter3A_1260, %scatter3A_1261, %scatter3A_1262] : memref<2x8x8x128xf32, #tpu.memory_space<vmem>> -> memref<1x8x8x128xf32, #tpu.memory_space<vmem>>
        %scatter3A_1264 = tpu.memref_squeeze %scatter3A_1263 : memref<1x8x8x128xf32, #tpu.memory_space<vmem>> -> memref<8x8x128xf32, #tpu.memory_space<vmem>>
        tpu.vector_store_idx %scatter3A_1264[%shift_right_arithmetic3A_1252, %and3A_1255, %add3A_308], %mul3A_1258 : memref<8x8x128xf32, #tpu.memory_space<vmem>>[vector<16xi32>, vector<16xi32>, vector<16xi32>], vector<16xf32>,
        %add3A_1265 = arith.constant 32 : i32
        %add3A_1266 = vector.broadcast %add3A_1265 : i32 to vector<16xi32>
        %add3A_1267 = arith.addi %rem3A_60, %add3A_1266 : vector<16xi32>
        %gather3A_1268 = arith.constant 0 : i32
        %gather3A_1269 = arith.constant 0 : i32
        %gather3A_1270 = arith.constant 0 : i32
        %gather3A_1271 = tpu.memref_slice %arg7[%gather3A_1268, %gather3A_1269, %gather3A_1270] : memref<2x128x64xf32, #tpu.memory_space<vmem>> -> memref<1x128x64xf32, #tpu.memory_space<vmem>>
        %gather3A_1272 = tpu.memref_squeeze %gather3A_1271 : memref<1x128x64xf32, #tpu.memory_space<vmem>> -> memref<128x64xf32, #tpu.memory_space<vmem>>
        %gather3A_1273 = tpu.vector_load_idx %gather3A_1272[%add3A_308, %add3A_1267] : memref<128x64xf32, #tpu.memory_space<vmem>>[vector<16xi32>, vector<16xi32>], vector<16xf32>,
        %shift_right_arithmetic3A_1274 = arith.constant 3 : i32
        %shift_right_arithmetic3A_1275 = vector.broadcast %shift_right_arithmetic3A_1274 : i32 to vector<16xi32>
        %shift_right_arithmetic3A_1276 = arith.shrsi %add3A_1267, %shift_right_arithmetic3A_1275 : vector<16xi32>
        %and3A_1277 = arith.constant 7 : i32
        %and3A_1278 = vector.broadcast %and3A_1277 : i32 to vector<16xi32>
        %and3A_1279 = arith.andi %add3A_1267, %and3A_1278 : vector<16xi32>
        %mul3A_1280 = arith.constant 8.000000e+00 : f32
        %mul3A_1281 = vector.broadcast %mul3A_1280 : f32 to vector<16xf32>
        %mul3A_1282 = arith.mulf %gather3A_1273, %mul3A_1281 : vector<16xf32>
        %scatter3A_1283 = arith.constant 0 : i32
        %scatter3A_1284 = arith.constant 0 : i32
        %scatter3A_1285 = arith.constant 0 : i32
        %scatter3A_1286 = arith.constant 0 : i32
        %scatter3A_1287 = tpu.memref_slice %arg8[%scatter3A_1283, %scatter3A_1284, %scatter3A_1285, %scatter3A_1286] : memref<2x8x8x128xf32, #tpu.memory_space<vmem>> -> memref<1x8x8x128xf32, #tpu.memory_space<vmem>>
        %scatter3A_1288 = tpu.memref_squeeze %scatter3A_1287 : memref<1x8x8x128xf32, #tpu.memory_space<vmem>> -> memref<8x8x128xf32, #tpu.memory_space<vmem>>
        tpu.vector_store_idx %scatter3A_1288[%shift_right_arithmetic3A_1276, %and3A_1279, %add3A_308], %mul3A_1282 : memref<8x8x128xf32, #tpu.memory_space<vmem>>[vector<16xi32>, vector<16xi32>, vector<16xi32>], vector<16xf32>,
        %add3A_1289 = arith.constant 32 : i32
        %add3A_1290 = vector.broadcast %add3A_1289 : i32 to vector<16xi32>
        %add3A_1291 = arith.addi %rem3A_66, %add3A_1290 : vector<16xi32>
        %gather3A_1292 = arith.constant 0 : i32
        %gather3A_1293 = arith.constant 0 : i32
        %gather3A_1294 = arith.constant 0 : i32
        %gather3A_1295 = tpu.memref_slice %arg7[%gather3A_1292, %gather3A_1293, %gather3A_1294] : memref<2x128x64xf32, #tpu.memory_space<vmem>> -> memref<1x128x64xf32, #tpu.memory_space<vmem>>
        %gather3A_1296 = tpu.memref_squeeze %gather3A_1295 : memref<1x128x64xf32, #tpu.memory_space<vmem>> -> memref<128x64xf32, #tpu.memory_space<vmem>>
        %gather3A_1297 = tpu.vector_load_idx %gather3A_1296[%add3A_308, %add3A_1291] : memref<128x64xf32, #tpu.memory_space<vmem>>[vector<16xi32>, vector<16xi32>], vector<16xf32>,
        %shift_right_arithmetic3A_1298 = arith.constant 3 : i32
        %shift_right_arithmetic3A_1299 = vector.broadcast %shift_right_arithmetic3A_1298 : i32 to vector<16xi32>
        %shift_right_arithmetic3A_1300 = arith.shrsi %add3A_1291, %shift_right_arithmetic3A_1299 : vector<16xi32>
        %and3A_1301 = arith.constant 7 : i32
        %and3A_1302 = vector.broadcast %and3A_1301 : i32 to vector<16xi32>
        %and3A_1303 = arith.andi %add3A_1291, %and3A_1302 : vector<16xi32>
        %mul3A_1304 = arith.constant 8.000000e+00 : f32
        %mul3A_1305 = vector.broadcast %mul3A_1304 : f32 to vector<16xf32>
        %mul3A_1306 = arith.mulf %gather3A_1297, %mul3A_1305 : vector<16xf32>
        %scatter3A_1307 = arith.constant 0 : i32
        %scatter3A_1308 = arith.constant 0 : i32
        %scatter3A_1309 = arith.constant 0 : i32
        %scatter3A_1310 = arith.constant 0 : i32
        %scatter3A_1311 = tpu.memref_slice %arg8[%scatter3A_1307, %scatter3A_1308, %scatter3A_1309, %scatter3A_1310] : memref<2x8x8x128xf32, #tpu.memory_space<vmem>> -> memref<1x8x8x128xf32, #tpu.memory_space<vmem>>
        %scatter3A_1312 = tpu.memref_squeeze %scatter3A_1311 : memref<1x8x8x128xf32, #tpu.memory_space<vmem>> -> memref<8x8x128xf32, #tpu.memory_space<vmem>>
        tpu.vector_store_idx %scatter3A_1312[%shift_right_arithmetic3A_1300, %and3A_1303, %add3A_308], %mul3A_1306 : memref<8x8x128xf32, #tpu.memory_space<vmem>>[vector<16xi32>, vector<16xi32>, vector<16xi32>], vector<16xf32>,
        %add3A_1313 = arith.constant 32 : i32
        %add3A_1314 = vector.broadcast %add3A_1313 : i32 to vector<16xi32>
        %add3A_1315 = arith.addi %rem3A_72, %add3A_1314 : vector<16xi32>
        %gather3A_1316 = arith.constant 0 : i32
        %gather3A_1317 = arith.constant 0 : i32
        %gather3A_1318 = arith.constant 0 : i32
        %gather3A_1319 = tpu.memref_slice %arg7[%gather3A_1316, %gather3A_1317, %gather3A_1318] : memref<2x128x64xf32, #tpu.memory_space<vmem>> -> memref<1x128x64xf32, #tpu.memory_space<vmem>>
        %gather3A_1320 = tpu.memref_squeeze %gather3A_1319 : memref<1x128x64xf32, #tpu.memory_space<vmem>> -> memref<128x64xf32, #tpu.memory_space<vmem>>
        %gather3A_1321 = tpu.vector_load_idx %gather3A_1320[%add3A_308, %add3A_1315] : memref<128x64xf32, #tpu.memory_space<vmem>>[vector<16xi32>, vector<16xi32>], vector<16xf32>,
        %shift_right_arithmetic3A_1322 = arith.constant 3 : i32
        %shift_right_arithmetic3A_1323 = vector.broadcast %shift_right_arithmetic3A_1322 : i32 to vector<16xi32>
        %shift_right_arithmetic3A_1324 = arith.shrsi %add3A_1315, %shift_right_arithmetic3A_1323 : vector<16xi32>
        %and3A_1325 = arith.constant 7 : i32
        %and3A_1326 = vector.broadcast %and3A_1325 : i32 to vector<16xi32>
        %and3A_1327 = arith.andi %add3A_1315, %and3A_1326 : vector<16xi32>
        %mul3A_1328 = arith.constant 8.000000e+00 : f32
        %mul3A_1329 = vector.broadcast %mul3A_1328 : f32 to vector<16xf32>
        %mul3A_1330 = arith.mulf %gather3A_1321, %mul3A_1329 : vector<16xf32>
        %scatter3A_1331 = arith.constant 0 : i32
        %scatter3A_1332 = arith.constant 0 : i32
        %scatter3A_1333 = arith.constant 0 : i32
        %scatter3A_1334 = arith.constant 0 : i32
        %scatter3A_1335 = tpu.memref_slice %arg8[%scatter3A_1331, %scatter3A_1332, %scatter3A_1333, %scatter3A_1334] : memref<2x8x8x128xf32, #tpu.memory_space<vmem>> -> memref<1x8x8x128xf32, #tpu.memory_space<vmem>>
        %scatter3A_1336 = tpu.memref_squeeze %scatter3A_1335 : memref<1x8x8x128xf32, #tpu.memory_space<vmem>> -> memref<8x8x128xf32, #tpu.memory_space<vmem>>
        tpu.vector_store_idx %scatter3A_1336[%shift_right_arithmetic3A_1324, %and3A_1327, %add3A_308], %mul3A_1330 : memref<8x8x128xf32, #tpu.memory_space<vmem>>[vector<16xi32>, vector<16xi32>, vector<16xi32>], vector<16xf32>,
        %add3A_1337 = arith.constant 32 : i32
        %add3A_1338 = vector.broadcast %add3A_1337 : i32 to vector<16xi32>
        %add3A_1339 = arith.addi %rem3A_78, %add3A_1338 : vector<16xi32>
        %gather3A_1340 = arith.constant 0 : i32
        %gather3A_1341 = arith.constant 0 : i32
        %gather3A_1342 = arith.constant 0 : i32
        %gather3A_1343 = tpu.memref_slice %arg7[%gather3A_1340, %gather3A_1341, %gather3A_1342] : memref<2x128x64xf32, #tpu.memory_space<vmem>> -> memref<1x128x64xf32, #tpu.memory_space<vmem>>
        %gather3A_1344 = tpu.memref_squeeze %gather3A_1343 : memref<1x128x64xf32, #tpu.memory_space<vmem>> -> memref<128x64xf32, #tpu.memory_space<vmem>>
        %gather3A_1345 = tpu.vector_load_idx %gather3A_1344[%add3A_308, %add3A_1339] : memref<128x64xf32, #tpu.memory_space<vmem>>[vector<16xi32>, vector<16xi32>], vector<16xf32>,
        %shift_right_arithmetic3A_1346 = arith.constant 3 : i32
        %shift_right_arithmetic3A_1347 = vector.broadcast %shift_right_arithmetic3A_1346 : i32 to vector<16xi32>
        %shift_right_arithmetic3A_1348 = arith.shrsi %add3A_1339, %shift_right_arithmetic3A_1347 : vector<16xi32>
        %and3A_1349 = arith.constant 7 : i32
        %and3A_1350 = vector.broadcast %and3A_1349 : i32 to vector<16xi32>
        %and3A_1351 = arith.andi %add3A_1339, %and3A_1350 : vector<16xi32>
        %mul3A_1352 = arith.constant 8.000000e+00 : f32
        %mul3A_1353 = vector.broadcast %mul3A_1352 : f32 to vector<16xf32>
        %mul3A_1354 = arith.mulf %gather3A_1345, %mul3A_1353 : vector<16xf32>
        %scatter3A_1355 = arith.constant 0 : i32
        %scatter3A_1356 = arith.constant 0 : i32
        %scatter3A_1357 = arith.constant 0 : i32
        %scatter3A_1358 = arith.constant 0 : i32
        %scatter3A_1359 = tpu.memref_slice %arg8[%scatter3A_1355, %scatter3A_1356, %scatter3A_1357, %scatter3A_1358] : memref<2x8x8x128xf32, #tpu.memory_space<vmem>> -> memref<1x8x8x128xf32, #tpu.memory_space<vmem>>
        %scatter3A_1360 = tpu.memref_squeeze %scatter3A_1359 : memref<1x8x8x128xf32, #tpu.memory_space<vmem>> -> memref<8x8x128xf32, #tpu.memory_space<vmem>>
        tpu.vector_store_idx %scatter3A_1360[%shift_right_arithmetic3A_1348, %and3A_1351, %add3A_308], %mul3A_1354 : memref<8x8x128xf32, #tpu.memory_space<vmem>>[vector<16xi32>, vector<16xi32>, vector<16xi32>], vector<16xf32>,
        %add3A_1361 = arith.constant 32 : i32
        %add3A_1362 = vector.broadcast %add3A_1361 : i32 to vector<16xi32>
        %add3A_1363 = arith.addi %rem3A_84, %add3A_1362 : vector<16xi32>
        %gather3A_1364 = arith.constant 0 : i32
        %gather3A_1365 = arith.constant 0 : i32
        %gather3A_1366 = arith.constant 0 : i32
        %gather3A_1367 = tpu.memref_slice %arg7[%gather3A_1364, %gather3A_1365, %gather3A_1366] : memref<2x128x64xf32, #tpu.memory_space<vmem>> -> memref<1x128x64xf32, #tpu.memory_space<vmem>>
        %gather3A_1368 = tpu.memref_squeeze %gather3A_1367 : memref<1x128x64xf32, #tpu.memory_space<vmem>> -> memref<128x64xf32, #tpu.memory_space<vmem>>
        %gather3A_1369 = tpu.vector_load_idx %gather3A_1368[%add3A_308, %add3A_1363] : memref<128x64xf32, #tpu.memory_space<vmem>>[vector<16xi32>, vector<16xi32>], vector<16xf32>,
        %shift_right_arithmetic3A_1370 = arith.constant 3 : i32
        %shift_right_arithmetic3A_1371 = vector.broadcast %shift_right_arithmetic3A_1370 : i32 to vector<16xi32>
        %shift_right_arithmetic3A_1372 = arith.shrsi %add3A_1363, %shift_right_arithmetic3A_1371 : vector<16xi32>
        %and3A_1373 = arith.constant 7 : i32
        %and3A_1374 = vector.broadcast %and3A_1373 : i32 to vector<16xi32>
        %and3A_1375 = arith.andi %add3A_1363, %and3A_1374 : vector<16xi32>
        %mul3A_1376 = arith.constant 8.000000e+00 : f32
        %mul3A_1377 = vector.broadcast %mul3A_1376 : f32 to vector<16xf32>
        %mul3A_1378 = arith.mulf %gather3A_1369, %mul3A_1377 : vector<16xf32>
        %scatter3A_1379 = arith.constant 0 : i32
        %scatter3A_1380 = arith.constant 0 : i32
        %scatter3A_1381 = arith.constant 0 : i32
        %scatter3A_1382 = arith.constant 0 : i32
        %scatter3A_1383 = tpu.memref_slice %arg8[%scatter3A_1379, %scatter3A_1380, %scatter3A_1381, %scatter3A_1382] : memref<2x8x8x128xf32, #tpu.memory_space<vmem>> -> memref<1x8x8x128xf32, #tpu.memory_space<vmem>>
        %scatter3A_1384 = tpu.memref_squeeze %scatter3A_1383 : memref<1x8x8x128xf32, #tpu.memory_space<vmem>> -> memref<8x8x128xf32, #tpu.memory_space<vmem>>
        tpu.vector_store_idx %scatter3A_1384[%shift_right_arithmetic3A_1372, %and3A_1375, %add3A_308], %mul3A_1378 : memref<8x8x128xf32, #tpu.memory_space<vmem>>[vector<16xi32>, vector<16xi32>, vector<16xi32>], vector<16xf32>,
        %add3A_1385 = arith.constant 32 : i32
        %add3A_1386 = vector.broadcast %add3A_1385 : i32 to vector<16xi32>
        %add3A_1387 = arith.addi %rem3A_90, %add3A_1386 : vector<16xi32>
        %gather3A_1388 = arith.constant 0 : i32
        %gather3A_1389 = arith.constant 0 : i32
        %gather3A_1390 = arith.constant 0 : i32
        %gather3A_1391 = tpu.memref_slice %arg7[%gather3A_1388, %gather3A_1389, %gather3A_1390] : memref<2x128x64xf32, #tpu.memory_space<vmem>> -> memref<1x128x64xf32, #tpu.memory_space<vmem>>
        %gather3A_1392 = tpu.memref_squeeze %gather3A_1391 : memref<1x128x64xf32, #tpu.memory_space<vmem>> -> memref<128x64xf32, #tpu.memory_space<vmem>>
        %gather3A_1393 = tpu.vector_load_idx %gather3A_1392[%add3A_308, %add3A_1387] : memref<128x64xf32, #tpu.memory_space<vmem>>[vector<16xi32>, vector<16xi32>], vector<16xf32>,
        %shift_right_arithmetic3A_1394 = arith.constant 3 : i32
        %shift_right_arithmetic3A_1395 = vector.broadcast %shift_right_arithmetic3A_1394 : i32 to vector<16xi32>
        %shift_right_arithmetic3A_1396 = arith.shrsi %add3A_1387, %shift_right_arithmetic3A_1395 : vector<16xi32>
        %and3A_1397 = arith.constant 7 : i32
        %and3A_1398 = vector.broadcast %and3A_1397 : i32 to vector<16xi32>
        %and3A_1399 = arith.andi %add3A_1387, %and3A_1398 : vector<16xi32>
        %mul3A_1400 = arith.constant 8.000000e+00 : f32
        %mul3A_1401 = vector.broadcast %mul3A_1400 : f32 to vector<16xf32>
        %mul3A_1402 = arith.mulf %gather3A_1393, %mul3A_1401 : vector<16xf32>
        %scatter3A_1403 = arith.constant 0 : i32
        %scatter3A_1404 = arith.constant 0 : i32
        %scatter3A_1405 = arith.constant 0 : i32
        %scatter3A_1406 = arith.constant 0 : i32
        %scatter3A_1407 = tpu.memref_slice %arg8[%scatter3A_1403, %scatter3A_1404, %scatter3A_1405, %scatter3A_1406] : memref<2x8x8x128xf32, #tpu.memory_space<vmem>> -> memref<1x8x8x128xf32, #tpu.memory_space<vmem>>
        %scatter3A_1408 = tpu.memref_squeeze %scatter3A_1407 : memref<1x8x8x128xf32, #tpu.memory_space<vmem>> -> memref<8x8x128xf32, #tpu.memory_space<vmem>>
        tpu.vector_store_idx %scatter3A_1408[%shift_right_arithmetic3A_1396, %and3A_1399, %add3A_308], %mul3A_1402 : memref<8x8x128xf32, #tpu.memory_space<vmem>>[vector<16xi32>, vector<16xi32>, vector<16xi32>], vector<16xf32>,
        %add3A_1409 = arith.constant 32 : i32
        %add3A_1410 = vector.broadcast %add3A_1409 : i32 to vector<16xi32>
        %add3A_1411 = arith.addi %rem3A_96, %add3A_1410 : vector<16xi32>
        %gather3A_1412 = arith.constant 0 : i32
        %gather3A_1413 = arith.constant 0 : i32
        %gather3A_1414 = arith.constant 0 : i32
        %gather3A_1415 = tpu.memref_slice %arg7[%gather3A_1412, %gather3A_1413, %gather3A_1414] : memref<2x128x64xf32, #tpu.memory_space<vmem>> -> memref<1x128x64xf32, #tpu.memory_space<vmem>>
        %gather3A_1416 = tpu.memref_squeeze %gather3A_1415 : memref<1x128x64xf32, #tpu.memory_space<vmem>> -> memref<128x64xf32, #tpu.memory_space<vmem>>
        %gather3A_1417 = tpu.vector_load_idx %gather3A_1416[%add3A_308, %add3A_1411] : memref<128x64xf32, #tpu.memory_space<vmem>>[vector<16xi32>, vector<16xi32>], vector<16xf32>,
        %shift_right_arithmetic3A_1418 = arith.constant 3 : i32
        %shift_right_arithmetic3A_1419 = vector.broadcast %shift_right_arithmetic3A_1418 : i32 to vector<16xi32>
        %shift_right_arithmetic3A_1420 = arith.shrsi %add3A_1411, %shift_right_arithmetic3A_1419 : vector<16xi32>
        %and3A_1421 = arith.constant 7 : i32
        %and3A_1422 = vector.broadcast %and3A_1421 : i32 to vector<16xi32>
        %and3A_1423 = arith.andi %add3A_1411, %and3A_1422 : vector<16xi32>
        %mul3A_1424 = arith.constant 8.000000e+00 : f32
        %mul3A_1425 = vector.broadcast %mul3A_1424 : f32 to vector<16xf32>
        %mul3A_1426 = arith.mulf %gather3A_1417, %mul3A_1425 : vector<16xf32>
        %scatter3A_1427 = arith.constant 0 : i32
        %scatter3A_1428 = arith.constant 0 : i32
        %scatter3A_1429 = arith.constant 0 : i32
        %scatter3A_1430 = arith.constant 0 : i32
        %scatter3A_1431 = tpu.memref_slice %arg8[%scatter3A_1427, %scatter3A_1428, %scatter3A_1429, %scatter3A_1430] : memref<2x8x8x128xf32, #tpu.memory_space<vmem>> -> memref<1x8x8x128xf32, #tpu.memory_space<vmem>>
        %scatter3A_1432 = tpu.memref_squeeze %scatter3A_1431 : memref<1x8x8x128xf32, #tpu.memory_space<vmem>> -> memref<8x8x128xf32, #tpu.memory_space<vmem>>
        tpu.vector_store_idx %scatter3A_1432[%shift_right_arithmetic3A_1420, %and3A_1423, %add3A_308], %mul3A_1426 : memref<8x8x128xf32, #tpu.memory_space<vmem>>[vector<16xi32>, vector<16xi32>, vector<16xi32>], vector<16xf32>,
        %add3A_1433 = arith.constant 32 : i32
        %add3A_1434 = vector.broadcast %add3A_1433 : i32 to vector<16xi32>
        %add3A_1435 = arith.addi %rem3A_102, %add3A_1434 : vector<16xi32>
        %gather3A_1436 = arith.constant 0 : i32
        %gather3A_1437 = arith.constant 0 : i32
        %gather3A_1438 = arith.constant 0 : i32
        %gather3A_1439 = tpu.memref_slice %arg7[%gather3A_1436, %gather3A_1437, %gather3A_1438] : memref<2x128x64xf32, #tpu.memory_space<vmem>> -> memref<1x128x64xf32, #tpu.memory_space<vmem>>
        %gather3A_1440 = tpu.memref_squeeze %gather3A_1439 : memref<1x128x64xf32, #tpu.memory_space<vmem>> -> memref<128x64xf32, #tpu.memory_space<vmem>>
        %gather3A_1441 = tpu.vector_load_idx %gather3A_1440[%add3A_308, %add3A_1435] : memref<128x64xf32, #tpu.memory_space<vmem>>[vector<16xi32>, vector<16xi32>], vector<16xf32>,
        %shift_right_arithmetic3A_1442 = arith.constant 3 : i32
        %shift_right_arithmetic3A_1443 = vector.broadcast %shift_right_arithmetic3A_1442 : i32 to vector<16xi32>
        %shift_right_arithmetic3A_1444 = arith.shrsi %add3A_1435, %shift_right_arithmetic3A_1443 : vector<16xi32>
        %and3A_1445 = arith.constant 7 : i32
        %and3A_1446 = vector.broadcast %and3A_1445 : i32 to vector<16xi32>
        %and3A_1447 = arith.andi %add3A_1435, %and3A_1446 : vector<16xi32>
        %mul3A_1448 = arith.constant 8.000000e+00 : f32
        %mul3A_1449 = vector.broadcast %mul3A_1448 : f32 to vector<16xf32>
        %mul3A_1450 = arith.mulf %gather3A_1441, %mul3A_1449 : vector<16xf32>
        %scatter3A_1451 = arith.constant 0 : i32
        %scatter3A_1452 = arith.constant 0 : i32
        %scatter3A_1453 = arith.constant 0 : i32
        %scatter3A_1454 = arith.constant 0 : i32
        %scatter3A_1455 = tpu.memref_slice %arg8[%scatter3A_1451, %scatter3A_1452, %scatter3A_1453, %scatter3A_1454] : memref<2x8x8x128xf32, #tpu.memory_space<vmem>> -> memref<1x8x8x128xf32, #tpu.memory_space<vmem>>
        %scatter3A_1456 = tpu.memref_squeeze %scatter3A_1455 : memref<1x8x8x128xf32, #tpu.memory_space<vmem>> -> memref<8x8x128xf32, #tpu.memory_space<vmem>>
        tpu.vector_store_idx %scatter3A_1456[%shift_right_arithmetic3A_1444, %and3A_1447, %add3A_308], %mul3A_1450 : memref<8x8x128xf32, #tpu.memory_space<vmem>>[vector<16xi32>, vector<16xi32>, vector<16xi32>], vector<16xf32>,
        %add3A_1457 = arith.constant 48 : i32
        %add3A_1458 = vector.broadcast %add3A_1457 : i32 to vector<16xi32>
        %add3A_1459 = arith.addi %rem3A_12, %add3A_1458 : vector<16xi32>
        %gather3A_1460 = arith.constant 0 : i32
        %gather3A_1461 = arith.constant 0 : i32
        %gather3A_1462 = arith.constant 0 : i32
        %gather3A_1463 = tpu.memref_slice %arg7[%gather3A_1460, %gather3A_1461, %gather3A_1462] : memref<2x128x64xf32, #tpu.memory_space<vmem>> -> memref<1x128x64xf32, #tpu.memory_space<vmem>>
        %gather3A_1464 = tpu.memref_squeeze %gather3A_1463 : memref<1x128x64xf32, #tpu.memory_space<vmem>> -> memref<128x64xf32, #tpu.memory_space<vmem>>
        %gather3A_1465 = tpu.vector_load_idx %gather3A_1464[%add3A_308, %add3A_1459] : memref<128x64xf32, #tpu.memory_space<vmem>>[vector<16xi32>, vector<16xi32>], vector<16xf32>,
        %shift_right_arithmetic3A_1466 = arith.constant 3 : i32
        %shift_right_arithmetic3A_1467 = vector.broadcast %shift_right_arithmetic3A_1466 : i32 to vector<16xi32>
        %shift_right_arithmetic3A_1468 = arith.shrsi %add3A_1459, %shift_right_arithmetic3A_1467 : vector<16xi32>
        %and3A_1469 = arith.constant 7 : i32
        %and3A_1470 = vector.broadcast %and3A_1469 : i32 to vector<16xi32>
        %and3A_1471 = arith.andi %add3A_1459, %and3A_1470 : vector<16xi32>
        %mul3A_1472 = arith.constant 8.000000e+00 : f32
        %mul3A_1473 = vector.broadcast %mul3A_1472 : f32 to vector<16xf32>
        %mul3A_1474 = arith.mulf %gather3A_1465, %mul3A_1473 : vector<16xf32>
        %scatter3A_1475 = arith.constant 0 : i32
        %scatter3A_1476 = arith.constant 0 : i32
        %scatter3A_1477 = arith.constant 0 : i32
        %scatter3A_1478 = arith.constant 0 : i32
        %scatter3A_1479 = tpu.memref_slice %arg8[%scatter3A_1475, %scatter3A_1476, %scatter3A_1477, %scatter3A_1478] : memref<2x8x8x128xf32, #tpu.memory_space<vmem>> -> memref<1x8x8x128xf32, #tpu.memory_space<vmem>>
        %scatter3A_1480 = tpu.memref_squeeze %scatter3A_1479 : memref<1x8x8x128xf32, #tpu.memory_space<vmem>> -> memref<8x8x128xf32, #tpu.memory_space<vmem>>
        tpu.vector_store_idx %scatter3A_1480[%shift_right_arithmetic3A_1468, %and3A_1471, %add3A_308], %mul3A_1474 : memref<8x8x128xf32, #tpu.memory_space<vmem>>[vector<16xi32>, vector<16xi32>, vector<16xi32>], vector<16xf32>,
        %add3A_1481 = arith.constant 48 : i32
        %add3A_1482 = vector.broadcast %add3A_1481 : i32 to vector<16xi32>
        %add3A_1483 = arith.addi %rem3A_18, %add3A_1482 : vector<16xi32>
        %gather3A_1484 = arith.constant 0 : i32
        %gather3A_1485 = arith.constant 0 : i32
        %gather3A_1486 = arith.constant 0 : i32
        %gather3A_1487 = tpu.memref_slice %arg7[%gather3A_1484, %gather3A_1485, %gather3A_1486] : memref<2x128x64xf32, #tpu.memory_space<vmem>> -> memref<1x128x64xf32, #tpu.memory_space<vmem>>
        %gather3A_1488 = tpu.memref_squeeze %gather3A_1487 : memref<1x128x64xf32, #tpu.memory_space<vmem>> -> memref<128x64xf32, #tpu.memory_space<vmem>>
        %gather3A_1489 = tpu.vector_load_idx %gather3A_1488[%add3A_308, %add3A_1483] : memref<128x64xf32, #tpu.memory_space<vmem>>[vector<16xi32>, vector<16xi32>], vector<16xf32>,
        %shift_right_arithmetic3A_1490 = arith.constant 3 : i32
        %shift_right_arithmetic3A_1491 = vector.broadcast %shift_right_arithmetic3A_1490 : i32 to vector<16xi32>
        %shift_right_arithmetic3A_1492 = arith.shrsi %add3A_1483, %shift_right_arithmetic3A_1491 : vector<16xi32>
        %and3A_1493 = arith.constant 7 : i32
        %and3A_1494 = vector.broadcast %and3A_1493 : i32 to vector<16xi32>
        %and3A_1495 = arith.andi %add3A_1483, %and3A_1494 : vector<16xi32>
        %mul3A_1496 = arith.constant 8.000000e+00 : f32
        %mul3A_1497 = vector.broadcast %mul3A_1496 : f32 to vector<16xf32>
        %mul3A_1498 = arith.mulf %gather3A_1489, %mul3A_1497 : vector<16xf32>
        %scatter3A_1499 = arith.constant 0 : i32
        %scatter3A_1500 = arith.constant 0 : i32
        %scatter3A_1501 = arith.constant 0 : i32
        %scatter3A_1502 = arith.constant 0 : i32
        %scatter3A_1503 = tpu.memref_slice %arg8[%scatter3A_1499, %scatter3A_1500, %scatter3A_1501, %scatter3A_1502] : memref<2x8x8x128xf32, #tpu.memory_space<vmem>> -> memref<1x8x8x128xf32, #tpu.memory_space<vmem>>
        %scatter3A_1504 = tpu.memref_squeeze %scatter3A_1503 : memref<1x8x8x128xf32, #tpu.memory_space<vmem>> -> memref<8x8x128xf32, #tpu.memory_space<vmem>>
        tpu.vector_store_idx %scatter3A_1504[%shift_right_arithmetic3A_1492, %and3A_1495, %add3A_308], %mul3A_1498 : memref<8x8x128xf32, #tpu.memory_space<vmem>>[vector<16xi32>, vector<16xi32>, vector<16xi32>], vector<16xf32>,
        %add3A_1505 = arith.constant 48 : i32
        %add3A_1506 = vector.broadcast %add3A_1505 : i32 to vector<16xi32>
        %add3A_1507 = arith.addi %rem3A_24, %add3A_1506 : vector<16xi32>
        %gather3A_1508 = arith.constant 0 : i32
        %gather3A_1509 = arith.constant 0 : i32
        %gather3A_1510 = arith.constant 0 : i32
        %gather3A_1511 = tpu.memref_slice %arg7[%gather3A_1508, %gather3A_1509, %gather3A_1510] : memref<2x128x64xf32, #tpu.memory_space<vmem>> -> memref<1x128x64xf32, #tpu.memory_space<vmem>>
        %gather3A_1512 = tpu.memref_squeeze %gather3A_1511 : memref<1x128x64xf32, #tpu.memory_space<vmem>> -> memref<128x64xf32, #tpu.memory_space<vmem>>
        %gather3A_1513 = tpu.vector_load_idx %gather3A_1512[%add3A_308, %add3A_1507] : memref<128x64xf32, #tpu.memory_space<vmem>>[vector<16xi32>, vector<16xi32>], vector<16xf32>,
        %shift_right_arithmetic3A_1514 = arith.constant 3 : i32
        %shift_right_arithmetic3A_1515 = vector.broadcast %shift_right_arithmetic3A_1514 : i32 to vector<16xi32>
        %shift_right_arithmetic3A_1516 = arith.shrsi %add3A_1507, %shift_right_arithmetic3A_1515 : vector<16xi32>
        %and3A_1517 = arith.constant 7 : i32
        %and3A_1518 = vector.broadcast %and3A_1517 : i32 to vector<16xi32>
        %and3A_1519 = arith.andi %add3A_1507, %and3A_1518 : vector<16xi32>
        %mul3A_1520 = arith.constant 8.000000e+00 : f32
        %mul3A_1521 = vector.broadcast %mul3A_1520 : f32 to vector<16xf32>
        %mul3A_1522 = arith.mulf %gather3A_1513, %mul3A_1521 : vector<16xf32>
        %scatter3A_1523 = arith.constant 0 : i32
        %scatter3A_1524 = arith.constant 0 : i32
        %scatter3A_1525 = arith.constant 0 : i32
        %scatter3A_1526 = arith.constant 0 : i32
        %scatter3A_1527 = tpu.memref_slice %arg8[%scatter3A_1523, %scatter3A_1524, %scatter3A_1525, %scatter3A_1526] : memref<2x8x8x128xf32, #tpu.memory_space<vmem>> -> memref<1x8x8x128xf32, #tpu.memory_space<vmem>>
        %scatter3A_1528 = tpu.memref_squeeze %scatter3A_1527 : memref<1x8x8x128xf32, #tpu.memory_space<vmem>> -> memref<8x8x128xf32, #tpu.memory_space<vmem>>
        tpu.vector_store_idx %scatter3A_1528[%shift_right_arithmetic3A_1516, %and3A_1519, %add3A_308], %mul3A_1522 : memref<8x8x128xf32, #tpu.memory_space<vmem>>[vector<16xi32>, vector<16xi32>, vector<16xi32>], vector<16xf32>,
        %add3A_1529 = arith.constant 48 : i32
        %add3A_1530 = vector.broadcast %add3A_1529 : i32 to vector<16xi32>
        %add3A_1531 = arith.addi %rem3A_30, %add3A_1530 : vector<16xi32>
        %gather3A_1532 = arith.constant 0 : i32
        %gather3A_1533 = arith.constant 0 : i32
        %gather3A_1534 = arith.constant 0 : i32
        %gather3A_1535 = tpu.memref_slice %arg7[%gather3A_1532, %gather3A_1533, %gather3A_1534] : memref<2x128x64xf32, #tpu.memory_space<vmem>> -> memref<1x128x64xf32, #tpu.memory_space<vmem>>
        %gather3A_1536 = tpu.memref_squeeze %gather3A_1535 : memref<1x128x64xf32, #tpu.memory_space<vmem>> -> memref<128x64xf32, #tpu.memory_space<vmem>>
        %gather3A_1537 = tpu.vector_load_idx %gather3A_1536[%add3A_308, %add3A_1531] : memref<128x64xf32, #tpu.memory_space<vmem>>[vector<16xi32>, vector<16xi32>], vector<16xf32>,
        %shift_right_arithmetic3A_1538 = arith.constant 3 : i32
        %shift_right_arithmetic3A_1539 = vector.broadcast %shift_right_arithmetic3A_1538 : i32 to vector<16xi32>
        %shift_right_arithmetic3A_1540 = arith.shrsi %add3A_1531, %shift_right_arithmetic3A_1539 : vector<16xi32>
        %and3A_1541 = arith.constant 7 : i32
        %and3A_1542 = vector.broadcast %and3A_1541 : i32 to vector<16xi32>
        %and3A_1543 = arith.andi %add3A_1531, %and3A_1542 : vector<16xi32>
        %mul3A_1544 = arith.constant 8.000000e+00 : f32
        %mul3A_1545 = vector.broadcast %mul3A_1544 : f32 to vector<16xf32>
        %mul3A_1546 = arith.mulf %gather3A_1537, %mul3A_1545 : vector<16xf32>
        %scatter3A_1547 = arith.constant 0 : i32
        %scatter3A_1548 = arith.constant 0 : i32
        %scatter3A_1549 = arith.constant 0 : i32
        %scatter3A_1550 = arith.constant 0 : i32
        %scatter3A_1551 = tpu.memref_slice %arg8[%scatter3A_1547, %scatter3A_1548, %scatter3A_1549, %scatter3A_1550] : memref<2x8x8x128xf32, #tpu.memory_space<vmem>> -> memref<1x8x8x128xf32, #tpu.memory_space<vmem>>
        %scatter3A_1552 = tpu.memref_squeeze %scatter3A_1551 : memref<1x8x8x128xf32, #tpu.memory_space<vmem>> -> memref<8x8x128xf32, #tpu.memory_space<vmem>>
        tpu.vector_store_idx %scatter3A_1552[%shift_right_arithmetic3A_1540, %and3A_1543, %add3A_308], %mul3A_1546 : memref<8x8x128xf32, #tpu.memory_space<vmem>>[vector<16xi32>, vector<16xi32>, vector<16xi32>], vector<16xf32>,
        %add3A_1553 = arith.constant 48 : i32
        %add3A_1554 = vector.broadcast %add3A_1553 : i32 to vector<16xi32>
        %add3A_1555 = arith.addi %rem3A_36, %add3A_1554 : vector<16xi32>
        %gather3A_1556 = arith.constant 0 : i32
        %gather3A_1557 = arith.constant 0 : i32
        %gather3A_1558 = arith.constant 0 : i32
        %gather3A_1559 = tpu.memref_slice %arg7[%gather3A_1556, %gather3A_1557, %gather3A_1558] : memref<2x128x64xf32, #tpu.memory_space<vmem>> -> memref<1x128x64xf32, #tpu.memory_space<vmem>>
        %gather3A_1560 = tpu.memref_squeeze %gather3A_1559 : memref<1x128x64xf32, #tpu.memory_space<vmem>> -> memref<128x64xf32, #tpu.memory_space<vmem>>
        %gather3A_1561 = tpu.vector_load_idx %gather3A_1560[%add3A_308, %add3A_1555] : memref<128x64xf32, #tpu.memory_space<vmem>>[vector<16xi32>, vector<16xi32>], vector<16xf32>,
        %shift_right_arithmetic3A_1562 = arith.constant 3 : i32
        %shift_right_arithmetic3A_1563 = vector.broadcast %shift_right_arithmetic3A_1562 : i32 to vector<16xi32>
        %shift_right_arithmetic3A_1564 = arith.shrsi %add3A_1555, %shift_right_arithmetic3A_1563 : vector<16xi32>
        %and3A_1565 = arith.constant 7 : i32
        %and3A_1566 = vector.broadcast %and3A_1565 : i32 to vector<16xi32>
        %and3A_1567 = arith.andi %add3A_1555, %and3A_1566 : vector<16xi32>
        %mul3A_1568 = arith.constant 8.000000e+00 : f32
        %mul3A_1569 = vector.broadcast %mul3A_1568 : f32 to vector<16xf32>
        %mul3A_1570 = arith.mulf %gather3A_1561, %mul3A_1569 : vector<16xf32>
        %scatter3A_1571 = arith.constant 0 : i32
        %scatter3A_1572 = arith.constant 0 : i32
        %scatter3A_1573 = arith.constant 0 : i32
        %scatter3A_1574 = arith.constant 0 : i32
        %scatter3A_1575 = tpu.memref_slice %arg8[%scatter3A_1571, %scatter3A_1572, %scatter3A_1573, %scatter3A_1574] : memref<2x8x8x128xf32, #tpu.memory_space<vmem>> -> memref<1x8x8x128xf32, #tpu.memory_space<vmem>>
        %scatter3A_1576 = tpu.memref_squeeze %scatter3A_1575 : memref<1x8x8x128xf32, #tpu.memory_space<vmem>> -> memref<8x8x128xf32, #tpu.memory_space<vmem>>
        tpu.vector_store_idx %scatter3A_1576[%shift_right_arithmetic3A_1564, %and3A_1567, %add3A_308], %mul3A_1570 : memref<8x8x128xf32, #tpu.memory_space<vmem>>[vector<16xi32>, vector<16xi32>, vector<16xi32>], vector<16xf32>,
        %add3A_1577 = arith.constant 48 : i32
        %add3A_1578 = vector.broadcast %add3A_1577 : i32 to vector<16xi32>
        %add3A_1579 = arith.addi %rem3A_42, %add3A_1578 : vector<16xi32>
        %gather3A_1580 = arith.constant 0 : i32
        %gather3A_1581 = arith.constant 0 : i32
        %gather3A_1582 = arith.constant 0 : i32
        %gather3A_1583 = tpu.memref_slice %arg7[%gather3A_1580, %gather3A_1581, %gather3A_1582] : memref<2x128x64xf32, #tpu.memory_space<vmem>> -> memref<1x128x64xf32, #tpu.memory_space<vmem>>
        %gather3A_1584 = tpu.memref_squeeze %gather3A_1583 : memref<1x128x64xf32, #tpu.memory_space<vmem>> -> memref<128x64xf32, #tpu.memory_space<vmem>>
        %gather3A_1585 = tpu.vector_load_idx %gather3A_1584[%add3A_308, %add3A_1579] : memref<128x64xf32, #tpu.memory_space<vmem>>[vector<16xi32>, vector<16xi32>], vector<16xf32>,
        %shift_right_arithmetic3A_1586 = arith.constant 3 : i32
        %shift_right_arithmetic3A_1587 = vector.broadcast %shift_right_arithmetic3A_1586 : i32 to vector<16xi32>
        %shift_right_arithmetic3A_1588 = arith.shrsi %add3A_1579, %shift_right_arithmetic3A_1587 : vector<16xi32>
        %and3A_1589 = arith.constant 7 : i32
        %and3A_1590 = vector.broadcast %and3A_1589 : i32 to vector<16xi32>
        %and3A_1591 = arith.andi %add3A_1579, %and3A_1590 : vector<16xi32>
        %mul3A_1592 = arith.constant 8.000000e+00 : f32
        %mul3A_1593 = vector.broadcast %mul3A_1592 : f32 to vector<16xf32>
        %mul3A_1594 = arith.mulf %gather3A_1585, %mul3A_1593 : vector<16xf32>
        %scatter3A_1595 = arith.constant 0 : i32
        %scatter3A_1596 = arith.constant 0 : i32
        %scatter3A_1597 = arith.constant 0 : i32
        %scatter3A_1598 = arith.constant 0 : i32
        %scatter3A_1599 = tpu.memref_slice %arg8[%scatter3A_1595, %scatter3A_1596, %scatter3A_1597, %scatter3A_1598] : memref<2x8x8x128xf32, #tpu.memory_space<vmem>> -> memref<1x8x8x128xf32, #tpu.memory_space<vmem>>
        %scatter3A_1600 = tpu.memref_squeeze %scatter3A_1599 : memref<1x8x8x128xf32, #tpu.memory_space<vmem>> -> memref<8x8x128xf32, #tpu.memory_space<vmem>>
        tpu.vector_store_idx %scatter3A_1600[%shift_right_arithmetic3A_1588, %and3A_1591, %add3A_308], %mul3A_1594 : memref<8x8x128xf32, #tpu.memory_space<vmem>>[vector<16xi32>, vector<16xi32>, vector<16xi32>], vector<16xf32>,
        %add3A_1601 = arith.constant 48 : i32
        %add3A_1602 = vector.broadcast %add3A_1601 : i32 to vector<16xi32>
        %add3A_1603 = arith.addi %rem3A_48, %add3A_1602 : vector<16xi32>
        %gather3A_1604 = arith.constant 0 : i32
        %gather3A_1605 = arith.constant 0 : i32
        %gather3A_1606 = arith.constant 0 : i32
        %gather3A_1607 = tpu.memref_slice %arg7[%gather3A_1604, %gather3A_1605, %gather3A_1606] : memref<2x128x64xf32, #tpu.memory_space<vmem>> -> memref<1x128x64xf32, #tpu.memory_space<vmem>>
        %gather3A_1608 = tpu.memref_squeeze %gather3A_1607 : memref<1x128x64xf32, #tpu.memory_space<vmem>> -> memref<128x64xf32, #tpu.memory_space<vmem>>
        %gather3A_1609 = tpu.vector_load_idx %gather3A_1608[%add3A_308, %add3A_1603] : memref<128x64xf32, #tpu.memory_space<vmem>>[vector<16xi32>, vector<16xi32>], vector<16xf32>,
        %shift_right_arithmetic3A_1610 = arith.constant 3 : i32
        %shift_right_arithmetic3A_1611 = vector.broadcast %shift_right_arithmetic3A_1610 : i32 to vector<16xi32>
        %shift_right_arithmetic3A_1612 = arith.shrsi %add3A_1603, %shift_right_arithmetic3A_1611 : vector<16xi32>
        %and3A_1613 = arith.constant 7 : i32
        %and3A_1614 = vector.broadcast %and3A_1613 : i32 to vector<16xi32>
        %and3A_1615 = arith.andi %add3A_1603, %and3A_1614 : vector<16xi32>
        %mul3A_1616 = arith.constant 8.000000e+00 : f32
        %mul3A_1617 = vector.broadcast %mul3A_1616 : f32 to vector<16xf32>
        %mul3A_1618 = arith.mulf %gather3A_1609, %mul3A_1617 : vector<16xf32>
        %scatter3A_1619 = arith.constant 0 : i32
        %scatter3A_1620 = arith.constant 0 : i32
        %scatter3A_1621 = arith.constant 0 : i32
        %scatter3A_1622 = arith.constant 0 : i32
        %scatter3A_1623 = tpu.memref_slice %arg8[%scatter3A_1619, %scatter3A_1620, %scatter3A_1621, %scatter3A_1622] : memref<2x8x8x128xf32, #tpu.memory_space<vmem>> -> memref<1x8x8x128xf32, #tpu.memory_space<vmem>>
        %scatter3A_1624 = tpu.memref_squeeze %scatter3A_1623 : memref<1x8x8x128xf32, #tpu.memory_space<vmem>> -> memref<8x8x128xf32, #tpu.memory_space<vmem>>
        tpu.vector_store_idx %scatter3A_1624[%shift_right_arithmetic3A_1612, %and3A_1615, %add3A_308], %mul3A_1618 : memref<8x8x128xf32, #tpu.memory_space<vmem>>[vector<16xi32>, vector<16xi32>, vector<16xi32>], vector<16xf32>,
        %add3A_1625 = arith.constant 48 : i32
        %add3A_1626 = vector.broadcast %add3A_1625 : i32 to vector<16xi32>
        %add3A_1627 = arith.addi %rem3A_54, %add3A_1626 : vector<16xi32>
        %gather3A_1628 = arith.constant 0 : i32
        %gather3A_1629 = arith.constant 0 : i32
        %gather3A_1630 = arith.constant 0 : i32
        %gather3A_1631 = tpu.memref_slice %arg7[%gather3A_1628, %gather3A_1629, %gather3A_1630] : memref<2x128x64xf32, #tpu.memory_space<vmem>> -> memref<1x128x64xf32, #tpu.memory_space<vmem>>
        %gather3A_1632 = tpu.memref_squeeze %gather3A_1631 : memref<1x128x64xf32, #tpu.memory_space<vmem>> -> memref<128x64xf32, #tpu.memory_space<vmem>>
        %gather3A_1633 = tpu.vector_load_idx %gather3A_1632[%add3A_308, %add3A_1627] : memref<128x64xf32, #tpu.memory_space<vmem>>[vector<16xi32>, vector<16xi32>], vector<16xf32>,
        %shift_right_arithmetic3A_1634 = arith.constant 3 : i32
        %shift_right_arithmetic3A_1635 = vector.broadcast %shift_right_arithmetic3A_1634 : i32 to vector<16xi32>
        %shift_right_arithmetic3A_1636 = arith.shrsi %add3A_1627, %shift_right_arithmetic3A_1635 : vector<16xi32>
        %and3A_1637 = arith.constant 7 : i32
        %and3A_1638 = vector.broadcast %and3A_1637 : i32 to vector<16xi32>
        %and3A_1639 = arith.andi %add3A_1627, %and3A_1638 : vector<16xi32>
        %mul3A_1640 = arith.constant 8.000000e+00 : f32
        %mul3A_1641 = vector.broadcast %mul3A_1640 : f32 to vector<16xf32>
        %mul3A_1642 = arith.mulf %gather3A_1633, %mul3A_1641 : vector<16xf32>
        %scatter3A_1643 = arith.constant 0 : i32
        %scatter3A_1644 = arith.constant 0 : i32
        %scatter3A_1645 = arith.constant 0 : i32
        %scatter3A_1646 = arith.constant 0 : i32
        %scatter3A_1647 = tpu.memref_slice %arg8[%scatter3A_1643, %scatter3A_1644, %scatter3A_1645, %scatter3A_1646] : memref<2x8x8x128xf32, #tpu.memory_space<vmem>> -> memref<1x8x8x128xf32, #tpu.memory_space<vmem>>
        %scatter3A_1648 = tpu.memref_squeeze %scatter3A_1647 : memref<1x8x8x128xf32, #tpu.memory_space<vmem>> -> memref<8x8x128xf32, #tpu.memory_space<vmem>>
        tpu.vector_store_idx %scatter3A_1648[%shift_right_arithmetic3A_1636, %and3A_1639, %add3A_308], %mul3A_1642 : memref<8x8x128xf32, #tpu.memory_space<vmem>>[vector<16xi32>, vector<16xi32>, vector<16xi32>], vector<16xf32>,
        %add3A_1649 = arith.constant 48 : i32
        %add3A_1650 = vector.broadcast %add3A_1649 : i32 to vector<16xi32>
        %add3A_1651 = arith.addi %rem3A_60, %add3A_1650 : vector<16xi32>
        %gather3A_1652 = arith.constant 0 : i32
        %gather3A_1653 = arith.constant 0 : i32
        %gather3A_1654 = arith.constant 0 : i32
        %gather3A_1655 = tpu.memref_slice %arg7[%gather3A_1652, %gather3A_1653, %gather3A_1654] : memref<2x128x64xf32, #tpu.memory_space<vmem>> -> memref<1x128x64xf32, #tpu.memory_space<vmem>>
        %gather3A_1656 = tpu.memref_squeeze %gather3A_1655 : memref<1x128x64xf32, #tpu.memory_space<vmem>> -> memref<128x64xf32, #tpu.memory_space<vmem>>
        %gather3A_1657 = tpu.vector_load_idx %gather3A_1656[%add3A_308, %add3A_1651] : memref<128x64xf32, #tpu.memory_space<vmem>>[vector<16xi32>, vector<16xi32>], vector<16xf32>,
        %shift_right_arithmetic3A_1658 = arith.constant 3 : i32
        %shift_right_arithmetic3A_1659 = vector.broadcast %shift_right_arithmetic3A_1658 : i32 to vector<16xi32>
        %shift_right_arithmetic3A_1660 = arith.shrsi %add3A_1651, %shift_right_arithmetic3A_1659 : vector<16xi32>
        %and3A_1661 = arith.constant 7 : i32
        %and3A_1662 = vector.broadcast %and3A_1661 : i32 to vector<16xi32>
        %and3A_1663 = arith.andi %add3A_1651, %and3A_1662 : vector<16xi32>
        %mul3A_1664 = arith.constant 8.000000e+00 : f32
        %mul3A_1665 = vector.broadcast %mul3A_1664 : f32 to vector<16xf32>
        %mul3A_1666 = arith.mulf %gather3A_1657, %mul3A_1665 : vector<16xf32>
        %scatter3A_1667 = arith.constant 0 : i32
        %scatter3A_1668 = arith.constant 0 : i32
        %scatter3A_1669 = arith.constant 0 : i32
        %scatter3A_1670 = arith.constant 0 : i32
        %scatter3A_1671 = tpu.memref_slice %arg8[%scatter3A_1667, %scatter3A_1668, %scatter3A_1669, %scatter3A_1670] : memref<2x8x8x128xf32, #tpu.memory_space<vmem>> -> memref<1x8x8x128xf32, #tpu.memory_space<vmem>>
        %scatter3A_1672 = tpu.memref_squeeze %scatter3A_1671 : memref<1x8x8x128xf32, #tpu.memory_space<vmem>> -> memref<8x8x128xf32, #tpu.memory_space<vmem>>
        tpu.vector_store_idx %scatter3A_1672[%shift_right_arithmetic3A_1660, %and3A_1663, %add3A_308], %mul3A_1666 : memref<8x8x128xf32, #tpu.memory_space<vmem>>[vector<16xi32>, vector<16xi32>, vector<16xi32>], vector<16xf32>,
        %add3A_1673 = arith.constant 48 : i32
        %add3A_1674 = vector.broadcast %add3A_1673 : i32 to vector<16xi32>
        %add3A_1675 = arith.addi %rem3A_66, %add3A_1674 : vector<16xi32>
        %gather3A_1676 = arith.constant 0 : i32
        %gather3A_1677 = arith.constant 0 : i32
        %gather3A_1678 = arith.constant 0 : i32
        %gather3A_1679 = tpu.memref_slice %arg7[%gather3A_1676, %gather3A_1677, %gather3A_1678] : memref<2x128x64xf32, #tpu.memory_space<vmem>> -> memref<1x128x64xf32, #tpu.memory_space<vmem>>
        %gather3A_1680 = tpu.memref_squeeze %gather3A_1679 : memref<1x128x64xf32, #tpu.memory_space<vmem>> -> memref<128x64xf32, #tpu.memory_space<vmem>>
        %gather3A_1681 = tpu.vector_load_idx %gather3A_1680[%add3A_308, %add3A_1675] : memref<128x64xf32, #tpu.memory_space<vmem>>[vector<16xi32>, vector<16xi32>], vector<16xf32>,
        %shift_right_arithmetic3A_1682 = arith.constant 3 : i32
        %shift_right_arithmetic3A_1683 = vector.broadcast %shift_right_arithmetic3A_1682 : i32 to vector<16xi32>
        %shift_right_arithmetic3A_1684 = arith.shrsi %add3A_1675, %shift_right_arithmetic3A_1683 : vector<16xi32>
        %and3A_1685 = arith.constant 7 : i32
        %and3A_1686 = vector.broadcast %and3A_1685 : i32 to vector<16xi32>
        %and3A_1687 = arith.andi %add3A_1675, %and3A_1686 : vector<16xi32>
        %mul3A_1688 = arith.constant 8.000000e+00 : f32
        %mul3A_1689 = vector.broadcast %mul3A_1688 : f32 to vector<16xf32>
        %mul3A_1690 = arith.mulf %gather3A_1681, %mul3A_1689 : vector<16xf32>
        %scatter3A_1691 = arith.constant 0 : i32
        %scatter3A_1692 = arith.constant 0 : i32
        %scatter3A_1693 = arith.constant 0 : i32
        %scatter3A_1694 = arith.constant 0 : i32
        %scatter3A_1695 = tpu.memref_slice %arg8[%scatter3A_1691, %scatter3A_1692, %scatter3A_1693, %scatter3A_1694] : memref<2x8x8x128xf32, #tpu.memory_space<vmem>> -> memref<1x8x8x128xf32, #tpu.memory_space<vmem>>
        %scatter3A_1696 = tpu.memref_squeeze %scatter3A_1695 : memref<1x8x8x128xf32, #tpu.memory_space<vmem>> -> memref<8x8x128xf32, #tpu.memory_space<vmem>>
        tpu.vector_store_idx %scatter3A_1696[%shift_right_arithmetic3A_1684, %and3A_1687, %add3A_308], %mul3A_1690 : memref<8x8x128xf32, #tpu.memory_space<vmem>>[vector<16xi32>, vector<16xi32>, vector<16xi32>], vector<16xf32>,
        %add3A_1697 = arith.constant 48 : i32
        %add3A_1698 = vector.broadcast %add3A_1697 : i32 to vector<16xi32>
        %add3A_1699 = arith.addi %rem3A_72, %add3A_1698 : vector<16xi32>
        %gather3A_1700 = arith.constant 0 : i32
        %gather3A_1701 = arith.constant 0 : i32
        %gather3A_1702 = arith.constant 0 : i32
        %gather3A_1703 = tpu.memref_slice %arg7[%gather3A_1700, %gather3A_1701, %gather3A_1702] : memref<2x128x64xf32, #tpu.memory_space<vmem>> -> memref<1x128x64xf32, #tpu.memory_space<vmem>>
        %gather3A_1704 = tpu.memref_squeeze %gather3A_1703 : memref<1x128x64xf32, #tpu.memory_space<vmem>> -> memref<128x64xf32, #tpu.memory_space<vmem>>
        %gather3A_1705 = tpu.vector_load_idx %gather3A_1704[%add3A_308, %add3A_1699] : memref<128x64xf32, #tpu.memory_space<vmem>>[vector<16xi32>, vector<16xi32>], vector<16xf32>,
        %shift_right_arithmetic3A_1706 = arith.constant 3 : i32
        %shift_right_arithmetic3A_1707 = vector.broadcast %shift_right_arithmetic3A_1706 : i32 to vector<16xi32>
        %shift_right_arithmetic3A_1708 = arith.shrsi %add3A_1699, %shift_right_arithmetic3A_1707 : vector<16xi32>
        %and3A_1709 = arith.constant 7 : i32
        %and3A_1710 = vector.broadcast %and3A_1709 : i32 to vector<16xi32>
        %and3A_1711 = arith.andi %add3A_1699, %and3A_1710 : vector<16xi32>
        %mul3A_1712 = arith.constant 8.000000e+00 : f32
        %mul3A_1713 = vector.broadcast %mul3A_1712 : f32 to vector<16xf32>
        %mul3A_1714 = arith.mulf %gather3A_1705, %mul3A_1713 : vector<16xf32>
        %scatter3A_1715 = arith.constant 0 : i32
        %scatter3A_1716 = arith.constant 0 : i32
        %scatter3A_1717 = arith.constant 0 : i32
        %scatter3A_1718 = arith.constant 0 : i32
        %scatter3A_1719 = tpu.memref_slice %arg8[%scatter3A_1715, %scatter3A_1716, %scatter3A_1717, %scatter3A_1718] : memref<2x8x8x128xf32, #tpu.memory_space<vmem>> -> memref<1x8x8x128xf32, #tpu.memory_space<vmem>>
        %scatter3A_1720 = tpu.memref_squeeze %scatter3A_1719 : memref<1x8x8x128xf32, #tpu.memory_space<vmem>> -> memref<8x8x128xf32, #tpu.memory_space<vmem>>
        tpu.vector_store_idx %scatter3A_1720[%shift_right_arithmetic3A_1708, %and3A_1711, %add3A_308], %mul3A_1714 : memref<8x8x128xf32, #tpu.memory_space<vmem>>[vector<16xi32>, vector<16xi32>, vector<16xi32>], vector<16xf32>,
        %add3A_1721 = arith.constant 48 : i32
        %add3A_1722 = vector.broadcast %add3A_1721 : i32 to vector<16xi32>
        %add3A_1723 = arith.addi %rem3A_78, %add3A_1722 : vector<16xi32>
        %gather3A_1724 = arith.constant 0 : i32
        %gather3A_1725 = arith.constant 0 : i32
        %gather3A_1726 = arith.constant 0 : i32
        %gather3A_1727 = tpu.memref_slice %arg7[%gather3A_1724, %gather3A_1725, %gather3A_1726] : memref<2x128x64xf32, #tpu.memory_space<vmem>> -> memref<1x128x64xf32, #tpu.memory_space<vmem>>
        %gather3A_1728 = tpu.memref_squeeze %gather3A_1727 : memref<1x128x64xf32, #tpu.memory_space<vmem>> -> memref<128x64xf32, #tpu.memory_space<vmem>>
        %gather3A_1729 = tpu.vector_load_idx %gather3A_1728[%add3A_308, %add3A_1723] : memref<128x64xf32, #tpu.memory_space<vmem>>[vector<16xi32>, vector<16xi32>], vector<16xf32>,
        %shift_right_arithmetic3A_1730 = arith.constant 3 : i32
        %shift_right_arithmetic3A_1731 = vector.broadcast %shift_right_arithmetic3A_1730 : i32 to vector<16xi32>
        %shift_right_arithmetic3A_1732 = arith.shrsi %add3A_1723, %shift_right_arithmetic3A_1731 : vector<16xi32>
        %and3A_1733 = arith.constant 7 : i32
        %and3A_1734 = vector.broadcast %and3A_1733 : i32 to vector<16xi32>
        %and3A_1735 = arith.andi %add3A_1723, %and3A_1734 : vector<16xi32>
        %mul3A_1736 = arith.constant 8.000000e+00 : f32
        %mul3A_1737 = vector.broadcast %mul3A_1736 : f32 to vector<16xf32>
        %mul3A_1738 = arith.mulf %gather3A_1729, %mul3A_1737 : vector<16xf32>
        %scatter3A_1739 = arith.constant 0 : i32
        %scatter3A_1740 = arith.constant 0 : i32
        %scatter3A_1741 = arith.constant 0 : i32
        %scatter3A_1742 = arith.constant 0 : i32
        %scatter3A_1743 = tpu.memref_slice %arg8[%scatter3A_1739, %scatter3A_1740, %scatter3A_1741, %scatter3A_1742] : memref<2x8x8x128xf32, #tpu.memory_space<vmem>> -> memref<1x8x8x128xf32, #tpu.memory_space<vmem>>
        %scatter3A_1744 = tpu.memref_squeeze %scatter3A_1743 : memref<1x8x8x128xf32, #tpu.memory_space<vmem>> -> memref<8x8x128xf32, #tpu.memory_space<vmem>>
        tpu.vector_store_idx %scatter3A_1744[%shift_right_arithmetic3A_1732, %and3A_1735, %add3A_308], %mul3A_1738 : memref<8x8x128xf32, #tpu.memory_space<vmem>>[vector<16xi32>, vector<16xi32>, vector<16xi32>], vector<16xf32>,
        %add3A_1745 = arith.constant 48 : i32
        %add3A_1746 = vector.broadcast %add3A_1745 : i32 to vector<16xi32>
        %add3A_1747 = arith.addi %rem3A_84, %add3A_1746 : vector<16xi32>
        %gather3A_1748 = arith.constant 0 : i32
        %gather3A_1749 = arith.constant 0 : i32
        %gather3A_1750 = arith.constant 0 : i32
        %gather3A_1751 = tpu.memref_slice %arg7[%gather3A_1748, %gather3A_1749, %gather3A_1750] : memref<2x128x64xf32, #tpu.memory_space<vmem>> -> memref<1x128x64xf32, #tpu.memory_space<vmem>>
        %gather3A_1752 = tpu.memref_squeeze %gather3A_1751 : memref<1x128x64xf32, #tpu.memory_space<vmem>> -> memref<128x64xf32, #tpu.memory_space<vmem>>
        %gather3A_1753 = tpu.vector_load_idx %gather3A_1752[%add3A_308, %add3A_1747] : memref<128x64xf32, #tpu.memory_space<vmem>>[vector<16xi32>, vector<16xi32>], vector<16xf32>,
        %shift_right_arithmetic3A_1754 = arith.constant 3 : i32
        %shift_right_arithmetic3A_1755 = vector.broadcast %shift_right_arithmetic3A_1754 : i32 to vector<16xi32>
        %shift_right_arithmetic3A_1756 = arith.shrsi %add3A_1747, %shift_right_arithmetic3A_1755 : vector<16xi32>
        %and3A_1757 = arith.constant 7 : i32
        %and3A_1758 = vector.broadcast %and3A_1757 : i32 to vector<16xi32>
        %and3A_1759 = arith.andi %add3A_1747, %and3A_1758 : vector<16xi32>
        %mul3A_1760 = arith.constant 8.000000e+00 : f32
        %mul3A_1761 = vector.broadcast %mul3A_1760 : f32 to vector<16xf32>
        %mul3A_1762 = arith.mulf %gather3A_1753, %mul3A_1761 : vector<16xf32>
        %scatter3A_1763 = arith.constant 0 : i32
        %scatter3A_1764 = arith.constant 0 : i32
        %scatter3A_1765 = arith.constant 0 : i32
        %scatter3A_1766 = arith.constant 0 : i32
        %scatter3A_1767 = tpu.memref_slice %arg8[%scatter3A_1763, %scatter3A_1764, %scatter3A_1765, %scatter3A_1766] : memref<2x8x8x128xf32, #tpu.memory_space<vmem>> -> memref<1x8x8x128xf32, #tpu.memory_space<vmem>>
        %scatter3A_1768 = tpu.memref_squeeze %scatter3A_1767 : memref<1x8x8x128xf32, #tpu.memory_space<vmem>> -> memref<8x8x128xf32, #tpu.memory_space<vmem>>
        tpu.vector_store_idx %scatter3A_1768[%shift_right_arithmetic3A_1756, %and3A_1759, %add3A_308], %mul3A_1762 : memref<8x8x128xf32, #tpu.memory_space<vmem>>[vector<16xi32>, vector<16xi32>, vector<16xi32>], vector<16xf32>,
        %add3A_1769 = arith.constant 48 : i32
        %add3A_1770 = vector.broadcast %add3A_1769 : i32 to vector<16xi32>
        %add3A_1771 = arith.addi %rem3A_90, %add3A_1770 : vector<16xi32>
        %gather3A_1772 = arith.constant 0 : i32
        %gather3A_1773 = arith.constant 0 : i32
        %gather3A_1774 = arith.constant 0 : i32
        %gather3A_1775 = tpu.memref_slice %arg7[%gather3A_1772, %gather3A_1773, %gather3A_1774] : memref<2x128x64xf32, #tpu.memory_space<vmem>> -> memref<1x128x64xf32, #tpu.memory_space<vmem>>
        %gather3A_1776 = tpu.memref_squeeze %gather3A_1775 : memref<1x128x64xf32, #tpu.memory_space<vmem>> -> memref<128x64xf32, #tpu.memory_space<vmem>>
        %gather3A_1777 = tpu.vector_load_idx %gather3A_1776[%add3A_308, %add3A_1771] : memref<128x64xf32, #tpu.memory_space<vmem>>[vector<16xi32>, vector<16xi32>], vector<16xf32>,
        %shift_right_arithmetic3A_1778 = arith.constant 3 : i32
        %shift_right_arithmetic3A_1779 = vector.broadcast %shift_right_arithmetic3A_1778 : i32 to vector<16xi32>
        %shift_right_arithmetic3A_1780 = arith.shrsi %add3A_1771, %shift_right_arithmetic3A_1779 : vector<16xi32>
        %and3A_1781 = arith.constant 7 : i32
        %and3A_1782 = vector.broadcast %and3A_1781 : i32 to vector<16xi32>
        %and3A_1783 = arith.andi %add3A_1771, %and3A_1782 : vector<16xi32>
        %mul3A_1784 = arith.constant 8.000000e+00 : f32
        %mul3A_1785 = vector.broadcast %mul3A_1784 : f32 to vector<16xf32>
        %mul3A_1786 = arith.mulf %gather3A_1777, %mul3A_1785 : vector<16xf32>
        %scatter3A_1787 = arith.constant 0 : i32
        %scatter3A_1788 = arith.constant 0 : i32
        %scatter3A_1789 = arith.constant 0 : i32
        %scatter3A_1790 = arith.constant 0 : i32
        %scatter3A_1791 = tpu.memref_slice %arg8[%scatter3A_1787, %scatter3A_1788, %scatter3A_1789, %scatter3A_1790] : memref<2x8x8x128xf32, #tpu.memory_space<vmem>> -> memref<1x8x8x128xf32, #tpu.memory_space<vmem>>
        %scatter3A_1792 = tpu.memref_squeeze %scatter3A_1791 : memref<1x8x8x128xf32, #tpu.memory_space<vmem>> -> memref<8x8x128xf32, #tpu.memory_space<vmem>>
        tpu.vector_store_idx %scatter3A_1792[%shift_right_arithmetic3A_1780, %and3A_1783, %add3A_308], %mul3A_1786 : memref<8x8x128xf32, #tpu.memory_space<vmem>>[vector<16xi32>, vector<16xi32>, vector<16xi32>], vector<16xf32>,
        %add3A_1793 = arith.constant 48 : i32
        %add3A_1794 = vector.broadcast %add3A_1793 : i32 to vector<16xi32>
        %add3A_1795 = arith.addi %rem3A_96, %add3A_1794 : vector<16xi32>
        %gather3A_1796 = arith.constant 0 : i32
        %gather3A_1797 = arith.constant 0 : i32
        %gather3A_1798 = arith.constant 0 : i32
        %gather3A_1799 = tpu.memref_slice %arg7[%gather3A_1796, %gather3A_1797, %gather3A_1798] : memref<2x128x64xf32, #tpu.memory_space<vmem>> -> memref<1x128x64xf32, #tpu.memory_space<vmem>>
        %gather3A_1800 = tpu.memref_squeeze %gather3A_1799 : memref<1x128x64xf32, #tpu.memory_space<vmem>> -> memref<128x64xf32, #tpu.memory_space<vmem>>
        %gather3A_1801 = tpu.vector_load_idx %gather3A_1800[%add3A_308, %add3A_1795] : memref<128x64xf32, #tpu.memory_space<vmem>>[vector<16xi32>, vector<16xi32>], vector<16xf32>,
        %shift_right_arithmetic3A_1802 = arith.constant 3 : i32
        %shift_right_arithmetic3A_1803 = vector.broadcast %shift_right_arithmetic3A_1802 : i32 to vector<16xi32>
        %shift_right_arithmetic3A_1804 = arith.shrsi %add3A_1795, %shift_right_arithmetic3A_1803 : vector<16xi32>
        %and3A_1805 = arith.constant 7 : i32
        %and3A_1806 = vector.broadcast %and3A_1805 : i32 to vector<16xi32>
        %and3A_1807 = arith.andi %add3A_1795, %and3A_1806 : vector<16xi32>
        %mul3A_1808 = arith.constant 8.000000e+00 : f32
        %mul3A_1809 = vector.broadcast %mul3A_1808 : f32 to vector<16xf32>
        %mul3A_1810 = arith.mulf %gather3A_1801, %mul3A_1809 : vector<16xf32>
        %scatter3A_1811 = arith.constant 0 : i32
        %scatter3A_1812 = arith.constant 0 : i32
        %scatter3A_1813 = arith.constant 0 : i32
        %scatter3A_1814 = arith.constant 0 : i32
        %scatter3A_1815 = tpu.memref_slice %arg8[%scatter3A_1811, %scatter3A_1812, %scatter3A_1813, %scatter3A_1814] : memref<2x8x8x128xf32, #tpu.memory_space<vmem>> -> memref<1x8x8x128xf32, #tpu.memory_space<vmem>>
        %scatter3A_1816 = tpu.memref_squeeze %scatter3A_1815 : memref<1x8x8x128xf32, #tpu.memory_space<vmem>> -> memref<8x8x128xf32, #tpu.memory_space<vmem>>
        tpu.vector_store_idx %scatter3A_1816[%shift_right_arithmetic3A_1804, %and3A_1807, %add3A_308], %mul3A_1810 : memref<8x8x128xf32, #tpu.memory_space<vmem>>[vector<16xi32>, vector<16xi32>, vector<16xi32>], vector<16xf32>,
        %add3A_1817 = arith.constant 48 : i32
        %add3A_1818 = vector.broadcast %add3A_1817 : i32 to vector<16xi32>
        %add3A_1819 = arith.addi %rem3A_102, %add3A_1818 : vector<16xi32>
        %gather3A_1820 = arith.constant 0 : i32
        %gather3A_1821 = arith.constant 0 : i32
        %gather3A_1822 = arith.constant 0 : i32
        %gather3A_1823 = tpu.memref_slice %arg7[%gather3A_1820, %gather3A_1821, %gather3A_1822] : memref<2x128x64xf32, #tpu.memory_space<vmem>> -> memref<1x128x64xf32, #tpu.memory_space<vmem>>
        %gather3A_1824 = tpu.memref_squeeze %gather3A_1823 : memref<1x128x64xf32, #tpu.memory_space<vmem>> -> memref<128x64xf32, #tpu.memory_space<vmem>>
        %gather3A_1825 = tpu.vector_load_idx %gather3A_1824[%add3A_308, %add3A_1819] : memref<128x64xf32, #tpu.memory_space<vmem>>[vector<16xi32>, vector<16xi32>], vector<16xf32>,
        %shift_right_arithmetic3A_1826 = arith.constant 3 : i32
        %shift_right_arithmetic3A_1827 = vector.broadcast %shift_right_arithmetic3A_1826 : i32 to vector<16xi32>
        %shift_right_arithmetic3A_1828 = arith.shrsi %add3A_1819, %shift_right_arithmetic3A_1827 : vector<16xi32>
        %and3A_1829 = arith.constant 7 : i32
        %and3A_1830 = vector.broadcast %and3A_1829 : i32 to vector<16xi32>
        %and3A_1831 = arith.andi %add3A_1819, %and3A_1830 : vector<16xi32>
        %mul3A_1832 = arith.constant 8.000000e+00 : f32
        %mul3A_1833 = vector.broadcast %mul3A_1832 : f32 to vector<16xf32>
        %mul3A_1834 = arith.mulf %gather3A_1825, %mul3A_1833 : vector<16xf32>
        %scatter3A_1835 = arith.constant 0 : i32
        %scatter3A_1836 = arith.constant 0 : i32
        %scatter3A_1837 = arith.constant 0 : i32
        %scatter3A_1838 = arith.constant 0 : i32
        %scatter3A_1839 = tpu.memref_slice %arg8[%scatter3A_1835, %scatter3A_1836, %scatter3A_1837, %scatter3A_1838] : memref<2x8x8x128xf32, #tpu.memory_space<vmem>> -> memref<1x8x8x128xf32, #tpu.memory_space<vmem>>
        %scatter3A_1840 = tpu.memref_squeeze %scatter3A_1839 : memref<1x8x8x128xf32, #tpu.memory_space<vmem>> -> memref<8x8x128xf32, #tpu.memory_space<vmem>>
        tpu.vector_store_idx %scatter3A_1840[%shift_right_arithmetic3A_1828, %and3A_1831, %add3A_308], %mul3A_1834 : memref<8x8x128xf32, #tpu.memory_space<vmem>>[vector<16xi32>, vector<16xi32>, vector<16xi32>], vector<16xf32>,
      }
      %scan3A_213 = arith.constant 8 : i32
      %add3A_214 = arith.constant 2 : i32
      %add3A_215 = arith.addi %add3A_191, %add3A_214 : i32
      %lt3A = arith.constant 200 : i32
      %lt3A_216 = arith.cmpi slt, %add3A_215, %lt3A : i32
      %convert_element_type3A_217 = arith.extui %lt3A_216 : i1 to i32
      %cond3A_218 = arith.constant 0 : i32
      %cond3A_219 = arith.cmpi ne, %convert_element_type3A_217, %cond3A_218 : i32
      scf.if %cond3A_219 {
        %add3A_304 = arith.constant 2 : i32
        %add3A_305 = arith.addi %add3A_191, %add3A_304 : i32
        %dma_start3A_306 = arith.constant 0 : i32
        %dma_start3A_307 = arith.constant 0 : i32
        %dma_start3A_308 = arith.constant 0 : i32
        %dma_start3A_309 = arith.constant 0 : i32
        %dma_start3A_310 = tpu.memref_slice %arg7[%dma_start3A_306, %dma_start3A_308, %dma_start3A_309] : memref<2x128x64xf32, #tpu.memory_space<vmem>> -> memref<1x128x64xf32, #tpu.memory_space<vmem>>
        %dma_start3A_311 = tpu.memref_squeeze %dma_start3A_310 : memref<1x128x64xf32, #tpu.memory_space<vmem>> -> memref<128x64xf32, #tpu.memory_space<vmem>>
        %dma_start3A_312 = arith.constant 0 : i32
        %dma_start3A_313 = tpu.memref_slice %arg6[%add3A_305, %dma_start3A_312] : memref<200x128xi32, #tpu.memory_space<vmem>> -> memref<1x128xi32, #tpu.memory_space<vmem>>
        %dma_start3A_314 = tpu.memref_squeeze %dma_start3A_313 : memref<1x128xi32, #tpu.memory_space<vmem>> -> memref<128xi32, #tpu.memory_space<vmem>>
        %dma_start3A_315 = arith.constant 0 : i32
        %dma_start3A_316 = arith.constant 0 : i32
        %dma_start3A_317 = tpu.memref_slice %arg2[%dma_start3A_315, %dma_start3A_316] : memref<100000x64xf32, #tpu.memory_space<hbm>> -> memref<100000x64xf32, #tpu.memory_space<hbm>>
        %dma_start3A_318 = tpu.memref_slice %arg9[%dma_start3A_307] : memref<2x!tpu.dma_semaphore, #tpu.memory_space<semaphore_mem>> -> memref<1x!tpu.dma_semaphore, #tpu.memory_space<semaphore_mem>>
        %dma_start3A_319 = tpu.memref_squeeze %dma_start3A_318 : memref<1x!tpu.dma_semaphore, #tpu.memory_space<semaphore_mem>> -> memref<!tpu.dma_semaphore, #tpu.memory_space<semaphore_mem>>
        tpu.enqueue_indirect_dma source(%dma_start3A_317 : memref<100000x64xf32, #tpu.memory_space<hbm>>) target(%dma_start3A_311 : memref<128x64xf32, #tpu.memory_space<vmem>>) offsets(%dma_start3A_314 : memref<128xi32, #tpu.memory_space<vmem>>) semaphore(%dma_start3A_319 : memref<!tpu.dma_semaphore, #tpu.memory_space<semaphore_mem>>)
      } else {
      }
      %dma_start3A_220 = arith.constant 0 : i32
      %dma_start3A_221 = arith.constant 0 : i32
      %dma_start3A_222 = arith.constant 0 : i32
      %dma_start3A_223 = arith.constant 0 : i32
      %dma_start3A_224 = arith.constant 0 : i32
      %dma_start3A_225 = tpu.memref_slice %arg8[%dma_start3A_220, %dma_start3A_222, %dma_start3A_223, %dma_start3A_224] : memref<2x8x8x128xf32, #tpu.memory_space<vmem>> -> memref<1x8x8x128xf32, #tpu.memory_space<vmem>>
      %dma_start3A_226 = tpu.memref_squeeze %dma_start3A_225 : memref<1x8x8x128xf32, #tpu.memory_space<vmem>> -> memref<8x8x128xf32, #tpu.memory_space<vmem>>
      %dma_start3A_227 = arith.constant 0 : i32
      %dma_start3A_228 = arith.constant 0 : i32
      %dma_start3A_229 = arith.constant 0 : i32
      %dma_start3A_230 = tpu.memref_slice %arg4[%add3A_191, %dma_start3A_227, %add3A, %dma_start3A_228, %dma_start3A_229] : memref<200x8x32x8x128xf32, #tpu.memory_space<hbm>> -> memref<1x8x1x8x128xf32, #tpu.memory_space<hbm>>
      %dma_start3A_231 = tpu.memref_squeeze %dma_start3A_230 : memref<1x8x1x8x128xf32, #tpu.memory_space<hbm>> -> memref<8x8x128xf32, #tpu.memory_space<hbm>>
      %dma_start3A_232 = tpu.memref_slice %arg10[%dma_start3A_221] : memref<2x!tpu.dma_semaphore, #tpu.memory_space<semaphore_mem>> -> memref<1x!tpu.dma_semaphore, #tpu.memory_space<semaphore_mem>>
      %dma_start3A_233 = tpu.memref_squeeze %dma_start3A_232 : memref<1x!tpu.dma_semaphore, #tpu.memory_space<semaphore_mem>> -> memref<!tpu.dma_semaphore, #tpu.memory_space<semaphore_mem>>
      %dma_start3A_234 = arith.constant 0 : i32
      %dma_start3A_235 = arith.constant 0 : i32
      %dma_start3A_236 = arith.constant 0 : i32
      %dma_start3A_237 = tpu.memref_slice %arg4[%add3A_191, %dma_start3A_234, %add3A, %dma_start3A_235, %dma_start3A_236] : memref<200x8x32x8x128xf32, #tpu.memory_space<hbm>> -> memref<1x8x1x8x128xf32, #tpu.memory_space<hbm>>
      %dma_start3A_238 = tpu.memref_squeeze %dma_start3A_237 : memref<1x8x1x8x128xf32, #tpu.memory_space<hbm>> -> memref<8x8x128xf32, #tpu.memory_space<hbm>>
      %dma_start3A_239 = arith.constant 0 : i32
      %dma_start3A_240 = arith.constant 0 : i32
      %dma_start3A_241 = arith.constant 0 : i32
      %dma_start3A_242 = tpu.memref_slice %arg8[%dma_start3A_220, %dma_start3A_239, %dma_start3A_240, %dma_start3A_241] : memref<2x8x8x128xf32, #tpu.memory_space<vmem>> -> memref<1x8x8x128xf32, #tpu.memory_space<vmem>>
      %dma_start3A_243 = tpu.memref_squeeze %dma_start3A_242 : memref<1x8x8x128xf32, #tpu.memory_space<vmem>> -> memref<8x8x128xf32, #tpu.memory_space<vmem>>
      tpu.enqueue_dma source(%dma_start3A_243 : memref<8x8x128xf32, #tpu.memory_space<vmem>>) target(%dma_start3A_238 : memref<8x8x128xf32, #tpu.memory_space<hbm>>) target_semaphore(%dma_start3A_233 : memref<!tpu.dma_semaphore, #tpu.memory_space<semaphore_mem>>)
      %mul3A_244 = arith.constant 2 : i32
      %mul3A_245 = arith.muli %scan3A_187, %mul3A_244 : i32
      %add3A_246 = arith.constant 1 : i32
      %add3A_247 = arith.addi %mul3A_245, %add3A_246 : i32
      %dma_wait3A_248 = arith.constant 1 : i32
      %dma_wait3A_249 = arith.constant 1 : i32
      %dma_wait3A_250 = arith.constant 0 : i32
      %dma_wait3A_251 = arith.constant 0 : i32
      %dma_wait3A_252 = tpu.memref_slice %arg7[%dma_wait3A_248, %dma_wait3A_250, %dma_wait3A_251] : memref<2x128x64xf32, #tpu.memory_space<vmem>> -> memref<1x128x64xf32, #tpu.memory_space<vmem>>
      %dma_wait3A_253 = tpu.memref_squeeze %dma_wait3A_252 : memref<1x128x64xf32, #tpu.memory_space<vmem>> -> memref<128x64xf32, #tpu.memory_space<vmem>>
      %dma_wait3A_254 = arith.constant 0 : i32
      %dma_wait3A_255 = tpu.memref_slice %arg6[%add3A_247, %dma_wait3A_254] : memref<200x128xi32, #tpu.memory_space<vmem>> -> memref<1x128xi32, #tpu.memory_space<vmem>>
      %dma_wait3A_256 = tpu.memref_squeeze %dma_wait3A_255 : memref<1x128xi32, #tpu.memory_space<vmem>> -> memref<128xi32, #tpu.memory_space<vmem>>
      %dma_wait3A_257 = arith.constant 0 : i32
      %dma_wait3A_258 = arith.constant 0 : i32
      %dma_wait3A_259 = tpu.memref_slice %arg2[%dma_wait3A_257, %dma_wait3A_258] : memref<100000x64xf32, #tpu.memory_space<hbm>> -> memref<100000x64xf32, #tpu.memory_space<hbm>>
      %dma_wait3A_260 = tpu.memref_slice %arg9[%dma_wait3A_249] : memref<2x!tpu.dma_semaphore, #tpu.memory_space<semaphore_mem>> -> memref<1x!tpu.dma_semaphore, #tpu.memory_space<semaphore_mem>>
      %dma_wait3A_261 = tpu.memref_squeeze %dma_wait3A_260 : memref<1x!tpu.dma_semaphore, #tpu.memory_space<semaphore_mem>> -> memref<!tpu.dma_semaphore, #tpu.memory_space<semaphore_mem>>
      tpu.wait_indirect_dma semaphore(%dma_wait3A_261 : memref<!tpu.dma_semaphore, #tpu.memory_space<semaphore_mem>>) src(%dma_wait3A_259 : memref<100000x64xf32, #tpu.memory_space<hbm>>) dst(%dma_wait3A_253 : memref<128x64xf32, #tpu.memory_space<vmem>>)
      %gt3A_262 = arith.constant 0 : i32
      %gt3A_263 = arith.cmpi sgt, %scan3A_187, %gt3A_262 : i32
      %convert_element_type3A_264 = arith.extui %gt3A_263 : i1 to i32
      %cond3A_265 = arith.constant 0 : i32
      %cond3A_266 = arith.cmpi ne, %convert_element_type3A_264, %cond3A_265 : i32
      scf.if %cond3A_266 {
        %sub3A = arith.constant 2 : i32
        %sub3A_304 = arith.subi %add3A_247, %sub3A : i32
        %dma_wait3A_305 = arith.constant 1 : i32
        %dma_wait3A_306 = arith.constant 1 : i32
        %dma_wait3A_307 = arith.constant 0 : i32
        %dma_wait3A_308 = arith.constant 0 : i32
        %dma_wait3A_309 = arith.constant 0 : i32
        %dma_wait3A_310 = tpu.memref_slice %arg8[%dma_wait3A_305, %dma_wait3A_307, %dma_wait3A_308, %dma_wait3A_309] : memref<2x8x8x128xf32, #tpu.memory_space<vmem>> -> memref<1x8x8x128xf32, #tpu.memory_space<vmem>>
        %dma_wait3A_311 = tpu.memref_squeeze %dma_wait3A_310 : memref<1x8x8x128xf32, #tpu.memory_space<vmem>> -> memref<8x8x128xf32, #tpu.memory_space<vmem>>
        %dma_wait3A_312 = arith.constant 0 : i32
        %dma_wait3A_313 = arith.constant 0 : i32
        %dma_wait3A_314 = arith.constant 0 : i32
        %dma_wait3A_315 = tpu.memref_slice %arg4[%sub3A_304, %dma_wait3A_312, %add3A, %dma_wait3A_313, %dma_wait3A_314] : memref<200x8x32x8x128xf32, #tpu.memory_space<hbm>> -> memref<1x8x1x8x128xf32, #tpu.memory_space<hbm>>
        %dma_wait3A_316 = tpu.memref_squeeze %dma_wait3A_315 : memref<1x8x1x8x128xf32, #tpu.memory_space<hbm>> -> memref<8x8x128xf32, #tpu.memory_space<hbm>>
        %dma_wait3A_317 = tpu.memref_slice %arg10[%dma_wait3A_306] : memref<2x!tpu.dma_semaphore, #tpu.memory_space<semaphore_mem>> -> memref<1x!tpu.dma_semaphore, #tpu.memory_space<semaphore_mem>>
        %dma_wait3A_318 = tpu.memref_squeeze %dma_wait3A_317 : memref<1x!tpu.dma_semaphore, #tpu.memory_space<semaphore_mem>> -> memref<!tpu.dma_semaphore, #tpu.memory_space<semaphore_mem>>
        %dma_wait3A_319 = arith.constant 0 : i32
        %dma_wait3A_320 = arith.constant 0 : i32
        %dma_wait3A_321 = arith.constant 0 : i32
        %dma_wait3A_322 = tpu.memref_slice %arg4[%sub3A_304, %dma_wait3A_319, %add3A, %dma_wait3A_320, %dma_wait3A_321] : memref<200x8x32x8x128xf32, #tpu.memory_space<hbm>> -> memref<1x8x1x8x128xf32, #tpu.memory_space<hbm>>
        %dma_wait3A_323 = tpu.memref_squeeze %dma_wait3A_322 : memref<1x8x1x8x128xf32, #tpu.memory_space<hbm>> -> memref<8x8x128xf32, #tpu.memory_space<hbm>>
        %dma_wait3A_324 = arith.constant 0 : i32
        %dma_wait3A_325 = arith.constant 0 : i32
        %dma_wait3A_326 = arith.constant 0 : i32
        %dma_wait3A_327 = tpu.memref_slice %arg8[%dma_wait3A_305, %dma_wait3A_324, %dma_wait3A_325, %dma_wait3A_326] : memref<2x8x8x128xf32, #tpu.memory_space<vmem>> -> memref<1x8x8x128xf32, #tpu.memory_space<vmem>>
        %dma_wait3A_328 = tpu.memref_squeeze %dma_wait3A_327 : memref<1x8x8x128xf32, #tpu.memory_space<vmem>> -> memref<8x8x128xf32, #tpu.memory_space<vmem>>
        tpu.wait_dma2 semaphore(%dma_wait3A_318 : memref<!tpu.dma_semaphore, #tpu.memory_space<semaphore_mem>>) src(%dma_wait3A_328 : memref<8x8x128xf32, #tpu.memory_space<vmem>>) dst(%dma_wait3A_323 : memref<8x8x128xf32, #tpu.memory_space<hbm>>)
      } else {
      }
      %scan3A_267 = arith.constant 0 : i32
      %scan3A_268 = arith.constant 0 : i32
      %scan3A_269 = arith.constant 8 : i32
      %scan3A_270 = arith.addi %scan3A_268, %scan3A_269 : i32
      %scan3A_271 = arith.constant 1 : i32
      scf.for %scan3A_304 = %scan3A_268 to %scan3A_270 step %scan3A_271  : i32 {
        %mul3A_305 = arith.constant 16 : i32
        %mul3A_306 = arith.muli %scan3A_304, %mul3A_305 : i32
        %add3A_307 = vector.broadcast %mul3A_306 : i32 to vector<16xi32>
        %add3A_308 = arith.addi %add3A_307, %iota3A : vector<16xi32>
        %add3A_309 = arith.constant 0 : i32
        %add3A_310 = vector.broadcast %add3A_309 : i32 to vector<16xi32>
        %add3A_311 = arith.addi %rem3A_12, %add3A_310 : vector<16xi32>
        %gather3A = arith.constant 1 : i32
        %gather3A_312 = arith.constant 0 : i32
        %gather3A_313 = arith.constant 0 : i32
        %gather3A_314 = tpu.memref_slice %arg7[%gather3A, %gather3A_312, %gather3A_313] : memref<2x128x64xf32, #tpu.memory_space<vmem>> -> memref<1x128x64xf32, #tpu.memory_space<vmem>>
        %gather3A_315 = tpu.memref_squeeze %gather3A_314 : memref<1x128x64xf32, #tpu.memory_space<vmem>> -> memref<128x64xf32, #tpu.memory_space<vmem>>
        %gather3A_316 = tpu.vector_load_idx %gather3A_315[%add3A_308, %add3A_311] : memref<128x64xf32, #tpu.memory_space<vmem>>[vector<16xi32>, vector<16xi32>], vector<16xf32>,
        %shift_right_arithmetic3A = arith.constant 3 : i32
        %shift_right_arithmetic3A_317 = vector.broadcast %shift_right_arithmetic3A : i32 to vector<16xi32>
        %shift_right_arithmetic3A_318 = arith.shrsi %add3A_311, %shift_right_arithmetic3A_317 : vector<16xi32>
        %and3A = arith.constant 7 : i32
        %and3A_319 = vector.broadcast %and3A : i32 to vector<16xi32>
        %and3A_320 = arith.andi %add3A_311, %and3A_319 : vector<16xi32>
        %mul3A_321 = arith.constant 8.000000e+00 : f32
        %mul3A_322 = vector.broadcast %mul3A_321 : f32 to vector<16xf32>
        %mul3A_323 = arith.mulf %gather3A_316, %mul3A_322 : vector<16xf32>
        %scatter3A = arith.constant 1 : i32
        %scatter3A_324 = arith.constant 0 : i32
        %scatter3A_325 = arith.constant 0 : i32
        %scatter3A_326 = arith.constant 0 : i32
        %scatter3A_327 = tpu.memref_slice %arg8[%scatter3A, %scatter3A_324, %scatter3A_325, %scatter3A_326] : memref<2x8x8x128xf32, #tpu.memory_space<vmem>> -> memref<1x8x8x128xf32, #tpu.memory_space<vmem>>
        %scatter3A_328 = tpu.memref_squeeze %scatter3A_327 : memref<1x8x8x128xf32, #tpu.memory_space<vmem>> -> memref<8x8x128xf32, #tpu.memory_space<vmem>>
        tpu.vector_store_idx %scatter3A_328[%shift_right_arithmetic3A_318, %and3A_320, %add3A_308], %mul3A_323 : memref<8x8x128xf32, #tpu.memory_space<vmem>>[vector<16xi32>, vector<16xi32>, vector<16xi32>], vector<16xf32>,
        %add3A_329 = arith.constant 0 : i32
        %add3A_330 = vector.broadcast %add3A_329 : i32 to vector<16xi32>
        %add3A_331 = arith.addi %rem3A_18, %add3A_330 : vector<16xi32>
        %gather3A_332 = arith.constant 1 : i32
        %gather3A_333 = arith.constant 0 : i32
        %gather3A_334 = arith.constant 0 : i32
        %gather3A_335 = tpu.memref_slice %arg7[%gather3A_332, %gather3A_333, %gather3A_334] : memref<2x128x64xf32, #tpu.memory_space<vmem>> -> memref<1x128x64xf32, #tpu.memory_space<vmem>>
        %gather3A_336 = tpu.memref_squeeze %gather3A_335 : memref<1x128x64xf32, #tpu.memory_space<vmem>> -> memref<128x64xf32, #tpu.memory_space<vmem>>
        %gather3A_337 = tpu.vector_load_idx %gather3A_336[%add3A_308, %add3A_331] : memref<128x64xf32, #tpu.memory_space<vmem>>[vector<16xi32>, vector<16xi32>], vector<16xf32>,
        %shift_right_arithmetic3A_338 = arith.constant 3 : i32
        %shift_right_arithmetic3A_339 = vector.broadcast %shift_right_arithmetic3A_338 : i32 to vector<16xi32>
        %shift_right_arithmetic3A_340 = arith.shrsi %add3A_331, %shift_right_arithmetic3A_339 : vector<16xi32>
        %and3A_341 = arith.constant 7 : i32
        %and3A_342 = vector.broadcast %and3A_341 : i32 to vector<16xi32>
        %and3A_343 = arith.andi %add3A_331, %and3A_342 : vector<16xi32>
        %mul3A_344 = arith.constant 8.000000e+00 : f32
        %mul3A_345 = vector.broadcast %mul3A_344 : f32 to vector<16xf32>
        %mul3A_346 = arith.mulf %gather3A_337, %mul3A_345 : vector<16xf32>
        %scatter3A_347 = arith.constant 1 : i32
        %scatter3A_348 = arith.constant 0 : i32
        %scatter3A_349 = arith.constant 0 : i32
        %scatter3A_350 = arith.constant 0 : i32
        %scatter3A_351 = tpu.memref_slice %arg8[%scatter3A_347, %scatter3A_348, %scatter3A_349, %scatter3A_350] : memref<2x8x8x128xf32, #tpu.memory_space<vmem>> -> memref<1x8x8x128xf32, #tpu.memory_space<vmem>>
        %scatter3A_352 = tpu.memref_squeeze %scatter3A_351 : memref<1x8x8x128xf32, #tpu.memory_space<vmem>> -> memref<8x8x128xf32, #tpu.memory_space<vmem>>
        tpu.vector_store_idx %scatter3A_352[%shift_right_arithmetic3A_340, %and3A_343, %add3A_308], %mul3A_346 : memref<8x8x128xf32, #tpu.memory_space<vmem>>[vector<16xi32>, vector<16xi32>, vector<16xi32>], vector<16xf32>,
        %add3A_353 = arith.constant 0 : i32
        %add3A_354 = vector.broadcast %add3A_353 : i32 to vector<16xi32>
        %add3A_355 = arith.addi %rem3A_24, %add3A_354 : vector<16xi32>
        %gather3A_356 = arith.constant 1 : i32
        %gather3A_357 = arith.constant 0 : i32
        %gather3A_358 = arith.constant 0 : i32
        %gather3A_359 = tpu.memref_slice %arg7[%gather3A_356, %gather3A_357, %gather3A_358] : memref<2x128x64xf32, #tpu.memory_space<vmem>> -> memref<1x128x64xf32, #tpu.memory_space<vmem>>
        %gather3A_360 = tpu.memref_squeeze %gather3A_359 : memref<1x128x64xf32, #tpu.memory_space<vmem>> -> memref<128x64xf32, #tpu.memory_space<vmem>>
        %gather3A_361 = tpu.vector_load_idx %gather3A_360[%add3A_308, %add3A_355] : memref<128x64xf32, #tpu.memory_space<vmem>>[vector<16xi32>, vector<16xi32>], vector<16xf32>,
        %shift_right_arithmetic3A_362 = arith.constant 3 : i32
        %shift_right_arithmetic3A_363 = vector.broadcast %shift_right_arithmetic3A_362 : i32 to vector<16xi32>
        %shift_right_arithmetic3A_364 = arith.shrsi %add3A_355, %shift_right_arithmetic3A_363 : vector<16xi32>
        %and3A_365 = arith.constant 7 : i32
        %and3A_366 = vector.broadcast %and3A_365 : i32 to vector<16xi32>
        %and3A_367 = arith.andi %add3A_355, %and3A_366 : vector<16xi32>
        %mul3A_368 = arith.constant 8.000000e+00 : f32
        %mul3A_369 = vector.broadcast %mul3A_368 : f32 to vector<16xf32>
        %mul3A_370 = arith.mulf %gather3A_361, %mul3A_369 : vector<16xf32>
        %scatter3A_371 = arith.constant 1 : i32
        %scatter3A_372 = arith.constant 0 : i32
        %scatter3A_373 = arith.constant 0 : i32
        %scatter3A_374 = arith.constant 0 : i32
        %scatter3A_375 = tpu.memref_slice %arg8[%scatter3A_371, %scatter3A_372, %scatter3A_373, %scatter3A_374] : memref<2x8x8x128xf32, #tpu.memory_space<vmem>> -> memref<1x8x8x128xf32, #tpu.memory_space<vmem>>
        %scatter3A_376 = tpu.memref_squeeze %scatter3A_375 : memref<1x8x8x128xf32, #tpu.memory_space<vmem>> -> memref<8x8x128xf32, #tpu.memory_space<vmem>>
        tpu.vector_store_idx %scatter3A_376[%shift_right_arithmetic3A_364, %and3A_367, %add3A_308], %mul3A_370 : memref<8x8x128xf32, #tpu.memory_space<vmem>>[vector<16xi32>, vector<16xi32>, vector<16xi32>], vector<16xf32>,
        %add3A_377 = arith.constant 0 : i32
        %add3A_378 = vector.broadcast %add3A_377 : i32 to vector<16xi32>
        %add3A_379 = arith.addi %rem3A_30, %add3A_378 : vector<16xi32>
        %gather3A_380 = arith.constant 1 : i32
        %gather3A_381 = arith.constant 0 : i32
        %gather3A_382 = arith.constant 0 : i32
        %gather3A_383 = tpu.memref_slice %arg7[%gather3A_380, %gather3A_381, %gather3A_382] : memref<2x128x64xf32, #tpu.memory_space<vmem>> -> memref<1x128x64xf32, #tpu.memory_space<vmem>>
        %gather3A_384 = tpu.memref_squeeze %gather3A_383 : memref<1x128x64xf32, #tpu.memory_space<vmem>> -> memref<128x64xf32, #tpu.memory_space<vmem>>
        %gather3A_385 = tpu.vector_load_idx %gather3A_384[%add3A_308, %add3A_379] : memref<128x64xf32, #tpu.memory_space<vmem>>[vector<16xi32>, vector<16xi32>], vector<16xf32>,
        %shift_right_arithmetic3A_386 = arith.constant 3 : i32
        %shift_right_arithmetic3A_387 = vector.broadcast %shift_right_arithmetic3A_386 : i32 to vector<16xi32>
        %shift_right_arithmetic3A_388 = arith.shrsi %add3A_379, %shift_right_arithmetic3A_387 : vector<16xi32>
        %and3A_389 = arith.constant 7 : i32
        %and3A_390 = vector.broadcast %and3A_389 : i32 to vector<16xi32>
        %and3A_391 = arith.andi %add3A_379, %and3A_390 : vector<16xi32>
        %mul3A_392 = arith.constant 8.000000e+00 : f32
        %mul3A_393 = vector.broadcast %mul3A_392 : f32 to vector<16xf32>
        %mul3A_394 = arith.mulf %gather3A_385, %mul3A_393 : vector<16xf32>
        %scatter3A_395 = arith.constant 1 : i32
        %scatter3A_396 = arith.constant 0 : i32
        %scatter3A_397 = arith.constant 0 : i32
        %scatter3A_398 = arith.constant 0 : i32
        %scatter3A_399 = tpu.memref_slice %arg8[%scatter3A_395, %scatter3A_396, %scatter3A_397, %scatter3A_398] : memref<2x8x8x128xf32, #tpu.memory_space<vmem>> -> memref<1x8x8x128xf32, #tpu.memory_space<vmem>>
        %scatter3A_400 = tpu.memref_squeeze %scatter3A_399 : memref<1x8x8x128xf32, #tpu.memory_space<vmem>> -> memref<8x8x128xf32, #tpu.memory_space<vmem>>
        tpu.vector_store_idx %scatter3A_400[%shift_right_arithmetic3A_388, %and3A_391, %add3A_308], %mul3A_394 : memref<8x8x128xf32, #tpu.memory_space<vmem>>[vector<16xi32>, vector<16xi32>, vector<16xi32>], vector<16xf32>,
        %add3A_401 = arith.constant 0 : i32
        %add3A_402 = vector.broadcast %add3A_401 : i32 to vector<16xi32>
        %add3A_403 = arith.addi %rem3A_36, %add3A_402 : vector<16xi32>
        %gather3A_404 = arith.constant 1 : i32
        %gather3A_405 = arith.constant 0 : i32
        %gather3A_406 = arith.constant 0 : i32
        %gather3A_407 = tpu.memref_slice %arg7[%gather3A_404, %gather3A_405, %gather3A_406] : memref<2x128x64xf32, #tpu.memory_space<vmem>> -> memref<1x128x64xf32, #tpu.memory_space<vmem>>
        %gather3A_408 = tpu.memref_squeeze %gather3A_407 : memref<1x128x64xf32, #tpu.memory_space<vmem>> -> memref<128x64xf32, #tpu.memory_space<vmem>>
        %gather3A_409 = tpu.vector_load_idx %gather3A_408[%add3A_308, %add3A_403] : memref<128x64xf32, #tpu.memory_space<vmem>>[vector<16xi32>, vector<16xi32>], vector<16xf32>,
        %shift_right_arithmetic3A_410 = arith.constant 3 : i32
        %shift_right_arithmetic3A_411 = vector.broadcast %shift_right_arithmetic3A_410 : i32 to vector<16xi32>
        %shift_right_arithmetic3A_412 = arith.shrsi %add3A_403, %shift_right_arithmetic3A_411 : vector<16xi32>
        %and3A_413 = arith.constant 7 : i32
        %and3A_414 = vector.broadcast %and3A_413 : i32 to vector<16xi32>
        %and3A_415 = arith.andi %add3A_403, %and3A_414 : vector<16xi32>
        %mul3A_416 = arith.constant 8.000000e+00 : f32
        %mul3A_417 = vector.broadcast %mul3A_416 : f32 to vector<16xf32>
        %mul3A_418 = arith.mulf %gather3A_409, %mul3A_417 : vector<16xf32>
        %scatter3A_419 = arith.constant 1 : i32
        %scatter3A_420 = arith.constant 0 : i32
        %scatter3A_421 = arith.constant 0 : i32
        %scatter3A_422 = arith.constant 0 : i32
        %scatter3A_423 = tpu.memref_slice %arg8[%scatter3A_419, %scatter3A_420, %scatter3A_421, %scatter3A_422] : memref<2x8x8x128xf32, #tpu.memory_space<vmem>> -> memref<1x8x8x128xf32, #tpu.memory_space<vmem>>
        %scatter3A_424 = tpu.memref_squeeze %scatter3A_423 : memref<1x8x8x128xf32, #tpu.memory_space<vmem>> -> memref<8x8x128xf32, #tpu.memory_space<vmem>>
        tpu.vector_store_idx %scatter3A_424[%shift_right_arithmetic3A_412, %and3A_415, %add3A_308], %mul3A_418 : memref<8x8x128xf32, #tpu.memory_space<vmem>>[vector<16xi32>, vector<16xi32>, vector<16xi32>], vector<16xf32>,
        %add3A_425 = arith.constant 0 : i32
        %add3A_426 = vector.broadcast %add3A_425 : i32 to vector<16xi32>
        %add3A_427 = arith.addi %rem3A_42, %add3A_426 : vector<16xi32>
        %gather3A_428 = arith.constant 1 : i32
        %gather3A_429 = arith.constant 0 : i32
        %gather3A_430 = arith.constant 0 : i32
        %gather3A_431 = tpu.memref_slice %arg7[%gather3A_428, %gather3A_429, %gather3A_430] : memref<2x128x64xf32, #tpu.memory_space<vmem>> -> memref<1x128x64xf32, #tpu.memory_space<vmem>>
        %gather3A_432 = tpu.memref_squeeze %gather3A_431 : memref<1x128x64xf32, #tpu.memory_space<vmem>> -> memref<128x64xf32, #tpu.memory_space<vmem>>
        %gather3A_433 = tpu.vector_load_idx %gather3A_432[%add3A_308, %add3A_427] : memref<128x64xf32, #tpu.memory_space<vmem>>[vector<16xi32>, vector<16xi32>], vector<16xf32>,
        %shift_right_arithmetic3A_434 = arith.constant 3 : i32
        %shift_right_arithmetic3A_435 = vector.broadcast %shift_right_arithmetic3A_434 : i32 to vector<16xi32>
        %shift_right_arithmetic3A_436 = arith.shrsi %add3A_427, %shift_right_arithmetic3A_435 : vector<16xi32>
        %and3A_437 = arith.constant 7 : i32
        %and3A_438 = vector.broadcast %and3A_437 : i32 to vector<16xi32>
        %and3A_439 = arith.andi %add3A_427, %and3A_438 : vector<16xi32>
        %mul3A_440 = arith.constant 8.000000e+00 : f32
        %mul3A_441 = vector.broadcast %mul3A_440 : f32 to vector<16xf32>
        %mul3A_442 = arith.mulf %gather3A_433, %mul3A_441 : vector<16xf32>
        %scatter3A_443 = arith.constant 1 : i32
        %scatter3A_444 = arith.constant 0 : i32
        %scatter3A_445 = arith.constant 0 : i32
        %scatter3A_446 = arith.constant 0 : i32
        %scatter3A_447 = tpu.memref_slice %arg8[%scatter3A_443, %scatter3A_444, %scatter3A_445, %scatter3A_446] : memref<2x8x8x128xf32, #tpu.memory_space<vmem>> -> memref<1x8x8x128xf32, #tpu.memory_space<vmem>>
        %scatter3A_448 = tpu.memref_squeeze %scatter3A_447 : memref<1x8x8x128xf32, #tpu.memory_space<vmem>> -> memref<8x8x128xf32, #tpu.memory_space<vmem>>
        tpu.vector_store_idx %scatter3A_448[%shift_right_arithmetic3A_436, %and3A_439, %add3A_308], %mul3A_442 : memref<8x8x128xf32, #tpu.memory_space<vmem>>[vector<16xi32>, vector<16xi32>, vector<16xi32>], vector<16xf32>,
        %add3A_449 = arith.constant 0 : i32
        %add3A_450 = vector.broadcast %add3A_449 : i32 to vector<16xi32>
        %add3A_451 = arith.addi %rem3A_48, %add3A_450 : vector<16xi32>
        %gather3A_452 = arith.constant 1 : i32
        %gather3A_453 = arith.constant 0 : i32
        %gather3A_454 = arith.constant 0 : i32
        %gather3A_455 = tpu.memref_slice %arg7[%gather3A_452, %gather3A_453, %gather3A_454] : memref<2x128x64xf32, #tpu.memory_space<vmem>> -> memref<1x128x64xf32, #tpu.memory_space<vmem>>
        %gather3A_456 = tpu.memref_squeeze %gather3A_455 : memref<1x128x64xf32, #tpu.memory_space<vmem>> -> memref<128x64xf32, #tpu.memory_space<vmem>>
        %gather3A_457 = tpu.vector_load_idx %gather3A_456[%add3A_308, %add3A_451] : memref<128x64xf32, #tpu.memory_space<vmem>>[vector<16xi32>, vector<16xi32>], vector<16xf32>,
        %shift_right_arithmetic3A_458 = arith.constant 3 : i32
        %shift_right_arithmetic3A_459 = vector.broadcast %shift_right_arithmetic3A_458 : i32 to vector<16xi32>
        %shift_right_arithmetic3A_460 = arith.shrsi %add3A_451, %shift_right_arithmetic3A_459 : vector<16xi32>
        %and3A_461 = arith.constant 7 : i32
        %and3A_462 = vector.broadcast %and3A_461 : i32 to vector<16xi32>
        %and3A_463 = arith.andi %add3A_451, %and3A_462 : vector<16xi32>
        %mul3A_464 = arith.constant 8.000000e+00 : f32
        %mul3A_465 = vector.broadcast %mul3A_464 : f32 to vector<16xf32>
        %mul3A_466 = arith.mulf %gather3A_457, %mul3A_465 : vector<16xf32>
        %scatter3A_467 = arith.constant 1 : i32
        %scatter3A_468 = arith.constant 0 : i32
        %scatter3A_469 = arith.constant 0 : i32
        %scatter3A_470 = arith.constant 0 : i32
        %scatter3A_471 = tpu.memref_slice %arg8[%scatter3A_467, %scatter3A_468, %scatter3A_469, %scatter3A_470] : memref<2x8x8x128xf32, #tpu.memory_space<vmem>> -> memref<1x8x8x128xf32, #tpu.memory_space<vmem>>
        %scatter3A_472 = tpu.memref_squeeze %scatter3A_471 : memref<1x8x8x128xf32, #tpu.memory_space<vmem>> -> memref<8x8x128xf32, #tpu.memory_space<vmem>>
        tpu.vector_store_idx %scatter3A_472[%shift_right_arithmetic3A_460, %and3A_463, %add3A_308], %mul3A_466 : memref<8x8x128xf32, #tpu.memory_space<vmem>>[vector<16xi32>, vector<16xi32>, vector<16xi32>], vector<16xf32>,
        %add3A_473 = arith.constant 0 : i32
        %add3A_474 = vector.broadcast %add3A_473 : i32 to vector<16xi32>
        %add3A_475 = arith.addi %rem3A_54, %add3A_474 : vector<16xi32>
        %gather3A_476 = arith.constant 1 : i32
        %gather3A_477 = arith.constant 0 : i32
        %gather3A_478 = arith.constant 0 : i32
        %gather3A_479 = tpu.memref_slice %arg7[%gather3A_476, %gather3A_477, %gather3A_478] : memref<2x128x64xf32, #tpu.memory_space<vmem>> -> memref<1x128x64xf32, #tpu.memory_space<vmem>>
        %gather3A_480 = tpu.memref_squeeze %gather3A_479 : memref<1x128x64xf32, #tpu.memory_space<vmem>> -> memref<128x64xf32, #tpu.memory_space<vmem>>
        %gather3A_481 = tpu.vector_load_idx %gather3A_480[%add3A_308, %add3A_475] : memref<128x64xf32, #tpu.memory_space<vmem>>[vector<16xi32>, vector<16xi32>], vector<16xf32>,
        %shift_right_arithmetic3A_482 = arith.constant 3 : i32
        %shift_right_arithmetic3A_483 = vector.broadcast %shift_right_arithmetic3A_482 : i32 to vector<16xi32>
        %shift_right_arithmetic3A_484 = arith.shrsi %add3A_475, %shift_right_arithmetic3A_483 : vector<16xi32>
        %and3A_485 = arith.constant 7 : i32
        %and3A_486 = vector.broadcast %and3A_485 : i32 to vector<16xi32>
        %and3A_487 = arith.andi %add3A_475, %and3A_486 : vector<16xi32>
        %mul3A_488 = arith.constant 8.000000e+00 : f32
        %mul3A_489 = vector.broadcast %mul3A_488 : f32 to vector<16xf32>
        %mul3A_490 = arith.mulf %gather3A_481, %mul3A_489 : vector<16xf32>
        %scatter3A_491 = arith.constant 1 : i32
        %scatter3A_492 = arith.constant 0 : i32
        %scatter3A_493 = arith.constant 0 : i32
        %scatter3A_494 = arith.constant 0 : i32
        %scatter3A_495 = tpu.memref_slice %arg8[%scatter3A_491, %scatter3A_492, %scatter3A_493, %scatter3A_494] : memref<2x8x8x128xf32, #tpu.memory_space<vmem>> -> memref<1x8x8x128xf32, #tpu.memory_space<vmem>>
        %scatter3A_496 = tpu.memref_squeeze %scatter3A_495 : memref<1x8x8x128xf32, #tpu.memory_space<vmem>> -> memref<8x8x128xf32, #tpu.memory_space<vmem>>
        tpu.vector_store_idx %scatter3A_496[%shift_right_arithmetic3A_484, %and3A_487, %add3A_308], %mul3A_490 : memref<8x8x128xf32, #tpu.memory_space<vmem>>[vector<16xi32>, vector<16xi32>, vector<16xi32>], vector<16xf32>,
        %add3A_497 = arith.constant 0 : i32
        %add3A_498 = vector.broadcast %add3A_497 : i32 to vector<16xi32>
        %add3A_499 = arith.addi %rem3A_60, %add3A_498 : vector<16xi32>
        %gather3A_500 = arith.constant 1 : i32
        %gather3A_501 = arith.constant 0 : i32
        %gather3A_502 = arith.constant 0 : i32
        %gather3A_503 = tpu.memref_slice %arg7[%gather3A_500, %gather3A_501, %gather3A_502] : memref<2x128x64xf32, #tpu.memory_space<vmem>> -> memref<1x128x64xf32, #tpu.memory_space<vmem>>
        %gather3A_504 = tpu.memref_squeeze %gather3A_503 : memref<1x128x64xf32, #tpu.memory_space<vmem>> -> memref<128x64xf32, #tpu.memory_space<vmem>>
        %gather3A_505 = tpu.vector_load_idx %gather3A_504[%add3A_308, %add3A_499] : memref<128x64xf32, #tpu.memory_space<vmem>>[vector<16xi32>, vector<16xi32>], vector<16xf32>,
        %shift_right_arithmetic3A_506 = arith.constant 3 : i32
        %shift_right_arithmetic3A_507 = vector.broadcast %shift_right_arithmetic3A_506 : i32 to vector<16xi32>
        %shift_right_arithmetic3A_508 = arith.shrsi %add3A_499, %shift_right_arithmetic3A_507 : vector<16xi32>
        %and3A_509 = arith.constant 7 : i32
        %and3A_510 = vector.broadcast %and3A_509 : i32 to vector<16xi32>
        %and3A_511 = arith.andi %add3A_499, %and3A_510 : vector<16xi32>
        %mul3A_512 = arith.constant 8.000000e+00 : f32
        %mul3A_513 = vector.broadcast %mul3A_512 : f32 to vector<16xf32>
        %mul3A_514 = arith.mulf %gather3A_505, %mul3A_513 : vector<16xf32>
        %scatter3A_515 = arith.constant 1 : i32
        %scatter3A_516 = arith.constant 0 : i32
        %scatter3A_517 = arith.constant 0 : i32
        %scatter3A_518 = arith.constant 0 : i32
        %scatter3A_519 = tpu.memref_slice %arg8[%scatter3A_515, %scatter3A_516, %scatter3A_517, %scatter3A_518] : memref<2x8x8x128xf32, #tpu.memory_space<vmem>> -> memref<1x8x8x128xf32, #tpu.memory_space<vmem>>
        %scatter3A_520 = tpu.memref_squeeze %scatter3A_519 : memref<1x8x8x128xf32, #tpu.memory_space<vmem>> -> memref<8x8x128xf32, #tpu.memory_space<vmem>>
        tpu.vector_store_idx %scatter3A_520[%shift_right_arithmetic3A_508, %and3A_511, %add3A_308], %mul3A_514 : memref<8x8x128xf32, #tpu.memory_space<vmem>>[vector<16xi32>, vector<16xi32>, vector<16xi32>], vector<16xf32>,
        %add3A_521 = arith.constant 0 : i32
        %add3A_522 = vector.broadcast %add3A_521 : i32 to vector<16xi32>
        %add3A_523 = arith.addi %rem3A_66, %add3A_522 : vector<16xi32>
        %gather3A_524 = arith.constant 1 : i32
        %gather3A_525 = arith.constant 0 : i32
        %gather3A_526 = arith.constant 0 : i32
        %gather3A_527 = tpu.memref_slice %arg7[%gather3A_524, %gather3A_525, %gather3A_526] : memref<2x128x64xf32, #tpu.memory_space<vmem>> -> memref<1x128x64xf32, #tpu.memory_space<vmem>>
        %gather3A_528 = tpu.memref_squeeze %gather3A_527 : memref<1x128x64xf32, #tpu.memory_space<vmem>> -> memref<128x64xf32, #tpu.memory_space<vmem>>
        %gather3A_529 = tpu.vector_load_idx %gather3A_528[%add3A_308, %add3A_523] : memref<128x64xf32, #tpu.memory_space<vmem>>[vector<16xi32>, vector<16xi32>], vector<16xf32>,
        %shift_right_arithmetic3A_530 = arith.constant 3 : i32
        %shift_right_arithmetic3A_531 = vector.broadcast %shift_right_arithmetic3A_530 : i32 to vector<16xi32>
        %shift_right_arithmetic3A_532 = arith.shrsi %add3A_523, %shift_right_arithmetic3A_531 : vector<16xi32>
        %and3A_533 = arith.constant 7 : i32
        %and3A_534 = vector.broadcast %and3A_533 : i32 to vector<16xi32>
        %and3A_535 = arith.andi %add3A_523, %and3A_534 : vector<16xi32>
        %mul3A_536 = arith.constant 8.000000e+00 : f32
        %mul3A_537 = vector.broadcast %mul3A_536 : f32 to vector<16xf32>
        %mul3A_538 = arith.mulf %gather3A_529, %mul3A_537 : vector<16xf32>
        %scatter3A_539 = arith.constant 1 : i32
        %scatter3A_540 = arith.constant 0 : i32
        %scatter3A_541 = arith.constant 0 : i32
        %scatter3A_542 = arith.constant 0 : i32
        %scatter3A_543 = tpu.memref_slice %arg8[%scatter3A_539, %scatter3A_540, %scatter3A_541, %scatter3A_542] : memref<2x8x8x128xf32, #tpu.memory_space<vmem>> -> memref<1x8x8x128xf32, #tpu.memory_space<vmem>>
        %scatter3A_544 = tpu.memref_squeeze %scatter3A_543 : memref<1x8x8x128xf32, #tpu.memory_space<vmem>> -> memref<8x8x128xf32, #tpu.memory_space<vmem>>
        tpu.vector_store_idx %scatter3A_544[%shift_right_arithmetic3A_532, %and3A_535, %add3A_308], %mul3A_538 : memref<8x8x128xf32, #tpu.memory_space<vmem>>[vector<16xi32>, vector<16xi32>, vector<16xi32>], vector<16xf32>,
        %add3A_545 = arith.constant 0 : i32
        %add3A_546 = vector.broadcast %add3A_545 : i32 to vector<16xi32>
        %add3A_547 = arith.addi %rem3A_72, %add3A_546 : vector<16xi32>
        %gather3A_548 = arith.constant 1 : i32
        %gather3A_549 = arith.constant 0 : i32
        %gather3A_550 = arith.constant 0 : i32
        %gather3A_551 = tpu.memref_slice %arg7[%gather3A_548, %gather3A_549, %gather3A_550] : memref<2x128x64xf32, #tpu.memory_space<vmem>> -> memref<1x128x64xf32, #tpu.memory_space<vmem>>
        %gather3A_552 = tpu.memref_squeeze %gather3A_551 : memref<1x128x64xf32, #tpu.memory_space<vmem>> -> memref<128x64xf32, #tpu.memory_space<vmem>>
        %gather3A_553 = tpu.vector_load_idx %gather3A_552[%add3A_308, %add3A_547] : memref<128x64xf32, #tpu.memory_space<vmem>>[vector<16xi32>, vector<16xi32>], vector<16xf32>,
        %shift_right_arithmetic3A_554 = arith.constant 3 : i32
        %shift_right_arithmetic3A_555 = vector.broadcast %shift_right_arithmetic3A_554 : i32 to vector<16xi32>
        %shift_right_arithmetic3A_556 = arith.shrsi %add3A_547, %shift_right_arithmetic3A_555 : vector<16xi32>
        %and3A_557 = arith.constant 7 : i32
        %and3A_558 = vector.broadcast %and3A_557 : i32 to vector<16xi32>
        %and3A_559 = arith.andi %add3A_547, %and3A_558 : vector<16xi32>
        %mul3A_560 = arith.constant 8.000000e+00 : f32
        %mul3A_561 = vector.broadcast %mul3A_560 : f32 to vector<16xf32>
        %mul3A_562 = arith.mulf %gather3A_553, %mul3A_561 : vector<16xf32>
        %scatter3A_563 = arith.constant 1 : i32
        %scatter3A_564 = arith.constant 0 : i32
        %scatter3A_565 = arith.constant 0 : i32
        %scatter3A_566 = arith.constant 0 : i32
        %scatter3A_567 = tpu.memref_slice %arg8[%scatter3A_563, %scatter3A_564, %scatter3A_565, %scatter3A_566] : memref<2x8x8x128xf32, #tpu.memory_space<vmem>> -> memref<1x8x8x128xf32, #tpu.memory_space<vmem>>
        %scatter3A_568 = tpu.memref_squeeze %scatter3A_567 : memref<1x8x8x128xf32, #tpu.memory_space<vmem>> -> memref<8x8x128xf32, #tpu.memory_space<vmem>>
        tpu.vector_store_idx %scatter3A_568[%shift_right_arithmetic3A_556, %and3A_559, %add3A_308], %mul3A_562 : memref<8x8x128xf32, #tpu.memory_space<vmem>>[vector<16xi32>, vector<16xi32>, vector<16xi32>], vector<16xf32>,
        %add3A_569 = arith.constant 0 : i32
        %add3A_570 = vector.broadcast %add3A_569 : i32 to vector<16xi32>
        %add3A_571 = arith.addi %rem3A_78, %add3A_570 : vector<16xi32>
        %gather3A_572 = arith.constant 1 : i32
        %gather3A_573 = arith.constant 0 : i32
        %gather3A_574 = arith.constant 0 : i32
        %gather3A_575 = tpu.memref_slice %arg7[%gather3A_572, %gather3A_573, %gather3A_574] : memref<2x128x64xf32, #tpu.memory_space<vmem>> -> memref<1x128x64xf32, #tpu.memory_space<vmem>>
        %gather3A_576 = tpu.memref_squeeze %gather3A_575 : memref<1x128x64xf32, #tpu.memory_space<vmem>> -> memref<128x64xf32, #tpu.memory_space<vmem>>
        %gather3A_577 = tpu.vector_load_idx %gather3A_576[%add3A_308, %add3A_571] : memref<128x64xf32, #tpu.memory_space<vmem>>[vector<16xi32>, vector<16xi32>], vector<16xf32>,
        %shift_right_arithmetic3A_578 = arith.constant 3 : i32
        %shift_right_arithmetic3A_579 = vector.broadcast %shift_right_arithmetic3A_578 : i32 to vector<16xi32>
        %shift_right_arithmetic3A_580 = arith.shrsi %add3A_571, %shift_right_arithmetic3A_579 : vector<16xi32>
        %and3A_581 = arith.constant 7 : i32
        %and3A_582 = vector.broadcast %and3A_581 : i32 to vector<16xi32>
        %and3A_583 = arith.andi %add3A_571, %and3A_582 : vector<16xi32>
        %mul3A_584 = arith.constant 8.000000e+00 : f32
        %mul3A_585 = vector.broadcast %mul3A_584 : f32 to vector<16xf32>
        %mul3A_586 = arith.mulf %gather3A_577, %mul3A_585 : vector<16xf32>
        %scatter3A_587 = arith.constant 1 : i32
        %scatter3A_588 = arith.constant 0 : i32
        %scatter3A_589 = arith.constant 0 : i32
        %scatter3A_590 = arith.constant 0 : i32
        %scatter3A_591 = tpu.memref_slice %arg8[%scatter3A_587, %scatter3A_588, %scatter3A_589, %scatter3A_590] : memref<2x8x8x128xf32, #tpu.memory_space<vmem>> -> memref<1x8x8x128xf32, #tpu.memory_space<vmem>>
        %scatter3A_592 = tpu.memref_squeeze %scatter3A_591 : memref<1x8x8x128xf32, #tpu.memory_space<vmem>> -> memref<8x8x128xf32, #tpu.memory_space<vmem>>
        tpu.vector_store_idx %scatter3A_592[%shift_right_arithmetic3A_580, %and3A_583, %add3A_308], %mul3A_586 : memref<8x8x128xf32, #tpu.memory_space<vmem>>[vector<16xi32>, vector<16xi32>, vector<16xi32>], vector<16xf32>,
        %add3A_593 = arith.constant 0 : i32
        %add3A_594 = vector.broadcast %add3A_593 : i32 to vector<16xi32>
        %add3A_595 = arith.addi %rem3A_84, %add3A_594 : vector<16xi32>
        %gather3A_596 = arith.constant 1 : i32
        %gather3A_597 = arith.constant 0 : i32
        %gather3A_598 = arith.constant 0 : i32
        %gather3A_599 = tpu.memref_slice %arg7[%gather3A_596, %gather3A_597, %gather3A_598] : memref<2x128x64xf32, #tpu.memory_space<vmem>> -> memref<1x128x64xf32, #tpu.memory_space<vmem>>
        %gather3A_600 = tpu.memref_squeeze %gather3A_599 : memref<1x128x64xf32, #tpu.memory_space<vmem>> -> memref<128x64xf32, #tpu.memory_space<vmem>>
        %gather3A_601 = tpu.vector_load_idx %gather3A_600[%add3A_308, %add3A_595] : memref<128x64xf32, #tpu.memory_space<vmem>>[vector<16xi32>, vector<16xi32>], vector<16xf32>,
        %shift_right_arithmetic3A_602 = arith.constant 3 : i32
        %shift_right_arithmetic3A_603 = vector.broadcast %shift_right_arithmetic3A_602 : i32 to vector<16xi32>
        %shift_right_arithmetic3A_604 = arith.shrsi %add3A_595, %shift_right_arithmetic3A_603 : vector<16xi32>
        %and3A_605 = arith.constant 7 : i32
        %and3A_606 = vector.broadcast %and3A_605 : i32 to vector<16xi32>
        %and3A_607 = arith.andi %add3A_595, %and3A_606 : vector<16xi32>
        %mul3A_608 = arith.constant 8.000000e+00 : f32
        %mul3A_609 = vector.broadcast %mul3A_608 : f32 to vector<16xf32>
        %mul3A_610 = arith.mulf %gather3A_601, %mul3A_609 : vector<16xf32>
        %scatter3A_611 = arith.constant 1 : i32
        %scatter3A_612 = arith.constant 0 : i32
        %scatter3A_613 = arith.constant 0 : i32
        %scatter3A_614 = arith.constant 0 : i32
        %scatter3A_615 = tpu.memref_slice %arg8[%scatter3A_611, %scatter3A_612, %scatter3A_613, %scatter3A_614] : memref<2x8x8x128xf32, #tpu.memory_space<vmem>> -> memref<1x8x8x128xf32, #tpu.memory_space<vmem>>
        %scatter3A_616 = tpu.memref_squeeze %scatter3A_615 : memref<1x8x8x128xf32, #tpu.memory_space<vmem>> -> memref<8x8x128xf32, #tpu.memory_space<vmem>>
        tpu.vector_store_idx %scatter3A_616[%shift_right_arithmetic3A_604, %and3A_607, %add3A_308], %mul3A_610 : memref<8x8x128xf32, #tpu.memory_space<vmem>>[vector<16xi32>, vector<16xi32>, vector<16xi32>], vector<16xf32>,
        %add3A_617 = arith.constant 0 : i32
        %add3A_618 = vector.broadcast %add3A_617 : i32 to vector<16xi32>
        %add3A_619 = arith.addi %rem3A_90, %add3A_618 : vector<16xi32>
        %gather3A_620 = arith.constant 1 : i32
        %gather3A_621 = arith.constant 0 : i32
        %gather3A_622 = arith.constant 0 : i32
        %gather3A_623 = tpu.memref_slice %arg7[%gather3A_620, %gather3A_621, %gather3A_622] : memref<2x128x64xf32, #tpu.memory_space<vmem>> -> memref<1x128x64xf32, #tpu.memory_space<vmem>>
        %gather3A_624 = tpu.memref_squeeze %gather3A_623 : memref<1x128x64xf32, #tpu.memory_space<vmem>> -> memref<128x64xf32, #tpu.memory_space<vmem>>
        %gather3A_625 = tpu.vector_load_idx %gather3A_624[%add3A_308, %add3A_619] : memref<128x64xf32, #tpu.memory_space<vmem>>[vector<16xi32>, vector<16xi32>], vector<16xf32>,
        %shift_right_arithmetic3A_626 = arith.constant 3 : i32
        %shift_right_arithmetic3A_627 = vector.broadcast %shift_right_arithmetic3A_626 : i32 to vector<16xi32>
        %shift_right_arithmetic3A_628 = arith.shrsi %add3A_619, %shift_right_arithmetic3A_627 : vector<16xi32>
        %and3A_629 = arith.constant 7 : i32
        %and3A_630 = vector.broadcast %and3A_629 : i32 to vector<16xi32>
        %and3A_631 = arith.andi %add3A_619, %and3A_630 : vector<16xi32>
        %mul3A_632 = arith.constant 8.000000e+00 : f32
        %mul3A_633 = vector.broadcast %mul3A_632 : f32 to vector<16xf32>
        %mul3A_634 = arith.mulf %gather3A_625, %mul3A_633 : vector<16xf32>
        %scatter3A_635 = arith.constant 1 : i32
        %scatter3A_636 = arith.constant 0 : i32
        %scatter3A_637 = arith.constant 0 : i32
        %scatter3A_638 = arith.constant 0 : i32
        %scatter3A_639 = tpu.memref_slice %arg8[%scatter3A_635, %scatter3A_636, %scatter3A_637, %scatter3A_638] : memref<2x8x8x128xf32, #tpu.memory_space<vmem>> -> memref<1x8x8x128xf32, #tpu.memory_space<vmem>>
        %scatter3A_640 = tpu.memref_squeeze %scatter3A_639 : memref<1x8x8x128xf32, #tpu.memory_space<vmem>> -> memref<8x8x128xf32, #tpu.memory_space<vmem>>
        tpu.vector_store_idx %scatter3A_640[%shift_right_arithmetic3A_628, %and3A_631, %add3A_308], %mul3A_634 : memref<8x8x128xf32, #tpu.memory_space<vmem>>[vector<16xi32>, vector<16xi32>, vector<16xi32>], vector<16xf32>,
        %add3A_641 = arith.constant 0 : i32
        %add3A_642 = vector.broadcast %add3A_641 : i32 to vector<16xi32>
        %add3A_643 = arith.addi %rem3A_96, %add3A_642 : vector<16xi32>
        %gather3A_644 = arith.constant 1 : i32
        %gather3A_645 = arith.constant 0 : i32
        %gather3A_646 = arith.constant 0 : i32
        %gather3A_647 = tpu.memref_slice %arg7[%gather3A_644, %gather3A_645, %gather3A_646] : memref<2x128x64xf32, #tpu.memory_space<vmem>> -> memref<1x128x64xf32, #tpu.memory_space<vmem>>
        %gather3A_648 = tpu.memref_squeeze %gather3A_647 : memref<1x128x64xf32, #tpu.memory_space<vmem>> -> memref<128x64xf32, #tpu.memory_space<vmem>>
        %gather3A_649 = tpu.vector_load_idx %gather3A_648[%add3A_308, %add3A_643] : memref<128x64xf32, #tpu.memory_space<vmem>>[vector<16xi32>, vector<16xi32>], vector<16xf32>,
        %shift_right_arithmetic3A_650 = arith.constant 3 : i32
        %shift_right_arithmetic3A_651 = vector.broadcast %shift_right_arithmetic3A_650 : i32 to vector<16xi32>
        %shift_right_arithmetic3A_652 = arith.shrsi %add3A_643, %shift_right_arithmetic3A_651 : vector<16xi32>
        %and3A_653 = arith.constant 7 : i32
        %and3A_654 = vector.broadcast %and3A_653 : i32 to vector<16xi32>
        %and3A_655 = arith.andi %add3A_643, %and3A_654 : vector<16xi32>
        %mul3A_656 = arith.constant 8.000000e+00 : f32
        %mul3A_657 = vector.broadcast %mul3A_656 : f32 to vector<16xf32>
        %mul3A_658 = arith.mulf %gather3A_649, %mul3A_657 : vector<16xf32>
        %scatter3A_659 = arith.constant 1 : i32
        %scatter3A_660 = arith.constant 0 : i32
        %scatter3A_661 = arith.constant 0 : i32
        %scatter3A_662 = arith.constant 0 : i32
        %scatter3A_663 = tpu.memref_slice %arg8[%scatter3A_659, %scatter3A_660, %scatter3A_661, %scatter3A_662] : memref<2x8x8x128xf32, #tpu.memory_space<vmem>> -> memref<1x8x8x128xf32, #tpu.memory_space<vmem>>
        %scatter3A_664 = tpu.memref_squeeze %scatter3A_663 : memref<1x8x8x128xf32, #tpu.memory_space<vmem>> -> memref<8x8x128xf32, #tpu.memory_space<vmem>>
        tpu.vector_store_idx %scatter3A_664[%shift_right_arithmetic3A_652, %and3A_655, %add3A_308], %mul3A_658 : memref<8x8x128xf32, #tpu.memory_space<vmem>>[vector<16xi32>, vector<16xi32>, vector<16xi32>], vector<16xf32>,
        %add3A_665 = arith.constant 0 : i32
        %add3A_666 = vector.broadcast %add3A_665 : i32 to vector<16xi32>
        %add3A_667 = arith.addi %rem3A_102, %add3A_666 : vector<16xi32>
        %gather3A_668 = arith.constant 1 : i32
        %gather3A_669 = arith.constant 0 : i32
        %gather3A_670 = arith.constant 0 : i32
        %gather3A_671 = tpu.memref_slice %arg7[%gather3A_668, %gather3A_669, %gather3A_670] : memref<2x128x64xf32, #tpu.memory_space<vmem>> -> memref<1x128x64xf32, #tpu.memory_space<vmem>>
        %gather3A_672 = tpu.memref_squeeze %gather3A_671 : memref<1x128x64xf32, #tpu.memory_space<vmem>> -> memref<128x64xf32, #tpu.memory_space<vmem>>
        %gather3A_673 = tpu.vector_load_idx %gather3A_672[%add3A_308, %add3A_667] : memref<128x64xf32, #tpu.memory_space<vmem>>[vector<16xi32>, vector<16xi32>], vector<16xf32>,
        %shift_right_arithmetic3A_674 = arith.constant 3 : i32
        %shift_right_arithmetic3A_675 = vector.broadcast %shift_right_arithmetic3A_674 : i32 to vector<16xi32>
        %shift_right_arithmetic3A_676 = arith.shrsi %add3A_667, %shift_right_arithmetic3A_675 : vector<16xi32>
        %and3A_677 = arith.constant 7 : i32
        %and3A_678 = vector.broadcast %and3A_677 : i32 to vector<16xi32>
        %and3A_679 = arith.andi %add3A_667, %and3A_678 : vector<16xi32>
        %mul3A_680 = arith.constant 8.000000e+00 : f32
        %mul3A_681 = vector.broadcast %mul3A_680 : f32 to vector<16xf32>
        %mul3A_682 = arith.mulf %gather3A_673, %mul3A_681 : vector<16xf32>
        %scatter3A_683 = arith.constant 1 : i32
        %scatter3A_684 = arith.constant 0 : i32
        %scatter3A_685 = arith.constant 0 : i32
        %scatter3A_686 = arith.constant 0 : i32
        %scatter3A_687 = tpu.memref_slice %arg8[%scatter3A_683, %scatter3A_684, %scatter3A_685, %scatter3A_686] : memref<2x8x8x128xf32, #tpu.memory_space<vmem>> -> memref<1x8x8x128xf32, #tpu.memory_space<vmem>>
        %scatter3A_688 = tpu.memref_squeeze %scatter3A_687 : memref<1x8x8x128xf32, #tpu.memory_space<vmem>> -> memref<8x8x128xf32, #tpu.memory_space<vmem>>
        tpu.vector_store_idx %scatter3A_688[%shift_right_arithmetic3A_676, %and3A_679, %add3A_308], %mul3A_682 : memref<8x8x128xf32, #tpu.memory_space<vmem>>[vector<16xi32>, vector<16xi32>, vector<16xi32>], vector<16xf32>,
        %add3A_689 = arith.constant 16 : i32
        %add3A_690 = vector.broadcast %add3A_689 : i32 to vector<16xi32>
        %add3A_691 = arith.addi %rem3A_12, %add3A_690 : vector<16xi32>
        %gather3A_692 = arith.constant 1 : i32
        %gather3A_693 = arith.constant 0 : i32
        %gather3A_694 = arith.constant 0 : i32
        %gather3A_695 = tpu.memref_slice %arg7[%gather3A_692, %gather3A_693, %gather3A_694] : memref<2x128x64xf32, #tpu.memory_space<vmem>> -> memref<1x128x64xf32, #tpu.memory_space<vmem>>
        %gather3A_696 = tpu.memref_squeeze %gather3A_695 : memref<1x128x64xf32, #tpu.memory_space<vmem>> -> memref<128x64xf32, #tpu.memory_space<vmem>>
        %gather3A_697 = tpu.vector_load_idx %gather3A_696[%add3A_308, %add3A_691] : memref<128x64xf32, #tpu.memory_space<vmem>>[vector<16xi32>, vector<16xi32>], vector<16xf32>,
        %shift_right_arithmetic3A_698 = arith.constant 3 : i32
        %shift_right_arithmetic3A_699 = vector.broadcast %shift_right_arithmetic3A_698 : i32 to vector<16xi32>
        %shift_right_arithmetic3A_700 = arith.shrsi %add3A_691, %shift_right_arithmetic3A_699 : vector<16xi32>
        %and3A_701 = arith.constant 7 : i32
        %and3A_702 = vector.broadcast %and3A_701 : i32 to vector<16xi32>
        %and3A_703 = arith.andi %add3A_691, %and3A_702 : vector<16xi32>
        %mul3A_704 = arith.constant 8.000000e+00 : f32
        %mul3A_705 = vector.broadcast %mul3A_704 : f32 to vector<16xf32>
        %mul3A_706 = arith.mulf %gather3A_697, %mul3A_705 : vector<16xf32>
        %scatter3A_707 = arith.constant 1 : i32
        %scatter3A_708 = arith.constant 0 : i32
        %scatter3A_709 = arith.constant 0 : i32
        %scatter3A_710 = arith.constant 0 : i32
        %scatter3A_711 = tpu.memref_slice %arg8[%scatter3A_707, %scatter3A_708, %scatter3A_709, %scatter3A_710] : memref<2x8x8x128xf32, #tpu.memory_space<vmem>> -> memref<1x8x8x128xf32, #tpu.memory_space<vmem>>
        %scatter3A_712 = tpu.memref_squeeze %scatter3A_711 : memref<1x8x8x128xf32, #tpu.memory_space<vmem>> -> memref<8x8x128xf32, #tpu.memory_space<vmem>>
        tpu.vector_store_idx %scatter3A_712[%shift_right_arithmetic3A_700, %and3A_703, %add3A_308], %mul3A_706 : memref<8x8x128xf32, #tpu.memory_space<vmem>>[vector<16xi32>, vector<16xi32>, vector<16xi32>], vector<16xf32>,
        %add3A_713 = arith.constant 16 : i32
        %add3A_714 = vector.broadcast %add3A_713 : i32 to vector<16xi32>
        %add3A_715 = arith.addi %rem3A_18, %add3A_714 : vector<16xi32>
        %gather3A_716 = arith.constant 1 : i32
        %gather3A_717 = arith.constant 0 : i32
        %gather3A_718 = arith.constant 0 : i32
        %gather3A_719 = tpu.memref_slice %arg7[%gather3A_716, %gather3A_717, %gather3A_718] : memref<2x128x64xf32, #tpu.memory_space<vmem>> -> memref<1x128x64xf32, #tpu.memory_space<vmem>>
        %gather3A_720 = tpu.memref_squeeze %gather3A_719 : memref<1x128x64xf32, #tpu.memory_space<vmem>> -> memref<128x64xf32, #tpu.memory_space<vmem>>
        %gather3A_721 = tpu.vector_load_idx %gather3A_720[%add3A_308, %add3A_715] : memref<128x64xf32, #tpu.memory_space<vmem>>[vector<16xi32>, vector<16xi32>], vector<16xf32>,
        %shift_right_arithmetic3A_722 = arith.constant 3 : i32
        %shift_right_arithmetic3A_723 = vector.broadcast %shift_right_arithmetic3A_722 : i32 to vector<16xi32>
        %shift_right_arithmetic3A_724 = arith.shrsi %add3A_715, %shift_right_arithmetic3A_723 : vector<16xi32>
        %and3A_725 = arith.constant 7 : i32
        %and3A_726 = vector.broadcast %and3A_725 : i32 to vector<16xi32>
        %and3A_727 = arith.andi %add3A_715, %and3A_726 : vector<16xi32>
        %mul3A_728 = arith.constant 8.000000e+00 : f32
        %mul3A_729 = vector.broadcast %mul3A_728 : f32 to vector<16xf32>
        %mul3A_730 = arith.mulf %gather3A_721, %mul3A_729 : vector<16xf32>
        %scatter3A_731 = arith.constant 1 : i32
        %scatter3A_732 = arith.constant 0 : i32
        %scatter3A_733 = arith.constant 0 : i32
        %scatter3A_734 = arith.constant 0 : i32
        %scatter3A_735 = tpu.memref_slice %arg8[%scatter3A_731, %scatter3A_732, %scatter3A_733, %scatter3A_734] : memref<2x8x8x128xf32, #tpu.memory_space<vmem>> -> memref<1x8x8x128xf32, #tpu.memory_space<vmem>>
        %scatter3A_736 = tpu.memref_squeeze %scatter3A_735 : memref<1x8x8x128xf32, #tpu.memory_space<vmem>> -> memref<8x8x128xf32, #tpu.memory_space<vmem>>
        tpu.vector_store_idx %scatter3A_736[%shift_right_arithmetic3A_724, %and3A_727, %add3A_308], %mul3A_730 : memref<8x8x128xf32, #tpu.memory_space<vmem>>[vector<16xi32>, vector<16xi32>, vector<16xi32>], vector<16xf32>,
        %add3A_737 = arith.constant 16 : i32
        %add3A_738 = vector.broadcast %add3A_737 : i32 to vector<16xi32>
        %add3A_739 = arith.addi %rem3A_24, %add3A_738 : vector<16xi32>
        %gather3A_740 = arith.constant 1 : i32
        %gather3A_741 = arith.constant 0 : i32
        %gather3A_742 = arith.constant 0 : i32
        %gather3A_743 = tpu.memref_slice %arg7[%gather3A_740, %gather3A_741, %gather3A_742] : memref<2x128x64xf32, #tpu.memory_space<vmem>> -> memref<1x128x64xf32, #tpu.memory_space<vmem>>
        %gather3A_744 = tpu.memref_squeeze %gather3A_743 : memref<1x128x64xf32, #tpu.memory_space<vmem>> -> memref<128x64xf32, #tpu.memory_space<vmem>>
        %gather3A_745 = tpu.vector_load_idx %gather3A_744[%add3A_308, %add3A_739] : memref<128x64xf32, #tpu.memory_space<vmem>>[vector<16xi32>, vector<16xi32>], vector<16xf32>,
        %shift_right_arithmetic3A_746 = arith.constant 3 : i32
        %shift_right_arithmetic3A_747 = vector.broadcast %shift_right_arithmetic3A_746 : i32 to vector<16xi32>
        %shift_right_arithmetic3A_748 = arith.shrsi %add3A_739, %shift_right_arithmetic3A_747 : vector<16xi32>
        %and3A_749 = arith.constant 7 : i32
        %and3A_750 = vector.broadcast %and3A_749 : i32 to vector<16xi32>
        %and3A_751 = arith.andi %add3A_739, %and3A_750 : vector<16xi32>
        %mul3A_752 = arith.constant 8.000000e+00 : f32
        %mul3A_753 = vector.broadcast %mul3A_752 : f32 to vector<16xf32>
        %mul3A_754 = arith.mulf %gather3A_745, %mul3A_753 : vector<16xf32>
        %scatter3A_755 = arith.constant 1 : i32
        %scatter3A_756 = arith.constant 0 : i32
        %scatter3A_757 = arith.constant 0 : i32
        %scatter3A_758 = arith.constant 0 : i32
        %scatter3A_759 = tpu.memref_slice %arg8[%scatter3A_755, %scatter3A_756, %scatter3A_757, %scatter3A_758] : memref<2x8x8x128xf32, #tpu.memory_space<vmem>> -> memref<1x8x8x128xf32, #tpu.memory_space<vmem>>
        %scatter3A_760 = tpu.memref_squeeze %scatter3A_759 : memref<1x8x8x128xf32, #tpu.memory_space<vmem>> -> memref<8x8x128xf32, #tpu.memory_space<vmem>>
        tpu.vector_store_idx %scatter3A_760[%shift_right_arithmetic3A_748, %and3A_751, %add3A_308], %mul3A_754 : memref<8x8x128xf32, #tpu.memory_space<vmem>>[vector<16xi32>, vector<16xi32>, vector<16xi32>], vector<16xf32>,
        %add3A_761 = arith.constant 16 : i32
        %add3A_762 = vector.broadcast %add3A_761 : i32 to vector<16xi32>
        %add3A_763 = arith.addi %rem3A_30, %add3A_762 : vector<16xi32>
        %gather3A_764 = arith.constant 1 : i32
        %gather3A_765 = arith.constant 0 : i32
        %gather3A_766 = arith.constant 0 : i32
        %gather3A_767 = tpu.memref_slice %arg7[%gather3A_764, %gather3A_765, %gather3A_766] : memref<2x128x64xf32, #tpu.memory_space<vmem>> -> memref<1x128x64xf32, #tpu.memory_space<vmem>>
        %gather3A_768 = tpu.memref_squeeze %gather3A_767 : memref<1x128x64xf32, #tpu.memory_space<vmem>> -> memref<128x64xf32, #tpu.memory_space<vmem>>
        %gather3A_769 = tpu.vector_load_idx %gather3A_768[%add3A_308, %add3A_763] : memref<128x64xf32, #tpu.memory_space<vmem>>[vector<16xi32>, vector<16xi32>], vector<16xf32>,
        %shift_right_arithmetic3A_770 = arith.constant 3 : i32
        %shift_right_arithmetic3A_771 = vector.broadcast %shift_right_arithmetic3A_770 : i32 to vector<16xi32>
        %shift_right_arithmetic3A_772 = arith.shrsi %add3A_763, %shift_right_arithmetic3A_771 : vector<16xi32>
        %and3A_773 = arith.constant 7 : i32
        %and3A_774 = vector.broadcast %and3A_773 : i32 to vector<16xi32>
        %and3A_775 = arith.andi %add3A_763, %and3A_774 : vector<16xi32>
        %mul3A_776 = arith.constant 8.000000e+00 : f32
        %mul3A_777 = vector.broadcast %mul3A_776 : f32 to vector<16xf32>
        %mul3A_778 = arith.mulf %gather3A_769, %mul3A_777 : vector<16xf32>
        %scatter3A_779 = arith.constant 1 : i32
        %scatter3A_780 = arith.constant 0 : i32
        %scatter3A_781 = arith.constant 0 : i32
        %scatter3A_782 = arith.constant 0 : i32
        %scatter3A_783 = tpu.memref_slice %arg8[%scatter3A_779, %scatter3A_780, %scatter3A_781, %scatter3A_782] : memref<2x8x8x128xf32, #tpu.memory_space<vmem>> -> memref<1x8x8x128xf32, #tpu.memory_space<vmem>>
        %scatter3A_784 = tpu.memref_squeeze %scatter3A_783 : memref<1x8x8x128xf32, #tpu.memory_space<vmem>> -> memref<8x8x128xf32, #tpu.memory_space<vmem>>
        tpu.vector_store_idx %scatter3A_784[%shift_right_arithmetic3A_772, %and3A_775, %add3A_308], %mul3A_778 : memref<8x8x128xf32, #tpu.memory_space<vmem>>[vector<16xi32>, vector<16xi32>, vector<16xi32>], vector<16xf32>,
        %add3A_785 = arith.constant 16 : i32
        %add3A_786 = vector.broadcast %add3A_785 : i32 to vector<16xi32>
        %add3A_787 = arith.addi %rem3A_36, %add3A_786 : vector<16xi32>
        %gather3A_788 = arith.constant 1 : i32
        %gather3A_789 = arith.constant 0 : i32
        %gather3A_790 = arith.constant 0 : i32
        %gather3A_791 = tpu.memref_slice %arg7[%gather3A_788, %gather3A_789, %gather3A_790] : memref<2x128x64xf32, #tpu.memory_space<vmem>> -> memref<1x128x64xf32, #tpu.memory_space<vmem>>
        %gather3A_792 = tpu.memref_squeeze %gather3A_791 : memref<1x128x64xf32, #tpu.memory_space<vmem>> -> memref<128x64xf32, #tpu.memory_space<vmem>>
        %gather3A_793 = tpu.vector_load_idx %gather3A_792[%add3A_308, %add3A_787] : memref<128x64xf32, #tpu.memory_space<vmem>>[vector<16xi32>, vector<16xi32>], vector<16xf32>,
        %shift_right_arithmetic3A_794 = arith.constant 3 : i32
        %shift_right_arithmetic3A_795 = vector.broadcast %shift_right_arithmetic3A_794 : i32 to vector<16xi32>
        %shift_right_arithmetic3A_796 = arith.shrsi %add3A_787, %shift_right_arithmetic3A_795 : vector<16xi32>
        %and3A_797 = arith.constant 7 : i32
        %and3A_798 = vector.broadcast %and3A_797 : i32 to vector<16xi32>
        %and3A_799 = arith.andi %add3A_787, %and3A_798 : vector<16xi32>
        %mul3A_800 = arith.constant 8.000000e+00 : f32
        %mul3A_801 = vector.broadcast %mul3A_800 : f32 to vector<16xf32>
        %mul3A_802 = arith.mulf %gather3A_793, %mul3A_801 : vector<16xf32>
        %scatter3A_803 = arith.constant 1 : i32
        %scatter3A_804 = arith.constant 0 : i32
        %scatter3A_805 = arith.constant 0 : i32
        %scatter3A_806 = arith.constant 0 : i32
        %scatter3A_807 = tpu.memref_slice %arg8[%scatter3A_803, %scatter3A_804, %scatter3A_805, %scatter3A_806] : memref<2x8x8x128xf32, #tpu.memory_space<vmem>> -> memref<1x8x8x128xf32, #tpu.memory_space<vmem>>
        %scatter3A_808 = tpu.memref_squeeze %scatter3A_807 : memref<1x8x8x128xf32, #tpu.memory_space<vmem>> -> memref<8x8x128xf32, #tpu.memory_space<vmem>>
        tpu.vector_store_idx %scatter3A_808[%shift_right_arithmetic3A_796, %and3A_799, %add3A_308], %mul3A_802 : memref<8x8x128xf32, #tpu.memory_space<vmem>>[vector<16xi32>, vector<16xi32>, vector<16xi32>], vector<16xf32>,
        %add3A_809 = arith.constant 16 : i32
        %add3A_810 = vector.broadcast %add3A_809 : i32 to vector<16xi32>
        %add3A_811 = arith.addi %rem3A_42, %add3A_810 : vector<16xi32>
        %gather3A_812 = arith.constant 1 : i32
        %gather3A_813 = arith.constant 0 : i32
        %gather3A_814 = arith.constant 0 : i32
        %gather3A_815 = tpu.memref_slice %arg7[%gather3A_812, %gather3A_813, %gather3A_814] : memref<2x128x64xf32, #tpu.memory_space<vmem>> -> memref<1x128x64xf32, #tpu.memory_space<vmem>>
        %gather3A_816 = tpu.memref_squeeze %gather3A_815 : memref<1x128x64xf32, #tpu.memory_space<vmem>> -> memref<128x64xf32, #tpu.memory_space<vmem>>
        %gather3A_817 = tpu.vector_load_idx %gather3A_816[%add3A_308, %add3A_811] : memref<128x64xf32, #tpu.memory_space<vmem>>[vector<16xi32>, vector<16xi32>], vector<16xf32>,
        %shift_right_arithmetic3A_818 = arith.constant 3 : i32
        %shift_right_arithmetic3A_819 = vector.broadcast %shift_right_arithmetic3A_818 : i32 to vector<16xi32>
        %shift_right_arithmetic3A_820 = arith.shrsi %add3A_811, %shift_right_arithmetic3A_819 : vector<16xi32>
        %and3A_821 = arith.constant 7 : i32
        %and3A_822 = vector.broadcast %and3A_821 : i32 to vector<16xi32>
        %and3A_823 = arith.andi %add3A_811, %and3A_822 : vector<16xi32>
        %mul3A_824 = arith.constant 8.000000e+00 : f32
        %mul3A_825 = vector.broadcast %mul3A_824 : f32 to vector<16xf32>
        %mul3A_826 = arith.mulf %gather3A_817, %mul3A_825 : vector<16xf32>
        %scatter3A_827 = arith.constant 1 : i32
        %scatter3A_828 = arith.constant 0 : i32
        %scatter3A_829 = arith.constant 0 : i32
        %scatter3A_830 = arith.constant 0 : i32
        %scatter3A_831 = tpu.memref_slice %arg8[%scatter3A_827, %scatter3A_828, %scatter3A_829, %scatter3A_830] : memref<2x8x8x128xf32, #tpu.memory_space<vmem>> -> memref<1x8x8x128xf32, #tpu.memory_space<vmem>>
        %scatter3A_832 = tpu.memref_squeeze %scatter3A_831 : memref<1x8x8x128xf32, #tpu.memory_space<vmem>> -> memref<8x8x128xf32, #tpu.memory_space<vmem>>
        tpu.vector_store_idx %scatter3A_832[%shift_right_arithmetic3A_820, %and3A_823, %add3A_308], %mul3A_826 : memref<8x8x128xf32, #tpu.memory_space<vmem>>[vector<16xi32>, vector<16xi32>, vector<16xi32>], vector<16xf32>,
        %add3A_833 = arith.constant 16 : i32
        %add3A_834 = vector.broadcast %add3A_833 : i32 to vector<16xi32>
        %add3A_835 = arith.addi %rem3A_48, %add3A_834 : vector<16xi32>
        %gather3A_836 = arith.constant 1 : i32
        %gather3A_837 = arith.constant 0 : i32
        %gather3A_838 = arith.constant 0 : i32
        %gather3A_839 = tpu.memref_slice %arg7[%gather3A_836, %gather3A_837, %gather3A_838] : memref<2x128x64xf32, #tpu.memory_space<vmem>> -> memref<1x128x64xf32, #tpu.memory_space<vmem>>
        %gather3A_840 = tpu.memref_squeeze %gather3A_839 : memref<1x128x64xf32, #tpu.memory_space<vmem>> -> memref<128x64xf32, #tpu.memory_space<vmem>>
        %gather3A_841 = tpu.vector_load_idx %gather3A_840[%add3A_308, %add3A_835] : memref<128x64xf32, #tpu.memory_space<vmem>>[vector<16xi32>, vector<16xi32>], vector<16xf32>,
        %shift_right_arithmetic3A_842 = arith.constant 3 : i32
        %shift_right_arithmetic3A_843 = vector.broadcast %shift_right_arithmetic3A_842 : i32 to vector<16xi32>
        %shift_right_arithmetic3A_844 = arith.shrsi %add3A_835, %shift_right_arithmetic3A_843 : vector<16xi32>
        %and3A_845 = arith.constant 7 : i32
        %and3A_846 = vector.broadcast %and3A_845 : i32 to vector<16xi32>
        %and3A_847 = arith.andi %add3A_835, %and3A_846 : vector<16xi32>
        %mul3A_848 = arith.constant 8.000000e+00 : f32
        %mul3A_849 = vector.broadcast %mul3A_848 : f32 to vector<16xf32>
        %mul3A_850 = arith.mulf %gather3A_841, %mul3A_849 : vector<16xf32>
        %scatter3A_851 = arith.constant 1 : i32
        %scatter3A_852 = arith.constant 0 : i32
        %scatter3A_853 = arith.constant 0 : i32
        %scatter3A_854 = arith.constant 0 : i32
        %scatter3A_855 = tpu.memref_slice %arg8[%scatter3A_851, %scatter3A_852, %scatter3A_853, %scatter3A_854] : memref<2x8x8x128xf32, #tpu.memory_space<vmem>> -> memref<1x8x8x128xf32, #tpu.memory_space<vmem>>
        %scatter3A_856 = tpu.memref_squeeze %scatter3A_855 : memref<1x8x8x128xf32, #tpu.memory_space<vmem>> -> memref<8x8x128xf32, #tpu.memory_space<vmem>>
        tpu.vector_store_idx %scatter3A_856[%shift_right_arithmetic3A_844, %and3A_847, %add3A_308], %mul3A_850 : memref<8x8x128xf32, #tpu.memory_space<vmem>>[vector<16xi32>, vector<16xi32>, vector<16xi32>], vector<16xf32>,
        %add3A_857 = arith.constant 16 : i32
        %add3A_858 = vector.broadcast %add3A_857 : i32 to vector<16xi32>
        %add3A_859 = arith.addi %rem3A_54, %add3A_858 : vector<16xi32>
        %gather3A_860 = arith.constant 1 : i32
        %gather3A_861 = arith.constant 0 : i32
        %gather3A_862 = arith.constant 0 : i32
        %gather3A_863 = tpu.memref_slice %arg7[%gather3A_860, %gather3A_861, %gather3A_862] : memref<2x128x64xf32, #tpu.memory_space<vmem>> -> memref<1x128x64xf32, #tpu.memory_space<vmem>>
        %gather3A_864 = tpu.memref_squeeze %gather3A_863 : memref<1x128x64xf32, #tpu.memory_space<vmem>> -> memref<128x64xf32, #tpu.memory_space<vmem>>
        %gather3A_865 = tpu.vector_load_idx %gather3A_864[%add3A_308, %add3A_859] : memref<128x64xf32, #tpu.memory_space<vmem>>[vector<16xi32>, vector<16xi32>], vector<16xf32>,
        %shift_right_arithmetic3A_866 = arith.constant 3 : i32
        %shift_right_arithmetic3A_867 = vector.broadcast %shift_right_arithmetic3A_866 : i32 to vector<16xi32>
        %shift_right_arithmetic3A_868 = arith.shrsi %add3A_859, %shift_right_arithmetic3A_867 : vector<16xi32>
        %and3A_869 = arith.constant 7 : i32
        %and3A_870 = vector.broadcast %and3A_869 : i32 to vector<16xi32>
        %and3A_871 = arith.andi %add3A_859, %and3A_870 : vector<16xi32>
        %mul3A_872 = arith.constant 8.000000e+00 : f32
        %mul3A_873 = vector.broadcast %mul3A_872 : f32 to vector<16xf32>
        %mul3A_874 = arith.mulf %gather3A_865, %mul3A_873 : vector<16xf32>
        %scatter3A_875 = arith.constant 1 : i32
        %scatter3A_876 = arith.constant 0 : i32
        %scatter3A_877 = arith.constant 0 : i32
        %scatter3A_878 = arith.constant 0 : i32
        %scatter3A_879 = tpu.memref_slice %arg8[%scatter3A_875, %scatter3A_876, %scatter3A_877, %scatter3A_878] : memref<2x8x8x128xf32, #tpu.memory_space<vmem>> -> memref<1x8x8x128xf32, #tpu.memory_space<vmem>>
        %scatter3A_880 = tpu.memref_squeeze %scatter3A_879 : memref<1x8x8x128xf32, #tpu.memory_space<vmem>> -> memref<8x8x128xf32, #tpu.memory_space<vmem>>
        tpu.vector_store_idx %scatter3A_880[%shift_right_arithmetic3A_868, %and3A_871, %add3A_308], %mul3A_874 : memref<8x8x128xf32, #tpu.memory_space<vmem>>[vector<16xi32>, vector<16xi32>, vector<16xi32>], vector<16xf32>,
        %add3A_881 = arith.constant 16 : i32
        %add3A_882 = vector.broadcast %add3A_881 : i32 to vector<16xi32>
        %add3A_883 = arith.addi %rem3A_60, %add3A_882 : vector<16xi32>
        %gather3A_884 = arith.constant 1 : i32
        %gather3A_885 = arith.constant 0 : i32
        %gather3A_886 = arith.constant 0 : i32
        %gather3A_887 = tpu.memref_slice %arg7[%gather3A_884, %gather3A_885, %gather3A_886] : memref<2x128x64xf32, #tpu.memory_space<vmem>> -> memref<1x128x64xf32, #tpu.memory_space<vmem>>
        %gather3A_888 = tpu.memref_squeeze %gather3A_887 : memref<1x128x64xf32, #tpu.memory_space<vmem>> -> memref<128x64xf32, #tpu.memory_space<vmem>>
        %gather3A_889 = tpu.vector_load_idx %gather3A_888[%add3A_308, %add3A_883] : memref<128x64xf32, #tpu.memory_space<vmem>>[vector<16xi32>, vector<16xi32>], vector<16xf32>,
        %shift_right_arithmetic3A_890 = arith.constant 3 : i32
        %shift_right_arithmetic3A_891 = vector.broadcast %shift_right_arithmetic3A_890 : i32 to vector<16xi32>
        %shift_right_arithmetic3A_892 = arith.shrsi %add3A_883, %shift_right_arithmetic3A_891 : vector<16xi32>
        %and3A_893 = arith.constant 7 : i32
        %and3A_894 = vector.broadcast %and3A_893 : i32 to vector<16xi32>
        %and3A_895 = arith.andi %add3A_883, %and3A_894 : vector<16xi32>
        %mul3A_896 = arith.constant 8.000000e+00 : f32
        %mul3A_897 = vector.broadcast %mul3A_896 : f32 to vector<16xf32>
        %mul3A_898 = arith.mulf %gather3A_889, %mul3A_897 : vector<16xf32>
        %scatter3A_899 = arith.constant 1 : i32
        %scatter3A_900 = arith.constant 0 : i32
        %scatter3A_901 = arith.constant 0 : i32
        %scatter3A_902 = arith.constant 0 : i32
        %scatter3A_903 = tpu.memref_slice %arg8[%scatter3A_899, %scatter3A_900, %scatter3A_901, %scatter3A_902] : memref<2x8x8x128xf32, #tpu.memory_space<vmem>> -> memref<1x8x8x128xf32, #tpu.memory_space<vmem>>
        %scatter3A_904 = tpu.memref_squeeze %scatter3A_903 : memref<1x8x8x128xf32, #tpu.memory_space<vmem>> -> memref<8x8x128xf32, #tpu.memory_space<vmem>>
        tpu.vector_store_idx %scatter3A_904[%shift_right_arithmetic3A_892, %and3A_895, %add3A_308], %mul3A_898 : memref<8x8x128xf32, #tpu.memory_space<vmem>>[vector<16xi32>, vector<16xi32>, vector<16xi32>], vector<16xf32>,
        %add3A_905 = arith.constant 16 : i32
        %add3A_906 = vector.broadcast %add3A_905 : i32 to vector<16xi32>
        %add3A_907 = arith.addi %rem3A_66, %add3A_906 : vector<16xi32>
        %gather3A_908 = arith.constant 1 : i32
        %gather3A_909 = arith.constant 0 : i32
        %gather3A_910 = arith.constant 0 : i32
        %gather3A_911 = tpu.memref_slice %arg7[%gather3A_908, %gather3A_909, %gather3A_910] : memref<2x128x64xf32, #tpu.memory_space<vmem>> -> memref<1x128x64xf32, #tpu.memory_space<vmem>>
        %gather3A_912 = tpu.memref_squeeze %gather3A_911 : memref<1x128x64xf32, #tpu.memory_space<vmem>> -> memref<128x64xf32, #tpu.memory_space<vmem>>
        %gather3A_913 = tpu.vector_load_idx %gather3A_912[%add3A_308, %add3A_907] : memref<128x64xf32, #tpu.memory_space<vmem>>[vector<16xi32>, vector<16xi32>], vector<16xf32>,
        %shift_right_arithmetic3A_914 = arith.constant 3 : i32
        %shift_right_arithmetic3A_915 = vector.broadcast %shift_right_arithmetic3A_914 : i32 to vector<16xi32>
        %shift_right_arithmetic3A_916 = arith.shrsi %add3A_907, %shift_right_arithmetic3A_915 : vector<16xi32>
        %and3A_917 = arith.constant 7 : i32
        %and3A_918 = vector.broadcast %and3A_917 : i32 to vector<16xi32>
        %and3A_919 = arith.andi %add3A_907, %and3A_918 : vector<16xi32>
        %mul3A_920 = arith.constant 8.000000e+00 : f32
        %mul3A_921 = vector.broadcast %mul3A_920 : f32 to vector<16xf32>
        %mul3A_922 = arith.mulf %gather3A_913, %mul3A_921 : vector<16xf32>
        %scatter3A_923 = arith.constant 1 : i32
        %scatter3A_924 = arith.constant 0 : i32
        %scatter3A_925 = arith.constant 0 : i32
        %scatter3A_926 = arith.constant 0 : i32
        %scatter3A_927 = tpu.memref_slice %arg8[%scatter3A_923, %scatter3A_924, %scatter3A_925, %scatter3A_926] : memref<2x8x8x128xf32, #tpu.memory_space<vmem>> -> memref<1x8x8x128xf32, #tpu.memory_space<vmem>>
        %scatter3A_928 = tpu.memref_squeeze %scatter3A_927 : memref<1x8x8x128xf32, #tpu.memory_space<vmem>> -> memref<8x8x128xf32, #tpu.memory_space<vmem>>
        tpu.vector_store_idx %scatter3A_928[%shift_right_arithmetic3A_916, %and3A_919, %add3A_308], %mul3A_922 : memref<8x8x128xf32, #tpu.memory_space<vmem>>[vector<16xi32>, vector<16xi32>, vector<16xi32>], vector<16xf32>,
        %add3A_929 = arith.constant 16 : i32
        %add3A_930 = vector.broadcast %add3A_929 : i32 to vector<16xi32>
        %add3A_931 = arith.addi %rem3A_72, %add3A_930 : vector<16xi32>
        %gather3A_932 = arith.constant 1 : i32
        %gather3A_933 = arith.constant 0 : i32
        %gather3A_934 = arith.constant 0 : i32
        %gather3A_935 = tpu.memref_slice %arg7[%gather3A_932, %gather3A_933, %gather3A_934] : memref<2x128x64xf32, #tpu.memory_space<vmem>> -> memref<1x128x64xf32, #tpu.memory_space<vmem>>
        %gather3A_936 = tpu.memref_squeeze %gather3A_935 : memref<1x128x64xf32, #tpu.memory_space<vmem>> -> memref<128x64xf32, #tpu.memory_space<vmem>>
        %gather3A_937 = tpu.vector_load_idx %gather3A_936[%add3A_308, %add3A_931] : memref<128x64xf32, #tpu.memory_space<vmem>>[vector<16xi32>, vector<16xi32>], vector<16xf32>,
        %shift_right_arithmetic3A_938 = arith.constant 3 : i32
        %shift_right_arithmetic3A_939 = vector.broadcast %shift_right_arithmetic3A_938 : i32 to vector<16xi32>
        %shift_right_arithmetic3A_940 = arith.shrsi %add3A_931, %shift_right_arithmetic3A_939 : vector<16xi32>
        %and3A_941 = arith.constant 7 : i32
        %and3A_942 = vector.broadcast %and3A_941 : i32 to vector<16xi32>
        %and3A_943 = arith.andi %add3A_931, %and3A_942 : vector<16xi32>
        %mul3A_944 = arith.constant 8.000000e+00 : f32
        %mul3A_945 = vector.broadcast %mul3A_944 : f32 to vector<16xf32>
        %mul3A_946 = arith.mulf %gather3A_937, %mul3A_945 : vector<16xf32>
        %scatter3A_947 = arith.constant 1 : i32
        %scatter3A_948 = arith.constant 0 : i32
        %scatter3A_949 = arith.constant 0 : i32
        %scatter3A_950 = arith.constant 0 : i32
        %scatter3A_951 = tpu.memref_slice %arg8[%scatter3A_947, %scatter3A_948, %scatter3A_949, %scatter3A_950] : memref<2x8x8x128xf32, #tpu.memory_space<vmem>> -> memref<1x8x8x128xf32, #tpu.memory_space<vmem>>
        %scatter3A_952 = tpu.memref_squeeze %scatter3A_951 : memref<1x8x8x128xf32, #tpu.memory_space<vmem>> -> memref<8x8x128xf32, #tpu.memory_space<vmem>>
        tpu.vector_store_idx %scatter3A_952[%shift_right_arithmetic3A_940, %and3A_943, %add3A_308], %mul3A_946 : memref<8x8x128xf32, #tpu.memory_space<vmem>>[vector<16xi32>, vector<16xi32>, vector<16xi32>], vector<16xf32>,
        %add3A_953 = arith.constant 16 : i32
        %add3A_954 = vector.broadcast %add3A_953 : i32 to vector<16xi32>
        %add3A_955 = arith.addi %rem3A_78, %add3A_954 : vector<16xi32>
        %gather3A_956 = arith.constant 1 : i32
        %gather3A_957 = arith.constant 0 : i32
        %gather3A_958 = arith.constant 0 : i32
        %gather3A_959 = tpu.memref_slice %arg7[%gather3A_956, %gather3A_957, %gather3A_958] : memref<2x128x64xf32, #tpu.memory_space<vmem>> -> memref<1x128x64xf32, #tpu.memory_space<vmem>>
        %gather3A_960 = tpu.memref_squeeze %gather3A_959 : memref<1x128x64xf32, #tpu.memory_space<vmem>> -> memref<128x64xf32, #tpu.memory_space<vmem>>
        %gather3A_961 = tpu.vector_load_idx %gather3A_960[%add3A_308, %add3A_955] : memref<128x64xf32, #tpu.memory_space<vmem>>[vector<16xi32>, vector<16xi32>], vector<16xf32>,
        %shift_right_arithmetic3A_962 = arith.constant 3 : i32
        %shift_right_arithmetic3A_963 = vector.broadcast %shift_right_arithmetic3A_962 : i32 to vector<16xi32>
        %shift_right_arithmetic3A_964 = arith.shrsi %add3A_955, %shift_right_arithmetic3A_963 : vector<16xi32>
        %and3A_965 = arith.constant 7 : i32
        %and3A_966 = vector.broadcast %and3A_965 : i32 to vector<16xi32>
        %and3A_967 = arith.andi %add3A_955, %and3A_966 : vector<16xi32>
        %mul3A_968 = arith.constant 8.000000e+00 : f32
        %mul3A_969 = vector.broadcast %mul3A_968 : f32 to vector<16xf32>
        %mul3A_970 = arith.mulf %gather3A_961, %mul3A_969 : vector<16xf32>
        %scatter3A_971 = arith.constant 1 : i32
        %scatter3A_972 = arith.constant 0 : i32
        %scatter3A_973 = arith.constant 0 : i32
        %scatter3A_974 = arith.constant 0 : i32
        %scatter3A_975 = tpu.memref_slice %arg8[%scatter3A_971, %scatter3A_972, %scatter3A_973, %scatter3A_974] : memref<2x8x8x128xf32, #tpu.memory_space<vmem>> -> memref<1x8x8x128xf32, #tpu.memory_space<vmem>>
        %scatter3A_976 = tpu.memref_squeeze %scatter3A_975 : memref<1x8x8x128xf32, #tpu.memory_space<vmem>> -> memref<8x8x128xf32, #tpu.memory_space<vmem>>
        tpu.vector_store_idx %scatter3A_976[%shift_right_arithmetic3A_964, %and3A_967, %add3A_308], %mul3A_970 : memref<8x8x128xf32, #tpu.memory_space<vmem>>[vector<16xi32>, vector<16xi32>, vector<16xi32>], vector<16xf32>,
        %add3A_977 = arith.constant 16 : i32
        %add3A_978 = vector.broadcast %add3A_977 : i32 to vector<16xi32>
        %add3A_979 = arith.addi %rem3A_84, %add3A_978 : vector<16xi32>
        %gather3A_980 = arith.constant 1 : i32
        %gather3A_981 = arith.constant 0 : i32
        %gather3A_982 = arith.constant 0 : i32
        %gather3A_983 = tpu.memref_slice %arg7[%gather3A_980, %gather3A_981, %gather3A_982] : memref<2x128x64xf32, #tpu.memory_space<vmem>> -> memref<1x128x64xf32, #tpu.memory_space<vmem>>
        %gather3A_984 = tpu.memref_squeeze %gather3A_983 : memref<1x128x64xf32, #tpu.memory_space<vmem>> -> memref<128x64xf32, #tpu.memory_space<vmem>>
        %gather3A_985 = tpu.vector_load_idx %gather3A_984[%add3A_308, %add3A_979] : memref<128x64xf32, #tpu.memory_space<vmem>>[vector<16xi32>, vector<16xi32>], vector<16xf32>,
        %shift_right_arithmetic3A_986 = arith.constant 3 : i32
        %shift_right_arithmetic3A_987 = vector.broadcast %shift_right_arithmetic3A_986 : i32 to vector<16xi32>
        %shift_right_arithmetic3A_988 = arith.shrsi %add3A_979, %shift_right_arithmetic3A_987 : vector<16xi32>
        %and3A_989 = arith.constant 7 : i32
        %and3A_990 = vector.broadcast %and3A_989 : i32 to vector<16xi32>
        %and3A_991 = arith.andi %add3A_979, %and3A_990 : vector<16xi32>
        %mul3A_992 = arith.constant 8.000000e+00 : f32
        %mul3A_993 = vector.broadcast %mul3A_992 : f32 to vector<16xf32>
        %mul3A_994 = arith.mulf %gather3A_985, %mul3A_993 : vector<16xf32>
        %scatter3A_995 = arith.constant 1 : i32
        %scatter3A_996 = arith.constant 0 : i32
        %scatter3A_997 = arith.constant 0 : i32
        %scatter3A_998 = arith.constant 0 : i32
        %scatter3A_999 = tpu.memref_slice %arg8[%scatter3A_995, %scatter3A_996, %scatter3A_997, %scatter3A_998] : memref<2x8x8x128xf32, #tpu.memory_space<vmem>> -> memref<1x8x8x128xf32, #tpu.memory_space<vmem>>
        %scatter3A_1000 = tpu.memref_squeeze %scatter3A_999 : memref<1x8x8x128xf32, #tpu.memory_space<vmem>> -> memref<8x8x128xf32, #tpu.memory_space<vmem>>
        tpu.vector_store_idx %scatter3A_1000[%shift_right_arithmetic3A_988, %and3A_991, %add3A_308], %mul3A_994 : memref<8x8x128xf32, #tpu.memory_space<vmem>>[vector<16xi32>, vector<16xi32>, vector<16xi32>], vector<16xf32>,
        %add3A_1001 = arith.constant 16 : i32
        %add3A_1002 = vector.broadcast %add3A_1001 : i32 to vector<16xi32>
        %add3A_1003 = arith.addi %rem3A_90, %add3A_1002 : vector<16xi32>
        %gather3A_1004 = arith.constant 1 : i32
        %gather3A_1005 = arith.constant 0 : i32
        %gather3A_1006 = arith.constant 0 : i32
        %gather3A_1007 = tpu.memref_slice %arg7[%gather3A_1004, %gather3A_1005, %gather3A_1006] : memref<2x128x64xf32, #tpu.memory_space<vmem>> -> memref<1x128x64xf32, #tpu.memory_space<vmem>>
        %gather3A_1008 = tpu.memref_squeeze %gather3A_1007 : memref<1x128x64xf32, #tpu.memory_space<vmem>> -> memref<128x64xf32, #tpu.memory_space<vmem>>
        %gather3A_1009 = tpu.vector_load_idx %gather3A_1008[%add3A_308, %add3A_1003] : memref<128x64xf32, #tpu.memory_space<vmem>>[vector<16xi32>, vector<16xi32>], vector<16xf32>,
        %shift_right_arithmetic3A_1010 = arith.constant 3 : i32
        %shift_right_arithmetic3A_1011 = vector.broadcast %shift_right_arithmetic3A_1010 : i32 to vector<16xi32>
        %shift_right_arithmetic3A_1012 = arith.shrsi %add3A_1003, %shift_right_arithmetic3A_1011 : vector<16xi32>
        %and3A_1013 = arith.constant 7 : i32
        %and3A_1014 = vector.broadcast %and3A_1013 : i32 to vector<16xi32>
        %and3A_1015 = arith.andi %add3A_1003, %and3A_1014 : vector<16xi32>
        %mul3A_1016 = arith.constant 8.000000e+00 : f32
        %mul3A_1017 = vector.broadcast %mul3A_1016 : f32 to vector<16xf32>
        %mul3A_1018 = arith.mulf %gather3A_1009, %mul3A_1017 : vector<16xf32>
        %scatter3A_1019 = arith.constant 1 : i32
        %scatter3A_1020 = arith.constant 0 : i32
        %scatter3A_1021 = arith.constant 0 : i32
        %scatter3A_1022 = arith.constant 0 : i32
        %scatter3A_1023 = tpu.memref_slice %arg8[%scatter3A_1019, %scatter3A_1020, %scatter3A_1021, %scatter3A_1022] : memref<2x8x8x128xf32, #tpu.memory_space<vmem>> -> memref<1x8x8x128xf32, #tpu.memory_space<vmem>>
        %scatter3A_1024 = tpu.memref_squeeze %scatter3A_1023 : memref<1x8x8x128xf32, #tpu.memory_space<vmem>> -> memref<8x8x128xf32, #tpu.memory_space<vmem>>
        tpu.vector_store_idx %scatter3A_1024[%shift_right_arithmetic3A_1012, %and3A_1015, %add3A_308], %mul3A_1018 : memref<8x8x128xf32, #tpu.memory_space<vmem>>[vector<16xi32>, vector<16xi32>, vector<16xi32>], vector<16xf32>,
        %add3A_1025 = arith.constant 16 : i32
        %add3A_1026 = vector.broadcast %add3A_1025 : i32 to vector<16xi32>
        %add3A_1027 = arith.addi %rem3A_96, %add3A_1026 : vector<16xi32>
        %gather3A_1028 = arith.constant 1 : i32
        %gather3A_1029 = arith.constant 0 : i32
        %gather3A_1030 = arith.constant 0 : i32
        %gather3A_1031 = tpu.memref_slice %arg7[%gather3A_1028, %gather3A_1029, %gather3A_1030] : memref<2x128x64xf32, #tpu.memory_space<vmem>> -> memref<1x128x64xf32, #tpu.memory_space<vmem>>
        %gather3A_1032 = tpu.memref_squeeze %gather3A_1031 : memref<1x128x64xf32, #tpu.memory_space<vmem>> -> memref<128x64xf32, #tpu.memory_space<vmem>>
        %gather3A_1033 = tpu.vector_load_idx %gather3A_1032[%add3A_308, %add3A_1027] : memref<128x64xf32, #tpu.memory_space<vmem>>[vector<16xi32>, vector<16xi32>], vector<16xf32>,
        %shift_right_arithmetic3A_1034 = arith.constant 3 : i32
        %shift_right_arithmetic3A_1035 = vector.broadcast %shift_right_arithmetic3A_1034 : i32 to vector<16xi32>
        %shift_right_arithmetic3A_1036 = arith.shrsi %add3A_1027, %shift_right_arithmetic3A_1035 : vector<16xi32>
        %and3A_1037 = arith.constant 7 : i32
        %and3A_1038 = vector.broadcast %and3A_1037 : i32 to vector<16xi32>
        %and3A_1039 = arith.andi %add3A_1027, %and3A_1038 : vector<16xi32>
        %mul3A_1040 = arith.constant 8.000000e+00 : f32
        %mul3A_1041 = vector.broadcast %mul3A_1040 : f32 to vector<16xf32>
        %mul3A_1042 = arith.mulf %gather3A_1033, %mul3A_1041 : vector<16xf32>
        %scatter3A_1043 = arith.constant 1 : i32
        %scatter3A_1044 = arith.constant 0 : i32
        %scatter3A_1045 = arith.constant 0 : i32
        %scatter3A_1046 = arith.constant 0 : i32
        %scatter3A_1047 = tpu.memref_slice %arg8[%scatter3A_1043, %scatter3A_1044, %scatter3A_1045, %scatter3A_1046] : memref<2x8x8x128xf32, #tpu.memory_space<vmem>> -> memref<1x8x8x128xf32, #tpu.memory_space<vmem>>
        %scatter3A_1048 = tpu.memref_squeeze %scatter3A_1047 : memref<1x8x8x128xf32, #tpu.memory_space<vmem>> -> memref<8x8x128xf32, #tpu.memory_space<vmem>>
        tpu.vector_store_idx %scatter3A_1048[%shift_right_arithmetic3A_1036, %and3A_1039, %add3A_308], %mul3A_1042 : memref<8x8x128xf32, #tpu.memory_space<vmem>>[vector<16xi32>, vector<16xi32>, vector<16xi32>], vector<16xf32>,
        %add3A_1049 = arith.constant 16 : i32
        %add3A_1050 = vector.broadcast %add3A_1049 : i32 to vector<16xi32>
        %add3A_1051 = arith.addi %rem3A_102, %add3A_1050 : vector<16xi32>
        %gather3A_1052 = arith.constant 1 : i32
        %gather3A_1053 = arith.constant 0 : i32
        %gather3A_1054 = arith.constant 0 : i32
        %gather3A_1055 = tpu.memref_slice %arg7[%gather3A_1052, %gather3A_1053, %gather3A_1054] : memref<2x128x64xf32, #tpu.memory_space<vmem>> -> memref<1x128x64xf32, #tpu.memory_space<vmem>>
        %gather3A_1056 = tpu.memref_squeeze %gather3A_1055 : memref<1x128x64xf32, #tpu.memory_space<vmem>> -> memref<128x64xf32, #tpu.memory_space<vmem>>
        %gather3A_1057 = tpu.vector_load_idx %gather3A_1056[%add3A_308, %add3A_1051] : memref<128x64xf32, #tpu.memory_space<vmem>>[vector<16xi32>, vector<16xi32>], vector<16xf32>,
        %shift_right_arithmetic3A_1058 = arith.constant 3 : i32
        %shift_right_arithmetic3A_1059 = vector.broadcast %shift_right_arithmetic3A_1058 : i32 to vector<16xi32>
        %shift_right_arithmetic3A_1060 = arith.shrsi %add3A_1051, %shift_right_arithmetic3A_1059 : vector<16xi32>
        %and3A_1061 = arith.constant 7 : i32
        %and3A_1062 = vector.broadcast %and3A_1061 : i32 to vector<16xi32>
        %and3A_1063 = arith.andi %add3A_1051, %and3A_1062 : vector<16xi32>
        %mul3A_1064 = arith.constant 8.000000e+00 : f32
        %mul3A_1065 = vector.broadcast %mul3A_1064 : f32 to vector<16xf32>
        %mul3A_1066 = arith.mulf %gather3A_1057, %mul3A_1065 : vector<16xf32>
        %scatter3A_1067 = arith.constant 1 : i32
        %scatter3A_1068 = arith.constant 0 : i32
        %scatter3A_1069 = arith.constant 0 : i32
        %scatter3A_1070 = arith.constant 0 : i32
        %scatter3A_1071 = tpu.memref_slice %arg8[%scatter3A_1067, %scatter3A_1068, %scatter3A_1069, %scatter3A_1070] : memref<2x8x8x128xf32, #tpu.memory_space<vmem>> -> memref<1x8x8x128xf32, #tpu.memory_space<vmem>>
        %scatter3A_1072 = tpu.memref_squeeze %scatter3A_1071 : memref<1x8x8x128xf32, #tpu.memory_space<vmem>> -> memref<8x8x128xf32, #tpu.memory_space<vmem>>
        tpu.vector_store_idx %scatter3A_1072[%shift_right_arithmetic3A_1060, %and3A_1063, %add3A_308], %mul3A_1066 : memref<8x8x128xf32, #tpu.memory_space<vmem>>[vector<16xi32>, vector<16xi32>, vector<16xi32>], vector<16xf32>,
        %add3A_1073 = arith.constant 32 : i32
        %add3A_1074 = vector.broadcast %add3A_1073 : i32 to vector<16xi32>
        %add3A_1075 = arith.addi %rem3A_12, %add3A_1074 : vector<16xi32>
        %gather3A_1076 = arith.constant 1 : i32
        %gather3A_1077 = arith.constant 0 : i32
        %gather3A_1078 = arith.constant 0 : i32
        %gather3A_1079 = tpu.memref_slice %arg7[%gather3A_1076, %gather3A_1077, %gather3A_1078] : memref<2x128x64xf32, #tpu.memory_space<vmem>> -> memref<1x128x64xf32, #tpu.memory_space<vmem>>
        %gather3A_1080 = tpu.memref_squeeze %gather3A_1079 : memref<1x128x64xf32, #tpu.memory_space<vmem>> -> memref<128x64xf32, #tpu.memory_space<vmem>>
        %gather3A_1081 = tpu.vector_load_idx %gather3A_1080[%add3A_308, %add3A_1075] : memref<128x64xf32, #tpu.memory_space<vmem>>[vector<16xi32>, vector<16xi32>], vector<16xf32>,
        %shift_right_arithmetic3A_1082 = arith.constant 3 : i32
        %shift_right_arithmetic3A_1083 = vector.broadcast %shift_right_arithmetic3A_1082 : i32 to vector<16xi32>
        %shift_right_arithmetic3A_1084 = arith.shrsi %add3A_1075, %shift_right_arithmetic3A_1083 : vector<16xi32>
        %and3A_1085 = arith.constant 7 : i32
        %and3A_1086 = vector.broadcast %and3A_1085 : i32 to vector<16xi32>
        %and3A_1087 = arith.andi %add3A_1075, %and3A_1086 : vector<16xi32>
        %mul3A_1088 = arith.constant 8.000000e+00 : f32
        %mul3A_1089 = vector.broadcast %mul3A_1088 : f32 to vector<16xf32>
        %mul3A_1090 = arith.mulf %gather3A_1081, %mul3A_1089 : vector<16xf32>
        %scatter3A_1091 = arith.constant 1 : i32
        %scatter3A_1092 = arith.constant 0 : i32
        %scatter3A_1093 = arith.constant 0 : i32
        %scatter3A_1094 = arith.constant 0 : i32
        %scatter3A_1095 = tpu.memref_slice %arg8[%scatter3A_1091, %scatter3A_1092, %scatter3A_1093, %scatter3A_1094] : memref<2x8x8x128xf32, #tpu.memory_space<vmem>> -> memref<1x8x8x128xf32, #tpu.memory_space<vmem>>
        %scatter3A_1096 = tpu.memref_squeeze %scatter3A_1095 : memref<1x8x8x128xf32, #tpu.memory_space<vmem>> -> memref<8x8x128xf32, #tpu.memory_space<vmem>>
        tpu.vector_store_idx %scatter3A_1096[%shift_right_arithmetic3A_1084, %and3A_1087, %add3A_308], %mul3A_1090 : memref<8x8x128xf32, #tpu.memory_space<vmem>>[vector<16xi32>, vector<16xi32>, vector<16xi32>], vector<16xf32>,
        %add3A_1097 = arith.constant 32 : i32
        %add3A_1098 = vector.broadcast %add3A_1097 : i32 to vector<16xi32>
        %add3A_1099 = arith.addi %rem3A_18, %add3A_1098 : vector<16xi32>
        %gather3A_1100 = arith.constant 1 : i32
        %gather3A_1101 = arith.constant 0 : i32
        %gather3A_1102 = arith.constant 0 : i32
        %gather3A_1103 = tpu.memref_slice %arg7[%gather3A_1100, %gather3A_1101, %gather3A_1102] : memref<2x128x64xf32, #tpu.memory_space<vmem>> -> memref<1x128x64xf32, #tpu.memory_space<vmem>>
        %gather3A_1104 = tpu.memref_squeeze %gather3A_1103 : memref<1x128x64xf32, #tpu.memory_space<vmem>> -> memref<128x64xf32, #tpu.memory_space<vmem>>
        %gather3A_1105 = tpu.vector_load_idx %gather3A_1104[%add3A_308, %add3A_1099] : memref<128x64xf32, #tpu.memory_space<vmem>>[vector<16xi32>, vector<16xi32>], vector<16xf32>,
        %shift_right_arithmetic3A_1106 = arith.constant 3 : i32
        %shift_right_arithmetic3A_1107 = vector.broadcast %shift_right_arithmetic3A_1106 : i32 to vector<16xi32>
        %shift_right_arithmetic3A_1108 = arith.shrsi %add3A_1099, %shift_right_arithmetic3A_1107 : vector<16xi32>
        %and3A_1109 = arith.constant 7 : i32
        %and3A_1110 = vector.broadcast %and3A_1109 : i32 to vector<16xi32>
        %and3A_1111 = arith.andi %add3A_1099, %and3A_1110 : vector<16xi32>
        %mul3A_1112 = arith.constant 8.000000e+00 : f32
        %mul3A_1113 = vector.broadcast %mul3A_1112 : f32 to vector<16xf32>
        %mul3A_1114 = arith.mulf %gather3A_1105, %mul3A_1113 : vector<16xf32>
        %scatter3A_1115 = arith.constant 1 : i32
        %scatter3A_1116 = arith.constant 0 : i32
        %scatter3A_1117 = arith.constant 0 : i32
        %scatter3A_1118 = arith.constant 0 : i32
        %scatter3A_1119 = tpu.memref_slice %arg8[%scatter3A_1115, %scatter3A_1116, %scatter3A_1117, %scatter3A_1118] : memref<2x8x8x128xf32, #tpu.memory_space<vmem>> -> memref<1x8x8x128xf32, #tpu.memory_space<vmem>>
        %scatter3A_1120 = tpu.memref_squeeze %scatter3A_1119 : memref<1x8x8x128xf32, #tpu.memory_space<vmem>> -> memref<8x8x128xf32, #tpu.memory_space<vmem>>
        tpu.vector_store_idx %scatter3A_1120[%shift_right_arithmetic3A_1108, %and3A_1111, %add3A_308], %mul3A_1114 : memref<8x8x128xf32, #tpu.memory_space<vmem>>[vector<16xi32>, vector<16xi32>, vector<16xi32>], vector<16xf32>,
        %add3A_1121 = arith.constant 32 : i32
        %add3A_1122 = vector.broadcast %add3A_1121 : i32 to vector<16xi32>
        %add3A_1123 = arith.addi %rem3A_24, %add3A_1122 : vector<16xi32>
        %gather3A_1124 = arith.constant 1 : i32
        %gather3A_1125 = arith.constant 0 : i32
        %gather3A_1126 = arith.constant 0 : i32
        %gather3A_1127 = tpu.memref_slice %arg7[%gather3A_1124, %gather3A_1125, %gather3A_1126] : memref<2x128x64xf32, #tpu.memory_space<vmem>> -> memref<1x128x64xf32, #tpu.memory_space<vmem>>
        %gather3A_1128 = tpu.memref_squeeze %gather3A_1127 : memref<1x128x64xf32, #tpu.memory_space<vmem>> -> memref<128x64xf32, #tpu.memory_space<vmem>>
        %gather3A_1129 = tpu.vector_load_idx %gather3A_1128[%add3A_308, %add3A_1123] : memref<128x64xf32, #tpu.memory_space<vmem>>[vector<16xi32>, vector<16xi32>], vector<16xf32>,
        %shift_right_arithmetic3A_1130 = arith.constant 3 : i32
        %shift_right_arithmetic3A_1131 = vector.broadcast %shift_right_arithmetic3A_1130 : i32 to vector<16xi32>
        %shift_right_arithmetic3A_1132 = arith.shrsi %add3A_1123, %shift_right_arithmetic3A_1131 : vector<16xi32>
        %and3A_1133 = arith.constant 7 : i32
        %and3A_1134 = vector.broadcast %and3A_1133 : i32 to vector<16xi32>
        %and3A_1135 = arith.andi %add3A_1123, %and3A_1134 : vector<16xi32>
        %mul3A_1136 = arith.constant 8.000000e+00 : f32
        %mul3A_1137 = vector.broadcast %mul3A_1136 : f32 to vector<16xf32>
        %mul3A_1138 = arith.mulf %gather3A_1129, %mul3A_1137 : vector<16xf32>
        %scatter3A_1139 = arith.constant 1 : i32
        %scatter3A_1140 = arith.constant 0 : i32
        %scatter3A_1141 = arith.constant 0 : i32
        %scatter3A_1142 = arith.constant 0 : i32
        %scatter3A_1143 = tpu.memref_slice %arg8[%scatter3A_1139, %scatter3A_1140, %scatter3A_1141, %scatter3A_1142] : memref<2x8x8x128xf32, #tpu.memory_space<vmem>> -> memref<1x8x8x128xf32, #tpu.memory_space<vmem>>
        %scatter3A_1144 = tpu.memref_squeeze %scatter3A_1143 : memref<1x8x8x128xf32, #tpu.memory_space<vmem>> -> memref<8x8x128xf32, #tpu.memory_space<vmem>>
        tpu.vector_store_idx %scatter3A_1144[%shift_right_arithmetic3A_1132, %and3A_1135, %add3A_308], %mul3A_1138 : memref<8x8x128xf32, #tpu.memory_space<vmem>>[vector<16xi32>, vector<16xi32>, vector<16xi32>], vector<16xf32>,
        %add3A_1145 = arith.constant 32 : i32
        %add3A_1146 = vector.broadcast %add3A_1145 : i32 to vector<16xi32>
        %add3A_1147 = arith.addi %rem3A_30, %add3A_1146 : vector<16xi32>
        %gather3A_1148 = arith.constant 1 : i32
        %gather3A_1149 = arith.constant 0 : i32
        %gather3A_1150 = arith.constant 0 : i32
        %gather3A_1151 = tpu.memref_slice %arg7[%gather3A_1148, %gather3A_1149, %gather3A_1150] : memref<2x128x64xf32, #tpu.memory_space<vmem>> -> memref<1x128x64xf32, #tpu.memory_space<vmem>>
        %gather3A_1152 = tpu.memref_squeeze %gather3A_1151 : memref<1x128x64xf32, #tpu.memory_space<vmem>> -> memref<128x64xf32, #tpu.memory_space<vmem>>
        %gather3A_1153 = tpu.vector_load_idx %gather3A_1152[%add3A_308, %add3A_1147] : memref<128x64xf32, #tpu.memory_space<vmem>>[vector<16xi32>, vector<16xi32>], vector<16xf32>,
        %shift_right_arithmetic3A_1154 = arith.constant 3 : i32
        %shift_right_arithmetic3A_1155 = vector.broadcast %shift_right_arithmetic3A_1154 : i32 to vector<16xi32>
        %shift_right_arithmetic3A_1156 = arith.shrsi %add3A_1147, %shift_right_arithmetic3A_1155 : vector<16xi32>
        %and3A_1157 = arith.constant 7 : i32
        %and3A_1158 = vector.broadcast %and3A_1157 : i32 to vector<16xi32>
        %and3A_1159 = arith.andi %add3A_1147, %and3A_1158 : vector<16xi32>
        %mul3A_1160 = arith.constant 8.000000e+00 : f32
        %mul3A_1161 = vector.broadcast %mul3A_1160 : f32 to vector<16xf32>
        %mul3A_1162 = arith.mulf %gather3A_1153, %mul3A_1161 : vector<16xf32>
        %scatter3A_1163 = arith.constant 1 : i32
        %scatter3A_1164 = arith.constant 0 : i32
        %scatter3A_1165 = arith.constant 0 : i32
        %scatter3A_1166 = arith.constant 0 : i32
        %scatter3A_1167 = tpu.memref_slice %arg8[%scatter3A_1163, %scatter3A_1164, %scatter3A_1165, %scatter3A_1166] : memref<2x8x8x128xf32, #tpu.memory_space<vmem>> -> memref<1x8x8x128xf32, #tpu.memory_space<vmem>>
        %scatter3A_1168 = tpu.memref_squeeze %scatter3A_1167 : memref<1x8x8x128xf32, #tpu.memory_space<vmem>> -> memref<8x8x128xf32, #tpu.memory_space<vmem>>
        tpu.vector_store_idx %scatter3A_1168[%shift_right_arithmetic3A_1156, %and3A_1159, %add3A_308], %mul3A_1162 : memref<8x8x128xf32, #tpu.memory_space<vmem>>[vector<16xi32>, vector<16xi32>, vector<16xi32>], vector<16xf32>,
        %add3A_1169 = arith.constant 32 : i32
        %add3A_1170 = vector.broadcast %add3A_1169 : i32 to vector<16xi32>
        %add3A_1171 = arith.addi %rem3A_36, %add3A_1170 : vector<16xi32>
        %gather3A_1172 = arith.constant 1 : i32
        %gather3A_1173 = arith.constant 0 : i32
        %gather3A_1174 = arith.constant 0 : i32
        %gather3A_1175 = tpu.memref_slice %arg7[%gather3A_1172, %gather3A_1173, %gather3A_1174] : memref<2x128x64xf32, #tpu.memory_space<vmem>> -> memref<1x128x64xf32, #tpu.memory_space<vmem>>
        %gather3A_1176 = tpu.memref_squeeze %gather3A_1175 : memref<1x128x64xf32, #tpu.memory_space<vmem>> -> memref<128x64xf32, #tpu.memory_space<vmem>>
        %gather3A_1177 = tpu.vector_load_idx %gather3A_1176[%add3A_308, %add3A_1171] : memref<128x64xf32, #tpu.memory_space<vmem>>[vector<16xi32>, vector<16xi32>], vector<16xf32>,
        %shift_right_arithmetic3A_1178 = arith.constant 3 : i32
        %shift_right_arithmetic3A_1179 = vector.broadcast %shift_right_arithmetic3A_1178 : i32 to vector<16xi32>
        %shift_right_arithmetic3A_1180 = arith.shrsi %add3A_1171, %shift_right_arithmetic3A_1179 : vector<16xi32>
        %and3A_1181 = arith.constant 7 : i32
        %and3A_1182 = vector.broadcast %and3A_1181 : i32 to vector<16xi32>
        %and3A_1183 = arith.andi %add3A_1171, %and3A_1182 : vector<16xi32>
        %mul3A_1184 = arith.constant 8.000000e+00 : f32
        %mul3A_1185 = vector.broadcast %mul3A_1184 : f32 to vector<16xf32>
        %mul3A_1186 = arith.mulf %gather3A_1177, %mul3A_1185 : vector<16xf32>
        %scatter3A_1187 = arith.constant 1 : i32
        %scatter3A_1188 = arith.constant 0 : i32
        %scatter3A_1189 = arith.constant 0 : i32
        %scatter3A_1190 = arith.constant 0 : i32
        %scatter3A_1191 = tpu.memref_slice %arg8[%scatter3A_1187, %scatter3A_1188, %scatter3A_1189, %scatter3A_1190] : memref<2x8x8x128xf32, #tpu.memory_space<vmem>> -> memref<1x8x8x128xf32, #tpu.memory_space<vmem>>
        %scatter3A_1192 = tpu.memref_squeeze %scatter3A_1191 : memref<1x8x8x128xf32, #tpu.memory_space<vmem>> -> memref<8x8x128xf32, #tpu.memory_space<vmem>>
        tpu.vector_store_idx %scatter3A_1192[%shift_right_arithmetic3A_1180, %and3A_1183, %add3A_308], %mul3A_1186 : memref<8x8x128xf32, #tpu.memory_space<vmem>>[vector<16xi32>, vector<16xi32>, vector<16xi32>], vector<16xf32>,
        %add3A_1193 = arith.constant 32 : i32
        %add3A_1194 = vector.broadcast %add3A_1193 : i32 to vector<16xi32>
        %add3A_1195 = arith.addi %rem3A_42, %add3A_1194 : vector<16xi32>
        %gather3A_1196 = arith.constant 1 : i32
        %gather3A_1197 = arith.constant 0 : i32
        %gather3A_1198 = arith.constant 0 : i32
        %gather3A_1199 = tpu.memref_slice %arg7[%gather3A_1196, %gather3A_1197, %gather3A_1198] : memref<2x128x64xf32, #tpu.memory_space<vmem>> -> memref<1x128x64xf32, #tpu.memory_space<vmem>>
        %gather3A_1200 = tpu.memref_squeeze %gather3A_1199 : memref<1x128x64xf32, #tpu.memory_space<vmem>> -> memref<128x64xf32, #tpu.memory_space<vmem>>
        %gather3A_1201 = tpu.vector_load_idx %gather3A_1200[%add3A_308, %add3A_1195] : memref<128x64xf32, #tpu.memory_space<vmem>>[vector<16xi32>, vector<16xi32>], vector<16xf32>,
        %shift_right_arithmetic3A_1202 = arith.constant 3 : i32
        %shift_right_arithmetic3A_1203 = vector.broadcast %shift_right_arithmetic3A_1202 : i32 to vector<16xi32>
        %shift_right_arithmetic3A_1204 = arith.shrsi %add3A_1195, %shift_right_arithmetic3A_1203 : vector<16xi32>
        %and3A_1205 = arith.constant 7 : i32
        %and3A_1206 = vector.broadcast %and3A_1205 : i32 to vector<16xi32>
        %and3A_1207 = arith.andi %add3A_1195, %and3A_1206 : vector<16xi32>
        %mul3A_1208 = arith.constant 8.000000e+00 : f32
        %mul3A_1209 = vector.broadcast %mul3A_1208 : f32 to vector<16xf32>
        %mul3A_1210 = arith.mulf %gather3A_1201, %mul3A_1209 : vector<16xf32>
        %scatter3A_1211 = arith.constant 1 : i32
        %scatter3A_1212 = arith.constant 0 : i32
        %scatter3A_1213 = arith.constant 0 : i32
        %scatter3A_1214 = arith.constant 0 : i32
        %scatter3A_1215 = tpu.memref_slice %arg8[%scatter3A_1211, %scatter3A_1212, %scatter3A_1213, %scatter3A_1214] : memref<2x8x8x128xf32, #tpu.memory_space<vmem>> -> memref<1x8x8x128xf32, #tpu.memory_space<vmem>>
        %scatter3A_1216 = tpu.memref_squeeze %scatter3A_1215 : memref<1x8x8x128xf32, #tpu.memory_space<vmem>> -> memref<8x8x128xf32, #tpu.memory_space<vmem>>
        tpu.vector_store_idx %scatter3A_1216[%shift_right_arithmetic3A_1204, %and3A_1207, %add3A_308], %mul3A_1210 : memref<8x8x128xf32, #tpu.memory_space<vmem>>[vector<16xi32>, vector<16xi32>, vector<16xi32>], vector<16xf32>,
        %add3A_1217 = arith.constant 32 : i32
        %add3A_1218 = vector.broadcast %add3A_1217 : i32 to vector<16xi32>
        %add3A_1219 = arith.addi %rem3A_48, %add3A_1218 : vector<16xi32>
        %gather3A_1220 = arith.constant 1 : i32
        %gather3A_1221 = arith.constant 0 : i32
        %gather3A_1222 = arith.constant 0 : i32
        %gather3A_1223 = tpu.memref_slice %arg7[%gather3A_1220, %gather3A_1221, %gather3A_1222] : memref<2x128x64xf32, #tpu.memory_space<vmem>> -> memref<1x128x64xf32, #tpu.memory_space<vmem>>
        %gather3A_1224 = tpu.memref_squeeze %gather3A_1223 : memref<1x128x64xf32, #tpu.memory_space<vmem>> -> memref<128x64xf32, #tpu.memory_space<vmem>>
        %gather3A_1225 = tpu.vector_load_idx %gather3A_1224[%add3A_308, %add3A_1219] : memref<128x64xf32, #tpu.memory_space<vmem>>[vector<16xi32>, vector<16xi32>], vector<16xf32>,
        %shift_right_arithmetic3A_1226 = arith.constant 3 : i32
        %shift_right_arithmetic3A_1227 = vector.broadcast %shift_right_arithmetic3A_1226 : i32 to vector<16xi32>
        %shift_right_arithmetic3A_1228 = arith.shrsi %add3A_1219, %shift_right_arithmetic3A_1227 : vector<16xi32>
        %and3A_1229 = arith.constant 7 : i32
        %and3A_1230 = vector.broadcast %and3A_1229 : i32 to vector<16xi32>
        %and3A_1231 = arith.andi %add3A_1219, %and3A_1230 : vector<16xi32>
        %mul3A_1232 = arith.constant 8.000000e+00 : f32
        %mul3A_1233 = vector.broadcast %mul3A_1232 : f32 to vector<16xf32>
        %mul3A_1234 = arith.mulf %gather3A_1225, %mul3A_1233 : vector<16xf32>
        %scatter3A_1235 = arith.constant 1 : i32
        %scatter3A_1236 = arith.constant 0 : i32
        %scatter3A_1237 = arith.constant 0 : i32
        %scatter3A_1238 = arith.constant 0 : i32
        %scatter3A_1239 = tpu.memref_slice %arg8[%scatter3A_1235, %scatter3A_1236, %scatter3A_1237, %scatter3A_1238] : memref<2x8x8x128xf32, #tpu.memory_space<vmem>> -> memref<1x8x8x128xf32, #tpu.memory_space<vmem>>
        %scatter3A_1240 = tpu.memref_squeeze %scatter3A_1239 : memref<1x8x8x128xf32, #tpu.memory_space<vmem>> -> memref<8x8x128xf32, #tpu.memory_space<vmem>>
        tpu.vector_store_idx %scatter3A_1240[%shift_right_arithmetic3A_1228, %and3A_1231, %add3A_308], %mul3A_1234 : memref<8x8x128xf32, #tpu.memory_space<vmem>>[vector<16xi32>, vector<16xi32>, vector<16xi32>], vector<16xf32>,
        %add3A_1241 = arith.constant 32 : i32
        %add3A_1242 = vector.broadcast %add3A_1241 : i32 to vector<16xi32>
        %add3A_1243 = arith.addi %rem3A_54, %add3A_1242 : vector<16xi32>
        %gather3A_1244 = arith.constant 1 : i32
        %gather3A_1245 = arith.constant 0 : i32
        %gather3A_1246 = arith.constant 0 : i32
        %gather3A_1247 = tpu.memref_slice %arg7[%gather3A_1244, %gather3A_1245, %gather3A_1246] : memref<2x128x64xf32, #tpu.memory_space<vmem>> -> memref<1x128x64xf32, #tpu.memory_space<vmem>>
        %gather3A_1248 = tpu.memref_squeeze %gather3A_1247 : memref<1x128x64xf32, #tpu.memory_space<vmem>> -> memref<128x64xf32, #tpu.memory_space<vmem>>
        %gather3A_1249 = tpu.vector_load_idx %gather3A_1248[%add3A_308, %add3A_1243] : memref<128x64xf32, #tpu.memory_space<vmem>>[vector<16xi32>, vector<16xi32>], vector<16xf32>,
        %shift_right_arithmetic3A_1250 = arith.constant 3 : i32
        %shift_right_arithmetic3A_1251 = vector.broadcast %shift_right_arithmetic3A_1250 : i32 to vector<16xi32>
        %shift_right_arithmetic3A_1252 = arith.shrsi %add3A_1243, %shift_right_arithmetic3A_1251 : vector<16xi32>
        %and3A_1253 = arith.constant 7 : i32
        %and3A_1254 = vector.broadcast %and3A_1253 : i32 to vector<16xi32>
        %and3A_1255 = arith.andi %add3A_1243, %and3A_1254 : vector<16xi32>
        %mul3A_1256 = arith.constant 8.000000e+00 : f32
        %mul3A_1257 = vector.broadcast %mul3A_1256 : f32 to vector<16xf32>
        %mul3A_1258 = arith.mulf %gather3A_1249, %mul3A_1257 : vector<16xf32>
        %scatter3A_1259 = arith.constant 1 : i32
        %scatter3A_1260 = arith.constant 0 : i32
        %scatter3A_1261 = arith.constant 0 : i32
        %scatter3A_1262 = arith.constant 0 : i32
        %scatter3A_1263 = tpu.memref_slice %arg8[%scatter3A_1259, %scatter3A_1260, %scatter3A_1261, %scatter3A_1262] : memref<2x8x8x128xf32, #tpu.memory_space<vmem>> -> memref<1x8x8x128xf32, #tpu.memory_space<vmem>>
        %scatter3A_1264 = tpu.memref_squeeze %scatter3A_1263 : memref<1x8x8x128xf32, #tpu.memory_space<vmem>> -> memref<8x8x128xf32, #tpu.memory_space<vmem>>
        tpu.vector_store_idx %scatter3A_1264[%shift_right_arithmetic3A_1252, %and3A_1255, %add3A_308], %mul3A_1258 : memref<8x8x128xf32, #tpu.memory_space<vmem>>[vector<16xi32>, vector<16xi32>, vector<16xi32>], vector<16xf32>,
        %add3A_1265 = arith.constant 32 : i32
        %add3A_1266 = vector.broadcast %add3A_1265 : i32 to vector<16xi32>
        %add3A_1267 = arith.addi %rem3A_60, %add3A_1266 : vector<16xi32>
        %gather3A_1268 = arith.constant 1 : i32
        %gather3A_1269 = arith.constant 0 : i32
        %gather3A_1270 = arith.constant 0 : i32
        %gather3A_1271 = tpu.memref_slice %arg7[%gather3A_1268, %gather3A_1269, %gather3A_1270] : memref<2x128x64xf32, #tpu.memory_space<vmem>> -> memref<1x128x64xf32, #tpu.memory_space<vmem>>
        %gather3A_1272 = tpu.memref_squeeze %gather3A_1271 : memref<1x128x64xf32, #tpu.memory_space<vmem>> -> memref<128x64xf32, #tpu.memory_space<vmem>>
        %gather3A_1273 = tpu.vector_load_idx %gather3A_1272[%add3A_308, %add3A_1267] : memref<128x64xf32, #tpu.memory_space<vmem>>[vector<16xi32>, vector<16xi32>], vector<16xf32>,
        %shift_right_arithmetic3A_1274 = arith.constant 3 : i32
        %shift_right_arithmetic3A_1275 = vector.broadcast %shift_right_arithmetic3A_1274 : i32 to vector<16xi32>
        %shift_right_arithmetic3A_1276 = arith.shrsi %add3A_1267, %shift_right_arithmetic3A_1275 : vector<16xi32>
        %and3A_1277 = arith.constant 7 : i32
        %and3A_1278 = vector.broadcast %and3A_1277 : i32 to vector<16xi32>
        %and3A_1279 = arith.andi %add3A_1267, %and3A_1278 : vector<16xi32>
        %mul3A_1280 = arith.constant 8.000000e+00 : f32
        %mul3A_1281 = vector.broadcast %mul3A_1280 : f32 to vector<16xf32>
        %mul3A_1282 = arith.mulf %gather3A_1273, %mul3A_1281 : vector<16xf32>
        %scatter3A_1283 = arith.constant 1 : i32
        %scatter3A_1284 = arith.constant 0 : i32
        %scatter3A_1285 = arith.constant 0 : i32
        %scatter3A_1286 = arith.constant 0 : i32
        %scatter3A_1287 = tpu.memref_slice %arg8[%scatter3A_1283, %scatter3A_1284, %scatter3A_1285, %scatter3A_1286] : memref<2x8x8x128xf32, #tpu.memory_space<vmem>> -> memref<1x8x8x128xf32, #tpu.memory_space<vmem>>
        %scatter3A_1288 = tpu.memref_squeeze %scatter3A_1287 : memref<1x8x8x128xf32, #tpu.memory_space<vmem>> -> memref<8x8x128xf32, #tpu.memory_space<vmem>>
        tpu.vector_store_idx %scatter3A_1288[%shift_right_arithmetic3A_1276, %and3A_1279, %add3A_308], %mul3A_1282 : memref<8x8x128xf32, #tpu.memory_space<vmem>>[vector<16xi32>, vector<16xi32>, vector<16xi32>], vector<16xf32>,
        %add3A_1289 = arith.constant 32 : i32
        %add3A_1290 = vector.broadcast %add3A_1289 : i32 to vector<16xi32>
        %add3A_1291 = arith.addi %rem3A_66, %add3A_1290 : vector<16xi32>
        %gather3A_1292 = arith.constant 1 : i32
        %gather3A_1293 = arith.constant 0 : i32
        %gather3A_1294 = arith.constant 0 : i32
        %gather3A_1295 = tpu.memref_slice %arg7[%gather3A_1292, %gather3A_1293, %gather3A_1294] : memref<2x128x64xf32, #tpu.memory_space<vmem>> -> memref<1x128x64xf32, #tpu.memory_space<vmem>>
        %gather3A_1296 = tpu.memref_squeeze %gather3A_1295 : memref<1x128x64xf32, #tpu.memory_space<vmem>> -> memref<128x64xf32, #tpu.memory_space<vmem>>
        %gather3A_1297 = tpu.vector_load_idx %gather3A_1296[%add3A_308, %add3A_1291] : memref<128x64xf32, #tpu.memory_space<vmem>>[vector<16xi32>, vector<16xi32>], vector<16xf32>,
        %shift_right_arithmetic3A_1298 = arith.constant 3 : i32
        %shift_right_arithmetic3A_1299 = vector.broadcast %shift_right_arithmetic3A_1298 : i32 to vector<16xi32>
        %shift_right_arithmetic3A_1300 = arith.shrsi %add3A_1291, %shift_right_arithmetic3A_1299 : vector<16xi32>
        %and3A_1301 = arith.constant 7 : i32
        %and3A_1302 = vector.broadcast %and3A_1301 : i32 to vector<16xi32>
        %and3A_1303 = arith.andi %add3A_1291, %and3A_1302 : vector<16xi32>
        %mul3A_1304 = arith.constant 8.000000e+00 : f32
        %mul3A_1305 = vector.broadcast %mul3A_1304 : f32 to vector<16xf32>
        %mul3A_1306 = arith.mulf %gather3A_1297, %mul3A_1305 : vector<16xf32>
        %scatter3A_1307 = arith.constant 1 : i32
        %scatter3A_1308 = arith.constant 0 : i32
        %scatter3A_1309 = arith.constant 0 : i32
        %scatter3A_1310 = arith.constant 0 : i32
        %scatter3A_1311 = tpu.memref_slice %arg8[%scatter3A_1307, %scatter3A_1308, %scatter3A_1309, %scatter3A_1310] : memref<2x8x8x128xf32, #tpu.memory_space<vmem>> -> memref<1x8x8x128xf32, #tpu.memory_space<vmem>>
        %scatter3A_1312 = tpu.memref_squeeze %scatter3A_1311 : memref<1x8x8x128xf32, #tpu.memory_space<vmem>> -> memref<8x8x128xf32, #tpu.memory_space<vmem>>
        tpu.vector_store_idx %scatter3A_1312[%shift_right_arithmetic3A_1300, %and3A_1303, %add3A_308], %mul3A_1306 : memref<8x8x128xf32, #tpu.memory_space<vmem>>[vector<16xi32>, vector<16xi32>, vector<16xi32>], vector<16xf32>,
        %add3A_1313 = arith.constant 32 : i32
        %add3A_1314 = vector.broadcast %add3A_1313 : i32 to vector<16xi32>
        %add3A_1315 = arith.addi %rem3A_72, %add3A_1314 : vector<16xi32>
        %gather3A_1316 = arith.constant 1 : i32
        %gather3A_1317 = arith.constant 0 : i32
        %gather3A_1318 = arith.constant 0 : i32
        %gather3A_1319 = tpu.memref_slice %arg7[%gather3A_1316, %gather3A_1317, %gather3A_1318] : memref<2x128x64xf32, #tpu.memory_space<vmem>> -> memref<1x128x64xf32, #tpu.memory_space<vmem>>
        %gather3A_1320 = tpu.memref_squeeze %gather3A_1319 : memref<1x128x64xf32, #tpu.memory_space<vmem>> -> memref<128x64xf32, #tpu.memory_space<vmem>>
        %gather3A_1321 = tpu.vector_load_idx %gather3A_1320[%add3A_308, %add3A_1315] : memref<128x64xf32, #tpu.memory_space<vmem>>[vector<16xi32>, vector<16xi32>], vector<16xf32>,
        %shift_right_arithmetic3A_1322 = arith.constant 3 : i32
        %shift_right_arithmetic3A_1323 = vector.broadcast %shift_right_arithmetic3A_1322 : i32 to vector<16xi32>
        %shift_right_arithmetic3A_1324 = arith.shrsi %add3A_1315, %shift_right_arithmetic3A_1323 : vector<16xi32>
        %and3A_1325 = arith.constant 7 : i32
        %and3A_1326 = vector.broadcast %and3A_1325 : i32 to vector<16xi32>
        %and3A_1327 = arith.andi %add3A_1315, %and3A_1326 : vector<16xi32>
        %mul3A_1328 = arith.constant 8.000000e+00 : f32
        %mul3A_1329 = vector.broadcast %mul3A_1328 : f32 to vector<16xf32>
        %mul3A_1330 = arith.mulf %gather3A_1321, %mul3A_1329 : vector<16xf32>
        %scatter3A_1331 = arith.constant 1 : i32
        %scatter3A_1332 = arith.constant 0 : i32
        %scatter3A_1333 = arith.constant 0 : i32
        %scatter3A_1334 = arith.constant 0 : i32
        %scatter3A_1335 = tpu.memref_slice %arg8[%scatter3A_1331, %scatter3A_1332, %scatter3A_1333, %scatter3A_1334] : memref<2x8x8x128xf32, #tpu.memory_space<vmem>> -> memref<1x8x8x128xf32, #tpu.memory_space<vmem>>
        %scatter3A_1336 = tpu.memref_squeeze %scatter3A_1335 : memref<1x8x8x128xf32, #tpu.memory_space<vmem>> -> memref<8x8x128xf32, #tpu.memory_space<vmem>>
        tpu.vector_store_idx %scatter3A_1336[%shift_right_arithmetic3A_1324, %and3A_1327, %add3A_308], %mul3A_1330 : memref<8x8x128xf32, #tpu.memory_space<vmem>>[vector<16xi32>, vector<16xi32>, vector<16xi32>], vector<16xf32>,
        %add3A_1337 = arith.constant 32 : i32
        %add3A_1338 = vector.broadcast %add3A_1337 : i32 to vector<16xi32>
        %add3A_1339 = arith.addi %rem3A_78, %add3A_1338 : vector<16xi32>
        %gather3A_1340 = arith.constant 1 : i32
        %gather3A_1341 = arith.constant 0 : i32
        %gather3A_1342 = arith.constant 0 : i32
        %gather3A_1343 = tpu.memref_slice %arg7[%gather3A_1340, %gather3A_1341, %gather3A_1342] : memref<2x128x64xf32, #tpu.memory_space<vmem>> -> memref<1x128x64xf32, #tpu.memory_space<vmem>>
        %gather3A_1344 = tpu.memref_squeeze %gather3A_1343 : memref<1x128x64xf32, #tpu.memory_space<vmem>> -> memref<128x64xf32, #tpu.memory_space<vmem>>
        %gather3A_1345 = tpu.vector_load_idx %gather3A_1344[%add3A_308, %add3A_1339] : memref<128x64xf32, #tpu.memory_space<vmem>>[vector<16xi32>, vector<16xi32>], vector<16xf32>,
        %shift_right_arithmetic3A_1346 = arith.constant 3 : i32
        %shift_right_arithmetic3A_1347 = vector.broadcast %shift_right_arithmetic3A_1346 : i32 to vector<16xi32>
        %shift_right_arithmetic3A_1348 = arith.shrsi %add3A_1339, %shift_right_arithmetic3A_1347 : vector<16xi32>
        %and3A_1349 = arith.constant 7 : i32
        %and3A_1350 = vector.broadcast %and3A_1349 : i32 to vector<16xi32>
        %and3A_1351 = arith.andi %add3A_1339, %and3A_1350 : vector<16xi32>
        %mul3A_1352 = arith.constant 8.000000e+00 : f32
        %mul3A_1353 = vector.broadcast %mul3A_1352 : f32 to vector<16xf32>
        %mul3A_1354 = arith.mulf %gather3A_1345, %mul3A_1353 : vector<16xf32>
        %scatter3A_1355 = arith.constant 1 : i32
        %scatter3A_1356 = arith.constant 0 : i32
        %scatter3A_1357 = arith.constant 0 : i32
        %scatter3A_1358 = arith.constant 0 : i32
        %scatter3A_1359 = tpu.memref_slice %arg8[%scatter3A_1355, %scatter3A_1356, %scatter3A_1357, %scatter3A_1358] : memref<2x8x8x128xf32, #tpu.memory_space<vmem>> -> memref<1x8x8x128xf32, #tpu.memory_space<vmem>>
        %scatter3A_1360 = tpu.memref_squeeze %scatter3A_1359 : memref<1x8x8x128xf32, #tpu.memory_space<vmem>> -> memref<8x8x128xf32, #tpu.memory_space<vmem>>
        tpu.vector_store_idx %scatter3A_1360[%shift_right_arithmetic3A_1348, %and3A_1351, %add3A_308], %mul3A_1354 : memref<8x8x128xf32, #tpu.memory_space<vmem>>[vector<16xi32>, vector<16xi32>, vector<16xi32>], vector<16xf32>,
        %add3A_1361 = arith.constant 32 : i32
        %add3A_1362 = vector.broadcast %add3A_1361 : i32 to vector<16xi32>
        %add3A_1363 = arith.addi %rem3A_84, %add3A_1362 : vector<16xi32>
        %gather3A_1364 = arith.constant 1 : i32
        %gather3A_1365 = arith.constant 0 : i32
        %gather3A_1366 = arith.constant 0 : i32
        %gather3A_1367 = tpu.memref_slice %arg7[%gather3A_1364, %gather3A_1365, %gather3A_1366] : memref<2x128x64xf32, #tpu.memory_space<vmem>> -> memref<1x128x64xf32, #tpu.memory_space<vmem>>
        %gather3A_1368 = tpu.memref_squeeze %gather3A_1367 : memref<1x128x64xf32, #tpu.memory_space<vmem>> -> memref<128x64xf32, #tpu.memory_space<vmem>>
        %gather3A_1369 = tpu.vector_load_idx %gather3A_1368[%add3A_308, %add3A_1363] : memref<128x64xf32, #tpu.memory_space<vmem>>[vector<16xi32>, vector<16xi32>], vector<16xf32>,
        %shift_right_arithmetic3A_1370 = arith.constant 3 : i32
        %shift_right_arithmetic3A_1371 = vector.broadcast %shift_right_arithmetic3A_1370 : i32 to vector<16xi32>
        %shift_right_arithmetic3A_1372 = arith.shrsi %add3A_1363, %shift_right_arithmetic3A_1371 : vector<16xi32>
        %and3A_1373 = arith.constant 7 : i32
        %and3A_1374 = vector.broadcast %and3A_1373 : i32 to vector<16xi32>
        %and3A_1375 = arith.andi %add3A_1363, %and3A_1374 : vector<16xi32>
        %mul3A_1376 = arith.constant 8.000000e+00 : f32
        %mul3A_1377 = vector.broadcast %mul3A_1376 : f32 to vector<16xf32>
        %mul3A_1378 = arith.mulf %gather3A_1369, %mul3A_1377 : vector<16xf32>
        %scatter3A_1379 = arith.constant 1 : i32
        %scatter3A_1380 = arith.constant 0 : i32
        %scatter3A_1381 = arith.constant 0 : i32
        %scatter3A_1382 = arith.constant 0 : i32
        %scatter3A_1383 = tpu.memref_slice %arg8[%scatter3A_1379, %scatter3A_1380, %scatter3A_1381, %scatter3A_1382] : memref<2x8x8x128xf32, #tpu.memory_space<vmem>> -> memref<1x8x8x128xf32, #tpu.memory_space<vmem>>
        %scatter3A_1384 = tpu.memref_squeeze %scatter3A_1383 : memref<1x8x8x128xf32, #tpu.memory_space<vmem>> -> memref<8x8x128xf32, #tpu.memory_space<vmem>>
        tpu.vector_store_idx %scatter3A_1384[%shift_right_arithmetic3A_1372, %and3A_1375, %add3A_308], %mul3A_1378 : memref<8x8x128xf32, #tpu.memory_space<vmem>>[vector<16xi32>, vector<16xi32>, vector<16xi32>], vector<16xf32>,
        %add3A_1385 = arith.constant 32 : i32
        %add3A_1386 = vector.broadcast %add3A_1385 : i32 to vector<16xi32>
        %add3A_1387 = arith.addi %rem3A_90, %add3A_1386 : vector<16xi32>
        %gather3A_1388 = arith.constant 1 : i32
        %gather3A_1389 = arith.constant 0 : i32
        %gather3A_1390 = arith.constant 0 : i32
        %gather3A_1391 = tpu.memref_slice %arg7[%gather3A_1388, %gather3A_1389, %gather3A_1390] : memref<2x128x64xf32, #tpu.memory_space<vmem>> -> memref<1x128x64xf32, #tpu.memory_space<vmem>>
        %gather3A_1392 = tpu.memref_squeeze %gather3A_1391 : memref<1x128x64xf32, #tpu.memory_space<vmem>> -> memref<128x64xf32, #tpu.memory_space<vmem>>
        %gather3A_1393 = tpu.vector_load_idx %gather3A_1392[%add3A_308, %add3A_1387] : memref<128x64xf32, #tpu.memory_space<vmem>>[vector<16xi32>, vector<16xi32>], vector<16xf32>,
        %shift_right_arithmetic3A_1394 = arith.constant 3 : i32
        %shift_right_arithmetic3A_1395 = vector.broadcast %shift_right_arithmetic3A_1394 : i32 to vector<16xi32>
        %shift_right_arithmetic3A_1396 = arith.shrsi %add3A_1387, %shift_right_arithmetic3A_1395 : vector<16xi32>
        %and3A_1397 = arith.constant 7 : i32
        %and3A_1398 = vector.broadcast %and3A_1397 : i32 to vector<16xi32>
        %and3A_1399 = arith.andi %add3A_1387, %and3A_1398 : vector<16xi32>
        %mul3A_1400 = arith.constant 8.000000e+00 : f32
        %mul3A_1401 = vector.broadcast %mul3A_1400 : f32 to vector<16xf32>
        %mul3A_1402 = arith.mulf %gather3A_1393, %mul3A_1401 : vector<16xf32>
        %scatter3A_1403 = arith.constant 1 : i32
        %scatter3A_1404 = arith.constant 0 : i32
        %scatter3A_1405 = arith.constant 0 : i32
        %scatter3A_1406 = arith.constant 0 : i32
        %scatter3A_1407 = tpu.memref_slice %arg8[%scatter3A_1403, %scatter3A_1404, %scatter3A_1405, %scatter3A_1406] : memref<2x8x8x128xf32, #tpu.memory_space<vmem>> -> memref<1x8x8x128xf32, #tpu.memory_space<vmem>>
        %scatter3A_1408 = tpu.memref_squeeze %scatter3A_1407 : memref<1x8x8x128xf32, #tpu.memory_space<vmem>> -> memref<8x8x128xf32, #tpu.memory_space<vmem>>
        tpu.vector_store_idx %scatter3A_1408[%shift_right_arithmetic3A_1396, %and3A_1399, %add3A_308], %mul3A_1402 : memref<8x8x128xf32, #tpu.memory_space<vmem>>[vector<16xi32>, vector<16xi32>, vector<16xi32>], vector<16xf32>,
        %add3A_1409 = arith.constant 32 : i32
        %add3A_1410 = vector.broadcast %add3A_1409 : i32 to vector<16xi32>
        %add3A_1411 = arith.addi %rem3A_96, %add3A_1410 : vector<16xi32>
        %gather3A_1412 = arith.constant 1 : i32
        %gather3A_1413 = arith.constant 0 : i32
        %gather3A_1414 = arith.constant 0 : i32
        %gather3A_1415 = tpu.memref_slice %arg7[%gather3A_1412, %gather3A_1413, %gather3A_1414] : memref<2x128x64xf32, #tpu.memory_space<vmem>> -> memref<1x128x64xf32, #tpu.memory_space<vmem>>
        %gather3A_1416 = tpu.memref_squeeze %gather3A_1415 : memref<1x128x64xf32, #tpu.memory_space<vmem>> -> memref<128x64xf32, #tpu.memory_space<vmem>>
        %gather3A_1417 = tpu.vector_load_idx %gather3A_1416[%add3A_308, %add3A_1411] : memref<128x64xf32, #tpu.memory_space<vmem>>[vector<16xi32>, vector<16xi32>], vector<16xf32>,
        %shift_right_arithmetic3A_1418 = arith.constant 3 : i32
        %shift_right_arithmetic3A_1419 = vector.broadcast %shift_right_arithmetic3A_1418 : i32 to vector<16xi32>
        %shift_right_arithmetic3A_1420 = arith.shrsi %add3A_1411, %shift_right_arithmetic3A_1419 : vector<16xi32>
        %and3A_1421 = arith.constant 7 : i32
        %and3A_1422 = vector.broadcast %and3A_1421 : i32 to vector<16xi32>
        %and3A_1423 = arith.andi %add3A_1411, %and3A_1422 : vector<16xi32>
        %mul3A_1424 = arith.constant 8.000000e+00 : f32
        %mul3A_1425 = vector.broadcast %mul3A_1424 : f32 to vector<16xf32>
        %mul3A_1426 = arith.mulf %gather3A_1417, %mul3A_1425 : vector<16xf32>
        %scatter3A_1427 = arith.constant 1 : i32
        %scatter3A_1428 = arith.constant 0 : i32
        %scatter3A_1429 = arith.constant 0 : i32
        %scatter3A_1430 = arith.constant 0 : i32
        %scatter3A_1431 = tpu.memref_slice %arg8[%scatter3A_1427, %scatter3A_1428, %scatter3A_1429, %scatter3A_1430] : memref<2x8x8x128xf32, #tpu.memory_space<vmem>> -> memref<1x8x8x128xf32, #tpu.memory_space<vmem>>
        %scatter3A_1432 = tpu.memref_squeeze %scatter3A_1431 : memref<1x8x8x128xf32, #tpu.memory_space<vmem>> -> memref<8x8x128xf32, #tpu.memory_space<vmem>>
        tpu.vector_store_idx %scatter3A_1432[%shift_right_arithmetic3A_1420, %and3A_1423, %add3A_308], %mul3A_1426 : memref<8x8x128xf32, #tpu.memory_space<vmem>>[vector<16xi32>, vector<16xi32>, vector<16xi32>], vector<16xf32>,
        %add3A_1433 = arith.constant 32 : i32
        %add3A_1434 = vector.broadcast %add3A_1433 : i32 to vector<16xi32>
        %add3A_1435 = arith.addi %rem3A_102, %add3A_1434 : vector<16xi32>
        %gather3A_1436 = arith.constant 1 : i32
        %gather3A_1437 = arith.constant 0 : i32
        %gather3A_1438 = arith.constant 0 : i32
        %gather3A_1439 = tpu.memref_slice %arg7[%gather3A_1436, %gather3A_1437, %gather3A_1438] : memref<2x128x64xf32, #tpu.memory_space<vmem>> -> memref<1x128x64xf32, #tpu.memory_space<vmem>>
        %gather3A_1440 = tpu.memref_squeeze %gather3A_1439 : memref<1x128x64xf32, #tpu.memory_space<vmem>> -> memref<128x64xf32, #tpu.memory_space<vmem>>
        %gather3A_1441 = tpu.vector_load_idx %gather3A_1440[%add3A_308, %add3A_1435] : memref<128x64xf32, #tpu.memory_space<vmem>>[vector<16xi32>, vector<16xi32>], vector<16xf32>,
        %shift_right_arithmetic3A_1442 = arith.constant 3 : i32
        %shift_right_arithmetic3A_1443 = vector.broadcast %shift_right_arithmetic3A_1442 : i32 to vector<16xi32>
        %shift_right_arithmetic3A_1444 = arith.shrsi %add3A_1435, %shift_right_arithmetic3A_1443 : vector<16xi32>
        %and3A_1445 = arith.constant 7 : i32
        %and3A_1446 = vector.broadcast %and3A_1445 : i32 to vector<16xi32>
        %and3A_1447 = arith.andi %add3A_1435, %and3A_1446 : vector<16xi32>
        %mul3A_1448 = arith.constant 8.000000e+00 : f32
        %mul3A_1449 = vector.broadcast %mul3A_1448 : f32 to vector<16xf32>
        %mul3A_1450 = arith.mulf %gather3A_1441, %mul3A_1449 : vector<16xf32>
        %scatter3A_1451 = arith.constant 1 : i32
        %scatter3A_1452 = arith.constant 0 : i32
        %scatter3A_1453 = arith.constant 0 : i32
        %scatter3A_1454 = arith.constant 0 : i32
        %scatter3A_1455 = tpu.memref_slice %arg8[%scatter3A_1451, %scatter3A_1452, %scatter3A_1453, %scatter3A_1454] : memref<2x8x8x128xf32, #tpu.memory_space<vmem>> -> memref<1x8x8x128xf32, #tpu.memory_space<vmem>>
        %scatter3A_1456 = tpu.memref_squeeze %scatter3A_1455 : memref<1x8x8x128xf32, #tpu.memory_space<vmem>> -> memref<8x8x128xf32, #tpu.memory_space<vmem>>
        tpu.vector_store_idx %scatter3A_1456[%shift_right_arithmetic3A_1444, %and3A_1447, %add3A_308], %mul3A_1450 : memref<8x8x128xf32, #tpu.memory_space<vmem>>[vector<16xi32>, vector<16xi32>, vector<16xi32>], vector<16xf32>,
        %add3A_1457 = arith.constant 48 : i32
        %add3A_1458 = vector.broadcast %add3A_1457 : i32 to vector<16xi32>
        %add3A_1459 = arith.addi %rem3A_12, %add3A_1458 : vector<16xi32>
        %gather3A_1460 = arith.constant 1 : i32
        %gather3A_1461 = arith.constant 0 : i32
        %gather3A_1462 = arith.constant 0 : i32
        %gather3A_1463 = tpu.memref_slice %arg7[%gather3A_1460, %gather3A_1461, %gather3A_1462] : memref<2x128x64xf32, #tpu.memory_space<vmem>> -> memref<1x128x64xf32, #tpu.memory_space<vmem>>
        %gather3A_1464 = tpu.memref_squeeze %gather3A_1463 : memref<1x128x64xf32, #tpu.memory_space<vmem>> -> memref<128x64xf32, #tpu.memory_space<vmem>>
        %gather3A_1465 = tpu.vector_load_idx %gather3A_1464[%add3A_308, %add3A_1459] : memref<128x64xf32, #tpu.memory_space<vmem>>[vector<16xi32>, vector<16xi32>], vector<16xf32>,
        %shift_right_arithmetic3A_1466 = arith.constant 3 : i32
        %shift_right_arithmetic3A_1467 = vector.broadcast %shift_right_arithmetic3A_1466 : i32 to vector<16xi32>
        %shift_right_arithmetic3A_1468 = arith.shrsi %add3A_1459, %shift_right_arithmetic3A_1467 : vector<16xi32>
        %and3A_1469 = arith.constant 7 : i32
        %and3A_1470 = vector.broadcast %and3A_1469 : i32 to vector<16xi32>
        %and3A_1471 = arith.andi %add3A_1459, %and3A_1470 : vector<16xi32>
        %mul3A_1472 = arith.constant 8.000000e+00 : f32
        %mul3A_1473 = vector.broadcast %mul3A_1472 : f32 to vector<16xf32>
        %mul3A_1474 = arith.mulf %gather3A_1465, %mul3A_1473 : vector<16xf32>
        %scatter3A_1475 = arith.constant 1 : i32
        %scatter3A_1476 = arith.constant 0 : i32
        %scatter3A_1477 = arith.constant 0 : i32
        %scatter3A_1478 = arith.constant 0 : i32
        %scatter3A_1479 = tpu.memref_slice %arg8[%scatter3A_1475, %scatter3A_1476, %scatter3A_1477, %scatter3A_1478] : memref<2x8x8x128xf32, #tpu.memory_space<vmem>> -> memref<1x8x8x128xf32, #tpu.memory_space<vmem>>
        %scatter3A_1480 = tpu.memref_squeeze %scatter3A_1479 : memref<1x8x8x128xf32, #tpu.memory_space<vmem>> -> memref<8x8x128xf32, #tpu.memory_space<vmem>>
        tpu.vector_store_idx %scatter3A_1480[%shift_right_arithmetic3A_1468, %and3A_1471, %add3A_308], %mul3A_1474 : memref<8x8x128xf32, #tpu.memory_space<vmem>>[vector<16xi32>, vector<16xi32>, vector<16xi32>], vector<16xf32>,
        %add3A_1481 = arith.constant 48 : i32
        %add3A_1482 = vector.broadcast %add3A_1481 : i32 to vector<16xi32>
        %add3A_1483 = arith.addi %rem3A_18, %add3A_1482 : vector<16xi32>
        %gather3A_1484 = arith.constant 1 : i32
        %gather3A_1485 = arith.constant 0 : i32
        %gather3A_1486 = arith.constant 0 : i32
        %gather3A_1487 = tpu.memref_slice %arg7[%gather3A_1484, %gather3A_1485, %gather3A_1486] : memref<2x128x64xf32, #tpu.memory_space<vmem>> -> memref<1x128x64xf32, #tpu.memory_space<vmem>>
        %gather3A_1488 = tpu.memref_squeeze %gather3A_1487 : memref<1x128x64xf32, #tpu.memory_space<vmem>> -> memref<128x64xf32, #tpu.memory_space<vmem>>
        %gather3A_1489 = tpu.vector_load_idx %gather3A_1488[%add3A_308, %add3A_1483] : memref<128x64xf32, #tpu.memory_space<vmem>>[vector<16xi32>, vector<16xi32>], vector<16xf32>,
        %shift_right_arithmetic3A_1490 = arith.constant 3 : i32
        %shift_right_arithmetic3A_1491 = vector.broadcast %shift_right_arithmetic3A_1490 : i32 to vector<16xi32>
        %shift_right_arithmetic3A_1492 = arith.shrsi %add3A_1483, %shift_right_arithmetic3A_1491 : vector<16xi32>
        %and3A_1493 = arith.constant 7 : i32
        %and3A_1494 = vector.broadcast %and3A_1493 : i32 to vector<16xi32>
        %and3A_1495 = arith.andi %add3A_1483, %and3A_1494 : vector<16xi32>
        %mul3A_1496 = arith.constant 8.000000e+00 : f32
        %mul3A_1497 = vector.broadcast %mul3A_1496 : f32 to vector<16xf32>
        %mul3A_1498 = arith.mulf %gather3A_1489, %mul3A_1497 : vector<16xf32>
        %scatter3A_1499 = arith.constant 1 : i32
        %scatter3A_1500 = arith.constant 0 : i32
        %scatter3A_1501 = arith.constant 0 : i32
        %scatter3A_1502 = arith.constant 0 : i32
        %scatter3A_1503 = tpu.memref_slice %arg8[%scatter3A_1499, %scatter3A_1500, %scatter3A_1501, %scatter3A_1502] : memref<2x8x8x128xf32, #tpu.memory_space<vmem>> -> memref<1x8x8x128xf32, #tpu.memory_space<vmem>>
        %scatter3A_1504 = tpu.memref_squeeze %scatter3A_1503 : memref<1x8x8x128xf32, #tpu.memory_space<vmem>> -> memref<8x8x128xf32, #tpu.memory_space<vmem>>
        tpu.vector_store_idx %scatter3A_1504[%shift_right_arithmetic3A_1492, %and3A_1495, %add3A_308], %mul3A_1498 : memref<8x8x128xf32, #tpu.memory_space<vmem>>[vector<16xi32>, vector<16xi32>, vector<16xi32>], vector<16xf32>,
        %add3A_1505 = arith.constant 48 : i32
        %add3A_1506 = vector.broadcast %add3A_1505 : i32 to vector<16xi32>
        %add3A_1507 = arith.addi %rem3A_24, %add3A_1506 : vector<16xi32>
        %gather3A_1508 = arith.constant 1 : i32
        %gather3A_1509 = arith.constant 0 : i32
        %gather3A_1510 = arith.constant 0 : i32
        %gather3A_1511 = tpu.memref_slice %arg7[%gather3A_1508, %gather3A_1509, %gather3A_1510] : memref<2x128x64xf32, #tpu.memory_space<vmem>> -> memref<1x128x64xf32, #tpu.memory_space<vmem>>
        %gather3A_1512 = tpu.memref_squeeze %gather3A_1511 : memref<1x128x64xf32, #tpu.memory_space<vmem>> -> memref<128x64xf32, #tpu.memory_space<vmem>>
        %gather3A_1513 = tpu.vector_load_idx %gather3A_1512[%add3A_308, %add3A_1507] : memref<128x64xf32, #tpu.memory_space<vmem>>[vector<16xi32>, vector<16xi32>], vector<16xf32>,
        %shift_right_arithmetic3A_1514 = arith.constant 3 : i32
        %shift_right_arithmetic3A_1515 = vector.broadcast %shift_right_arithmetic3A_1514 : i32 to vector<16xi32>
        %shift_right_arithmetic3A_1516 = arith.shrsi %add3A_1507, %shift_right_arithmetic3A_1515 : vector<16xi32>
        %and3A_1517 = arith.constant 7 : i32
        %and3A_1518 = vector.broadcast %and3A_1517 : i32 to vector<16xi32>
        %and3A_1519 = arith.andi %add3A_1507, %and3A_1518 : vector<16xi32>
        %mul3A_1520 = arith.constant 8.000000e+00 : f32
        %mul3A_1521 = vector.broadcast %mul3A_1520 : f32 to vector<16xf32>
        %mul3A_1522 = arith.mulf %gather3A_1513, %mul3A_1521 : vector<16xf32>
        %scatter3A_1523 = arith.constant 1 : i32
        %scatter3A_1524 = arith.constant 0 : i32
        %scatter3A_1525 = arith.constant 0 : i32
        %scatter3A_1526 = arith.constant 0 : i32
        %scatter3A_1527 = tpu.memref_slice %arg8[%scatter3A_1523, %scatter3A_1524, %scatter3A_1525, %scatter3A_1526] : memref<2x8x8x128xf32, #tpu.memory_space<vmem>> -> memref<1x8x8x128xf32, #tpu.memory_space<vmem>>
        %scatter3A_1528 = tpu.memref_squeeze %scatter3A_1527 : memref<1x8x8x128xf32, #tpu.memory_space<vmem>> -> memref<8x8x128xf32, #tpu.memory_space<vmem>>
        tpu.vector_store_idx %scatter3A_1528[%shift_right_arithmetic3A_1516, %and3A_1519, %add3A_308], %mul3A_1522 : memref<8x8x128xf32, #tpu.memory_space<vmem>>[vector<16xi32>, vector<16xi32>, vector<16xi32>], vector<16xf32>,
        %add3A_1529 = arith.constant 48 : i32
        %add3A_1530 = vector.broadcast %add3A_1529 : i32 to vector<16xi32>
        %add3A_1531 = arith.addi %rem3A_30, %add3A_1530 : vector<16xi32>
        %gather3A_1532 = arith.constant 1 : i32
        %gather3A_1533 = arith.constant 0 : i32
        %gather3A_1534 = arith.constant 0 : i32
        %gather3A_1535 = tpu.memref_slice %arg7[%gather3A_1532, %gather3A_1533, %gather3A_1534] : memref<2x128x64xf32, #tpu.memory_space<vmem>> -> memref<1x128x64xf32, #tpu.memory_space<vmem>>
        %gather3A_1536 = tpu.memref_squeeze %gather3A_1535 : memref<1x128x64xf32, #tpu.memory_space<vmem>> -> memref<128x64xf32, #tpu.memory_space<vmem>>
        %gather3A_1537 = tpu.vector_load_idx %gather3A_1536[%add3A_308, %add3A_1531] : memref<128x64xf32, #tpu.memory_space<vmem>>[vector<16xi32>, vector<16xi32>], vector<16xf32>,
        %shift_right_arithmetic3A_1538 = arith.constant 3 : i32
        %shift_right_arithmetic3A_1539 = vector.broadcast %shift_right_arithmetic3A_1538 : i32 to vector<16xi32>
        %shift_right_arithmetic3A_1540 = arith.shrsi %add3A_1531, %shift_right_arithmetic3A_1539 : vector<16xi32>
        %and3A_1541 = arith.constant 7 : i32
        %and3A_1542 = vector.broadcast %and3A_1541 : i32 to vector<16xi32>
        %and3A_1543 = arith.andi %add3A_1531, %and3A_1542 : vector<16xi32>
        %mul3A_1544 = arith.constant 8.000000e+00 : f32
        %mul3A_1545 = vector.broadcast %mul3A_1544 : f32 to vector<16xf32>
        %mul3A_1546 = arith.mulf %gather3A_1537, %mul3A_1545 : vector<16xf32>
        %scatter3A_1547 = arith.constant 1 : i32
        %scatter3A_1548 = arith.constant 0 : i32
        %scatter3A_1549 = arith.constant 0 : i32
        %scatter3A_1550 = arith.constant 0 : i32
        %scatter3A_1551 = tpu.memref_slice %arg8[%scatter3A_1547, %scatter3A_1548, %scatter3A_1549, %scatter3A_1550] : memref<2x8x8x128xf32, #tpu.memory_space<vmem>> -> memref<1x8x8x128xf32, #tpu.memory_space<vmem>>
        %scatter3A_1552 = tpu.memref_squeeze %scatter3A_1551 : memref<1x8x8x128xf32, #tpu.memory_space<vmem>> -> memref<8x8x128xf32, #tpu.memory_space<vmem>>
        tpu.vector_store_idx %scatter3A_1552[%shift_right_arithmetic3A_1540, %and3A_1543, %add3A_308], %mul3A_1546 : memref<8x8x128xf32, #tpu.memory_space<vmem>>[vector<16xi32>, vector<16xi32>, vector<16xi32>], vector<16xf32>,
        %add3A_1553 = arith.constant 48 : i32
        %add3A_1554 = vector.broadcast %add3A_1553 : i32 to vector<16xi32>
        %add3A_1555 = arith.addi %rem3A_36, %add3A_1554 : vector<16xi32>
        %gather3A_1556 = arith.constant 1 : i32
        %gather3A_1557 = arith.constant 0 : i32
        %gather3A_1558 = arith.constant 0 : i32
        %gather3A_1559 = tpu.memref_slice %arg7[%gather3A_1556, %gather3A_1557, %gather3A_1558] : memref<2x128x64xf32, #tpu.memory_space<vmem>> -> memref<1x128x64xf32, #tpu.memory_space<vmem>>
        %gather3A_1560 = tpu.memref_squeeze %gather3A_1559 : memref<1x128x64xf32, #tpu.memory_space<vmem>> -> memref<128x64xf32, #tpu.memory_space<vmem>>
        %gather3A_1561 = tpu.vector_load_idx %gather3A_1560[%add3A_308, %add3A_1555] : memref<128x64xf32, #tpu.memory_space<vmem>>[vector<16xi32>, vector<16xi32>], vector<16xf32>,
        %shift_right_arithmetic3A_1562 = arith.constant 3 : i32
        %shift_right_arithmetic3A_1563 = vector.broadcast %shift_right_arithmetic3A_1562 : i32 to vector<16xi32>
        %shift_right_arithmetic3A_1564 = arith.shrsi %add3A_1555, %shift_right_arithmetic3A_1563 : vector<16xi32>
        %and3A_1565 = arith.constant 7 : i32
        %and3A_1566 = vector.broadcast %and3A_1565 : i32 to vector<16xi32>
        %and3A_1567 = arith.andi %add3A_1555, %and3A_1566 : vector<16xi32>
        %mul3A_1568 = arith.constant 8.000000e+00 : f32
        %mul3A_1569 = vector.broadcast %mul3A_1568 : f32 to vector<16xf32>
        %mul3A_1570 = arith.mulf %gather3A_1561, %mul3A_1569 : vector<16xf32>
        %scatter3A_1571 = arith.constant 1 : i32
        %scatter3A_1572 = arith.constant 0 : i32
        %scatter3A_1573 = arith.constant 0 : i32
        %scatter3A_1574 = arith.constant 0 : i32
        %scatter3A_1575 = tpu.memref_slice %arg8[%scatter3A_1571, %scatter3A_1572, %scatter3A_1573, %scatter3A_1574] : memref<2x8x8x128xf32, #tpu.memory_space<vmem>> -> memref<1x8x8x128xf32, #tpu.memory_space<vmem>>
        %scatter3A_1576 = tpu.memref_squeeze %scatter3A_1575 : memref<1x8x8x128xf32, #tpu.memory_space<vmem>> -> memref<8x8x128xf32, #tpu.memory_space<vmem>>
        tpu.vector_store_idx %scatter3A_1576[%shift_right_arithmetic3A_1564, %and3A_1567, %add3A_308], %mul3A_1570 : memref<8x8x128xf32, #tpu.memory_space<vmem>>[vector<16xi32>, vector<16xi32>, vector<16xi32>], vector<16xf32>,
        %add3A_1577 = arith.constant 48 : i32
        %add3A_1578 = vector.broadcast %add3A_1577 : i32 to vector<16xi32>
        %add3A_1579 = arith.addi %rem3A_42, %add3A_1578 : vector<16xi32>
        %gather3A_1580 = arith.constant 1 : i32
        %gather3A_1581 = arith.constant 0 : i32
        %gather3A_1582 = arith.constant 0 : i32
        %gather3A_1583 = tpu.memref_slice %arg7[%gather3A_1580, %gather3A_1581, %gather3A_1582] : memref<2x128x64xf32, #tpu.memory_space<vmem>> -> memref<1x128x64xf32, #tpu.memory_space<vmem>>
        %gather3A_1584 = tpu.memref_squeeze %gather3A_1583 : memref<1x128x64xf32, #tpu.memory_space<vmem>> -> memref<128x64xf32, #tpu.memory_space<vmem>>
        %gather3A_1585 = tpu.vector_load_idx %gather3A_1584[%add3A_308, %add3A_1579] : memref<128x64xf32, #tpu.memory_space<vmem>>[vector<16xi32>, vector<16xi32>], vector<16xf32>,
        %shift_right_arithmetic3A_1586 = arith.constant 3 : i32
        %shift_right_arithmetic3A_1587 = vector.broadcast %shift_right_arithmetic3A_1586 : i32 to vector<16xi32>
        %shift_right_arithmetic3A_1588 = arith.shrsi %add3A_1579, %shift_right_arithmetic3A_1587 : vector<16xi32>
        %and3A_1589 = arith.constant 7 : i32
        %and3A_1590 = vector.broadcast %and3A_1589 : i32 to vector<16xi32>
        %and3A_1591 = arith.andi %add3A_1579, %and3A_1590 : vector<16xi32>
        %mul3A_1592 = arith.constant 8.000000e+00 : f32
        %mul3A_1593 = vector.broadcast %mul3A_1592 : f32 to vector<16xf32>
        %mul3A_1594 = arith.mulf %gather3A_1585, %mul3A_1593 : vector<16xf32>
        %scatter3A_1595 = arith.constant 1 : i32
        %scatter3A_1596 = arith.constant 0 : i32
        %scatter3A_1597 = arith.constant 0 : i32
        %scatter3A_1598 = arith.constant 0 : i32
        %scatter3A_1599 = tpu.memref_slice %arg8[%scatter3A_1595, %scatter3A_1596, %scatter3A_1597, %scatter3A_1598] : memref<2x8x8x128xf32, #tpu.memory_space<vmem>> -> memref<1x8x8x128xf32, #tpu.memory_space<vmem>>
        %scatter3A_1600 = tpu.memref_squeeze %scatter3A_1599 : memref<1x8x8x128xf32, #tpu.memory_space<vmem>> -> memref<8x8x128xf32, #tpu.memory_space<vmem>>
        tpu.vector_store_idx %scatter3A_1600[%shift_right_arithmetic3A_1588, %and3A_1591, %add3A_308], %mul3A_1594 : memref<8x8x128xf32, #tpu.memory_space<vmem>>[vector<16xi32>, vector<16xi32>, vector<16xi32>], vector<16xf32>,
        %add3A_1601 = arith.constant 48 : i32
        %add3A_1602 = vector.broadcast %add3A_1601 : i32 to vector<16xi32>
        %add3A_1603 = arith.addi %rem3A_48, %add3A_1602 : vector<16xi32>
        %gather3A_1604 = arith.constant 1 : i32
        %gather3A_1605 = arith.constant 0 : i32
        %gather3A_1606 = arith.constant 0 : i32
        %gather3A_1607 = tpu.memref_slice %arg7[%gather3A_1604, %gather3A_1605, %gather3A_1606] : memref<2x128x64xf32, #tpu.memory_space<vmem>> -> memref<1x128x64xf32, #tpu.memory_space<vmem>>
        %gather3A_1608 = tpu.memref_squeeze %gather3A_1607 : memref<1x128x64xf32, #tpu.memory_space<vmem>> -> memref<128x64xf32, #tpu.memory_space<vmem>>
        %gather3A_1609 = tpu.vector_load_idx %gather3A_1608[%add3A_308, %add3A_1603] : memref<128x64xf32, #tpu.memory_space<vmem>>[vector<16xi32>, vector<16xi32>], vector<16xf32>,
        %shift_right_arithmetic3A_1610 = arith.constant 3 : i32
        %shift_right_arithmetic3A_1611 = vector.broadcast %shift_right_arithmetic3A_1610 : i32 to vector<16xi32>
        %shift_right_arithmetic3A_1612 = arith.shrsi %add3A_1603, %shift_right_arithmetic3A_1611 : vector<16xi32>
        %and3A_1613 = arith.constant 7 : i32
        %and3A_1614 = vector.broadcast %and3A_1613 : i32 to vector<16xi32>
        %and3A_1615 = arith.andi %add3A_1603, %and3A_1614 : vector<16xi32>
        %mul3A_1616 = arith.constant 8.000000e+00 : f32
        %mul3A_1617 = vector.broadcast %mul3A_1616 : f32 to vector<16xf32>
        %mul3A_1618 = arith.mulf %gather3A_1609, %mul3A_1617 : vector<16xf32>
        %scatter3A_1619 = arith.constant 1 : i32
        %scatter3A_1620 = arith.constant 0 : i32
        %scatter3A_1621 = arith.constant 0 : i32
        %scatter3A_1622 = arith.constant 0 : i32
        %scatter3A_1623 = tpu.memref_slice %arg8[%scatter3A_1619, %scatter3A_1620, %scatter3A_1621, %scatter3A_1622] : memref<2x8x8x128xf32, #tpu.memory_space<vmem>> -> memref<1x8x8x128xf32, #tpu.memory_space<vmem>>
        %scatter3A_1624 = tpu.memref_squeeze %scatter3A_1623 : memref<1x8x8x128xf32, #tpu.memory_space<vmem>> -> memref<8x8x128xf32, #tpu.memory_space<vmem>>
        tpu.vector_store_idx %scatter3A_1624[%shift_right_arithmetic3A_1612, %and3A_1615, %add3A_308], %mul3A_1618 : memref<8x8x128xf32, #tpu.memory_space<vmem>>[vector<16xi32>, vector<16xi32>, vector<16xi32>], vector<16xf32>,
        %add3A_1625 = arith.constant 48 : i32
        %add3A_1626 = vector.broadcast %add3A_1625 : i32 to vector<16xi32>
        %add3A_1627 = arith.addi %rem3A_54, %add3A_1626 : vector<16xi32>
        %gather3A_1628 = arith.constant 1 : i32
        %gather3A_1629 = arith.constant 0 : i32
        %gather3A_1630 = arith.constant 0 : i32
        %gather3A_1631 = tpu.memref_slice %arg7[%gather3A_1628, %gather3A_1629, %gather3A_1630] : memref<2x128x64xf32, #tpu.memory_space<vmem>> -> memref<1x128x64xf32, #tpu.memory_space<vmem>>
        %gather3A_1632 = tpu.memref_squeeze %gather3A_1631 : memref<1x128x64xf32, #tpu.memory_space<vmem>> -> memref<128x64xf32, #tpu.memory_space<vmem>>
        %gather3A_1633 = tpu.vector_load_idx %gather3A_1632[%add3A_308, %add3A_1627] : memref<128x64xf32, #tpu.memory_space<vmem>>[vector<16xi32>, vector<16xi32>], vector<16xf32>,
        %shift_right_arithmetic3A_1634 = arith.constant 3 : i32
        %shift_right_arithmetic3A_1635 = vector.broadcast %shift_right_arithmetic3A_1634 : i32 to vector<16xi32>
        %shift_right_arithmetic3A_1636 = arith.shrsi %add3A_1627, %shift_right_arithmetic3A_1635 : vector<16xi32>
        %and3A_1637 = arith.constant 7 : i32
        %and3A_1638 = vector.broadcast %and3A_1637 : i32 to vector<16xi32>
        %and3A_1639 = arith.andi %add3A_1627, %and3A_1638 : vector<16xi32>
        %mul3A_1640 = arith.constant 8.000000e+00 : f32
        %mul3A_1641 = vector.broadcast %mul3A_1640 : f32 to vector<16xf32>
        %mul3A_1642 = arith.mulf %gather3A_1633, %mul3A_1641 : vector<16xf32>
        %scatter3A_1643 = arith.constant 1 : i32
        %scatter3A_1644 = arith.constant 0 : i32
        %scatter3A_1645 = arith.constant 0 : i32
        %scatter3A_1646 = arith.constant 0 : i32
        %scatter3A_1647 = tpu.memref_slice %arg8[%scatter3A_1643, %scatter3A_1644, %scatter3A_1645, %scatter3A_1646] : memref<2x8x8x128xf32, #tpu.memory_space<vmem>> -> memref<1x8x8x128xf32, #tpu.memory_space<vmem>>
        %scatter3A_1648 = tpu.memref_squeeze %scatter3A_1647 : memref<1x8x8x128xf32, #tpu.memory_space<vmem>> -> memref<8x8x128xf32, #tpu.memory_space<vmem>>
        tpu.vector_store_idx %scatter3A_1648[%shift_right_arithmetic3A_1636, %and3A_1639, %add3A_308], %mul3A_1642 : memref<8x8x128xf32, #tpu.memory_space<vmem>>[vector<16xi32>, vector<16xi32>, vector<16xi32>], vector<16xf32>,
        %add3A_1649 = arith.constant 48 : i32
        %add3A_1650 = vector.broadcast %add3A_1649 : i32 to vector<16xi32>
        %add3A_1651 = arith.addi %rem3A_60, %add3A_1650 : vector<16xi32>
        %gather3A_1652 = arith.constant 1 : i32
        %gather3A_1653 = arith.constant 0 : i32
        %gather3A_1654 = arith.constant 0 : i32
        %gather3A_1655 = tpu.memref_slice %arg7[%gather3A_1652, %gather3A_1653, %gather3A_1654] : memref<2x128x64xf32, #tpu.memory_space<vmem>> -> memref<1x128x64xf32, #tpu.memory_space<vmem>>
        %gather3A_1656 = tpu.memref_squeeze %gather3A_1655 : memref<1x128x64xf32, #tpu.memory_space<vmem>> -> memref<128x64xf32, #tpu.memory_space<vmem>>
        %gather3A_1657 = tpu.vector_load_idx %gather3A_1656[%add3A_308, %add3A_1651] : memref<128x64xf32, #tpu.memory_space<vmem>>[vector<16xi32>, vector<16xi32>], vector<16xf32>,
        %shift_right_arithmetic3A_1658 = arith.constant 3 : i32
        %shift_right_arithmetic3A_1659 = vector.broadcast %shift_right_arithmetic3A_1658 : i32 to vector<16xi32>
        %shift_right_arithmetic3A_1660 = arith.shrsi %add3A_1651, %shift_right_arithmetic3A_1659 : vector<16xi32>
        %and3A_1661 = arith.constant 7 : i32
        %and3A_1662 = vector.broadcast %and3A_1661 : i32 to vector<16xi32>
        %and3A_1663 = arith.andi %add3A_1651, %and3A_1662 : vector<16xi32>
        %mul3A_1664 = arith.constant 8.000000e+00 : f32
        %mul3A_1665 = vector.broadcast %mul3A_1664 : f32 to vector<16xf32>
        %mul3A_1666 = arith.mulf %gather3A_1657, %mul3A_1665 : vector<16xf32>
        %scatter3A_1667 = arith.constant 1 : i32
        %scatter3A_1668 = arith.constant 0 : i32
        %scatter3A_1669 = arith.constant 0 : i32
        %scatter3A_1670 = arith.constant 0 : i32
        %scatter3A_1671 = tpu.memref_slice %arg8[%scatter3A_1667, %scatter3A_1668, %scatter3A_1669, %scatter3A_1670] : memref<2x8x8x128xf32, #tpu.memory_space<vmem>> -> memref<1x8x8x128xf32, #tpu.memory_space<vmem>>
        %scatter3A_1672 = tpu.memref_squeeze %scatter3A_1671 : memref<1x8x8x128xf32, #tpu.memory_space<vmem>> -> memref<8x8x128xf32, #tpu.memory_space<vmem>>
        tpu.vector_store_idx %scatter3A_1672[%shift_right_arithmetic3A_1660, %and3A_1663, %add3A_308], %mul3A_1666 : memref<8x8x128xf32, #tpu.memory_space<vmem>>[vector<16xi32>, vector<16xi32>, vector<16xi32>], vector<16xf32>,
        %add3A_1673 = arith.constant 48 : i32
        %add3A_1674 = vector.broadcast %add3A_1673 : i32 to vector<16xi32>
        %add3A_1675 = arith.addi %rem3A_66, %add3A_1674 : vector<16xi32>
        %gather3A_1676 = arith.constant 1 : i32
        %gather3A_1677 = arith.constant 0 : i32
        %gather3A_1678 = arith.constant 0 : i32
        %gather3A_1679 = tpu.memref_slice %arg7[%gather3A_1676, %gather3A_1677, %gather3A_1678] : memref<2x128x64xf32, #tpu.memory_space<vmem>> -> memref<1x128x64xf32, #tpu.memory_space<vmem>>
        %gather3A_1680 = tpu.memref_squeeze %gather3A_1679 : memref<1x128x64xf32, #tpu.memory_space<vmem>> -> memref<128x64xf32, #tpu.memory_space<vmem>>
        %gather3A_1681 = tpu.vector_load_idx %gather3A_1680[%add3A_308, %add3A_1675] : memref<128x64xf32, #tpu.memory_space<vmem>>[vector<16xi32>, vector<16xi32>], vector<16xf32>,
        %shift_right_arithmetic3A_1682 = arith.constant 3 : i32
        %shift_right_arithmetic3A_1683 = vector.broadcast %shift_right_arithmetic3A_1682 : i32 to vector<16xi32>
        %shift_right_arithmetic3A_1684 = arith.shrsi %add3A_1675, %shift_right_arithmetic3A_1683 : vector<16xi32>
        %and3A_1685 = arith.constant 7 : i32
        %and3A_1686 = vector.broadcast %and3A_1685 : i32 to vector<16xi32>
        %and3A_1687 = arith.andi %add3A_1675, %and3A_1686 : vector<16xi32>
        %mul3A_1688 = arith.constant 8.000000e+00 : f32
        %mul3A_1689 = vector.broadcast %mul3A_1688 : f32 to vector<16xf32>
        %mul3A_1690 = arith.mulf %gather3A_1681, %mul3A_1689 : vector<16xf32>
        %scatter3A_1691 = arith.constant 1 : i32
        %scatter3A_1692 = arith.constant 0 : i32
        %scatter3A_1693 = arith.constant 0 : i32
        %scatter3A_1694 = arith.constant 0 : i32
        %scatter3A_1695 = tpu.memref_slice %arg8[%scatter3A_1691, %scatter3A_1692, %scatter3A_1693, %scatter3A_1694] : memref<2x8x8x128xf32, #tpu.memory_space<vmem>> -> memref<1x8x8x128xf32, #tpu.memory_space<vmem>>
        %scatter3A_1696 = tpu.memref_squeeze %scatter3A_1695 : memref<1x8x8x128xf32, #tpu.memory_space<vmem>> -> memref<8x8x128xf32, #tpu.memory_space<vmem>>
        tpu.vector_store_idx %scatter3A_1696[%shift_right_arithmetic3A_1684, %and3A_1687, %add3A_308], %mul3A_1690 : memref<8x8x128xf32, #tpu.memory_space<vmem>>[vector<16xi32>, vector<16xi32>, vector<16xi32>], vector<16xf32>,
        %add3A_1697 = arith.constant 48 : i32
        %add3A_1698 = vector.broadcast %add3A_1697 : i32 to vector<16xi32>
        %add3A_1699 = arith.addi %rem3A_72, %add3A_1698 : vector<16xi32>
        %gather3A_1700 = arith.constant 1 : i32
        %gather3A_1701 = arith.constant 0 : i32
        %gather3A_1702 = arith.constant 0 : i32
        %gather3A_1703 = tpu.memref_slice %arg7[%gather3A_1700, %gather3A_1701, %gather3A_1702] : memref<2x128x64xf32, #tpu.memory_space<vmem>> -> memref<1x128x64xf32, #tpu.memory_space<vmem>>
        %gather3A_1704 = tpu.memref_squeeze %gather3A_1703 : memref<1x128x64xf32, #tpu.memory_space<vmem>> -> memref<128x64xf32, #tpu.memory_space<vmem>>
        %gather3A_1705 = tpu.vector_load_idx %gather3A_1704[%add3A_308, %add3A_1699] : memref<128x64xf32, #tpu.memory_space<vmem>>[vector<16xi32>, vector<16xi32>], vector<16xf32>,
        %shift_right_arithmetic3A_1706 = arith.constant 3 : i32
        %shift_right_arithmetic3A_1707 = vector.broadcast %shift_right_arithmetic3A_1706 : i32 to vector<16xi32>
        %shift_right_arithmetic3A_1708 = arith.shrsi %add3A_1699, %shift_right_arithmetic3A_1707 : vector<16xi32>
        %and3A_1709 = arith.constant 7 : i32
        %and3A_1710 = vector.broadcast %and3A_1709 : i32 to vector<16xi32>
        %and3A_1711 = arith.andi %add3A_1699, %and3A_1710 : vector<16xi32>
        %mul3A_1712 = arith.constant 8.000000e+00 : f32
        %mul3A_1713 = vector.broadcast %mul3A_1712 : f32 to vector<16xf32>
        %mul3A_1714 = arith.mulf %gather3A_1705, %mul3A_1713 : vector<16xf32>
        %scatter3A_1715 = arith.constant 1 : i32
        %scatter3A_1716 = arith.constant 0 : i32
        %scatter3A_1717 = arith.constant 0 : i32
        %scatter3A_1718 = arith.constant 0 : i32
        %scatter3A_1719 = tpu.memref_slice %arg8[%scatter3A_1715, %scatter3A_1716, %scatter3A_1717, %scatter3A_1718] : memref<2x8x8x128xf32, #tpu.memory_space<vmem>> -> memref<1x8x8x128xf32, #tpu.memory_space<vmem>>
        %scatter3A_1720 = tpu.memref_squeeze %scatter3A_1719 : memref<1x8x8x128xf32, #tpu.memory_space<vmem>> -> memref<8x8x128xf32, #tpu.memory_space<vmem>>
        tpu.vector_store_idx %scatter3A_1720[%shift_right_arithmetic3A_1708, %and3A_1711, %add3A_308], %mul3A_1714 : memref<8x8x128xf32, #tpu.memory_space<vmem>>[vector<16xi32>, vector<16xi32>, vector<16xi32>], vector<16xf32>,
        %add3A_1721 = arith.constant 48 : i32
        %add3A_1722 = vector.broadcast %add3A_1721 : i32 to vector<16xi32>
        %add3A_1723 = arith.addi %rem3A_78, %add3A_1722 : vector<16xi32>
        %gather3A_1724 = arith.constant 1 : i32
        %gather3A_1725 = arith.constant 0 : i32
        %gather3A_1726 = arith.constant 0 : i32
        %gather3A_1727 = tpu.memref_slice %arg7[%gather3A_1724, %gather3A_1725, %gather3A_1726] : memref<2x128x64xf32, #tpu.memory_space<vmem>> -> memref<1x128x64xf32, #tpu.memory_space<vmem>>
        %gather3A_1728 = tpu.memref_squeeze %gather3A_1727 : memref<1x128x64xf32, #tpu.memory_space<vmem>> -> memref<128x64xf32, #tpu.memory_space<vmem>>
        %gather3A_1729 = tpu.vector_load_idx %gather3A_1728[%add3A_308, %add3A_1723] : memref<128x64xf32, #tpu.memory_space<vmem>>[vector<16xi32>, vector<16xi32>], vector<16xf32>,
        %shift_right_arithmetic3A_1730 = arith.constant 3 : i32
        %shift_right_arithmetic3A_1731 = vector.broadcast %shift_right_arithmetic3A_1730 : i32 to vector<16xi32>
        %shift_right_arithmetic3A_1732 = arith.shrsi %add3A_1723, %shift_right_arithmetic3A_1731 : vector<16xi32>
        %and3A_1733 = arith.constant 7 : i32
        %and3A_1734 = vector.broadcast %and3A_1733 : i32 to vector<16xi32>
        %and3A_1735 = arith.andi %add3A_1723, %and3A_1734 : vector<16xi32>
        %mul3A_1736 = arith.constant 8.000000e+00 : f32
        %mul3A_1737 = vector.broadcast %mul3A_1736 : f32 to vector<16xf32>
        %mul3A_1738 = arith.mulf %gather3A_1729, %mul3A_1737 : vector<16xf32>
        %scatter3A_1739 = arith.constant 1 : i32
        %scatter3A_1740 = arith.constant 0 : i32
        %scatter3A_1741 = arith.constant 0 : i32
        %scatter3A_1742 = arith.constant 0 : i32
        %scatter3A_1743 = tpu.memref_slice %arg8[%scatter3A_1739, %scatter3A_1740, %scatter3A_1741, %scatter3A_1742] : memref<2x8x8x128xf32, #tpu.memory_space<vmem>> -> memref<1x8x8x128xf32, #tpu.memory_space<vmem>>
        %scatter3A_1744 = tpu.memref_squeeze %scatter3A_1743 : memref<1x8x8x128xf32, #tpu.memory_space<vmem>> -> memref<8x8x128xf32, #tpu.memory_space<vmem>>
        tpu.vector_store_idx %scatter3A_1744[%shift_right_arithmetic3A_1732, %and3A_1735, %add3A_308], %mul3A_1738 : memref<8x8x128xf32, #tpu.memory_space<vmem>>[vector<16xi32>, vector<16xi32>, vector<16xi32>], vector<16xf32>,
        %add3A_1745 = arith.constant 48 : i32
        %add3A_1746 = vector.broadcast %add3A_1745 : i32 to vector<16xi32>
        %add3A_1747 = arith.addi %rem3A_84, %add3A_1746 : vector<16xi32>
        %gather3A_1748 = arith.constant 1 : i32
        %gather3A_1749 = arith.constant 0 : i32
        %gather3A_1750 = arith.constant 0 : i32
        %gather3A_1751 = tpu.memref_slice %arg7[%gather3A_1748, %gather3A_1749, %gather3A_1750] : memref<2x128x64xf32, #tpu.memory_space<vmem>> -> memref<1x128x64xf32, #tpu.memory_space<vmem>>
        %gather3A_1752 = tpu.memref_squeeze %gather3A_1751 : memref<1x128x64xf32, #tpu.memory_space<vmem>> -> memref<128x64xf32, #tpu.memory_space<vmem>>
        %gather3A_1753 = tpu.vector_load_idx %gather3A_1752[%add3A_308, %add3A_1747] : memref<128x64xf32, #tpu.memory_space<vmem>>[vector<16xi32>, vector<16xi32>], vector<16xf32>,
        %shift_right_arithmetic3A_1754 = arith.constant 3 : i32
        %shift_right_arithmetic3A_1755 = vector.broadcast %shift_right_arithmetic3A_1754 : i32 to vector<16xi32>
        %shift_right_arithmetic3A_1756 = arith.shrsi %add3A_1747, %shift_right_arithmetic3A_1755 : vector<16xi32>
        %and3A_1757 = arith.constant 7 : i32
        %and3A_1758 = vector.broadcast %and3A_1757 : i32 to vector<16xi32>
        %and3A_1759 = arith.andi %add3A_1747, %and3A_1758 : vector<16xi32>
        %mul3A_1760 = arith.constant 8.000000e+00 : f32
        %mul3A_1761 = vector.broadcast %mul3A_1760 : f32 to vector<16xf32>
        %mul3A_1762 = arith.mulf %gather3A_1753, %mul3A_1761 : vector<16xf32>
        %scatter3A_1763 = arith.constant 1 : i32
        %scatter3A_1764 = arith.constant 0 : i32
        %scatter3A_1765 = arith.constant 0 : i32
        %scatter3A_1766 = arith.constant 0 : i32
        %scatter3A_1767 = tpu.memref_slice %arg8[%scatter3A_1763, %scatter3A_1764, %scatter3A_1765, %scatter3A_1766] : memref<2x8x8x128xf32, #tpu.memory_space<vmem>> -> memref<1x8x8x128xf32, #tpu.memory_space<vmem>>
        %scatter3A_1768 = tpu.memref_squeeze %scatter3A_1767 : memref<1x8x8x128xf32, #tpu.memory_space<vmem>> -> memref<8x8x128xf32, #tpu.memory_space<vmem>>
        tpu.vector_store_idx %scatter3A_1768[%shift_right_arithmetic3A_1756, %and3A_1759, %add3A_308], %mul3A_1762 : memref<8x8x128xf32, #tpu.memory_space<vmem>>[vector<16xi32>, vector<16xi32>, vector<16xi32>], vector<16xf32>,
        %add3A_1769 = arith.constant 48 : i32
        %add3A_1770 = vector.broadcast %add3A_1769 : i32 to vector<16xi32>
        %add3A_1771 = arith.addi %rem3A_90, %add3A_1770 : vector<16xi32>
        %gather3A_1772 = arith.constant 1 : i32
        %gather3A_1773 = arith.constant 0 : i32
        %gather3A_1774 = arith.constant 0 : i32
        %gather3A_1775 = tpu.memref_slice %arg7[%gather3A_1772, %gather3A_1773, %gather3A_1774] : memref<2x128x64xf32, #tpu.memory_space<vmem>> -> memref<1x128x64xf32, #tpu.memory_space<vmem>>
        %gather3A_1776 = tpu.memref_squeeze %gather3A_1775 : memref<1x128x64xf32, #tpu.memory_space<vmem>> -> memref<128x64xf32, #tpu.memory_space<vmem>>
        %gather3A_1777 = tpu.vector_load_idx %gather3A_1776[%add3A_308, %add3A_1771] : memref<128x64xf32, #tpu.memory_space<vmem>>[vector<16xi32>, vector<16xi32>], vector<16xf32>,
        %shift_right_arithmetic3A_1778 = arith.constant 3 : i32
        %shift_right_arithmetic3A_1779 = vector.broadcast %shift_right_arithmetic3A_1778 : i32 to vector<16xi32>
        %shift_right_arithmetic3A_1780 = arith.shrsi %add3A_1771, %shift_right_arithmetic3A_1779 : vector<16xi32>
        %and3A_1781 = arith.constant 7 : i32
        %and3A_1782 = vector.broadcast %and3A_1781 : i32 to vector<16xi32>
        %and3A_1783 = arith.andi %add3A_1771, %and3A_1782 : vector<16xi32>
        %mul3A_1784 = arith.constant 8.000000e+00 : f32
        %mul3A_1785 = vector.broadcast %mul3A_1784 : f32 to vector<16xf32>
        %mul3A_1786 = arith.mulf %gather3A_1777, %mul3A_1785 : vector<16xf32>
        %scatter3A_1787 = arith.constant 1 : i32
        %scatter3A_1788 = arith.constant 0 : i32
        %scatter3A_1789 = arith.constant 0 : i32
        %scatter3A_1790 = arith.constant 0 : i32
        %scatter3A_1791 = tpu.memref_slice %arg8[%scatter3A_1787, %scatter3A_1788, %scatter3A_1789, %scatter3A_1790] : memref<2x8x8x128xf32, #tpu.memory_space<vmem>> -> memref<1x8x8x128xf32, #tpu.memory_space<vmem>>
        %scatter3A_1792 = tpu.memref_squeeze %scatter3A_1791 : memref<1x8x8x128xf32, #tpu.memory_space<vmem>> -> memref<8x8x128xf32, #tpu.memory_space<vmem>>
        tpu.vector_store_idx %scatter3A_1792[%shift_right_arithmetic3A_1780, %and3A_1783, %add3A_308], %mul3A_1786 : memref<8x8x128xf32, #tpu.memory_space<vmem>>[vector<16xi32>, vector<16xi32>, vector<16xi32>], vector<16xf32>,
        %add3A_1793 = arith.constant 48 : i32
        %add3A_1794 = vector.broadcast %add3A_1793 : i32 to vector<16xi32>
        %add3A_1795 = arith.addi %rem3A_96, %add3A_1794 : vector<16xi32>
        %gather3A_1796 = arith.constant 1 : i32
        %gather3A_1797 = arith.constant 0 : i32
        %gather3A_1798 = arith.constant 0 : i32
        %gather3A_1799 = tpu.memref_slice %arg7[%gather3A_1796, %gather3A_1797, %gather3A_1798] : memref<2x128x64xf32, #tpu.memory_space<vmem>> -> memref<1x128x64xf32, #tpu.memory_space<vmem>>
        %gather3A_1800 = tpu.memref_squeeze %gather3A_1799 : memref<1x128x64xf32, #tpu.memory_space<vmem>> -> memref<128x64xf32, #tpu.memory_space<vmem>>
        %gather3A_1801 = tpu.vector_load_idx %gather3A_1800[%add3A_308, %add3A_1795] : memref<128x64xf32, #tpu.memory_space<vmem>>[vector<16xi32>, vector<16xi32>], vector<16xf32>,
        %shift_right_arithmetic3A_1802 = arith.constant 3 : i32
        %shift_right_arithmetic3A_1803 = vector.broadcast %shift_right_arithmetic3A_1802 : i32 to vector<16xi32>
        %shift_right_arithmetic3A_1804 = arith.shrsi %add3A_1795, %shift_right_arithmetic3A_1803 : vector<16xi32>
        %and3A_1805 = arith.constant 7 : i32
        %and3A_1806 = vector.broadcast %and3A_1805 : i32 to vector<16xi32>
        %and3A_1807 = arith.andi %add3A_1795, %and3A_1806 : vector<16xi32>
        %mul3A_1808 = arith.constant 8.000000e+00 : f32
        %mul3A_1809 = vector.broadcast %mul3A_1808 : f32 to vector<16xf32>
        %mul3A_1810 = arith.mulf %gather3A_1801, %mul3A_1809 : vector<16xf32>
        %scatter3A_1811 = arith.constant 1 : i32
        %scatter3A_1812 = arith.constant 0 : i32
        %scatter3A_1813 = arith.constant 0 : i32
        %scatter3A_1814 = arith.constant 0 : i32
        %scatter3A_1815 = tpu.memref_slice %arg8[%scatter3A_1811, %scatter3A_1812, %scatter3A_1813, %scatter3A_1814] : memref<2x8x8x128xf32, #tpu.memory_space<vmem>> -> memref<1x8x8x128xf32, #tpu.memory_space<vmem>>
        %scatter3A_1816 = tpu.memref_squeeze %scatter3A_1815 : memref<1x8x8x128xf32, #tpu.memory_space<vmem>> -> memref<8x8x128xf32, #tpu.memory_space<vmem>>
        tpu.vector_store_idx %scatter3A_1816[%shift_right_arithmetic3A_1804, %and3A_1807, %add3A_308], %mul3A_1810 : memref<8x8x128xf32, #tpu.memory_space<vmem>>[vector<16xi32>, vector<16xi32>, vector<16xi32>], vector<16xf32>,
        %add3A_1817 = arith.constant 48 : i32
        %add3A_1818 = vector.broadcast %add3A_1817 : i32 to vector<16xi32>
        %add3A_1819 = arith.addi %rem3A_102, %add3A_1818 : vector<16xi32>
        %gather3A_1820 = arith.constant 1 : i32
        %gather3A_1821 = arith.constant 0 : i32
        %gather3A_1822 = arith.constant 0 : i32
        %gather3A_1823 = tpu.memref_slice %arg7[%gather3A_1820, %gather3A_1821, %gather3A_1822] : memref<2x128x64xf32, #tpu.memory_space<vmem>> -> memref<1x128x64xf32, #tpu.memory_space<vmem>>
        %gather3A_1824 = tpu.memref_squeeze %gather3A_1823 : memref<1x128x64xf32, #tpu.memory_space<vmem>> -> memref<128x64xf32, #tpu.memory_space<vmem>>
        %gather3A_1825 = tpu.vector_load_idx %gather3A_1824[%add3A_308, %add3A_1819] : memref<128x64xf32, #tpu.memory_space<vmem>>[vector<16xi32>, vector<16xi32>], vector<16xf32>,
        %shift_right_arithmetic3A_1826 = arith.constant 3 : i32
        %shift_right_arithmetic3A_1827 = vector.broadcast %shift_right_arithmetic3A_1826 : i32 to vector<16xi32>
        %shift_right_arithmetic3A_1828 = arith.shrsi %add3A_1819, %shift_right_arithmetic3A_1827 : vector<16xi32>
        %and3A_1829 = arith.constant 7 : i32
        %and3A_1830 = vector.broadcast %and3A_1829 : i32 to vector<16xi32>
        %and3A_1831 = arith.andi %add3A_1819, %and3A_1830 : vector<16xi32>
        %mul3A_1832 = arith.constant 8.000000e+00 : f32
        %mul3A_1833 = vector.broadcast %mul3A_1832 : f32 to vector<16xf32>
        %mul3A_1834 = arith.mulf %gather3A_1825, %mul3A_1833 : vector<16xf32>
        %scatter3A_1835 = arith.constant 1 : i32
        %scatter3A_1836 = arith.constant 0 : i32
        %scatter3A_1837 = arith.constant 0 : i32
        %scatter3A_1838 = arith.constant 0 : i32
        %scatter3A_1839 = tpu.memref_slice %arg8[%scatter3A_1835, %scatter3A_1836, %scatter3A_1837, %scatter3A_1838] : memref<2x8x8x128xf32, #tpu.memory_space<vmem>> -> memref<1x8x8x128xf32, #tpu.memory_space<vmem>>
        %scatter3A_1840 = tpu.memref_squeeze %scatter3A_1839 : memref<1x8x8x128xf32, #tpu.memory_space<vmem>> -> memref<8x8x128xf32, #tpu.memory_space<vmem>>
        tpu.vector_store_idx %scatter3A_1840[%shift_right_arithmetic3A_1828, %and3A_1831, %add3A_308], %mul3A_1834 : memref<8x8x128xf32, #tpu.memory_space<vmem>>[vector<16xi32>, vector<16xi32>, vector<16xi32>], vector<16xf32>,
      }
      %scan3A_272 = arith.constant 8 : i32
      %add3A_273 = arith.constant 2 : i32
      %add3A_274 = arith.addi %add3A_247, %add3A_273 : i32
      %lt3A_275 = arith.constant 200 : i32
      %lt3A_276 = arith.cmpi slt, %add3A_274, %lt3A_275 : i32
      %convert_element_type3A_277 = arith.extui %lt3A_276 : i1 to i32
      %cond3A_278 = arith.constant 0 : i32
      %cond3A_279 = arith.cmpi ne, %convert_element_type3A_277, %cond3A_278 : i32
      scf.if %cond3A_279 {
        %add3A_304 = arith.constant 2 : i32
        %add3A_305 = arith.addi %add3A_247, %add3A_304 : i32
        %dma_start3A_306 = arith.constant 1 : i32
        %dma_start3A_307 = arith.constant 1 : i32
        %dma_start3A_308 = arith.constant 0 : i32
        %dma_start3A_309 = arith.constant 0 : i32
        %dma_start3A_310 = tpu.memref_slice %arg7[%dma_start3A_306, %dma_start3A_308, %dma_start3A_309] : memref<2x128x64xf32, #tpu.memory_space<vmem>> -> memref<1x128x64xf32, #tpu.memory_space<vmem>>
        %dma_start3A_311 = tpu.memref_squeeze %dma_start3A_310 : memref<1x128x64xf32, #tpu.memory_space<vmem>> -> memref<128x64xf32, #tpu.memory_space<vmem>>
        %dma_start3A_312 = arith.constant 0 : i32
        %dma_start3A_313 = tpu.memref_slice %arg6[%add3A_305, %dma_start3A_312] : memref<200x128xi32, #tpu.memory_space<vmem>> -> memref<1x128xi32, #tpu.memory_space<vmem>>
        %dma_start3A_314 = tpu.memref_squeeze %dma_start3A_313 : memref<1x128xi32, #tpu.memory_space<vmem>> -> memref<128xi32, #tpu.memory_space<vmem>>
        %dma_start3A_315 = arith.constant 0 : i32
        %dma_start3A_316 = arith.constant 0 : i32
        %dma_start3A_317 = tpu.memref_slice %arg2[%dma_start3A_315, %dma_start3A_316] : memref<100000x64xf32, #tpu.memory_space<hbm>> -> memref<100000x64xf32, #tpu.memory_space<hbm>>
        %dma_start3A_318 = tpu.memref_slice %arg9[%dma_start3A_307] : memref<2x!tpu.dma_semaphore, #tpu.memory_space<semaphore_mem>> -> memref<1x!tpu.dma_semaphore, #tpu.memory_space<semaphore_mem>>
        %dma_start3A_319 = tpu.memref_squeeze %dma_start3A_318 : memref<1x!tpu.dma_semaphore, #tpu.memory_space<semaphore_mem>> -> memref<!tpu.dma_semaphore, #tpu.memory_space<semaphore_mem>>
        tpu.enqueue_indirect_dma source(%dma_start3A_317 : memref<100000x64xf32, #tpu.memory_space<hbm>>) target(%dma_start3A_311 : memref<128x64xf32, #tpu.memory_space<vmem>>) offsets(%dma_start3A_314 : memref<128xi32, #tpu.memory_space<vmem>>) semaphore(%dma_start3A_319 : memref<!tpu.dma_semaphore, #tpu.memory_space<semaphore_mem>>)
      } else {
      }
      %dma_start3A_280 = arith.constant 1 : i32
      %dma_start3A_281 = arith.constant 1 : i32
      %dma_start3A_282 = arith.constant 0 : i32
      %dma_start3A_283 = arith.constant 0 : i32
      %dma_start3A_284 = arith.constant 0 : i32
      %dma_start3A_285 = tpu.memref_slice %arg8[%dma_start3A_280, %dma_start3A_282, %dma_start3A_283, %dma_start3A_284] : memref<2x8x8x128xf32, #tpu.memory_space<vmem>> -> memref<1x8x8x128xf32, #tpu.memory_space<vmem>>
      %dma_start3A_286 = tpu.memref_squeeze %dma_start3A_285 : memref<1x8x8x128xf32, #tpu.memory_space<vmem>> -> memref<8x8x128xf32, #tpu.memory_space<vmem>>
      %dma_start3A_287 = arith.constant 0 : i32
      %dma_start3A_288 = arith.constant 0 : i32
      %dma_start3A_289 = arith.constant 0 : i32
      %dma_start3A_290 = tpu.memref_slice %arg4[%add3A_247, %dma_start3A_287, %add3A, %dma_start3A_288, %dma_start3A_289] : memref<200x8x32x8x128xf32, #tpu.memory_space<hbm>> -> memref<1x8x1x8x128xf32, #tpu.memory_space<hbm>>
      %dma_start3A_291 = tpu.memref_squeeze %dma_start3A_290 : memref<1x8x1x8x128xf32, #tpu.memory_space<hbm>> -> memref<8x8x128xf32, #tpu.memory_space<hbm>>
      %dma_start3A_292 = tpu.memref_slice %arg10[%dma_start3A_281] : memref<2x!tpu.dma_semaphore, #tpu.memory_space<semaphore_mem>> -> memref<1x!tpu.dma_semaphore, #tpu.memory_space<semaphore_mem>>
      %dma_start3A_293 = tpu.memref_squeeze %dma_start3A_292 : memref<1x!tpu.dma_semaphore, #tpu.memory_space<semaphore_mem>> -> memref<!tpu.dma_semaphore, #tpu.memory_space<semaphore_mem>>
      %dma_start3A_294 = arith.constant 0 : i32
      %dma_start3A_295 = arith.constant 0 : i32
      %dma_start3A_296 = arith.constant 0 : i32
      %dma_start3A_297 = tpu.memref_slice %arg4[%add3A_247, %dma_start3A_294, %add3A, %dma_start3A_295, %dma_start3A_296] : memref<200x8x32x8x128xf32, #tpu.memory_space<hbm>> -> memref<1x8x1x8x128xf32, #tpu.memory_space<hbm>>
      %dma_start3A_298 = tpu.memref_squeeze %dma_start3A_297 : memref<1x8x1x8x128xf32, #tpu.memory_space<hbm>> -> memref<8x8x128xf32, #tpu.memory_space<hbm>>
      %dma_start3A_299 = arith.constant 0 : i32
      %dma_start3A_300 = arith.constant 0 : i32
      %dma_start3A_301 = arith.constant 0 : i32
      %dma_start3A_302 = tpu.memref_slice %arg8[%dma_start3A_280, %dma_start3A_299, %dma_start3A_300, %dma_start3A_301] : memref<2x8x8x128xf32, #tpu.memory_space<vmem>> -> memref<1x8x8x128xf32, #tpu.memory_space<vmem>>
      %dma_start3A_303 = tpu.memref_squeeze %dma_start3A_302 : memref<1x8x8x128xf32, #tpu.memory_space<vmem>> -> memref<8x8x128xf32, #tpu.memory_space<vmem>>
      tpu.enqueue_dma source(%dma_start3A_303 : memref<8x8x128xf32, #tpu.memory_space<vmem>>) target(%dma_start3A_298 : memref<8x8x128xf32, #tpu.memory_space<hbm>>) target_semaphore(%dma_start3A_293 : memref<!tpu.dma_semaphore, #tpu.memory_space<semaphore_mem>>)
    }
    %scan3A_137 = arith.constant 100 : i32
    %dma_wait3A = arith.constant 0 : i32
    %dma_wait3A_138 = arith.constant 198 : i32
    %dma_wait3A_139 = arith.constant 0 : i32
    %dma_wait3A_140 = arith.constant 0 : i32
    %dma_wait3A_141 = arith.constant 0 : i32
    %dma_wait3A_142 = arith.constant 0 : i32
    %dma_wait3A_143 = tpu.memref_slice %arg8[%dma_wait3A, %dma_wait3A_140, %dma_wait3A_141, %dma_wait3A_142] : memref<2x8x8x128xf32, #tpu.memory_space<vmem>> -> memref<1x8x8x128xf32, #tpu.memory_space<vmem>>
    %dma_wait3A_144 = tpu.memref_squeeze %dma_wait3A_143 : memref<1x8x8x128xf32, #tpu.memory_space<vmem>> -> memref<8x8x128xf32, #tpu.memory_space<vmem>>
    %dma_wait3A_145 = arith.constant 0 : i32
    %dma_wait3A_146 = arith.constant 0 : i32
    %dma_wait3A_147 = arith.constant 0 : i32
    %dma_wait3A_148 = tpu.memref_slice %arg4[%dma_wait3A_138, %dma_wait3A_145, %add3A, %dma_wait3A_146, %dma_wait3A_147] : memref<200x8x32x8x128xf32, #tpu.memory_space<hbm>> -> memref<1x8x1x8x128xf32, #tpu.memory_space<hbm>>
    %dma_wait3A_149 = tpu.memref_squeeze %dma_wait3A_148 : memref<1x8x1x8x128xf32, #tpu.memory_space<hbm>> -> memref<8x8x128xf32, #tpu.memory_space<hbm>>
    %dma_wait3A_150 = tpu.memref_slice %arg10[%dma_wait3A_139] : memref<2x!tpu.dma_semaphore, #tpu.memory_space<semaphore_mem>> -> memref<1x!tpu.dma_semaphore, #tpu.memory_space<semaphore_mem>>
    %dma_wait3A_151 = tpu.memref_squeeze %dma_wait3A_150 : memref<1x!tpu.dma_semaphore, #tpu.memory_space<semaphore_mem>> -> memref<!tpu.dma_semaphore, #tpu.memory_space<semaphore_mem>>
    %dma_wait3A_152 = arith.constant 0 : i32
    %dma_wait3A_153 = arith.constant 0 : i32
    %dma_wait3A_154 = arith.constant 0 : i32
    %dma_wait3A_155 = tpu.memref_slice %arg4[%dma_wait3A_138, %dma_wait3A_152, %add3A, %dma_wait3A_153, %dma_wait3A_154] : memref<200x8x32x8x128xf32, #tpu.memory_space<hbm>> -> memref<1x8x1x8x128xf32, #tpu.memory_space<hbm>>
    %dma_wait3A_156 = tpu.memref_squeeze %dma_wait3A_155 : memref<1x8x1x8x128xf32, #tpu.memory_space<hbm>> -> memref<8x8x128xf32, #tpu.memory_space<hbm>>
    %dma_wait3A_157 = arith.constant 0 : i32
    %dma_wait3A_158 = arith.constant 0 : i32
    %dma_wait3A_159 = arith.constant 0 : i32
    %dma_wait3A_160 = tpu.memref_slice %arg8[%dma_wait3A, %dma_wait3A_157, %dma_wait3A_158, %dma_wait3A_159] : memref<2x8x8x128xf32, #tpu.memory_space<vmem>> -> memref<1x8x8x128xf32, #tpu.memory_space<vmem>>
    %dma_wait3A_161 = tpu.memref_squeeze %dma_wait3A_160 : memref<1x8x8x128xf32, #tpu.memory_space<vmem>> -> memref<8x8x128xf32, #tpu.memory_space<vmem>>
    tpu.wait_dma2 semaphore(%dma_wait3A_151 : memref<!tpu.dma_semaphore, #tpu.memory_space<semaphore_mem>>) src(%dma_wait3A_161 : memref<8x8x128xf32, #tpu.memory_space<vmem>>) dst(%dma_wait3A_156 : memref<8x8x128xf32, #tpu.memory_space<hbm>>)
    %dma_wait3A_162 = arith.constant 1 : i32
    %dma_wait3A_163 = arith.constant 199 : i32
    %dma_wait3A_164 = arith.constant 1 : i32
    %dma_wait3A_165 = arith.constant 0 : i32
    %dma_wait3A_166 = arith.constant 0 : i32
    %dma_wait3A_167 = arith.constant 0 : i32
    %dma_wait3A_168 = tpu.memref_slice %arg8[%dma_wait3A_162, %dma_wait3A_165, %dma_wait3A_166, %dma_wait3A_167] : memref<2x8x8x128xf32, #tpu.memory_space<vmem>> -> memref<1x8x8x128xf32, #tpu.memory_space<vmem>>
    %dma_wait3A_169 = tpu.memref_squeeze %dma_wait3A_168 : memref<1x8x8x128xf32, #tpu.memory_space<vmem>> -> memref<8x8x128xf32, #tpu.memory_space<vmem>>
    %dma_wait3A_170 = arith.constant 0 : i32
    %dma_wait3A_171 = arith.constant 0 : i32
    %dma_wait3A_172 = arith.constant 0 : i32
    %dma_wait3A_173 = tpu.memref_slice %arg4[%dma_wait3A_163, %dma_wait3A_170, %add3A, %dma_wait3A_171, %dma_wait3A_172] : memref<200x8x32x8x128xf32, #tpu.memory_space<hbm>> -> memref<1x8x1x8x128xf32, #tpu.memory_space<hbm>>
    %dma_wait3A_174 = tpu.memref_squeeze %dma_wait3A_173 : memref<1x8x1x8x128xf32, #tpu.memory_space<hbm>> -> memref<8x8x128xf32, #tpu.memory_space<hbm>>
    %dma_wait3A_175 = tpu.memref_slice %arg10[%dma_wait3A_164] : memref<2x!tpu.dma_semaphore, #tpu.memory_space<semaphore_mem>> -> memref<1x!tpu.dma_semaphore, #tpu.memory_space<semaphore_mem>>
    %dma_wait3A_176 = tpu.memref_squeeze %dma_wait3A_175 : memref<1x!tpu.dma_semaphore, #tpu.memory_space<semaphore_mem>> -> memref<!tpu.dma_semaphore, #tpu.memory_space<semaphore_mem>>
    %dma_wait3A_177 = arith.constant 0 : i32
    %dma_wait3A_178 = arith.constant 0 : i32
    %dma_wait3A_179 = arith.constant 0 : i32
    %dma_wait3A_180 = tpu.memref_slice %arg4[%dma_wait3A_163, %dma_wait3A_177, %add3A, %dma_wait3A_178, %dma_wait3A_179] : memref<200x8x32x8x128xf32, #tpu.memory_space<hbm>> -> memref<1x8x1x8x128xf32, #tpu.memory_space<hbm>>
    %dma_wait3A_181 = tpu.memref_squeeze %dma_wait3A_180 : memref<1x8x1x8x128xf32, #tpu.memory_space<hbm>> -> memref<8x8x128xf32, #tpu.memory_space<hbm>>
    %dma_wait3A_182 = arith.constant 0 : i32
    %dma_wait3A_183 = arith.constant 0 : i32
    %dma_wait3A_184 = arith.constant 0 : i32
    %dma_wait3A_185 = tpu.memref_slice %arg8[%dma_wait3A_162, %dma_wait3A_182, %dma_wait3A_183, %dma_wait3A_184] : memref<2x8x8x128xf32, #tpu.memory_space<vmem>> -> memref<1x8x8x128xf32, #tpu.memory_space<vmem>>
    %dma_wait3A_186 = tpu.memref_squeeze %dma_wait3A_185 : memref<1x8x8x128xf32, #tpu.memory_space<vmem>> -> memref<8x8x128xf32, #tpu.memory_space<vmem>>
    tpu.wait_dma2 semaphore(%dma_wait3A_176 : memref<!tpu.dma_semaphore, #tpu.memory_space<semaphore_mem>>) src(%dma_wait3A_186 : memref<8x8x128xf32, #tpu.memory_space<vmem>>) dst(%dma_wait3A_181 : memref<8x8x128xf32, #tpu.memory_space<hbm>>)
    return
  }
}

</mosaic_0001>

<sc_bundles>
// kernel: kernel.3.cloned.1.call-start
scs
__scs_entry_jumppad:
0x0: {  	(pc) =	sbr.rel $0x88, $3  }
0x1: {  	(tag) =	ssettag $0x0;
	lr =	simm.s32 $0x1  }
0x2: {  	[smem:$0x3F9F] =	sst lr;
	_ =	strace $0xD0000000  }
0x3: {  	_ = 	snop  }
0x4: {  	_ = 	snop  }
0x5: {  	_ = 	snop  }
0x6: {  	_ = 	snop  }
0x7: {  	_ = 	snop  }
__scs_overlays_trampoline_lowered:
0x8: {  	[smem:$0x3FAE] =	sst s0  }
0x9: {  	[smem:$0x3FAF] =	sst s1  }
0xa: {  	[smem:$0x3FB0] =	sst s2  }
0xb: {  	[smem:$0x3FB1] =	sst s3  }
0xc: {  	[smem:$0x3FB2] =	sst s4  }
0xd: {  	[smem:$0x3FB3] =	sst s5  }
0xe: {  	[smem:$0x3FB4] =	sst s6  }
0xf: {  	[smem:$0x3FB5] =	sst s7  }
0x10: {  	[smem:$0x3FB6] =	sst s8  }
0x11: {  	[smem:$0x3FB7] =	sst s9;
	s0 =	simm.s32 @!p0 $0x0  }
0x12: {  	s1 =	sld [smem:$0x3F9D];
	s0 =	simm.s32 @p0 $0x1  }
0x13: {  	[smem:$0x3FB8] =	sst s0;
	s0 =	simm.s32 @!p1 $0x0  }
0x14: {  	s2 =	sld [smem:$0x3F9C];
	s0 =	simm.s32 @p1 $0x1  }
0x15: {  	[smem:$0x3FB9] =	sst s0;
	s0 =	simm.s32 @!p2 $0x0  }
0x16: {  	s3 =	sld [smem:$0x3FDB];
	s0 =	simm.s32 @p2 $0x1  }
0x17: {  	s4 =	simm.s32 $0x1BF5;
	[smem:$0x3FBB] =	sst s0  }
0x18: {  	s0 =	sld [smem:$0x3F9E];
	_ =	swait.ge [sflag:s4], $0x0  }
0x19: {  	s7 =	sld [smem:$0x3F9F]  }
0x1a: {  	s8 =	sadd.s32 $0xFFFFE003, lr  }
0x1b: {  	s9 =	sadd.s32 $0xFFFFFEF7, lr;
	s5 =	simm.s32 $0xFFFFFFFF;
	p2 =	slt.u32 s8, $0xFFFFF086  }
0x1c: {  	p1 =	slt.u32 s9, $0xF7A;
	s5 =	simm.s32 @!p2 $0x0  }
0x1d: {  	s5 =	simm.s32 @p1 $0x1;
	p0 =	seq.s32 s7, s2  }
0x1e: {  	s7 =	smul.u32 @!p0 $0xF7A, s2;
	p2 =	seq.s32 @!p0 s5, $0x0  }
0x1f: {  	s9 =	smul.u32 $0xF7A, s1;
	s8 =	simm.s32 @!p0 $0x1BF5;
	p2 =	por !p2, p0  }
0x20: {  	[sflag:s8] =	ssyncset.s32 @!p0 $0xFFFFF086;
	s6 =	sadd.s32 @!p0 s3, s7;
	s7 =	simm.s32 @!p0 $0x108  }
0x21: {  	s3 =	sadd.s32 s3, s9;
	s6 =	sadd.s32 @!p0 $0x88, s6;
	s7 =	simm.s32 @p2 $0x1082  }
0x22: {  	[simem:s7], [sflag:s8] =	dma.local @!p0 [hbm:s6], $0xF7A  }
0x23: {  	s9 =	sor.u32 $0xD0000000, s2;
	s6 =	simm.s32 $0x108;
	_ =	swait.ge @!p0 [sflag:s8], $0x0  }
0x24: {  	s3 =	sadd.s32 $0x88, s3;
	s6 =	simm.s32 @!p1 $0x1082;
	[sflag:s4] =	ssyncset.s32 $0xFFFFF086  }
0x25: {  	[simem:s6], [sflag:s4] =	dma.local [hbm:s3], $0xF7A  }
0x26: {  	[smem:$0x3F9F] =	sst s1;
	(tag) =	ssettag s2;
	_ =	strace s9  }
0x27: {  	s1 =	sld [smem:$0x3FAF]  }
0x28: {  	s2 =	sld [smem:$0x3FB0]  }
0x29: {  	s4 =	sld [smem:$0x3FB2]  }
0x2a: {  	p0 =	seq.s32 s5, $0x0;
	s5 =	sld [smem:$0x3FB3]  }
0x2b: {  	s6 =	sld [smem:$0x3FB4]  }
0x2c: {  	s7 =	sld [smem:$0x3FB5]  }
0x2d: {  	s3 =	simm.s32 $0x108;
	s8 =	sld [smem:$0x3FB6]  }
0x2e: {  	s3 =	simm.s32 @!p0 $0x1082;
	s9 =	sld [smem:$0x3FB7]  }
0x2f: {  	lr =	sadd.s32 s0, s3;
	s0 =	sld [smem:$0x3FAE]  }
0x30: {  	s3 =	sld [smem:$0x3FB1]  }
0x31: {  	[smem:$0x3FBA] =	sst s10  }
0x32: {  	s10 =	sld [smem:$0x3FB8];
	_ =	sdelay $0x3  }
0x33: {  	p0 =	seq.s32 s10, $0x1;
	s10 =	sld [smem:$0x3FBA];
	_ =	sdelay $0x3  }
0x34: {  	[smem:$0x3FBA] =	sst s10  }
0x35: {  	s10 =	sld [smem:$0x3FB9];
	_ =	sdelay $0x3  }
0x36: {  	p1 =	seq.s32 s10, $0x1;
	s10 =	sld [smem:$0x3FBA];
	_ =	sdelay $0x3  }
0x37: {  	[smem:$0x3FBA] =	sst s10  }
0x38: {  	s10 =	sld [smem:$0x3FBB]  }
0x39: {  	_ = 	snop;
	(pc) =	sbr.ind lr, $3  }
0x3a: {  	_ = 	snop  }
0x3b: {  	_ = 	snop  }
0x3c: {  	p2 =	seq.s32 s10, $0x1;
	s10 =	sld [smem:$0x3FBA]  }
0x3d: {  	_ =	shalt  }
0x3e: {  	_ =	shalt  }
0x3f: {  	_ =	shalt  }
0x40: {  	_ =	shalt  }
0x41: {  	_ =	shalt  }
0x42: {  	_ =	shalt  }
0x43: {  	_ =	shalt  }
0x44: {  	_ =	shalt  }
0x45: {  	_ =	shalt  }
0x46: {  	_ =	shalt  }
0x47: {  	_ =	shalt  }
0x48: {  	_ =	shalt  }
0x49: {  	_ =	shalt  }
0x4a: {  	_ =	shalt  }
0x4b: {  	_ =	shalt  }
0x4c: {  	_ =	shalt  }
0x4d: {  	_ =	shalt  }
0x4e: {  	_ =	shalt  }
0x4f: {  	_ =	shalt  }
0x50: {  	_ =	shalt  }
0x51: {  	_ =	shalt  }
0x52: {  	_ =	shalt  }
0x53: {  	_ =	shalt  }
0x54: {  	_ =	shalt  }
0x55: {  	_ =	shalt  }
0x56: {  	_ =	shalt  }
0x57: {  	_ =	shalt  }
0x58: {  	_ =	shalt  }
0x59: {  	_ =	shalt  }
0x5a: {  	_ =	shalt  }
0x5b: {  	_ =	shalt  }
0x5c: {  	_ =	shalt  }
0x5d: {  	_ =	shalt  }
0x5e: {  	_ =	shalt  }
0x5f: {  	_ =	shalt  }
0x60: {  	_ =	shalt  }
0x61: {  	_ =	shalt  }
0x62: {  	_ =	shalt  }
0x63: {  	_ =	shalt  }
0x64: {  	_ =	shalt  }
0x65: {  	_ =	shalt  }
0x66: {  	_ =	shalt  }
0x67: {  	_ =	shalt  }
0x68: {  	_ =	shalt  }
0x69: {  	_ =	shalt  }
0x6a: {  	_ =	shalt  }
0x6b: {  	_ =	shalt  }
0x6c: {  	_ =	shalt  }
0x6d: {  	_ =	shalt  }
0x6e: {  	_ =	shalt  }
0x6f: {  	_ =	shalt  }
0x70: {  	_ =	shalt  }
0x71: {  	_ =	shalt  }
0x72: {  	_ =	shalt  }
0x73: {  	_ =	shalt  }
0x74: {  	_ =	shalt  }
0x75: {  	_ =	shalt  }
0x76: {  	_ =	shalt  }
0x77: {  	_ =	shalt  }
0x78: {  	_ =	shalt  }
0x79: {  	_ =	shalt  }
0x7a: {  	_ =	shalt  }
0x7b: {  	_ =	shalt  }
0x7c: {  	_ =	shalt  }
0x7d: {  	_ =	shalt  }
0x7e: {  	_ =	shalt  }
0x7f: {  	_ =	shalt  }
0x80: {  	_ =	shalt  }
0x81: {  	_ =	shalt  }
0x82: {  	_ =	shalt  }
0x83: {  	_ =	shalt  }
0x84: {  	_ =	shalt  }
0x85: {  	_ =	shalt  }
0x86: {  	_ =	shalt  }
0x87: {  	_ =	shalt  }
.Lfunc_end0:
.L_simem_size_0:
called_computation_lowered:
.L_overlay_start_0:
0x88: {  	s2 =	sld [smem:$0x3FD9]  }
0x89: {  	s3 =	sld [smem:$0x3FFE];
	_ =	sdelay $0x1  }
0x8a: {  	s1 =	srdreg.scid  }
0x8b: {  	s0 =	sand.u32 $0x1, s1  }
0x8c: {  	s17 =	sshll.u32 s0, $0xA;
	s2 =	sadd.s32 s3, s2  }
0x8d: {  	s2 =	sadd.s32 s2, s17  }
0x8e: {  	[smem:$0x3FC6] =	sst s2  }
0x8f: {  	_ = 	snop  }
0x90: {  	s2 =	sld [smem:$0x3FD0];
	(tm) =	ssettm $0x1  }
0x91: {  	s18 =	sld [smem:$0x3FFB];
	_ =	sdelay $0x3  }
0x92: {  	_ =	strace s18  }
0x93: {  	s3 =	sld [smem:$0x3FFC];
	_ =	sdelay $0x3  }
0x94: {  	_ =	strace s3  }
0x95: {  	s3 =	sld [smem:$0x3FFD];
	_ =	sdelay $0x3  }
0x96: {  	_ =	strace s3  }
0x97: {  	_ =	strace $0x8FFFFFFF  }
0x98: {  	s19 =	sld [smem:$0x3FDB];
	_ =	sdelay $0x1  }
0x99: {  	s4 =	simm.s32 $_scs_section_size  }
0x9a: {  	s5 =	simm.s32 $_size__tile_overlayer_lowered;
	s6 =	simm.s32 $_tile_overlayer_lowered  }
0x9b: {  	s22 =	simm.s32 $0x1BFF;
	s21 =	sshll.u32 s6, $0x1;
	s3 =	sadd.s32 s4, s19  }
0x9c: {  	s7 =	simm.s32 $0x0;
	s20 =	sshll.u32 s5, $0x1;
	s5 =	sadd.s32 s21, s3  }
0x9d: {  	[timem:s7], [sflag:s22] =	dma.local [hbm:s5], s20  }
0x9e: {  	_ =	swait.ge [sflag:s22], s20  }
0x9f: {  	s4 =	ssub.s32 $0x0, s20;
	[sflag:s22] =	ssyncset.done $0x0  }
0xa0: {  	[sflag:s22] =	ssyncadd.s32 s4;
	_ =	sdelay $0x1  }
0xa1: {  	s23 =	simm.s32 $0x1B8B  }
0xa2: {  	_ =	swait.ge [sflag:s23], $0x1  }
0xa3: {  	[sflag:s23] =	ssyncset.done $0x0  }
0xa4: {  	s25 =	simm.s32 $0x1B8E;
	s24 =	sld [smem:$0x3FFE];
	[sflag:s23] =	ssyncadd.s32 $0xFFFFFFFF  }
0xa5: {  	s26 =	simm.s32 $execute0_lowered;
	[smem:$0x3FD2] =	sst s25  }
0xa6: {  	s5 =	sshll.u32 s26, $0x1;
	_ =	strace $0x80000046;
	[dreg:$0x1] =	wrdreg $0xFFFFFFFF  }
0xa7: {  	s28 =	simm.s32 $_size_execute0_lowered;
	s3 =	sadd.s32 s3, s5;
	[dreg:$0x0] =	wrdreg $0x0  }
0xa8: {  	s5 =	sshll.u32 s28, $0x1;
	[dreg:$0x2] =	wrdreg s3  }
0xa9: {  	[dreg:$0x3] =	wrdreg s5  }
0xaa: {  	[dreg:$0x4] =	wrdreg $0xC0  }
0xab: {  	_ =	task [dreg:s7], $0x5FFFF  }
0xac: {  	[dreg:$0x1] =	wrdreg $0xFFFFFFFF  }
0xad: {  	[dreg:$0x0] =	wrdreg $0x60  }
0xae: {  	[dreg:$0x2] =	wrdreg s24  }
0xaf: {  	[dreg:$0x3] =	wrdreg s2  }
0xb0: {  	[dreg:$0x4] =	wrdreg $0x9  }
0xb1: {  	_ =	task.clear_ibuf [dreg:s7], $0x5FFFF;
	_ =	strace $0x90000046  }
0xb2: {  	s29 =	simm.s32 $0x9;
	_ =	strace $0x80000048  }
0xb3: {  	_ =	swait.ge [sflag:s29], $0x1  }
0xb4: {  	[sflag:s29] =	ssyncadd.s32 $0xFFFFFFFF  }
0xb5: {  	_ =	strace $0x90000048  }
0xb6: {  	_ =	sfence  }
0xb7: {  	s30 =	sld [smem:$0x0];
	_ =	sdelay $0x2  }
0xb8: {  	s31 =	sshll.u32 s1, $0xD;
	s1 =	sshrl.u32 s1, $0x2  }
0xb9: {  	s3 =	sand.u32 $0x4000, s31;
	s1 =	sadd.s32 s1, s30  }
0xba: {  	s0 =	sor.u32 s3, s0;
	s1 =	sshll.u32 s1, $0x11  }
0xbb: {  	s0 =	sor.u32 s1, s0  }
0xbc: {  	s0 =	sadd.s32 $0x8F2B, s0  }
0xbd: {  	[sflag:s0] =	ssyncadd.remote.s32 $0x1  }
0xbe: {  	_ =	sfence.sel $0xFFFF  }
0xbf: {  	[dreg:$0x0] =	wrdreg $0xFFFFFFFF;
	(pc) =	sbr.abs _section_cstart, $3  }
0xc0: {  	[dreg:$0x1] =	wrdreg $0xFFFFFFFF  }
0xc1: {  	_ =	task.clear_ibuf [dreg:s7], $0x2FFFF;
	_ =	strace $0x9FFFFFFF  }
0xc2: {  	(tm) =	ssettm $0x7FFFFFFF  }
0xc3: {  	_ =	shalt  }
tec
execute0_lowered:
.L_overlay_start_1:
0x0: {  	(tag) =	ssettag $0x1  }
0x1: {  	vm14 =	vcmask $0x300;
	v0 =	vimm.s32 $0x787;
	vm13 =	vcmask $0x704  }
0x2: {  	vm12 =	vcmask $0xB08;
	vm11 =	vcmask $0xF0C;
	vm10 =	vcmask $0x1310  }
0x3: {  	vm9 =	vcmask $0x1714;
	vm8 =	vcmask $0x1B18;
	vm7 =	vcmask $0x1F1C  }
0x4: {  	vm5 =	vcmask $0x2320;
	vm6 =	vcmask $0x2724;
	v1 =	vimm.s32 $0x7  }
0x5: {  	vm2 =	vcmask $0x2B28;
	vm3 =	vcmask $0x2F2C;
	vm4 =	vcmask $0x3330  }
0x6: {  	vm1 =	vcmask $0x3734;
	v3 =	vimm.s32 $0x87654321;
	v4 =	vimm.s32 $0x87  }
0x7: {  	vm0 =	vcmask $0x3B38;
	v7 =	vimm.s32 $0xA9876543;
	v11 =	vimm.s32 $0x207  }
0x8: {  	v13 =	vimm.s32 $0x287;
	v15 =	vimm.s32 $0xEDCBA987;
	v44 =	vimm.s32 $0xFEDCBA98  }
0x9: {  	v45 =	vimm.s32 $0x76543210;
	v47 =	vimm.s32 $0x407;
	v48 =	vimm.s32 $0x487  }
0xa: {  	v49 =	vimm.s32 $0x1007;
	v50 =	vimm.s32 $0x1087;
	v51 =	vimm.s32 $0x1107  }
0xb: {  	v19 =	vimm.s32 $0x1187;
	v20 =	vimm.s32 $0x1207;
	v21 =	vimm.s32 $0x1287  }
0xc: {  	v22 =	vimm.s32 $0x1307;
	v23 =	vimm.s32 $0x1387;
	v24 =	vimm.s32 $0x1407  }
0xd: {  	v25 =	vimm.s32 $0x1487;
	v26 =	vimm.s32 $0x1507;
	v27 =	vimm.s32 $0x1587  }
0xe: {  	v28 =	vimm.s32 $0x1607;
	v29 =	vimm.s32 $0x1687;
	v30 =	vimm.s32 $0x1707  }
0xf: {  	v31 =	vimm.s32 $0x1F87;
	v32 =	vimm.s32 $0x1807;
	v33 =	vimm.s32 $0x1887  }
0x10: {  	v34 =	vimm.s32 $0x1907;
	v35 =	vimm.s32 $0x1987;
	v36 =	vimm.s32 $0x1A07  }
0x11: {  	v37 =	vimm.s32 $0x1A87;
	v38 =	vimm.s32 $0x1B07;
	v39 =	vimm.s32 $0x1B87  }
0x12: {  	v40 =	vimm.s32 $0x1C07;
	v41 =	vimm.s32 $0x1C87;
	v42 =	vimm.s32 $0x1D07  }
0x13: {  	v52 =	vimm.s32 $0x18171615;
	v0 =	vsel vm14, $0x0, v0;
	v1 =	vsel vm14, $0x80, v1  }
0x14: {  	v3 =	vunpack.c.l.s4.s8 v3;
	v4 =	vsel vm14, $0x100, v4;
	v7 =	vunpack.c.l.s4.s8 v7  }
0x15: {  	v15 =	vunpack.c.l.s4.s8 v15;
	v19 =	vsel vm14, $0x1200, v19;
	v20 =	vsel vm14, $0x1280, v20  }
0x16: {  	v21 =	vsel vm14, $0x1300, v21;
	v22 =	vsel vm14, $0x1380, v22;
	v23 =	vsel vm14, $0x1400, v23  }
0x17: {  	v24 =	vsel vm14, $0x1480, v24;
	v25 =	vsel vm14, $0x1500, v25;
	v26 =	vsel vm14, $0x1580, v26  }
0x18: {  	v27 =	vsel vm14, $0x1600, v27;
	v28 =	vsel vm14, $0x1680, v28;
	v29 =	vsel vm14, $0x1700, v29  }
0x19: {  	v30 =	vsel vm14, $0x1780, v30;
	v31 =	vsel vm14, $0x1800, v31;
	v32 =	vsel vm14, $0x1880, v32  }
0x1a: {  	v33 =	vsel vm14, $0x1900, v33;
	v34 =	vsel vm14, $0x1980, v34;
	v35 =	vsel vm14, $0x1A00, v35  }
0x1b: {  	v36 =	vsel vm14, $0x1A80, v36;
	v37 =	vsel vm14, $0x1B00, v37;
	v38 =	vsel vm14, $0x1B80, v38  }
0x1c: {  	v39 =	vsel vm14, $0x1C00, v39;
	v40 =	vsel vm14, $0x1C80, v40;
	v41 =	vsel vm14, $0x1D00, v41  }
0x1d: {  	v42 =	vsel vm14, $0x1D80, v42;
	v0 =	vsel vm13, $0x81, v0;
	v1 =	vsel vm13, $0x101, v1  }
0x1e: {  	v4 =	vsel vm13, $0x181, v4;
	v19 =	vsel vm13, $0x1281, v19;
	v20 =	vsel vm13, $0x1301, v20  }
0x1f: {  	v21 =	vsel vm13, $0x1381, v21;
	v22 =	vsel vm13, $0x1401, v22;
	v23 =	vsel vm13, $0x1481, v23  }
0x20: {  	v24 =	vsel vm13, $0x1501, v24;
	v25 =	vsel vm13, $0x1581, v25;
	v26 =	vsel vm13, $0x1601, v26  }
0x21: {  	v27 =	vsel vm13, $0x1681, v27;
	v28 =	vsel vm13, $0x1701, v28;
	v29 =	vsel vm13, $0x1781, v29  }
0x22: {  	v30 =	vsel vm13, $0x1001, v30;
	v31 =	vsel vm13, $0x1881, v31;
	v32 =	vsel vm13, $0x1901, v32  }
0x23: {  	v33 =	vsel vm13, $0x1981, v33;
	v34 =	vsel vm13, $0x1A01, v34;
	v35 =	vsel vm13, $0x1A81, v35  }
0x24: {  	v36 =	vsel vm13, $0x1B01, v36;
	v37 =	vsel vm13, $0x1B81, v37;
	v38 =	vsel vm13, $0x1C01, v38  }
0x25: {  	v39 =	vsel vm13, $0x1C81, v39;
	v40 =	vsel vm13, $0x1D01, v40;
	v41 =	vsel vm13, $0x1D81, v41  }
0x26: {  	v42 =	vsel vm13, $0x1E01, v42;
	v0 =	vsel vm12, $0x102, v0;
	v1 =	vsel vm12, $0x182, v1  }
0x27: {  	v4 =	vsel vm12, $0x202, v4;
	v7 =	vunpack.c.0.s8.s32 v7;
	v53 =	vsel vm12, $0x1C82, v38  }
0x28: {  	v54 =	vsel vm12, $0x1D02, v39;
	v58 =	vsel vm12, $0x1D82, v40;
	v60 =	vsel vm12, $0x1E02, v41  }
0x29: {  	v63 =	vsel vm12, $0x1E82, v42;
	v0 =	vsel vm11, $0x183, v0;
	v1 =	vsel vm11, $0x203, v1  }
0x2a: {  	v4 =	vsel vm11, $0x283, v4;
	v38 =	vsel vm11, $0x1D83, v54;
	v39 =	vsel vm11, $0x1E03, v58  }
0x2b: {  	v40 =	vsel vm11, $0x1E83, v60;
	v41 =	vsel vm11, $0x1F03, v63;
	v54 =	vimm.s32 $0x15141312  }
0x2c: {  	v58 =	vimm.s32 $0x19181716;
	v60 =	vimm.s32 $0x1E1D1C1B;
	v0 =	vsel vm10, $0x204, v0  }
0x2d: {  	v1 =	vsel vm10, $0x284, v1;
	v38 =	vsel vm10, $0x1E04, v38;
	v39 =	vsel vm10, $0x1E84, v39  }
0x2e: {  	v40 =	vsel vm10, $0x1F04, v40;
	v41 =	vsel vm10, $0x1F84, v41;
	v0 =	vsel vm9, $0x285, v0  }
0x2f: {  	v1 =	vsel vm9, $0x305, v1;
	v38 =	vsel vm9, $0x1E85, v38;
	v39 =	vsel vm9, $0x1F05, v39  }
0x30: {  	v40 =	vsel vm9, $0x1F85, v40;
	v41 =	vsel vm9, $0x1805, v41;
	v0 =	vsel vm8, $0x306, v0  }
0x31: {  	v1 =	vsel vm8, $0x386, v1;
	v38 =	vsel vm8, $0x1F06, v38;
	v0 =	vsel vm7, $0x387, v0  }
0x32: {  	v39 =	vsel vm8, $0x1F86, v39;
	v40 =	vsel vm8, $0x1806, v40;
	v0 =	vsel vm5, $0x400, v0  }
0x33: {  	v41 =	vsel vm8, $0x1886, v41;
	v5 =	vsel vm7, $0x407, v1;
	v0 =	vsel vm6, $0x481, v0  }
0x34: {  	v1 =	vunpack.c.0.s8.s32 v3;
	v63 =	vsel vm7, $0x1807, v39;
	v0 =	vsel vm2, $0x502, v0  }
0x35: {  	v39 =	vsel vm7, $0x1887, v40;
	v3 =	vsel vm5, $0x480, v5;
	v0 =	vsel vm3, $0x583, v0  }
0x36: {  	v40 =	vsel vm7, $0x1907, v41;
	v3 =	vsel vm6, $0x501, v3;
	v0 =	vsel vm4, $0x604, v0  }
0x37: {  	v3 =	vsel vm2, $0x582, v3;
	v2 =	vsel vm1, $0x685, v0;
	v0 =	vimm.s32 $0xFEDCBA9  }
0x38: {  	v0 =	vunpack.c.l.s4.s8 v0;
	v61 =	vsel vm0, $0x706, v2;
	v2 =	vsel vm3, $0x603, v3  }
0x39: {  	v3 =	vsel vm10, $0x304, v4;
	v4 =	vimm.s32 $0x10FEDCBA;
	v2 =	vsel vm4, $0x684, v2  }
0x3a: {  	v3 =	vsel vm9, $0x385, v3;
	v0 =	vunpack.c.0.s8.s32 v0;
	v2 =	vsel vm1, $0x705, v2  }
0x3b: {  	v3 =	vsel vm8, $0x406, v3;
	v56 =	vsel vm0, $0x786, v2;
	v2 =	vunpack.c.l.s4.s8 v4  }
0x3c: {  	v3 =	vsel vm7, $0x487, v3;
	v4 =	vimm.s32 $0x98765432;
	v5 =	vcombine.low v1, v0  }
0x3d: {  	v3 =	vsel vm5, $0x500, v3;
	v4 =	vunpack.c.l.s4.s8 v4;
	v0 =	vcombine.low v0, v1  }
0x3e: {  	v3 =	vsel vm6, $0x581, v3;
	v62 =	vand.u32 $0xF, v5;
	v5 =	vimm.s32 $0x107  }
0x3f: {  	v2 =	vunpack.c.0.s8.s32 v2;
	v6 =	vsel vm2, $0x602, v3;
	v5 =	vsel vm14, $0x180, v5  }
0x40: {  	v3 =	vunpack.c.0.s8.s32 v4;
	v0 =	vand.u32 $0xF, v0;
	v5 =	vsel vm13, $0x201, v5  }
0x41: {  	v4 =	vsel vm3, $0x683, v6;
	v6 =	vimm.s32 $0x210FEDCB;
	v5 =	vsel vm12, $0x282, v5  }
0x42: {  	v6 =	vunpack.c.l.s4.s8 v6;
	v8 =	vcombine.low v3, v2;
	v5 =	vsel vm11, $0x303, v5  }
0x43: {  	v4 =	vsel vm4, $0x704, v4;
	v2 =	vcombine.low v2, v3;
	v5 =	vsel vm10, $0x384, v5  }
0x44: {  	v4 =	vsel vm1, $0x785, v4;
	v8 =	vand.u32 $0xF, v8;
	v9 =	vsel vm9, $0x405, v5  }
0x45: {  	v4 =	vsel vm0, $0x6, v4;
	v5 =	vunpack.c.0.s8.s32 v6;
	v6 =	vsel vm8, $0x486, v9  }
0x46: {  	v2 =	vand.u32 $0xF, v2;
	[tilespmem:$0x1F7B0] =	vst v8;
	v9 =	vimm.s32 $0x187;
	v6 =	vsel vm7, $0x507, v6  }
0x47: {  	[tilespmem:$0x1F800] =	vst v2;
	v8 =	vcombine.low v7, v5;
	v2 =	vcombine.low v5, v7;
	v5 =	vimm.s32 $0xA87  }
0x48: {  	v7 =	vimm.s32 $0xB87;
	v6 =	vsel vm5, $0x580, v6;
	v5 =	vsel vm14, $0xB00, v5  }
0x49: {  	[tilespmem:$0x1F7C0] =	vst v4;
	v7 =	vsel vm14, $0xC00, v7;
	v4 =	vsel vm6, $0x601, v6;
	v6 =	vsel vm14, $0x200, v9  }
0x4a: {  	v8 =	vand.u32 $0xF, v8;
	v9 =	vimm.s32 $0xBA987654;
	v2 =	vand.u32 $0xF, v2  }
0x4b: {  	v5 =	vsel vm13, $0xB81, v5;
	v7 =	vsel vm13, $0xC81, v7;
	v4 =	vsel vm2, $0x682, v4  }
0x4c: {  	[tilespmem:$0x1F7D0] =	vst v8;
	v6 =	vsel vm13, $0x281, v6;
	v8 =	vimm.s32 $0x3210FEDC;
	v9 =	vunpack.c.l.s4.s8 v9  }
0x4d: {  	[tilespmem:$0x1F820] =	vst v2;
	v2 =	vimm.s32 $0x607;
	v4 =	vsel vm3, $0x703, v4;
	v6 =	vsel vm12, $0x302, v6  }
0x4e: {  	v8 =	vunpack.c.l.s4.s8 v8;
	v2 =	vsel vm14, $0x680, v2;
	v6 =	vsel vm11, $0x383, v6  }
0x4f: {  	v10 =	vsel vm4, $0x784, v4;
	v2 =	vsel vm13, $0x701, v2;
	v6 =	vsel vm10, $0x404, v6  }
0x50: {  	v4 =	vunpack.c.0.s8.s32 v8;
	v10 =	vsel vm1, $0x5, v10;
	v2 =	vsel vm12, $0x782, v2  }
0x51: {  	v8 =	vsel vm9, $0x485, v6;
	v6 =	vunpack.c.0.s8.s32 v9;
	v9 =	vsel vm14, $0x280, v11  }
0x52: {  	v10 =	vsel vm0, $0x86, v10;
	v2 =	vsel vm11, $0x3, v2;
	v9 =	vsel vm13, $0x301, v9  }
0x53: {  	v8 =	vsel vm8, $0x506, v8;
	[tilespmem:$0x1F7E0] =	vst v10;
	v10 =	vimm.s32 $0x43210FED;
	v9 =	vsel vm12, $0x382, v9  }
0x54: {  	v8 =	vsel vm7, $0x587, v8;
	v11 =	vcombine.low v6, v4;
	v9 =	vsel vm11, $0x403, v9  }
0x55: {  	v10 =	vunpack.c.l.s4.s8 v10;
	v8 =	vsel vm5, $0x600, v8;
	v9 =	vsel vm10, $0x484, v9  }
0x56: {  	v8 =	vsel vm6, $0x681, v8;
	v57 =	vand.u32 $0xF, v11;
	v9 =	vsel vm9, $0x505, v9  }
0x57: {  	v11 =	vimm.s32 $0xCBA98765;
	v8 =	vsel vm2, $0x702, v8;
	v9 =	vsel vm8, $0x586, v9  }
0x58: {  	v11 =	vunpack.c.l.s4.s8 v11;
	v8 =	vsel vm3, $0x783, v8;
	v9 =	vsel vm7, $0x607, v9  }
0x59: {  	v12 =	vsel vm4, $0x4, v8;
	v8 =	vunpack.c.0.s8.s32 v10;
	v10 =	vsel vm5, $0x680, v9  }
0x5a: {  	v9 =	vunpack.c.0.s8.s32 v11;
	v11 =	vsel vm14, $0x300, v13;
	v10 =	vsel vm6, $0x701, v10  }
0x5b: {  	v12 =	vsel vm1, $0x85, v12;
	v11 =	vsel vm13, $0x381, v11;
	v10 =	vsel vm2, $0x782, v10  }
0x5c: {  	v59 =	vsel vm0, $0x106, v12;
	v12 =	vimm.s32 $0x307;
	v10 =	vsel vm3, $0x3, v10  }
0x5d: {  	v13 =	vcombine.low v9, v8;
	v11 =	vsel vm12, $0x402, v11;
	v10 =	vsel vm4, $0x84, v10  }
0x5e: {  	v12 =	vsel vm14, $0x380, v12;
	v11 =	vsel vm11, $0x483, v11;
	v10 =	vsel vm1, $0x105, v10  }
0x5f: {  	v55 =	vand.u32 $0xF, v13;
	v11 =	vsel vm10, $0x504, v11;
	v10 =	vsel vm0, $0x186, v10  }
0x60: {  	v13 =	vimm.s32 $0xDCBA9876;
	v11 =	vsel vm9, $0x585, v11;
	[tilespmem:$0x1FBE0] =	vst v10;
	v10 =	vimm.s32 $0x543210FE  }
0x61: {  	v13 =	vunpack.c.l.s4.s8 v13;
	v11 =	vsel vm8, $0x606, v11;
	v10 =	vunpack.c.l.s4.s8 v10  }
0x62: {  	v2 =	vsel vm10, $0x84, v2;
	v14 =	vsel vm13, $0x401, v12;
	v11 =	vsel vm7, $0x687, v11  }
0x63: {  	v13 =	vunpack.c.0.s8.s32 v13;
	v11 =	vsel vm5, $0x700, v11;
	v12 =	vunpack.c.0.s8.s32 v10  }
0x64: {  	v10 =	vsel vm6, $0x781, v11;
	v11 =	vsel vm12, $0x482, v14;
	v14 =	vimm.s32 $0x6543210F  }
0x65: {  	v2 =	vsel vm9, $0x105, v2;
	v11 =	vsel vm11, $0x503, v11;
	v14 =	vunpack.c.l.s4.s8 v14  }
0x66: {  	v10 =	vsel vm2, $0x2, v10;
	v11 =	vsel vm10, $0x584, v11;
	v16 =	vcombine.low v13, v12  }
0x67: {  	v17 =	vsel vm3, $0x83, v10;
	v11 =	vsel vm9, $0x605, v11;
	v10 =	vunpack.c.0.s8.s32 v14  }
0x68: {  	v18 =	vsel vm8, $0x686, v11;
	v11 =	vunpack.c.0.s8.s32 v15;
	v15 =	vand.u32 $0xF, v16  }
0x69: {  	v14 =	vsel vm7, $0x707, v18;
	[tilespmem:$0x1FC00] =	vst v15;
	v15 =	vsel vm4, $0x104, v17;
	v17 =	vunpack.c.l.s4.s8 v45  }
0x6a: {  	v18 =	vsel vm14, $0x1180, v51;
	v45 =	vimm.s32 $0x1E87;
	v14 =	vsel vm5, $0x780, v14  }
0x6b: {  	v15 =	vsel vm1, $0x185, v15;
	v43 =	vcombine.low v11, v10;
	v45 =	vsel vm14, $0x1F00, v45  }
0x6c: {  	v18 =	vsel vm13, $0x1201, v18;
	v14 =	vsel vm6, $0x1, v14;
	v15 =	vsel vm0, $0x206, v15  }
0x6d: {  	v46 =	vunpack.c.0.s8.s32 v17;
	v17 =	vsel vm14, $0x480, v47;
	v47 =	vimm.s32 $0x14131211  }
0x6e: {  	v45 =	vsel vm13, $0x1F81, v45;
	[tilespmem:$0x1F9F0] =	vst v15;
	v14 =	vsel vm2, $0x82, v14;
	v15 =	vimm.s32 $0x387  }
0x6f: {  	v16 =	vand.u32 $0xF, v43;
	v43 =	vimm.s32 $0x1D87;
	v47 =	vunpack.c.0.s8.s32 v47  }
0x70: {  	[tilespmem:$0x1F7F0] =	vst v16;
	v14 =	vsel vm3, $0x103, v14;
	v15 =	vsel vm14, $0x400, v15;
	v16 =	vunpack.c.l.s4.s8 v44  }
0x71: {  	v43 =	vsel vm14, $0x1E00, v43;
	v44 =	vimm.s32 $0x1E07;
	v14 =	vsel vm4, $0x184, v14  }
0x72: {  	v15 =	vsel vm13, $0x481, v15;
	v44 =	vsel vm14, $0x1E80, v44;
	v43 =	vsel vm13, $0x1E81, v43  }
0x73: {  	[tilespmem:$0x1FF00] =	vst v47;
	v47 =	vunpack.c.0.s8.s32 v52;
	v15 =	vsel vm12, $0x502, v15;
	v14 =	vsel vm1, $0x205, v14  }
0x74: {  	v52 =	vimm.s32 $0x1D1C1B1A;
	v15 =	vsel vm11, $0x583, v15;
	v14 =	vsel vm0, $0x286, v14  }
0x75: {  	v44 =	vsel vm13, $0x1F01, v44;
	[tilespmem:$0x1FCD0] =	vst v14;
	v14 =	vunpack.c.0.s8.s32 v16;
	v15 =	vsel vm10, $0x604, v15  }
0x76: {  	v16 =	vsel vm14, $0x500, v48;
	v48 =	vsel vm12, $0x1F02, v43;
	v15 =	vsel vm9, $0x685, v15  }
0x77: {  	v16 =	vsel vm13, $0x581, v16;
	v42 =	vsel vm11, $0x1F83, v48;
	v14 =	vand.u32 $0xF, v14  }
0x78: {  	v15 =	vsel vm8, $0x706, v15;
	v16 =	vsel vm12, $0x602, v16;
	v42 =	vsel vm10, $0x1804, v42  }
0x79: {  	v14 =	vcombine.low v14, v46;
	v16 =	vsel vm11, $0x683, v16;
	v46 =	vimm.s32 $0x1F07  }
0x7a: {  	v42 =	vsel vm9, $0x1885, v42;
	v16 =	vsel vm10, $0x704, v16;
	v46 =	vsel vm14, $0x1F80, v46  }
0x7b: {  	v42 =	vsel vm8, $0x1906, v42;
	[tilespmem:$0x1FC30] =	vst v14;
	v14 =	vsel vm7, $0x787, v15;
	v15 =	vsel vm13, $0x501, v17  }
0x7c: {  	v17 =	vsel vm14, $0x1100, v50;
	v46 =	vsel vm13, $0x1801, v46;
	v50 =	vsel vm12, $0x1802, v45  }
0x7d: {  	v41 =	vsel vm7, $0x1987, v42;
	v14 =	vsel vm5, $0x0, v14;
	v15 =	vsel vm12, $0x582, v15  }
0x7e: {  	v17 =	vsel vm13, $0x1181, v17;
	v51 =	vsel vm12, $0x1882, v46;
	v15 =	vsel vm11, $0x603, v15  }
0x7f: {  	v46 =	vunpack.c.0.s8.s32 v52;
	v14 =	vsel vm6, $0x81, v14;
	v15 =	vsel vm10, $0x684, v15  }
0x80: {  	v45 =	vsel vm11, $0x1903, v51;
	v14 =	vsel vm2, $0x102, v14;
	v15 =	vsel vm9, $0x705, v15  }
0x81: {  	v45 =	vsel vm10, $0x1984, v45;
	v14 =	vsel vm3, $0x183, v14;
	v15 =	vsel vm8, $0x786, v15  }
0x82: {  	v45 =	vsel vm9, $0x1A05, v45;
	v14 =	vsel vm4, $0x204, v14;
	v15 =	vsel vm7, $0x7, v15  }
0x83: {  	v45 =	vsel vm8, $0x1A86, v45;
	v14 =	vsel vm1, $0x285, v14;
	v1 =	vsel vm5, $0x80, v15  }
0x84: {  	v15 =	vsel vm9, $0x785, v16;
	v14 =	vsel vm0, $0x306, v14;
	v16 =	vsel vm14, $0x1080, v49  }
0x85: {  	v49 =	vsel vm12, $0x1F82, v44;
	v44 =	vsel vm11, $0x1883, v50;
	v1 =	vsel vm6, $0x101, v1  }
0x86: {  	[tilespmem:$0x1FC80] =	vst v14;
	v14 =	vsel vm8, $0x6, v15;
	v15 =	vimm.s32 $0x1787;
	v16 =	vsel vm13, $0x1101, v16  }
0x87: {  	[tilespmem:$0x1F980] =	vst v0;
	v43 =	vsel vm11, $0x1803, v49;
	v44 =	vsel vm10, $0x1904, v44;
	v0 =	vsel vm2, $0x182, v1  }
0x88: {  	v1 =	vsel vm7, $0x87, v14;
	v14 =	vimm.s32 $0x507;
	v15 =	vsel vm14, $0x1000, v15  }
0x89: {  	v43 =	vsel vm10, $0x1884, v43;
	v44 =	vsel vm9, $0x1985, v44;
	v0 =	vsel vm3, $0x203, v0  }
0x8a: {  	v1 =	vsel vm5, $0x100, v1;
	v14 =	vsel vm14, $0x580, v14;
	v15 =	vsel vm13, $0x1081, v15  }
0x8b: {  	v43 =	vsel vm9, $0x1905, v43;
	v44 =	vsel vm8, $0x1A06, v44;
	v0 =	vsel vm4, $0x284, v0  }
0x8c: {  	v1 =	vsel vm6, $0x181, v1;
	v14 =	vsel vm13, $0x601, v14;
	v43 =	vsel vm8, $0x1986, v43  }
0x8d: {  	v0 =	vsel vm1, $0x305, v0;
	v1 =	vsel vm2, $0x202, v1;
	v3 =	vsel vm12, $0x682, v14  }
0x8e: {  	v14 =	vimm.s32 $0xF07;
	v1 =	vsel vm3, $0x283, v1;
	v0 =	vsel vm0, $0x386, v0  }
0x8f: {  	v42 =	vsel vm7, $0x1A07, v43;
	[tilespmem:$0x1FCA0] =	vst v0;
	v0 =	vsel vm4, $0x304, v1;
	v1 =	vsel vm11, $0x703, v3  }
0x90: {  	v43 =	vsel vm7, $0x1A87, v44;
	v0 =	vsel vm1, $0x385, v0;
	v1 =	vsel vm10, $0x784, v1  }
0x91: {  	v3 =	vimm.s32 $0x587;
	v1 =	vsel vm9, $0x5, v1;
	v0 =	vsel vm0, $0x406, v0  }
0x92: {  	v44 =	vsel vm7, $0x1B07, v45;
	[tilespmem:$0x1F810] =	vst v0;
	v0 =	vsel vm8, $0x86, v1;
	v1 =	vsel vm14, $0x600, v3  }
0x93: {  	v14 =	vsel vm14, $0xF80, v14;
	v0 =	vsel vm7, $0x107, v0;
	v1 =	vsel vm13, $0x681, v1  }
0x94: {  	v14 =	vsel vm13, $0x801, v14;
	v0 =	vsel vm5, $0x180, v0;
	v1 =	vsel vm12, $0x702, v1  }
0x95: {  	v3 =	vcombine.low v4, v6;
	v0 =	vsel vm6, $0x201, v0;
	v1 =	vsel vm11, $0x783, v1  }
0x96: {  	v4 =	vimm.s32 $0xA07;
	v0 =	vsel vm2, $0x282, v0;
	v1 =	vsel vm10, $0x4, v1  }
0x97: {  	v6 =	vimm.s32 $0xB07;
	v0 =	vsel vm3, $0x303, v0;
	v1 =	vsel vm9, $0x85, v1  }
0x98: {  	v4 =	vsel vm14, $0xA80, v4;
	v0 =	vsel vm4, $0x384, v0;
	v1 =	vsel vm8, $0x106, v1  }
0x99: {  	v6 =	vsel vm14, $0xB80, v6;
	v0 =	vsel vm1, $0x405, v0;
	v1 =	vsel vm7, $0x187, v1  }
0x9a: {  	v4 =	vsel vm13, $0xB01, v4;
	v1 =	vsel vm5, $0x200, v1;
	v0 =	vsel vm0, $0x486, v0  }
0x9b: {  	v6 =	vsel vm13, $0xC01, v6;
	[tilespmem:$0x1F830] =	vst v0;
	v0 =	vsel vm6, $0x281, v1;
	v1 =	vsel vm8, $0x186, v2  }
0x9c: {  	v2 =	vand.u32 $0xF, v3;
	v3 =	vcombine.low v12, v13;
	v12 =	vimm.s32 $0xE07  }
0x9d: {  	v13 =	vimm.s32 $0xE87;
	v0 =	vsel vm2, $0x302, v0;
	v1 =	vsel vm7, $0x207, v1  }
0x9e: {  	[tilespmem:$0x1F840] =	vst v2;
	v2 =	vimm.s32 $0x687;
	v12 =	vsel vm14, $0xE80, v12;
	v0 =	vsel vm3, $0x383, v0  }
0x9f: {  	v13 =	vsel vm14, $0xF00, v13;
	v1 =	vsel vm5, $0x280, v1;
	v0 =	vsel vm4, $0x404, v0  }
0xa0: {  	v2 =	vsel vm14, $0x700, v2;
	v1 =	vsel vm6, $0x301, v1;
	v0 =	vsel vm1, $0x485, v0  }
0xa1: {  	v12 =	vsel vm13, $0xF01, v12;
	v1 =	vsel vm2, $0x382, v1;
	v0 =	vsel vm0, $0x506, v0  }
0xa2: {  	v13 =	vsel vm13, $0xF81, v13;
	v2 =	vsel vm13, $0x781, v2;
	[tilespmem:$0x1F850] =	vst v0;
	v0 =	vsel vm3, $0x403, v1  }
0xa3: {  	v1 =	vsel vm12, $0x2, v2;
	v2 =	vcombine.low v8, v9;
	v8 =	vimm.s32 $0xC07  }
0xa4: {  	v9 =	vimm.s32 $0xC87;
	v0 =	vsel vm4, $0x484, v0;
	v1 =	vsel vm11, $0x83, v1  }
0xa5: {  	v8 =	vsel vm14, $0xC80, v8;
	v9 =	vsel vm14, $0xD00, v9;
	v0 =	vsel vm1, $0x505, v0  }
0xa6: {  	v1 =	vsel vm10, $0x104, v1;
	v2 =	vand.u32 $0xF, v2;
	v0 =	vsel vm0, $0x586, v0  }
0xa7: {  	v8 =	vsel vm13, $0xD01, v8;
	[tilespmem:$0x1F870] =	vst v0;
	v0 =	vsel vm9, $0x185, v1;
	v1 =	vand.u32 $0xF, v3  }
0xa8: {  	v9 =	vsel vm13, $0xD81, v9;
	[tilespmem:$0x1F880] =	vst v1;
	v0 =	vsel vm8, $0x206, v0;
	v1 =	vimm.s32 $0x707  }
0xa9: {  	[tilespmem:$0x1F860] =	vst v2;
	v2 =	vimm.s32 $0xF87;
	v0 =	vsel vm7, $0x287, v0;
	v1 =	vsel vm14, $0x780, v1  }
0xaa: {  	v2 =	vsel vm14, $0x800, v2;
	v0 =	vsel vm5, $0x300, v0;
	v1 =	vsel vm13, $0x1, v1  }
0xab: {  	v3 =	vcombine.low v10, v11;
	v0 =	vsel vm6, $0x381, v0;
	v1 =	vsel vm12, $0x82, v1  }
0xac: {  	v2 =	vsel vm13, $0x881, v2;
	v0 =	vsel vm2, $0x402, v0;
	v1 =	vsel vm11, $0x103, v1  }
0xad: {  	v2 =	vsel vm12, $0x902, v2;
	v0 =	vsel vm3, $0x483, v0;
	v1 =	vsel vm10, $0x184, v1  }
0xae: {  	v2 =	vsel vm11, $0x983, v2;
	v0 =	vsel vm4, $0x504, v0;
	v1 =	vsel vm9, $0x205, v1  }
0xaf: {  	v2 =	vsel vm10, $0xA04, v2;
	v0 =	vsel vm1, $0x585, v0;
	v1 =	vsel vm8, $0x286, v1  }
0xb0: {  	v2 =	vsel vm9, $0xA85, v2;
	v1 =	vsel vm7, $0x307, v1;
	v0 =	vsel vm0, $0x606, v0  }
0xb1: {  	v10 =	vimm.s32 $0xD07;
	v2 =	vsel vm8, $0xB06, v2;
	[tilespmem:$0x1F890] =	vst v0;
	v0 =	vsel vm5, $0x380, v1  }
0xb2: {  	v11 =	vimm.s32 $0xD87;
	v1 =	vsel vm7, $0xB87, v2;
	v0 =	vsel vm6, $0x401, v0  }
0xb3: {  	v10 =	vsel vm14, $0xD80, v10;
	v1 =	vsel vm5, $0xC00, v1;
	v0 =	vsel vm2, $0x482, v0  }
0xb4: {  	v2 =	vand.u32 $0xF, v3;
	v1 =	vsel vm6, $0xC81, v1;
	v0 =	vsel vm3, $0x503, v0  }
0xb5: {  	[tilespmem:$0x1F8A0] =	vst v2;
	v2 =	vimm.s32 $0x807;
	v1 =	vsel vm2, $0xD02, v1;
	v0 =	vsel vm4, $0x584, v0  }
0xb6: {  	v2 =	vsel vm14, $0x880, v2;
	v1 =	vsel vm3, $0xD83, v1;
	v0 =	vsel vm1, $0x605, v0  }
0xb7: {  	v2 =	vsel vm13, $0x901, v2;
	v1 =	vsel vm4, $0xE04, v1;
	v0 =	vsel vm0, $0x686, v0  }
0xb8: {  	v11 =	vsel vm14, $0xE00, v11;
	v2 =	vsel vm12, $0x982, v2;
	[tilespmem:$0x1F8B0] =	vst v0;
	v0 =	vsel vm1, $0xE85, v1  }
0xb9: {  	v10 =	vsel vm13, $0xE01, v10;
	v1 =	vsel vm11, $0xA03, v2;
	v0 =	vsel vm0, $0xF06, v0  }
0xba: {  	v11 =	vsel vm13, $0xE81, v11;
	v3 =	vimm.s32 $0x987;
	[tilespmem:$0x1F8C0] =	vst v0;
	v0 =	vsel vm10, $0xA84, v1  }
0xbb: {  	v2 =	vimm.s32 $0x1C1B1A19;
	v1 =	vimm.s32 $0x887;
	v0 =	vsel vm9, $0xB05, v0  }
0xbc: {  	v2 =	vunpack.c.0.s8.s32 v2;
	v1 =	vsel vm14, $0x900, v1;
	v0 =	vsel vm8, $0xB86, v0  }
0xbd: {  	v3 =	vsel vm14, $0xA00, v3;
	v1 =	vsel vm13, $0x981, v1;
	v0 =	vsel vm7, $0xC07, v0  }
0xbe: {  	[tilespmem:$0x1FEE0] =	vst v2;
	v2 =	vimm.s32 $0x101F1E1D;
	v1 =	vsel vm12, $0xA02, v1;
	v0 =	vsel vm5, $0xC80, v0  }
0xbf: {  	v2 =	vunpack.c.0.s8.s32 v2;
	v1 =	vsel vm11, $0xA83, v1;
	v0 =	vsel vm6, $0xD01, v0  }
0xc0: {  	v3 =	vsel vm13, $0xA81, v3;
	v1 =	vsel vm10, $0xB04, v1;
	v0 =	vsel vm2, $0xD82, v0  }
0xc1: {  	[tilespmem:$0x1FEF0] =	vst v2;
	v2 =	vimm.s32 $0x907;
	v1 =	vsel vm9, $0xB85, v1;
	v0 =	vsel vm3, $0xE03, v0  }
0xc2: {  	v2 =	vsel vm14, $0x980, v2;
	v1 =	vsel vm8, $0xC06, v1;
	v0 =	vsel vm4, $0xE84, v0  }
0xc3: {  	v2 =	vsel vm13, $0xA01, v2;
	v1 =	vsel vm7, $0xC87, v1;
	v0 =	vsel vm1, $0xF05, v0  }
0xc4: {  	v2 =	vsel vm12, $0xA82, v2;
	v1 =	vsel vm5, $0xD00, v1;
	v0 =	vsel vm0, $0xF86, v0  }
0xc5: {  	[tilespmem:$0x1F8D0] =	vst v0;
	v0 =	vsel vm6, $0xD81, v1;
	v1 =	vsel vm11, $0xB03, v2;
	v2 =	vsel vm12, $0xB02, v3  }
0xc6: {  	v3 =	vsel vm12, $0xB82, v4;
	v4 =	vsel vm12, $0xC02, v5;
	v5 =	vsel vm12, $0xC82, v6  }
0xc7: {  	v6 =	vsel vm12, $0xD02, v7;
	v7 =	vsel vm12, $0xD82, v8;
	v8 =	vsel vm12, $0xE02, v9  }
0xc8: {  	v9 =	vsel vm12, $0xE82, v10;
	v10 =	vsel vm12, $0xF02, v11;
	v11 =	vsel vm12, $0xF82, v12  }
0xc9: {  	v12 =	vsel vm12, $0x802, v13;
	v13 =	vsel vm12, $0x882, v14;
	v14 =	vsel vm12, $0x1102, v15  }
0xca: {  	v15 =	vsel vm12, $0x1182, v16;
	v16 =	vsel vm12, $0x1202, v17;
	v17 =	vsel vm12, $0x1282, v18  }
0xcb: {  	v18 =	vsel vm12, $0x1302, v19;
	v19 =	vsel vm12, $0x1382, v20;
	v20 =	vsel vm12, $0x1402, v21  }
0xcc: {  	v21 =	vsel vm12, $0x1482, v22;
	v22 =	vsel vm12, $0x1502, v23;
	v23 =	vsel vm12, $0x1582, v24  }
0xcd: {  	v24 =	vsel vm12, $0x1602, v25;
	v25 =	vsel vm12, $0x1682, v26;
	v26 =	vsel vm12, $0x1702, v27  }
0xce: {  	v27 =	vsel vm12, $0x1782, v28;
	v28 =	vsel vm12, $0x1002, v29;
	v29 =	vsel vm12, $0x1082, v30  }
0xcf: {  	v30 =	vsel vm12, $0x1902, v31;
	v31 =	vsel vm12, $0x1982, v32;
	v32 =	vsel vm12, $0x1A02, v33  }
0xd0: {  	v33 =	vsel vm12, $0x1A82, v34;
	v34 =	vsel vm12, $0x1B02, v35;
	v35 =	vsel vm12, $0x1B82, v36  }
0xd1: {  	v36 =	vsel vm12, $0x1C02, v37;
	v37 =	vsel vm11, $0x1D03, v53;
	v53 =	vimm.s32 $0x11101F1E  }
0xd2: {  	v0 =	vsel vm2, $0xE02, v0;
	v1 =	vsel vm10, $0xB84, v1;
	v2 =	vsel vm11, $0xB83, v2  }
0xd3: {  	v3 =	vsel vm11, $0xC03, v3;
	v4 =	vsel vm11, $0xC83, v4;
	v5 =	vsel vm11, $0xD03, v5  }
0xd4: {  	v6 =	vsel vm11, $0xD83, v6;
	v7 =	vsel vm11, $0xE03, v7;
	v8 =	vsel vm11, $0xE83, v8  }
0xd5: {  	v9 =	vsel vm11, $0xF03, v9;
	v10 =	vsel vm11, $0xF83, v10;
	v11 =	vsel vm11, $0x803, v11  }
0xd6: {  	v12 =	vsel vm11, $0x883, v12;
	v13 =	vsel vm11, $0x903, v13;
	v14 =	vsel vm11, $0x1183, v14  }
0xd7: {  	v15 =	vsel vm11, $0x1203, v15;
	v16 =	vsel vm11, $0x1283, v16;
	v17 =	vsel vm11, $0x1303, v17  }
0xd8: {  	v18 =	vsel vm11, $0x1383, v18;
	v19 =	vsel vm11, $0x1403, v19;
	v20 =	vsel vm11, $0x1483, v20  }
0xd9: {  	v21 =	vsel vm11, $0x1503, v21;
	v22 =	vsel vm11, $0x1583, v22;
	v23 =	vsel vm11, $0x1603, v23  }
0xda: {  	v24 =	vsel vm11, $0x1683, v24;
	v25 =	vsel vm11, $0x1703, v25;
	v26 =	vsel vm11, $0x1783, v26  }
0xdb: {  	v27 =	vsel vm11, $0x1003, v27;
	v28 =	vsel vm11, $0x1083, v28;
	v29 =	vsel vm11, $0x1103, v29  }
0xdc: {  	v30 =	vsel vm11, $0x1983, v30;
	v31 =	vsel vm11, $0x1A03, v31;
	v32 =	vsel vm11, $0x1A83, v32  }
0xdd: {  	v33 =	vsel vm11, $0x1B03, v33;
	v34 =	vsel vm11, $0x1B83, v34;
	v35 =	vsel vm11, $0x1C03, v35  }
0xde: {  	[tilespmem:$0x1F8E0] =	vst v46;
	v36 =	vsel vm11, $0x1C83, v36;
	v46 =	vunpack.c.0.s8.s32 v53;
	v37 =	vsel vm10, $0x1D84, v37  }
0xdf: {  	v0 =	vsel vm3, $0xE83, v0;
	v1 =	vsel vm9, $0xC05, v1;
	v2 =	vsel vm10, $0xC04, v2  }
0xe0: {  	v3 =	vsel vm10, $0xC84, v3;
	v4 =	vsel vm10, $0xD04, v4;
	v5 =	vsel vm10, $0xD84, v5  }
0xe1: {  	v6 =	vsel vm10, $0xE04, v6;
	v7 =	vsel vm10, $0xE84, v7;
	v8 =	vsel vm10, $0xF04, v8  }
0xe2: {  	v9 =	vsel vm10, $0xF84, v9;
	v10 =	vsel vm10, $0x804, v10;
	v11 =	vsel vm10, $0x884, v11  }
0xe3: {  	v12 =	vsel vm10, $0x904, v12;
	v13 =	vsel vm10, $0x984, v13;
	v14 =	vsel vm10, $0x1204, v14  }
0xe4: {  	v15 =	vsel vm10, $0x1284, v15;
	v16 =	vsel vm10, $0x1304, v16;
	v17 =	vsel vm10, $0x1384, v17  }
0xe5: {  	v18 =	vsel vm10, $0x1404, v18;
	v19 =	vsel vm10, $0x1484, v19;
	v20 =	vsel vm10, $0x1504, v20  }
0xe6: {  	v21 =	vsel vm10, $0x1584, v21;
	v22 =	vsel vm10, $0x1604, v22;
	v23 =	vsel vm10, $0x1684, v23  }
0xe7: {  	v24 =	vsel vm10, $0x1704, v24;
	v25 =	vsel vm10, $0x1784, v25;
	v26 =	vsel vm10, $0x1004, v26  }
0xe8: {  	v27 =	vsel vm10, $0x1084, v27;
	v28 =	vsel vm10, $0x1104, v28;
	v29 =	vsel vm10, $0x1184, v29  }
0xe9: {  	v30 =	vsel vm10, $0x1A04, v30;
	v31 =	vsel vm10, $0x1A84, v31;
	v32 =	vsel vm10, $0x1B04, v32  }
0xea: {  	v33 =	vsel vm10, $0x1B84, v33;
	v34 =	vsel vm10, $0x1C04, v34;
	v35 =	vsel vm10, $0x1C84, v35  }
0xeb: {  	v36 =	vsel vm10, $0x1D04, v36;
	v37 =	vsel vm9, $0x1E05, v37;
	[tilespmem:$0x1F8F0] =	vst v46;
	v46 =	vunpack.c.0.s8.s32 v54  }
0xec: {  	v0 =	vsel vm4, $0xF04, v0;
	v1 =	vsel vm8, $0xC86, v1;
	v2 =	vsel vm9, $0xC85, v2  }
0xed: {  	v3 =	vsel vm9, $0xD05, v3;
	v4 =	vsel vm9, $0xD85, v4;
	v5 =	vsel vm9, $0xE05, v5  }
0xee: {  	v6 =	vsel vm9, $0xE85, v6;
	v7 =	vsel vm9, $0xF05, v7;
	v8 =	vsel vm9, $0xF85, v8  }
0xef: {  	v9 =	vsel vm9, $0x805, v9;
	v10 =	vsel vm9, $0x885, v10;
	v11 =	vsel vm9, $0x905, v11  }
0xf0: {  	v12 =	vsel vm9, $0x985, v12;
	v13 =	vsel vm9, $0xA05, v13;
	v14 =	vsel vm9, $0x1285, v14  }
0xf1: {  	v15 =	vsel vm9, $0x1305, v15;
	v16 =	vsel vm9, $0x1385, v16;
	v17 =	vsel vm9, $0x1405, v17  }
0xf2: {  	v18 =	vsel vm9, $0x1485, v18;
	v19 =	vsel vm9, $0x1505, v19;
	v20 =	vsel vm9, $0x1585, v20  }
0xf3: {  	v21 =	vsel vm9, $0x1605, v21;
	v22 =	vsel vm9, $0x1685, v22;
	v23 =	vsel vm9, $0x1705, v23  }
0xf4: {  	v24 =	vsel vm9, $0x1785, v24;
	v25 =	vsel vm9, $0x1005, v25;
	v26 =	vsel vm9, $0x1085, v26  }
0xf5: {  	v27 =	vsel vm9, $0x1105, v27;
	v28 =	vsel vm9, $0x1185, v28;
	v29 =	vsel vm9, $0x1205, v29  }
0xf6: {  	v30 =	vsel vm9, $0x1A85, v30;
	v31 =	vsel vm9, $0x1B05, v31;
	v32 =	vsel vm9, $0x1B85, v32  }
0xf7: {  	v33 =	vsel vm9, $0x1C05, v33;
	v34 =	vsel vm9, $0x1C85, v34;
	v35 =	vsel vm9, $0x1D05, v35  }
0xf8: {  	v36 =	vsel vm9, $0x1D85, v36;
	v37 =	vsel vm8, $0x1E86, v37;
	v54 =	vimm.s32 $0x1211101F  }
0xf9: {  	v0 =	vsel vm1, $0xF85, v0;
	v1 =	vsel vm7, $0xD07, v1;
	v2 =	vsel vm8, $0xD06, v2  }
0xfa: {  	v3 =	vsel vm8, $0xD86, v3;
	v4 =	vsel vm8, $0xE06, v4;
	v5 =	vsel vm8, $0xE86, v5  }
0xfb: {  	v6 =	vsel vm8, $0xF06, v6;
	v7 =	vsel vm8, $0xF86, v7;
	v8 =	vsel vm8, $0x806, v8  }
0xfc: {  	v9 =	vsel vm8, $0x886, v9;
	v10 =	vsel vm8, $0x906, v10;
	v11 =	vsel vm8, $0x986, v11  }
0xfd: {  	v12 =	vsel vm8, $0xA06, v12;
	v13 =	vsel vm8, $0xA86, v13;
	v14 =	vsel vm8, $0x1306, v14  }
0xfe: {  	v15 =	vsel vm8, $0x1386, v15;
	v16 =	vsel vm8, $0x1406, v16;
	v17 =	vsel vm8, $0x1486, v17  }
0xff: {  	v18 =	vsel vm8, $0x1506, v18;
	v19 =	vsel vm8, $0x1586, v19;
	v20 =	vsel vm8, $0x1606, v20  }
0x100: {  	v21 =	vsel vm8, $0x1686, v21;
	v22 =	vsel vm8, $0x1706, v22;
	v23 =	vsel vm8, $0x1786, v23  }
0x101: {  	v24 =	vsel vm8, $0x1006, v24;
	v25 =	vsel vm8, $0x1086, v25;
	v26 =	vsel vm8, $0x1106, v26  }
0x102: {  	v27 =	vsel vm8, $0x1186, v27;
	v28 =	vsel vm8, $0x1206, v28;
	v29 =	vsel vm8, $0x1286, v29  }
0x103: {  	v30 =	vsel vm8, $0x1B06, v30;
	v31 =	vsel vm8, $0x1B86, v31;
	v0 =	vsel vm0, $0x806, v0  }
0x104: {  	v32 =	vsel vm8, $0x1C06, v32;
	v33 =	vsel vm8, $0x1C86, v33;
	[tilespmem:$0x1F920] =	vst v0;
	v0 =	vunpack.c.0.s8.s32 v60  }
0x105: {  	v34 =	vsel vm8, $0x1D06, v34;
	v35 =	vsel vm8, $0x1D86, v35;
	v36 =	vsel vm8, $0x1E06, v36;
	[tilespmem:$0x1F900] =	vst v46  }
0x106: {  	v45 =	vunpack.c.0.s8.s32 v54;
	v46 =	vunpack.c.0.s8.s32 v58;
	[tilespmem:$0x1F930] =	vst v0;
	v0 =	vsel vm5, $0xD80, v1  }
0x107: {  	v1 =	vsel vm7, $0xD87, v2;
	v2 =	vsel vm7, $0xE07, v3;
	v3 =	vsel vm7, $0xE87, v4  }
0x108: {  	v4 =	vsel vm7, $0xF07, v5;
	v5 =	vsel vm7, $0xF87, v6;
	v6 =	vsel vm7, $0x807, v7  }
0x109: {  	v7 =	vsel vm7, $0x887, v8;
	v8 =	vsel vm7, $0x907, v9;
	v9 =	vsel vm7, $0x987, v10  }
0x10a: {  	v10 =	vsel vm7, $0xA07, v11;
	v11 =	vsel vm7, $0xA87, v12;
	v12 =	vsel vm7, $0xB07, v13  }
0x10b: {  	v13 =	vsel vm7, $0x1387, v14;
	v14 =	vsel vm7, $0x1407, v15;
	v15 =	vsel vm7, $0x1487, v16  }
0x10c: {  	v16 =	vsel vm7, $0x1507, v17;
	v17 =	vsel vm7, $0x1587, v18;
	v18 =	vsel vm7, $0x1607, v19  }
0x10d: {  	v19 =	vsel vm7, $0x1687, v20;
	v20 =	vsel vm7, $0x1707, v21;
	v21 =	vsel vm7, $0x1787, v22  }
0x10e: {  	v22 =	vsel vm7, $0x1007, v23;
	v23 =	vsel vm7, $0x1087, v24;
	v24 =	vsel vm7, $0x1107, v25  }
0x10f: {  	v25 =	vsel vm7, $0x1187, v26;
	v26 =	vsel vm7, $0x1207, v27;
	v27 =	vsel vm7, $0x1287, v28  }
0x110: {  	v28 =	vsel vm7, $0x1307, v29;
	v29 =	vsel vm7, $0x1B87, v30;
	v30 =	vsel vm7, $0x1C07, v31  }
0x111: {  	v31 =	vsel vm7, $0x1C87, v32;
	v32 =	vsel vm7, $0x1D07, v33;
	v33 =	vsel vm7, $0x1D87, v34  }
0x112: {  	v34 =	vsel vm7, $0x1E07, v35;
	v35 =	vsel vm7, $0x1E87, v36;
	v36 =	vsel vm7, $0x1F07, v37  }
0x113: {  	v37 =	vsel vm7, $0x1F87, v38;
	v0 =	vsel vm6, $0xE01, v0;
	v1 =	vsel vm5, $0xE00, v1  }
0x114: {  	[tilespmem:$0x1F940] =	vst v45;
	v45 =	vsel vm2, $0xE82, v0;
	v58 =	vsel vm6, $0xE81, v1;
	v0 =	vsel vm5, $0xE80, v2  }
0x115: {  	v1 =	vsel vm5, $0xF80, v4;
	v2 =	vsel vm6, $0xF01, v0;
	v0 =	vsel vm5, $0xF00, v3  }
0x116: {  	v48 =	vsel vm6, $0x801, v1;
	v1 =	vsel vm5, $0x900, v7;
	v3 =	vsel vm5, $0x1B80, v44  }
0x117: {  	v60 =	vsel vm6, $0xF81, v0;
	v0 =	vsel vm5, $0x800, v5;
	v51 =	vsel vm6, $0x981, v1  }
0x118: {  	v1 =	vsel vm5, $0xA80, v10;
	v4 =	vsel vm6, $0x1C01, v3;
	v3 =	vimm.s32 $0x16151413  }
0x119: {  	v2 =	vsel vm2, $0xF82, v2;
	v49 =	vsel vm6, $0x881, v0;
	v0 =	vsel vm5, $0x880, v6  }
0x11a: {  	v53 =	vsel vm6, $0xB01, v1;
	v1 =	vsel vm5, $0x1400, v13;
	v3 =	vunpack.c.0.s8.s32 v3  }
0x11b: {  	v44 =	vsel vm2, $0x802, v60;
	v50 =	vsel vm6, $0x901, v0;
	v0 =	vsel vm5, $0x980, v8  }
0x11c: {  	[tilespmem:$0x1F910] =	vst v46;
	v13 =	vsel vm6, $0x1481, v1;
	v1 =	vsel vm5, $0x1580, v16;
	v46 =	vsel vm2, $0x902, v49  }
0x11d: {  	v52 =	vsel vm6, $0xA01, v0;
	v0 =	vsel vm5, $0xA00, v9;
	v16 =	vsel vm6, $0x1601, v1  }
0x11e: {  	[tilespmem:$0x1FF10] =	vst v47;
	v1 =	vsel vm5, $0x1700, v19;
	v47 =	vsel vm2, $0x982, v50;
	v50 =	vsel vm2, $0xB82, v53  }
0x11f: {  	v13 =	vsel vm2, $0x1502, v13;
	v10 =	vsel vm6, $0xA81, v0;
	v0 =	vsel vm5, $0xB00, v11  }
0x120: {  	v19 =	vsel vm6, $0x1781, v1;
	v1 =	vsel vm5, $0x1080, v22;
	v49 =	vsel vm2, $0xA82, v52  }
0x121: {  	v13 =	vsel vm3, $0x1583, v13;
	v16 =	vsel vm2, $0x1682, v16;
	v52 =	vimm.s32 $0x13121110  }
0x122: {  	v11 =	vsel vm6, $0xB81, v0;
	v0 =	vsel vm5, $0xB80, v12;
	v22 =	vsel vm6, $0x1101, v1  }
0x123: {  	v1 =	vsel vm5, $0x1200, v25;
	v10 =	vsel vm2, $0xB02, v10;
	v13 =	vsel vm4, $0x1604, v13  }
0x124: {  	v16 =	vsel vm3, $0x1703, v16;
	v19 =	vsel vm2, $0x1002, v19;
	v12 =	vsel vm6, $0xC01, v0  }
0x125: {  	v0 =	vsel vm5, $0x1480, v14;
	v25 =	vsel vm6, $0x1281, v1;
	v1 =	vsel vm5, $0x1380, v28  }
0x126: {  	v11 =	vsel vm2, $0xC02, v11;
	v10 =	vsel vm3, $0xB83, v10;
	v16 =	vsel vm4, $0x1784, v16  }
0x127: {  	v19 =	vsel vm3, $0x1083, v19;
	v22 =	vsel vm2, $0x1182, v22;
	v13 =	vsel vm1, $0x1685, v13  }
0x128: {  	v14 =	vsel vm6, $0x1501, v0;
	v0 =	vsel vm5, $0x1500, v15;
	v28 =	vsel vm6, $0x1401, v1  }
0x129: {  	v1 =	vsel vm5, $0x1D00, v31;
	v11 =	vsel vm3, $0xC83, v11;
	v10 =	vsel vm4, $0xC04, v10  }
0x12a: {  	v12 =	vsel vm2, $0xC82, v12;
	v19 =	vsel vm4, $0x1104, v19;
	v22 =	vsel vm3, $0x1203, v22  }
0x12b: {  	v25 =	vsel vm2, $0x1302, v25;
	v16 =	vsel vm1, $0x1005, v16;
	v15 =	vsel vm6, $0x1581, v0  }
0x12c: {  	v0 =	vsel vm5, $0x1600, v17;
	v31 =	vsel vm6, $0x1D81, v1;
	v1 =	vsel vm5, $0x1E80, v34  }
0x12d: {  	v11 =	vsel vm4, $0xD04, v11;
	v14 =	vsel vm2, $0x1582, v14;
	v12 =	vsel vm3, $0xD03, v12  }
0x12e: {  	v22 =	vsel vm4, $0x1284, v22;
	v25 =	vsel vm3, $0x1383, v25;
	v28 =	vsel vm2, $0x1482, v28  }
0x12f: {  	v10 =	vsel vm1, $0xC85, v10;
	v19 =	vsel vm1, $0x1185, v19;
	v17 =	vsel vm6, $0x1681, v0  }
0x130: {  	v0 =	vsel vm5, $0x1680, v18;
	v34 =	vsel vm6, $0x1F01, v1;
	v1 =	vsel vm5, $0x1800, v37  }
0x131: {  	v14 =	vsel vm3, $0x1603, v14;
	v12 =	vsel vm4, $0xD84, v12;
	v15 =	vsel vm2, $0x1602, v15  }
0x132: {  	v25 =	vsel vm4, $0x1404, v25;
	v28 =	vsel vm3, $0x1503, v28;
	v31 =	vsel vm2, $0x1E02, v31  }
0x133: {  	v11 =	vsel vm1, $0xD85, v11;
	v22 =	vsel vm1, $0x1305, v22;
	v18 =	vsel vm6, $0x1701, v0  }
0x134: {  	v0 =	vsel vm5, $0x1780, v20;
	v9 =	vsel vm6, $0x1881, v1;
	v1 =	vsel vm5, $0x1980, v40  }
0x135: {  	v40 =	vsel vm3, $0xA03, v47;
	v14 =	vsel vm4, $0x1684, v14;
	v17 =	vsel vm2, $0x1702, v17  }
0x136: {  	v15 =	vsel vm3, $0x1683, v15;
	v28 =	vsel vm4, $0x1584, v28;
	v31 =	vsel vm3, $0x1E83, v31  }
0x137: {  	v34 =	vsel vm2, $0x1F82, v34;
	v12 =	vsel vm1, $0xE05, v12;
	v25 =	vsel vm1, $0x1485, v25  }
0x138: {  	v20 =	vsel vm6, $0x1001, v0;
	v0 =	vsel vm5, $0x1000, v21;
	v6 =	vsel vm6, $0x1A01, v1  }
0x139: {  	v1 =	vsel vm5, $0x1B00, v43;
	v43 =	vsel vm3, $0x803, v2;
	v40 =	vsel vm4, $0xA84, v40  }
0x13a: {  	v17 =	vsel vm3, $0x1783, v17;
	v15 =	vsel vm4, $0x1704, v15;
	v18 =	vsel vm2, $0x1782, v18  }
0x13b: {  	v31 =	vsel vm4, $0x1F04, v31;
	v34 =	vsel vm3, $0x1803, v34;
	v9 =	vsel vm2, $0x1902, v9  }
0x13c: {  	v14 =	vsel vm1, $0x1705, v14;
	v28 =	vsel vm1, $0x1605, v28;
	v21 =	vsel vm6, $0x1081, v0  }
0x13d: {  	v0 =	vsel vm5, $0x1100, v23;
	v1 =	vsel vm6, $0x1B81, v1;
	v17 =	vsel vm4, $0x1004, v17  }
0x13e: {  	v20 =	vsel vm2, $0x1082, v20;
	v18 =	vsel vm3, $0x1003, v18;
	v34 =	vsel vm4, $0x1884, v34  }
0x13f: {  	v9 =	vsel vm3, $0x1983, v9;
	v6 =	vsel vm2, $0x1A82, v6;
	v40 =	vsel vm1, $0xB05, v40  }
0x140: {  	v15 =	vsel vm1, $0x1785, v15;
	v23 =	vsel vm6, $0x1181, v0;
	v0 =	vsel vm5, $0x1180, v24  }
0x141: {  	v31 =	vsel vm1, $0x1F85, v31;
	v24 =	vsel vm6, $0x1201, v0;
	v0 =	vsel vm5, $0x1280, v26  }
0x142: {  	v20 =	vsel vm3, $0x1103, v20;
	v26 =	vsel vm6, $0x1301, v0;
	v0 =	vsel vm5, $0x1300, v27  }
0x143: {  	v18 =	vsel vm4, $0x1084, v18;
	v27 =	vsel vm6, $0x1381, v0;
	v0 =	vsel vm5, $0x1C00, v29  }
0x144: {  	v21 =	vsel vm2, $0x1102, v21;
	v29 =	vsel vm6, $0x1C81, v0;
	v0 =	vsel vm5, $0x1C80, v30  }
0x145: {  	v9 =	vsel vm4, $0x1A04, v9;
	v30 =	vsel vm6, $0x1D01, v0;
	v0 =	vsel vm5, $0x1D80, v32  }
0x146: {  	v6 =	vsel vm3, $0x1B03, v6;
	v32 =	vsel vm6, $0x1E01, v0;
	v0 =	vsel vm5, $0x1E00, v33  }
0x147: {  	v1 =	vsel vm2, $0x1C02, v1;
	v33 =	vsel vm6, $0x1E81, v0;
	v0 =	vsel vm5, $0x1F00, v35  }
0x148: {  	v17 =	vsel vm1, $0x1085, v17;
	v35 =	vsel vm6, $0x1F81, v0;
	v0 =	vsel vm5, $0x1F80, v36  }
0x149: {  	v34 =	vsel vm1, $0x1905, v34;
	v8 =	vsel vm6, $0x1801, v0;
	v0 =	vsel vm5, $0x1880, v63  }
0x14a: {  	v20 =	vsel vm4, $0x1184, v20;
	v63 =	vsel vm6, $0x1901, v0;
	v0 =	vsel vm5, $0x1900, v39  }
0x14b: {  	v5 =	vsel vm6, $0x1981, v0;
	v0 =	vsel vm5, $0x1A00, v41;
	v41 =	vimm.s32 $0x1A191817  }
0x14c: {  	[tilespmem:$0x1F950] =	vst v3;
	v23 =	vsel vm2, $0x1202, v23;
	v21 =	vsel vm3, $0x1183, v21;
	v3 =	vunpack.c.0.s8.s32 v41  }
0x14d: {  	v39 =	vsel vm3, $0x983, v46;
	v7 =	vsel vm6, $0x1A81, v0;
	v0 =	vsel vm5, $0x1A80, v42  }
0x14e: {  	v42 =	vsel vm2, $0xF02, v58;
	v0 =	vsel vm6, $0x1B01, v0;
	[tilespmem:$0x1F960] =	vst v3;
	v3 =	vsel vm3, $0xF03, v45  }
0x14f: {  	v37 =	vsel vm3, $0xF83, v42;
	v0 =	vsel vm2, $0x1B82, v0;
	v3 =	vsel vm4, $0xF84, v3  }
0x150: {  	v45 =	vsel vm2, $0x882, v48;
	v0 =	vsel vm3, $0x1C03, v0;
	v3 =	vsel vm1, $0x805, v3  }
0x151: {  	v38 =	vsel vm3, $0x903, v45;
	v0 =	vsel vm4, $0x1C84, v0;
	v2 =	vsel vm0, $0x886, v3  }
0x152: {  	v3 =	vsel vm4, $0x884, v43;
	v0 =	vsel vm1, $0x1D05, v0;
	[tilespmem:$0x1F970] =	vst v2;
	v2 =	vsel vm4, $0x804, v37  }
0x153: {  	v37 =	vsel vm3, $0x883, v44;
	v0 =	vsel vm0, $0x1D86, v0;
	v2 =	vsel vm1, $0x885, v2  }
0x154: {  	v3 =	vsel vm1, $0x905, v3;
	[tilespmem:$0x1FCC0] =	vst v0;
	v0 =	vimm.s32 $0x2C2B2A29;
	v2 =	vsel vm0, $0x906, v2  }
0x155: {  	v37 =	vsel vm4, $0x904, v37;
	v0 =	vunpack.c.0.s8.s32 v0;
	[tilespmem:$0x1F9D0] =	vst v2;
	v2 =	vsel vm0, $0x986, v3  }
0x156: {  	v39 =	vsel vm4, $0xA04, v39;
	v38 =	vsel vm4, $0x984, v38;
	v37 =	vsel vm1, $0x985, v37;
	[tilespmem:$0x1F9E0] =	vst v2  }
0x157: {  	v48 =	vsel vm2, $0xA02, v51;
	v38 =	vsel vm1, $0xA05, v38;
	v2 =	vsel vm0, $0xA06, v37;
	[tilespmem:$0x1FCE0] =	vst v0  }
0x158: {  	v39 =	vsel vm1, $0xA85, v39;
	v41 =	vsel vm3, $0xA83, v48;
	[tilespmem:$0x1FA00] =	vst v2;
	v2 =	vsel vm0, $0xA86, v38  }
0x159: {  	v42 =	vsel vm3, $0xB03, v49;
	v41 =	vsel vm4, $0xB04, v41;
	[tilespmem:$0x1FA10] =	vst v2;
	v2 =	vsel vm0, $0xB06, v39  }
0x15a: {  	v42 =	vsel vm4, $0xB84, v42;
	v41 =	vsel vm1, $0xB85, v41;
	[tilespmem:$0x1FA20] =	vst v2;
	v2 =	vsel vm0, $0xB86, v40  }
0x15b: {  	v42 =	vsel vm1, $0xC05, v42;
	v43 =	vsel vm3, $0xC03, v50;
	[tilespmem:$0x1FA30] =	vst v2;
	v2 =	vsel vm0, $0xC06, v41  }
0x15c: {  	v6 =	vsel vm4, $0x1B84, v6;
	v43 =	vsel vm4, $0xC84, v43;
	[tilespmem:$0x1FA40] =	vst v2;
	v2 =	vsel vm0, $0xC86, v42  }
0x15d: {  	v1 =	vsel vm3, $0x1C83, v1;
	v43 =	vsel vm1, $0xD05, v43;
	[tilespmem:$0x1FA50] =	vst v2;
	v2 =	vsel vm0, $0xD06, v10  }
0x15e: {  	v18 =	vsel vm1, $0x1105, v18;
	v9 =	vsel vm1, $0x1A85, v9;
	[tilespmem:$0x1FA60] =	vst v2;
	v2 =	vsel vm0, $0xD86, v43  }
0x15f: {  	v23 =	vsel vm3, $0x1283, v23;
	v21 =	vsel vm4, $0x1204, v21;
	[tilespmem:$0x1FA70] =	vst v2;
	v2 =	vsel vm0, $0xE06, v11  }
0x160: {  	v24 =	vsel vm2, $0x1282, v24;
	v1 =	vsel vm4, $0x1D04, v1;
	[tilespmem:$0x1FA80] =	vst v2;
	v2 =	vsel vm0, $0xE86, v12  }
0x161: {  	v20 =	vsel vm1, $0x1205, v20;
	v6 =	vsel vm1, $0x1C05, v6;
	[tilespmem:$0x1FA90] =	vst v2;
	v2 =	vsel vm0, $0x1706, v13  }
0x162: {  	v23 =	vsel vm4, $0x1304, v23;
	v26 =	vsel vm2, $0x1382, v26;
	[tilespmem:$0x1FAA0] =	vst v2;
	v2 =	vsel vm0, $0x1786, v14  }
0x163: {  	v24 =	vsel vm3, $0x1303, v24;
	v21 =	vsel vm1, $0x1285, v21;
	[tilespmem:$0x1FAB0] =	vst v2;
	v2 =	vsel vm0, $0x1006, v15  }
0x164: {  	v1 =	vsel vm1, $0x1D85, v1;
	v26 =	vsel vm3, $0x1403, v26;
	[tilespmem:$0x1FAC0] =	vst v2;
	v2 =	vsel vm0, $0x1086, v16  }
0x165: {  	v24 =	vsel vm4, $0x1384, v24;
	v27 =	vsel vm2, $0x1402, v27;
	[tilespmem:$0x1FAD0] =	vst v2;
	v2 =	vsel vm0, $0x1106, v17  }
0x166: {  	v23 =	vsel vm1, $0x1385, v23;
	v26 =	vsel vm4, $0x1484, v26;
	[tilespmem:$0x1FAE0] =	vst v2;
	v2 =	vsel vm0, $0x1186, v18  }
0x167: {  	v29 =	vsel vm2, $0x1D02, v29;
	v27 =	vsel vm3, $0x1483, v27;
	[tilespmem:$0x1FAF0] =	vst v2;
	v2 =	vsel vm0, $0x1206, v19  }
0x168: {  	v24 =	vsel vm1, $0x1405, v24;
	v29 =	vsel vm3, $0x1D83, v29;
	[tilespmem:$0x1FB00] =	vst v2;
	v2 =	vsel vm0, $0x1286, v20  }
0x169: {  	v27 =	vsel vm4, $0x1504, v27;
	v30 =	vsel vm2, $0x1D82, v30;
	[tilespmem:$0x1FB10] =	vst v2;
	v2 =	vsel vm0, $0x1306, v21  }
0x16a: {  	v26 =	vsel vm1, $0x1505, v26;
	v29 =	vsel vm4, $0x1E04, v29;
	[tilespmem:$0x1FB20] =	vst v2;
	v2 =	vsel vm0, $0x1386, v22  }
0x16b: {  	v32 =	vsel vm2, $0x1E82, v32;
	v30 =	vsel vm3, $0x1E03, v30;
	[tilespmem:$0x1FB30] =	vst v2;
	v2 =	vsel vm0, $0x1406, v23  }
0x16c: {  	v27 =	vsel vm1, $0x1585, v27;
	v32 =	vsel vm3, $0x1F03, v32;
	[tilespmem:$0x1FB40] =	vst v2;
	v2 =	vsel vm0, $0x1486, v24  }
0x16d: {  	v30 =	vsel vm4, $0x1E84, v30;
	v33 =	vsel vm2, $0x1F02, v33;
	[tilespmem:$0x1FB50] =	vst v2;
	v2 =	vsel vm0, $0x1506, v25  }
0x16e: {  	v29 =	vsel vm1, $0x1E85, v29;
	v32 =	vsel vm4, $0x1F84, v32;
	[tilespmem:$0x1FB60] =	vst v2;
	v2 =	vsel vm0, $0x1586, v26  }
0x16f: {  	v35 =	vsel vm2, $0x1802, v35;
	v33 =	vsel vm3, $0x1F83, v33;
	[tilespmem:$0x1FB70] =	vst v2;
	v2 =	vsel vm0, $0x1606, v27  }
0x170: {  	v30 =	vsel vm1, $0x1F05, v30;
	v35 =	vsel vm3, $0x1883, v35;
	[tilespmem:$0x1FB80] =	vst v2;
	v2 =	vsel vm0, $0x1686, v28  }
0x171: {  	v33 =	vsel vm4, $0x1804, v33;
	v8 =	vsel vm2, $0x1882, v8;
	[tilespmem:$0x1FB90] =	vst v2;
	v2 =	vsel vm0, $0x1F06, v29  }
0x172: {  	v32 =	vsel vm1, $0x1805, v32;
	v35 =	vsel vm4, $0x1904, v35;
	[tilespmem:$0x1FBA0] =	vst v2;
	v2 =	vsel vm0, $0x1F86, v30  }
0x173: {  	v36 =	vsel vm2, $0x1982, v63;
	v8 =	vsel vm3, $0x1903, v8;
	[tilespmem:$0x1FBB0] =	vst v2;
	v2 =	vsel vm0, $0x1806, v31  }
0x174: {  	v33 =	vsel vm1, $0x1885, v33;
	v36 =	vsel vm3, $0x1A03, v36;
	[tilespmem:$0x1FBC0] =	vst v2;
	v2 =	vsel vm0, $0x1886, v32  }
0x175: {  	v8 =	vsel vm4, $0x1984, v8;
	v5 =	vsel vm2, $0x1A02, v5;
	[tilespmem:$0x1FBD0] =	vst v2;
	v2 =	vsel vm0, $0x1906, v33  }
0x176: {  	v58 =	vunpack.c.0.s8.s32 v52;
	v35 =	vsel vm1, $0x1985, v35;
	[tilespmem:$0x1FBF0] =	vst v2;
	v2 =	vsel vm0, $0x1986, v34  }
0x177: {  	v36 =	vsel vm4, $0x1A84, v36;
	v8 =	vsel vm1, $0x1A05, v8;
	[tilespmem:$0x1FC10] =	vst v2;
	v2 =	vsel vm0, $0x1A06, v35  }
0x178: {  	v7 =	vsel vm2, $0x1B02, v7;
	v5 =	vsel vm3, $0x1A83, v5;
	[tilespmem:$0x1FC20] =	vst v2;
	v2 =	vsel vm0, $0x1A86, v8  }
0x179: {  	v5 =	vsel vm4, $0x1B04, v5;
	v36 =	vsel vm1, $0x1B05, v36;
	[tilespmem:$0x1FC40] =	vst v2;
	v2 =	vsel vm0, $0x1B06, v9  }
0x17a: {  	v7 =	vsel vm3, $0x1B83, v7;
	v5 =	vsel vm1, $0x1B85, v5;
	[tilespmem:$0x1FC50] =	vst v2;
	v2 =	vsel vm0, $0x1B86, v36  }
0x17b: {  	v52 =	vsel vm0, $0x1E06, v1;
	v7 =	vsel vm4, $0x1C04, v7;
	[tilespmem:$0x1FC60] =	vst v2;
	v2 =	vsel vm0, $0x1C06, v5  }
0x17c: {  	v1 =	vimm.s32 $0x202F2E2D;
	v7 =	vsel vm1, $0x1C85, v7;
	[tilespmem:$0x1FC70] =	vst v2;
	v2 =	vsel vm0, $0x1C86, v6  }
0x17d: {  	v0 =	vunpack.c.0.s8.s32 v1;
	[tilespmem:$0x1FC90] =	vst v2;
	v2 =	vsel vm0, $0x1D06, v7  }
0x17e: {  	[tilespmem:$0x1FCB0] =	vst v2;
	v2 =	vimm.s32 $0x24232221  }
0x17f: {  	[tilespmem:$0x1FCF0] =	vst v0;
	v0 =	vunpack.c.0.s8.s32 v2;
	_ =	sdelay $0x1  }
0x180: {  	[tilespmem:$0x1FD00] =	vst v0;
	v0 =	vimm.s32 $0x28272625  }
0x181: {  	v0 =	vunpack.c.0.s8.s32 v0  }
0x182: {  	v1 =	vimm.s32 $0x2D2C2B2A  }
0x183: {  	[tilespmem:$0x1FD10] =	vst v0;
	v0 =	vunpack.c.0.s8.s32 v1  }
0x184: {  	v2 =	vimm.s32 $0x21202F2E  }
0x185: {  	[tilespmem:$0x1FD20] =	vst v0;
	v0 =	vunpack.c.0.s8.s32 v2;
	_ =	sdelay $0x1  }
0x186: {  	[tilespmem:$0x1FD30] =	vst v0;
	v0 =	vimm.s32 $0x25242322  }
0x187: {  	v0 =	vunpack.c.0.s8.s32 v0  }
0x188: {  	v1 =	vimm.s32 $0x29282726  }
0x189: {  	[tilespmem:$0x1FD40] =	vst v0;
	v0 =	vunpack.c.0.s8.s32 v1  }
0x18a: {  	v2 =	vimm.s32 $0x2E2D2C2B  }
0x18b: {  	[tilespmem:$0x1FD50] =	vst v0;
	v0 =	vunpack.c.0.s8.s32 v2;
	_ =	sdelay $0x1  }
0x18c: {  	[tilespmem:$0x1FD60] =	vst v0;
	v0 =	vimm.s32 $0x2221202F  }
0x18d: {  	v0 =	vunpack.c.0.s8.s32 v0  }
0x18e: {  	v1 =	vimm.s32 $0x26252423  }
0x18f: {  	[tilespmem:$0x1FD70] =	vst v0;
	v0 =	vunpack.c.0.s8.s32 v1  }
0x190: {  	v2 =	vimm.s32 $0x2A292827  }
0x191: {  	[tilespmem:$0x1FD80] =	vst v0;
	v0 =	vunpack.c.0.s8.s32 v2;
	_ =	sdelay $0x1  }
0x192: {  	[tilespmem:$0x1FD90] =	vst v0;
	v0 =	vimm.s32 $0x2F2E2D2C  }
0x193: {  	v0 =	vunpack.c.0.s8.s32 v0  }
0x194: {  	v1 =	vimm.s32 $0x23222120  }
0x195: {  	[tilespmem:$0x1FDA0] =	vst v0;
	v0 =	vunpack.c.0.s8.s32 v1  }
0x196: {  	v2 =	vimm.s32 $0x27262524  }
0x197: {  	[tilespmem:$0x1FDB0] =	vst v0;
	v0 =	vunpack.c.0.s8.s32 v2;
	_ =	sdelay $0x1  }
0x198: {  	[tilespmem:$0x1FDC0] =	vst v0;
	v0 =	vimm.s32 $0x2B2A2928  }
0x199: {  	v0 =	vunpack.c.0.s8.s32 v0  }
0x19a: {  	v1 =	vimm.s32 $0x3C3B3A39  }
0x19b: {  	[tilespmem:$0x1FDD0] =	vst v0;
	v0 =	vunpack.c.0.s8.s32 v1  }
0x19c: {  	v2 =	vimm.s32 $0x303F3E3D  }
0x19d: {  	[tilespmem:$0x1FDE0] =	vst v0;
	v0 =	vunpack.c.0.s8.s32 v2;
	_ =	sdelay $0x1  }
0x19e: {  	[tilespmem:$0x1FDF0] =	vst v0;
	v0 =	vimm.s32 $0x34333231  }
0x19f: {  	v0 =	vunpack.c.0.s8.s32 v0  }
0x1a0: {  	v1 =	vimm.s32 $0x38373635  }
0x1a1: {  	[tilespmem:$0x1FE00] =	vst v0;
	v0 =	vunpack.c.0.s8.s32 v1  }
0x1a2: {  	v2 =	vimm.s32 $0x3D3C3B3A  }
0x1a3: {  	[tilespmem:$0x1FE10] =	vst v0;
	v0 =	vunpack.c.0.s8.s32 v2;
	_ =	sdelay $0x1  }
0x1a4: {  	[tilespmem:$0x1FE20] =	vst v0;
	v0 =	vimm.s32 $0x31303F3E  }
0x1a5: {  	v54 =	vimm.s32 $0x17161514;
	v4 =	vsel vm2, $0x1C82, v4;
	v0 =	vunpack.c.0.s8.s32 v0  }
0x1a6: {  	v60 =	vunpack.c.0.s8.s32 v54;
	v4 =	vsel vm3, $0x1D03, v4;
	v1 =	vimm.s32 $0x35343332  }
0x1a7: {  	v53 =	vld [tilespmem:$0x1F980];
	v4 =	vsel vm4, $0x1D84, v4;
	v51 =	vimm.s32 $0x1F1E1D1C;
	[tilespmem:$0x1FE30] =	vst v0;
	v0 =	vunpack.c.0.s8.s32 v1  }
0x1a8: {  	[tilespmem:$0x1F9B0] =	vst v60;
	v60 =	vld [tilespmem:$0x1FC00];
	v4 =	vsel vm1, $0x1E05, v4;
	v44 =	vunpack.c.0.s8.s32 v51;
	v2 =	vimm.s32 $0x39383736  }
0x1a9: {  	v50 =	vsel vm0, $0x1E86, v4;
	v4 =	vld [tilespmem:$0x1FCD0];
	[tilespmem:$0x1FE40] =	vst v0;
	v0 =	vunpack.c.0.s8.s32 v2  }
0x1aa: {  	s1 =	srdreg.scid;
	v63 =	vimm.s32 $0x1B1A1918;
	[tilespmem:$0x1F990] =	vst v44;
	v3 =	vld [tilespmem:$0x1F9F0]  }
0x1ab: {  	s0 =	stileid.u32;
	s5 =	rddreg [dreg:$0x0];
	v44 =	vunpack.c.0.s8.s32 v63;
	v32 =	vld [tilespmem:$0x1FBE0];
	[tilespmem:$0x1FE50] =	vst v0;
	v0 =	vimm.s32 $0x3E3D3C3B  }
0x1ac: {  	s2 =	simm.s32 $0x0;
	s4 =	sand.u32 $0x1, s1;
	s1 =	rddreg [dreg:$0x1];
	[tilespmem:$0x1F9A0] =	vst v58;
	v35 =	vld [tilespmem:$0x1FC30];
	v0 =	vunpack.c.0.s8.s32 v0  }
0x1ad: {  	s3 =	sshll.u32 s0, $0x1;
	[smem:$0x7FF] =	sst s2;
	[tilespmem:$0x1F9C0] =	vst v44;
	v5 =	vld [tilespmem:$0x1FC80];
	v1 =	vimm.s32 $0x3231303F  }
0x1ae: {  	s7 =	sor.u32 s4, s3;
	s3 =	rddreg [dreg:$0x2];
	v6 =	vld [tilespmem:$0x1FCA0];
	_ =	strace $0x80000047;
	[tilespmem:$0x1FE60] =	vst v0;
	v0 =	vunpack.c.0.s8.s32 v1  }
0x1af: {  	v2 =	vimm.s32 $0x36353433  }
0x1b0: {  	[tilespmem:$0x1FE70] =	vst v0;
	v0 =	vunpack.c.0.s8.s32 v2;
	_ =	sdelay $0x1  }
0x1b1: {  	[tilespmem:$0x1FE80] =	vst v0;
	v0 =	vimm.s32 $0x3A393837  }
0x1b2: {  	v0 =	vunpack.c.0.s8.s32 v0  }
0x1b3: {  	v1 =	vimm.s32 $0x3F3E3D3C  }
0x1b4: {  	[tilespmem:$0x1FE90] =	vst v0;
	v0 =	vunpack.c.0.s8.s32 v1;
	_ =	sdelay $0x1  }
0x1b5: {  	[tilespmem:$0x1FEA0] =	vst v0;
	v0 =	vimm.s32 $0x33323130  }
0x1b6: {  	v0 =	vunpack.c.0.s8.s32 v0  }
0x1b7: {  	v1 =	vimm.s32 $0x37363534  }
0x1b8: {  	v51 =	vlaneseq.u32;
	[tilespmem:$0x1FEB0] =	vst v0;
	v0 =	vunpack.c.0.s8.s32 v1  }
0x1b9: {  	v7 =	vmul.u32 $0xC8, v51;
	v2 =	vimm.s32 $0x3B3A3938  }
0x1ba: {  	[tilespmem:$0x1FEC0] =	vst v0;
	v0 =	vunpack.c.0.s8.s32 v2  }
0x1bb: {  	[tilespmem:$0x1FF60] =	vst v7;
	v1 =	vld [tilespmem:$0x1FEF0]  }
0x1bc: {  	v8 =	vadd.s32 $0xC80, v7;
	[tilespmem:$0x1FED0] =	vst v0;
	v0 =	vld [tilespmem:$0x1FEE0]  }
0x1bd: {  	v9 =	vadd.s32 $0x1900, v7;
	[tilespmem:$0x1FF70] =	vst v8  }
0x1be: {  	v10 =	vadd.s32 $0x2580, v7;
	[tilespmem:$0x1FF80] =	vst v9  }
0x1bf: {  	v11 =	vadd.s32 $0x3200, v7;
	[tilespmem:$0x1FF90] =	vst v10  }
0x1c0: {  	vm0 =	vcmask $0x1F10;
	v12 =	vadd.s32 $0x3E80, v7;
	[tilespmem:$0x1FFA0] =	vst v11;
	v2 =	vld [tilespmem:$0x1FF10]  }
0x1c1: {  	s9 =	simm.s32 $0x5;
	v13 =	vadd.s32 $0x4B00, v7;
	[tilespmem:$0x1FFB0] =	vst v12;
	v0 =	vsel vm0, v1, v0;
	v1 =	vld [tilespmem:$0x1FF00]  }
0x1c2: {  	s10 =	simm.s32 $0x80;
	s11 =	simm.s32 $0x6400;
	s12 =	simm.s32 $0xC800;
	v14 =	vadd.s32 $0x5780, v7;
	[tilespmem:$0x1FFC0] =	vst v13  }
0x1c3: {  	s13 =	simm.s32 $0x6480;
	s14 =	simm.s32 $0xE800;
	s15 =	simm.s32 $0x1;
	[tilespmem:$0x1FFD0] =	vst v14  }
0x1c4: {  	s16 =	simm.s32 $0x10800;
	s17 =	simm.s32 $0x400;
	s18 =	simm.s32 $0x8000;
	[tilespmem:$0x1FFE0] =	vst v56  }
0x1c5: {  	s19 =	simm.s32 $0x2;
	s20 =	simm.s32 $0x12800;
	s21 =	simm.s32 $0x3;
	[tilespmem:$0x1FFF0] =	vst v55  }
0x1c6: {  	s22 =	simm.s32 $0x4;
	s8 =	ssub.s32 $0x2, s4;
	s6 =	smul.u32 $0xC80, s7;
	[tilespmem:$0x1FF30] =	vst v0;
	v1 =	vsel vm0, v2, v1;
	v2 =	vor.u32 $0x10, v51  }
0x1c7: {  	s23 =	simm.s32 $0x0;
	s4 =	sadd.s32 $0x19400, s5;
	s31 =	sshrl.u32 s8, $0x1;
	[tilespmem:$0x1FF20] =	vst v2;
	v0 =	vcombine.low v1, v0  }
0x1c8: {  	s7 =	sshll.u32 s7, $0x7;
	s8 =	ssub.s32 s8, s31;
	s5 =	sadd.s32 s6, s5;
	[tilespmem:$0x1FF40] =	vst v1  }
0x1c9: {  	s6 =	sadd.s32 $0x8000, s1;
	s8 =	smax.u32 s8, $0x1;
	s5 =	sadd.s32 $0x400, s5;
	[tilespmem:$0x1FF50] =	vst v0  }
.LBB2_1:
0x1ca: {  	v0 =	vmov s2  }
0x1cb: {  	v0 =	vand.u32 $0xFF, v0  }
0x1cc: {  	v1 =	vadd.s32 v7, v0  }
0x1cd: {  	[tilespmem:s2], [sflag:$0x5] =	stream.linear.gather [hbm4b:s5+s2], $0x6400, $0x38;
	[tilespmem:$0x14800] =	vst v63  }
0x1ce: {  	_ =	swait.ge [sflag:s9], $0x6400  }
0x1cf: {  	[sflag:s9] =	ssyncset.done $0x0  }
0x1d0: {  	[sflag:s9] =	ssyncadd.s32 $0xFFFF9C00  }
0x1d1: {  	v1 =	vld.idx.msk [tilespmem:v1+s2+$0x0], $0xffff  }
0x1d2: {  	v2 =	vadd.s32 v8, v0;
	_ =	sdelay $0x2  }
0x1d3: {  	s24 =	simm.s32 $0x6440  }
0x1d4: {  	[tilespmem:s24+$0xFFFFFFC0] =	vst v1  }
0x1d5: {  	v1 =	vld.idx.msk [tilespmem:v2+s2+$0x0], $0xffff  }
0x1d6: {  	v2 =	vadd.s32 v9, v0;
	_ =	sdelay $0x3  }
0x1d7: {  	[tilespmem:s24+$0xFFFFFFD0] =	vst v1  }
0x1d8: {  	v1 =	vld.idx.msk [tilespmem:v2+s2+$0x0], $0xffff  }
0x1d9: {  	v2 =	vadd.s32 v10, v0;
	_ =	sdelay $0x3  }
0x1da: {  	[tilespmem:s24+$0xFFFFFFE0] =	vst v1  }
0x1db: {  	v1 =	vld.idx.msk [tilespmem:v2+s2+$0x0], $0xffff  }
0x1dc: {  	v2 =	vadd.s32 v11, v0;
	_ =	sdelay $0x3  }
0x1dd: {  	[tilespmem:s24+$0xFFFFFFF0] =	vst v1  }
0x1de: {  	v1 =	vld.idx.msk [tilespmem:v2+s2+$0x0], $0xffff  }
0x1df: {  	v2 =	vadd.s32 v12, v0;
	_ =	sdelay $0x3  }
0x1e0: {  	[tilespmem:s24+$0x0] =	vst v1  }
0x1e1: {  	v1 =	vld.idx.msk [tilespmem:v2+s2+$0x0], $0xffff  }
0x1e2: {  	v2 =	vadd.s32 v13, v0;
	_ =	sdelay $0x3  }
0x1e3: {  	[tilespmem:s24+$0x10] =	vst v1  }
0x1e4: {  	v1 =	vld.idx.msk [tilespmem:v2+s2+$0x0], $0xffff  }
0x1e5: {  	v0 =	vadd.s32 v14, v0;
	_ =	sdelay $0x3  }
0x1e6: {  	s25 =	simm.s32 $0x1;
	[tilespmem:s24+$0x20] =	vst v1  }
0x1e7: {  	v1 =	vmov s25;
	s25 =	simm.s32 $0x2;
	v0 =	vld.idx.msk [tilespmem:v0+s2+$0x0], $0xffff  }
.LBB2_2:
0x1e8: {  	p0 =	sne.s32 s25, $0xC7;
	v1 =	vand.u32 $0xFF, v1  }
0x1e9: {  	v2 =	vadd.s32 v7, v1;
	_ =	sdelay $0x3  }
0x1ea: {  	[tilespmem:s24+$0x30] =	vst v0  }
0x1eb: {  	v0 =	vld.idx.msk [tilespmem:v2+s2+$0x0], $0xffff;
	_ =	sdelay $0x1  }
0x1ec: {  	v2 =	vadd.s32 v8, v1;
	_ =	sdelay $0x2  }
0x1ed: {  	s24 =	sadd.s32 $0x80, s24  }
0x1ee: {  	[tilespmem:s24+$0xFFFFFFC0] =	vst v0  }
0x1ef: {  	v0 =	vld.idx.msk [tilespmem:v2+s2+$0x0], $0xffff;
	_ =	sdelay $0x1  }
0x1f0: {  	v2 =	vadd.s32 v9, v1;
	_ =	sdelay $0x3  }
0x1f1: {  	[tilespmem:s24+$0xFFFFFFD0] =	vst v0  }
0x1f2: {  	v0 =	vld.idx.msk [tilespmem:v2+s2+$0x0], $0xffff;
	_ =	sdelay $0x1  }
0x1f3: {  	v2 =	vadd.s32 v10, v1;
	_ =	sdelay $0x3  }
0x1f4: {  	[tilespmem:s24+$0xFFFFFFE0] =	vst v0  }
0x1f5: {  	v0 =	vld.idx.msk [tilespmem:v2+s2+$0x0], $0xffff;
	_ =	sdelay $0x1  }
0x1f6: {  	v2 =	vadd.s32 v11, v1;
	_ =	sdelay $0x3  }
0x1f7: {  	[tilespmem:s24+$0xFFFFFFF0] =	vst v0  }
0x1f8: {  	v0 =	vld.idx.msk [tilespmem:v2+s2+$0x0], $0xffff;
	_ =	sdelay $0x1  }
0x1f9: {  	v2 =	vadd.s32 v12, v1;
	_ =	sdelay $0x3  }
0x1fa: {  	[tilespmem:s24+$0x0] =	vst v0  }
0x1fb: {  	v0 =	vld.idx.msk [tilespmem:v2+s2+$0x0], $0xffff;
	_ =	sdelay $0x1  }
0x1fc: {  	v2 =	vadd.s32 v13, v1;
	_ =	sdelay $0x3  }
0x1fd: {  	[tilespmem:s24+$0x10] =	vst v0  }
0x1fe: {  	v0 =	vld.idx.msk [tilespmem:v2+s2+$0x0], $0xffff;
	_ =	sdelay $0x1  }
0x1ff: {  	v2 =	vadd.s32 v14, v1  }
.Ltmp0:
0x200: {  	(pc) =	sbr.rel @p0 .LBB2_2-.Ltmp0, $3  }
0x201: {  	_ =	sdelay $0x1  }
0x202: {  	[tilespmem:s24+$0x20] =	vst v0  }
0x203: {  	v1 =	vmov s25;
	s25 =	sadd.s32 $0x1, s25;
	v0 =	vld.idx.msk [tilespmem:v2+s2+$0x0], $0xffff  }
0x204: {  	v1 =	vand.u32 $0xFF, v1  }
0x205: {  	v2 =	vadd.s32 v7, v1;
	_ =	sdelay $0x3  }
0x206: {  	[tilespmem:s24+$0x30] =	vst v0  }
0x207: {  	v0 =	vld.idx.msk [tilespmem:v2+s2+$0x0], $0xffff  }
0x208: {  	v2 =	vadd.s32 v8, v1;
	_ =	sdelay $0x2  }
0x209: {  	s31 =	sadd.s32 $0x80, s24  }
0x20a: {  	[tilespmem:s31+$0xFFFFFFC0] =	vst v0  }
0x20b: {  	v0 =	vld.idx.msk [tilespmem:v2+s2+$0x0], $0xffff  }
0x20c: {  	v2 =	vadd.s32 v9, v1;
	_ =	sdelay $0x3  }
0x20d: {  	[tilespmem:s31+$0xFFFFFFD0] =	vst v0  }
0x20e: {  	v0 =	vld.idx.msk [tilespmem:v2+s2+$0x0], $0xffff  }
0x20f: {  	v2 =	vadd.s32 v10, v1;
	_ =	sdelay $0x3  }
0x210: {  	[tilespmem:s31+$0xFFFFFFE0] =	vst v0  }
0x211: {  	v0 =	vld.idx.msk [tilespmem:v2+s2+$0x0], $0xffff  }
0x212: {  	v2 =	vadd.s32 v11, v1;
	_ =	sdelay $0x3  }
0x213: {  	[tilespmem:s31+$0xFFFFFFF0] =	vst v0  }
0x214: {  	v0 =	vld.idx.msk [tilespmem:v2+s2+$0x0], $0xffff  }
0x215: {  	v2 =	vadd.s32 v12, v1;
	_ =	sdelay $0x3  }
0x216: {  	[tilespmem:s31+$0x0] =	vst v0  }
0x217: {  	v0 =	vld.idx.msk [tilespmem:v2+s2+$0x0], $0xffff  }
0x218: {  	v2 =	vadd.s32 v13, v1;
	_ =	sdelay $0x3  }
0x219: {  	[tilespmem:s31+$0x10] =	vst v0  }
0x21a: {  	v0 =	vld.idx.msk [tilespmem:v2+s2+$0x0], $0xffff  }
0x21b: {  	v1 =	vadd.s32 v14, v1;
	_ =	sdelay $0x3  }
0x21c: {  	[tilespmem:s31+$0x20] =	vst v0  }
0x21d: {  	v0 =	vld.idx.msk [tilespmem:v1+s2+$0x0], $0xffff;
	_ =	sdelay $0x4  }
0x21e: {  	[tilespmem:s31+$0x30] =	vst v0  }
0x21f: {  	[tilespmem:s12], [sflag:$0x1] =	stream.indirect.gather [hbm4b:s4+s10], $0x40, s11, s10, $0xb8;
	[tilespmem:$0x14800] =	vst v63  }
0x220: {  	s24 =	simm.s32 $0x0  }
0x221: {  	[tilespmem:s14], [sflag:$0x2] =	stream.indirect.gather [hbm4b:s4+s10], $0x40, s13, s10, $0xb8;
	[tilespmem:$0x14800] =	vst v63  }
.LBB2_4:
0x222: {  	_ =	swait.ge [sflag:s15], $0x2000  }
0x223: {  	p0 =	seq.s32 s24, $0x0;
	[sflag:s15] =	ssyncset.done $0x0  }
0x224: {  	s26 =	simm.s32 @!p0 $0x3;
	[sflag:s15] =	ssyncadd.s32 $0xFFFFE000  }
0x225: {  	_ =	swait.ge @!p0 [sflag:s26], $0x2000  }
0x226: {  	[sflag:s26] =	ssyncset.done @!p0 $0x0  }
0x227: {  	s25 =	sshll.u32 s24, $0xA;
	[sflag:s26] =	ssyncadd.s32 @!p0 $0xFFFFE000;
	s26 =	simm.s32 $0x0  }
.LBB2_5:
0x228: {  	v0 =	vor.u32 s26, v51  }
0x229: {  	v41 =	vshll.u32 v0, $0x6  }
0x22a: {  	v1 =	vor.u32 v51, v41;
	_ =	sdelay $0x4  }
0x22b: {  	v1 =	vld.idx.msk [tilespmem:v1+s12+$0x0], $0xffff  }
0x22c: {  	v40 =	vand.u32 $0x78, v0  }
0x22d: {  	v0 =	vor.u32 v61, v40  }
0x22e: {  	v2 =	vor.u32 v62, v41;
	_ =	sdelay $0x1  }
0x22f: {  	v1 =	vmul.f32 $8.000000000e+00, v1;
	_ =	sdelay $0x1  }
0x230: {  	[tilespmem:v0+s16+$0x0] =	vst.idx.msk $0xffff, v1  }
0x231: {  	v0 =	vld.idx.msk [tilespmem:v2+s12+$0x0], $0xffff  }
0x232: {  	v2 =	vld [tilespmem:$0x1F7B0];
	_ =	sdelay $0x2  }
0x233: {  	v1 =	vor.u32 v56, v40;
	_ =	sdelay $0x1  }
0x234: {  	v2 =	vor.u32 v2, v41  }
0x235: {  	v0 =	vmul.f32 $8.000000000e+00, v0;
	_ =	sdelay $0x1  }
0x236: {  	[tilespmem:v1+s16+$0x0] =	vst.idx.msk $0xffff, v0;
	v1 =	vld [tilespmem:$0x1F7C0];
	_ =	sdelay $0x1  }
0x237: {  	v0 =	vld.idx.msk [tilespmem:v2+s12+$0x0], $0xffff  }
0x238: {  	v2 =	vld [tilespmem:$0x1F7D0];
	_ =	sdelay $0x1  }
0x239: {  	v1 =	vor.u32 v1, v40;
	_ =	sdelay $0x2  }
0x23a: {  	v2 =	vor.u32 v2, v41;
	v0 =	vmul.f32 $8.000000000e+00, v0;
	_ =	sdelay $0x1  }
0x23b: {  	[tilespmem:v1+s16+$0x0] =	vst.idx.msk $0xffff, v0;
	v1 =	vld [tilespmem:$0x1F7E0];
	_ =	sdelay $0x2  }
0x23c: {  	v0 =	vld.idx.msk [tilespmem:v2+s12+$0x0], $0xffff;
	_ =	sdelay $0x1  }
0x23d: {  	v1 =	vor.u32 v1, v40  }
0x23e: {  	v2 =	vor.u32 v57, v41;
	_ =	sdelay $0x1  }
0x23f: {  	v0 =	vmul.f32 $8.000000000e+00, v0;
	_ =	sdelay $0x1  }
0x240: {  	[tilespmem:v1+s16+$0x0] =	vst.idx.msk $0xffff, v0  }
0x241: {  	v0 =	vld.idx.msk [tilespmem:v2+s12+$0x0], $0xffff;
	_ =	sdelay $0x1  }
0x242: {  	v1 =	vor.u32 v59, v40  }
0x243: {  	v2 =	vor.u32 v55, v41;
	_ =	sdelay $0x1  }
0x244: {  	v0 =	vmul.f32 $8.000000000e+00, v0;
	_ =	sdelay $0x1  }
0x245: {  	[tilespmem:v1+s16+$0x0] =	vst.idx.msk $0xffff, v0  }
0x246: {  	v0 =	vld.idx.msk [tilespmem:v2+s12+$0x0], $0xffff;
	_ =	sdelay $0x1  }
0x247: {  	v1 =	vor.u32 v32, v40  }
0x248: {  	v2 =	vor.u32 v60, v41;
	_ =	sdelay $0x1  }
0x249: {  	v0 =	vmul.f32 $8.000000000e+00, v0;
	_ =	sdelay $0x1  }
0x24a: {  	[tilespmem:v1+s16+$0x0] =	vst.idx.msk $0xffff, v0  }
0x24b: {  	v0 =	vld.idx.msk [tilespmem:v2+s12+$0x0], $0xffff  }
0x24c: {  	v2 =	vld [tilespmem:$0x1F7F0];
	_ =	sdelay $0x3  }
0x24d: {  	v1 =	vor.u32 v3, v40  }
0x24e: {  	v2 =	vor.u32 v2, v41;
	_ =	sdelay $0x1  }
0x24f: {  	v0 =	vmul.f32 $8.000000000e+00, v0;
	_ =	sdelay $0x1  }
0x250: {  	[tilespmem:v1+s16+$0x0] =	vst.idx.msk $0xffff, v0  }
0x251: {  	v0 =	vld.idx.msk [tilespmem:v2+s12+$0x0], $0xffff;
	_ =	sdelay $0x1  }
0x252: {  	v1 =	vor.u32 v4, v40  }
0x253: {  	v2 =	vor.u32 v35, v41;
	_ =	sdelay $0x1  }
0x254: {  	v0 =	vmul.f32 $8.000000000e+00, v0;
	_ =	sdelay $0x1  }
0x255: {  	[tilespmem:v1+s16+$0x0] =	vst.idx.msk $0xffff, v0  }
0x256: {  	v0 =	vld.idx.msk [tilespmem:v2+s12+$0x0], $0xffff;
	_ =	sdelay $0x1  }
0x257: {  	v1 =	vor.u32 v5, v40  }
0x258: {  	v2 =	vor.u32 v53, v41;
	_ =	sdelay $0x1  }
0x259: {  	v0 =	vmul.f32 $8.000000000e+00, v0;
	_ =	sdelay $0x1  }
0x25a: {  	[tilespmem:v1+s16+$0x0] =	vst.idx.msk $0xffff, v0  }
0x25b: {  	v0 =	vld.idx.msk [tilespmem:v2+s12+$0x0], $0xffff  }
0x25c: {  	v2 =	vld [tilespmem:$0x1F800];
	_ =	sdelay $0x3  }
0x25d: {  	v1 =	vor.u32 v6, v40  }
0x25e: {  	v2 =	vor.u32 v2, v41;
	_ =	sdelay $0x1  }
0x25f: {  	v0 =	vmul.f32 $8.000000000e+00, v0;
	_ =	sdelay $0x1  }
0x260: {  	[tilespmem:v1+s16+$0x0] =	vst.idx.msk $0xffff, v0;
	v1 =	vld [tilespmem:$0x1F810]  }
0x261: {  	v0 =	vld.idx.msk [tilespmem:v2+s12+$0x0], $0xffff  }
0x262: {  	v2 =	vld [tilespmem:$0x1F820];
	_ =	sdelay $0x3  }
0x263: {  	v1 =	vor.u32 v1, v40  }
0x264: {  	v2 =	vor.u32 v2, v41;
	_ =	sdelay $0x1  }
0x265: {  	v0 =	vmul.f32 $8.000000000e+00, v0;
	_ =	sdelay $0x1  }
0x266: {  	[tilespmem:v1+s16+$0x0] =	vst.idx.msk $0xffff, v0;
	v1 =	vld [tilespmem:$0x1F830]  }
0x267: {  	v0 =	vld.idx.msk [tilespmem:v2+s12+$0x0], $0xffff  }
0x268: {  	v2 =	vld [tilespmem:$0x1F840];
	_ =	sdelay $0x3  }
0x269: {  	v1 =	vor.u32 v1, v40  }
0x26a: {  	v2 =	vor.u32 v2, v41;
	_ =	sdelay $0x1  }
0x26b: {  	v0 =	vmul.f32 $8.000000000e+00, v0;
	_ =	sdelay $0x1  }
0x26c: {  	[tilespmem:v1+s16+$0x0] =	vst.idx.msk $0xffff, v0;
	v1 =	vld [tilespmem:$0x1F850]  }
0x26d: {  	v0 =	vld.idx.msk [tilespmem:v2+s12+$0x0], $0xffff  }
0x26e: {  	v2 =	vld [tilespmem:$0x1F860];
	_ =	sdelay $0x3  }
0x26f: {  	v1 =	vor.u32 v1, v40  }
0x270: {  	v2 =	vor.u32 v2, v41;
	_ =	sdelay $0x1  }
0x271: {  	v0 =	vmul.f32 $8.000000000e+00, v0;
	_ =	sdelay $0x1  }
0x272: {  	[tilespmem:v1+s16+$0x0] =	vst.idx.msk $0xffff, v0;
	v1 =	vld [tilespmem:$0x1F870]  }
0x273: {  	v0 =	vld.idx.msk [tilespmem:v2+s12+$0x0], $0xffff  }
0x274: {  	v2 =	vld [tilespmem:$0x1F880];
	_ =	sdelay $0x3  }
0x275: {  	v1 =	vor.u32 v1, v40  }
0x276: {  	v2 =	vor.u32 v2, v41;
	_ =	sdelay $0x1  }
0x277: {  	v0 =	vmul.f32 $8.000000000e+00, v0;
	_ =	sdelay $0x1  }
0x278: {  	[tilespmem:v1+s16+$0x0] =	vst.idx.msk $0xffff, v0;
	v1 =	vld [tilespmem:$0x1F890]  }
0x279: {  	v0 =	vld.idx.msk [tilespmem:v2+s12+$0x0], $0xffff  }
0x27a: {  	v2 =	vld [tilespmem:$0x1F8A0];
	_ =	sdelay $0x3  }
0x27b: {  	v1 =	vor.u32 v1, v40  }
0x27c: {  	v2 =	vor.u32 v2, v41;
	_ =	sdelay $0x1  }
0x27d: {  	v0 =	vmul.f32 $8.000000000e+00, v0;
	_ =	sdelay $0x1  }
0x27e: {  	[tilespmem:v1+s16+$0x0] =	vst.idx.msk $0xffff, v0;
	v1 =	vld [tilespmem:$0x1F8B0]  }
0x27f: {  	v0 =	vld.idx.msk [tilespmem:v2+s12+$0x0], $0xffff  }
0x280: {  	v2 =	vld [tilespmem:$0x1FF20];
	_ =	sdelay $0x2  }
0x281: {  	v1 =	vor.u32 v1, v40;
	_ =	sdelay $0x1  }
0x282: {  	v2 =	vor.u32 v2, v41  }
0x283: {  	v0 =	vmul.f32 $8.000000000e+00, v0;
	_ =	sdelay $0x1  }
0x284: {  	[tilespmem:v1+s16+$0x0] =	vst.idx.msk $0xffff, v0;
	v1 =	vld [tilespmem:$0x1F8C0];
	_ =	sdelay $0x1  }
0x285: {  	v0 =	vld.idx.msk [tilespmem:v2+s12+$0x0], $0xffff  }
0x286: {  	v2 =	vld [tilespmem:$0x1FF50];
	_ =	sdelay $0x1  }
0x287: {  	v1 =	vor.u32 v1, v40  }
0x288: {  	v14 =	vld [tilespmem:$0x1F8F0]  }
0x289: {  	v15 =	vld [tilespmem:$0x1F900]  }
0x28a: {  	v16 =	vld [tilespmem:$0x1F910];
	v2 =	vor.u32 v2, v41;
	v0 =	vmul.f32 $8.000000000e+00, v0  }
0x28b: {  	v5 =	vld [tilespmem:$0x1F8E0]  }
0x28c: {  	[tilespmem:v1+s16+$0x0] =	vst.idx.msk $0xffff, v0;
	v1 =	vld [tilespmem:$0x1F8D0];
	_ =	sdelay $0x2  }
0x28d: {  	v0 =	vld.idx.msk [tilespmem:v2+s12+$0x0], $0xffff;
	_ =	sdelay $0x1  }
0x28e: {  	v7 =	vsel vm0, v16, v15;
	v6 =	vsel vm0, v14, v5;
	v1 =	vor.u32 v1, v40  }
0x28f: {  	v17 =	vld [tilespmem:$0x1F930];
	v2 =	vcombine.low v7, v6  }
0x290: {  	v18 =	vld [tilespmem:$0x1F940]  }
0x291: {  	v19 =	vld [tilespmem:$0x1F950];
	[tilespmem:$0x1F6E0] =	vst v2;
	v2 =	vor.u32 v2, v41;
	v0 =	vmul.f32 $8.000000000e+00, v0  }
0x292: {  	v20 =	vld [tilespmem:$0x1F960]  }
0x293: {  	[tilespmem:v1+s16+$0x0] =	vst.idx.msk $0xffff, v0;
	v1 =	vld [tilespmem:$0x1F920];
	_ =	sdelay $0x2  }
0x294: {  	v0 =	vld.idx.msk [tilespmem:v2+s12+$0x0], $0xffff;
	_ =	sdelay $0x1  }
0x295: {  	v8 =	vsel vm0, v18, v17;
	v9 =	vsel vm0, v20, v19;
	v1 =	vor.u32 v1, v40  }
0x296: {  	v2 =	vcombine.low v9, v8;
	_ =	sdelay $0x1  }
0x297: {  	[tilespmem:$0x1F6F0] =	vst v2;
	v2 =	vor.u32 v2, v41;
	v0 =	vmul.f32 $8.000000000e+00, v0;
	_ =	sdelay $0x1  }
0x298: {  	[tilespmem:v1+s16+$0x0] =	vst.idx.msk $0xffff, v0;
	v0 =	vld [tilespmem:$0x1F970];
	_ =	sdelay $0x2  }
0x299: {  	v1 =	vld.idx.msk [tilespmem:v2+s12+$0x0], $0xffff;
	_ =	sdelay $0x1  }
0x29a: {  	v2 =	vor.u32 v0, v40  }
0x29b: {  	v21 =	vld [tilespmem:$0x1F990]  }
0x29c: {  	v22 =	vld [tilespmem:$0x1F9A0]  }
0x29d: {  	v23 =	vld [tilespmem:$0x1F9B0];
	v1 =	vmul.f32 $8.000000000e+00, v1  }
0x29e: {  	v0 =	vld [tilespmem:$0x1FEF0]  }
0x29f: {  	[tilespmem:v2+s16+$0x0] =	vst.idx.msk $0xffff, v1;
	v1 =	vld [tilespmem:$0x1FF00]  }
0x2a0: {  	v24 =	vld [tilespmem:$0x1F9C0];
	_ =	sdelay $0x3  }
0x2a1: {  	v12 =	vsel vm0, v1, v0;
	v0 =	vld [tilespmem:$0x1FEE0]  }
0x2a2: {  	v10 =	vsel vm0, v22, v21;
	v11 =	vsel vm0, v24, v23;
	v1 =	vld [tilespmem:$0x1FF10]  }
0x2a3: {  	v3 =	vcombine.low v11, v10;
	_ =	sdelay $0x1  }
0x2a4: {  	[tilespmem:$0x1F700] =	vst v3;
	v3 =	vor.u32 v3, v41;
	_ =	sdelay $0x1  }
0x2a5: {  	v13 =	vsel vm0, v0, v1;
	v0 =	vld [tilespmem:$0x1F9D0];
	_ =	sdelay $0x2  }
0x2a6: {  	v2 =	vld.idx.msk [tilespmem:v3+s12+$0x0], $0xffff  }
0x2a7: {  	v1 =	vcombine.low v13, v12  }
0x2a8: {  	v3 =	vor.u32 v0, v40  }
0x2a9: {  	v4 =	vor.u32 v1, v41;
	_ =	sdelay $0x1  }
0x2aa: {  	v2 =	vmul.f32 $8.000000000e+00, v2;
	v0 =	vld [tilespmem:$0x1F9E0];
	_ =	sdelay $0x1  }
0x2ab: {  	[tilespmem:v3+s16+$0x0] =	vst.idx.msk $0xffff, v2  }
0x2ac: {  	v14 =	vsel vm0, v15, v14;
	v15 =	vsel vm0, v5, v16;
	v3 =	vld.idx.msk [tilespmem:v4+s12+$0x0], $0xffff  }
0x2ad: {  	[tilespmem:$0x1F710] =	vst v1;
	v1 =	vcombine.low v15, v14  }
0x2ae: {  	v4 =	vor.u32 v0, v40  }
0x2af: {  	v5 =	vor.u32 v1, v41;
	_ =	sdelay $0x1  }
0x2b0: {  	v0 =	vld [tilespmem:$0x1FA00];
	v3 =	vmul.f32 $8.000000000e+00, v3;
	_ =	sdelay $0x1  }
0x2b1: {  	[tilespmem:v4+s16+$0x0] =	vst.idx.msk $0xffff, v3  }
0x2b2: {  	v17 =	vsel vm0, v17, v20;
	v16 =	vsel vm0, v19, v18;
	v4 =	vld.idx.msk [tilespmem:v5+s12+$0x0], $0xffff  }
0x2b3: {  	[tilespmem:$0x1F720] =	vst v1;
	v1 =	vcombine.low v17, v16  }
0x2b4: {  	v5 =	vor.u32 v0, v40  }
0x2b5: {  	v18 =	vor.u32 v1, v41;
	_ =	sdelay $0x1  }
0x2b6: {  	v0 =	vld [tilespmem:$0x1FA10];
	v4 =	vmul.f32 $8.000000000e+00, v4;
	_ =	sdelay $0x1  }
0x2b7: {  	[tilespmem:v5+s16+$0x0] =	vst.idx.msk $0xffff, v4  }
0x2b8: {  	v4 =	vsel vm0, v23, v22;
	v5 =	vld.idx.msk [tilespmem:v18+s12+$0x0], $0xffff;
	v18 =	vsel vm0, v21, v24  }
0x2b9: {  	[tilespmem:$0x1F730] =	vst v1;
	v1 =	vcombine.low v18, v4  }
0x2ba: {  	v18 =	vor.u32 v0, v40;
	v0 =	vld [tilespmem:$0x1FF30]  }
0x2bb: {  	[tilespmem:$0x1F740] =	vst v1;
	v19 =	vor.u32 v1, v41;
	v1 =	vld [tilespmem:$0x1FF40];
	_ =	sdelay $0x4  }
0x2bc: {  	v5 =	vmul.f32 $8.000000000e+00, v5;
	v1 =	vcombine.low v0, v1;
	v0 =	vld [tilespmem:$0x1FA20];
	_ =	sdelay $0x1  }
0x2bd: {  	[tilespmem:v18+s16+$0x0] =	vst.idx.msk $0xffff, v5  }
0x2be: {  	v18 =	vld.idx.msk [tilespmem:v19+s12+$0x0], $0xffff;
	_ =	sdelay $0x1  }
0x2bf: {  	v19 =	vor.u32 v0, v40  }
0x2c0: {  	v20 =	vor.u32 v1, v41;
	_ =	sdelay $0x1  }
0x2c1: {  	v18 =	vmul.f32 $8.000000000e+00, v18;
	v0 =	vld [tilespmem:$0x1FA30];
	_ =	sdelay $0x1  }
0x2c2: {  	[tilespmem:v19+s16+$0x0] =	vst.idx.msk $0xffff, v18  }
0x2c3: {  	v18 =	vld.idx.msk [tilespmem:v20+s12+$0x0], $0xffff  }
0x2c4: {  	[tilespmem:$0x1F750] =	vst v1;
	v1 =	vcombine.low v6, v7  }
0x2c5: {  	v7 =	vor.u32 v0, v40  }
0x2c6: {  	v19 =	vor.u32 v1, v41;
	_ =	sdelay $0x1  }
0x2c7: {  	v0 =	vld [tilespmem:$0x1FA40];
	v18 =	vmul.f32 $8.000000000e+00, v18;
	_ =	sdelay $0x1  }
0x2c8: {  	[tilespmem:v7+s16+$0x0] =	vst.idx.msk $0xffff, v18  }
0x2c9: {  	v18 =	vld.idx.msk [tilespmem:v19+s12+$0x0], $0xffff  }
0x2ca: {  	[tilespmem:$0x1F760] =	vst v1;
	v1 =	vcombine.low v8, v9  }
0x2cb: {  	v8 =	vor.u32 v0, v40  }
0x2cc: {  	v9 =	vor.u32 v1, v41;
	_ =	sdelay $0x1  }
0x2cd: {  	v0 =	vld [tilespmem:$0x1FA50];
	v18 =	vmul.f32 $8.000000000e+00, v18;
	_ =	sdelay $0x1  }
0x2ce: {  	[tilespmem:v8+s16+$0x0] =	vst.idx.msk $0xffff, v18  }
0x2cf: {  	v9 =	vld.idx.msk [tilespmem:v9+s12+$0x0], $0xffff  }
0x2d0: {  	[tilespmem:$0x1F770] =	vst v1;
	v1 =	vcombine.low v10, v11  }
0x2d1: {  	v10 =	vor.u32 v0, v40  }
0x2d2: {  	v11 =	vor.u32 v1, v41;
	_ =	sdelay $0x1  }
0x2d3: {  	v0 =	vld [tilespmem:$0x1FA60];
	v9 =	vmul.f32 $8.000000000e+00, v9;
	_ =	sdelay $0x1  }
0x2d4: {  	[tilespmem:v10+s16+$0x0] =	vst.idx.msk $0xffff, v9  }
0x2d5: {  	v10 =	vld.idx.msk [tilespmem:v11+s12+$0x0], $0xffff  }
0x2d6: {  	[tilespmem:$0x1F780] =	vst v1;
	v1 =	vcombine.low v12, v13  }
0x2d7: {  	v11 =	vor.u32 v0, v40  }
0x2d8: {  	v12 =	vor.u32 v1, v41;
	_ =	sdelay $0x1  }
0x2d9: {  	v0 =	vld [tilespmem:$0x1FA70];
	v10 =	vmul.f32 $8.000000000e+00, v10;
	_ =	sdelay $0x1  }
0x2da: {  	[tilespmem:v11+s16+$0x0] =	vst.idx.msk $0xffff, v10  }
0x2db: {  	v11 =	vld.idx.msk [tilespmem:v12+s12+$0x0], $0xffff  }
0x2dc: {  	[tilespmem:$0x1F790] =	vst v1;
	v1 =	vcombine.low v14, v15  }
0x2dd: {  	v12 =	vor.u32 v0, v40  }
0x2de: {  	v13 =	vor.u32 v1, v41;
	_ =	sdelay $0x1  }
0x2df: {  	v0 =	vld [tilespmem:$0x1FA80];
	v11 =	vmul.f32 $8.000000000e+00, v11;
	_ =	sdelay $0x1  }
0x2e0: {  	[tilespmem:v12+s16+$0x0] =	vst.idx.msk $0xffff, v11  }
0x2e1: {  	v12 =	vld.idx.msk [tilespmem:v13+s12+$0x0], $0xffff  }
0x2e2: {  	[tilespmem:$0x1F7A0] =	vst v1;
	v1 =	vcombine.low v16, v17  }
0x2e3: {  	v13 =	vor.u32 v0, v40  }
0x2e4: {  	v14 =	vor.u32 v1, v41;
	_ =	sdelay $0x1  }
0x2e5: {  	v0 =	vld [tilespmem:$0x1FA90];
	v12 =	vmul.f32 $8.000000000e+00, v12;
	_ =	sdelay $0x1  }
0x2e6: {  	v2 =	vld [tilespmem:$0x1FCF0];
	[tilespmem:v13+s16+$0x0] =	vst.idx.msk $0xffff, v12  }
0x2e7: {  	v13 =	vld.idx.msk [tilespmem:v14+s12+$0x0], $0xffff  }
0x2e8: {  	v3 =	vld [tilespmem:$0x1FD00]  }
0x2e9: {  	v58 =	vor.u32 $0x20, v51;
	v4 =	vld [tilespmem:$0x1FD10];
	v14 =	vor.u32 v0, v40  }
0x2ea: {  	v15 =	vor.u32 v58, v41;
	v63 =	vmov v1;
	v1 =	vld [tilespmem:$0x1FCE0];
	_ =	sdelay $0x1  }
0x2eb: {  	v0 =	vld [tilespmem:$0x1FAA0];
	v13 =	vmul.f32 $8.000000000e+00, v13;
	_ =	sdelay $0x1  }
0x2ec: {  	v5 =	vld [tilespmem:$0x1FD20];
	[tilespmem:v14+s16+$0x0] =	vst.idx.msk $0xffff, v13  }
0x2ed: {  	v22 =	vsel vm0, v4, v3;
	v21 =	vsel vm0, v2, v1;
	v14 =	vld.idx.msk [tilespmem:v15+s12+$0x0], $0xffff  }
0x2ee: {  	v6 =	vld [tilespmem:$0x1FD30];
	v34 =	vcombine.low v22, v21  }
0x2ef: {  	v7 =	vld [tilespmem:$0x1FD40];
	v15 =	vor.u32 v0, v40  }
0x2f0: {  	v8 =	vld [tilespmem:$0x1FD50];
	v16 =	vor.u32 v34, v41;
	_ =	sdelay $0x1  }
0x2f1: {  	v0 =	vld [tilespmem:$0x1FAB0];
	v14 =	vmul.f32 $8.000000000e+00, v14;
	_ =	sdelay $0x1  }
0x2f2: {  	v38 =	vld [tilespmem:$0x1FD60];
	[tilespmem:v15+s16+$0x0] =	vst.idx.msk $0xffff, v14  }
0x2f3: {  	v23 =	vsel vm0, v6, v5;
	v24 =	vsel vm0, v8, v7;
	v15 =	vld.idx.msk [tilespmem:v16+s12+$0x0], $0xffff  }
0x2f4: {  	v39 =	vld [tilespmem:$0x1FD70];
	v33 =	vcombine.low v24, v23  }
0x2f5: {  	v42 =	vld [tilespmem:$0x1FD80];
	v16 =	vor.u32 v0, v40  }
0x2f6: {  	v43 =	vld [tilespmem:$0x1FD90];
	v17 =	vor.u32 v33, v41;
	_ =	sdelay $0x1  }
0x2f7: {  	v0 =	vld [tilespmem:$0x1FAC0];
	v15 =	vmul.f32 $8.000000000e+00, v15;
	_ =	sdelay $0x1  }
0x2f8: {  	v44 =	vld [tilespmem:$0x1FDA0];
	[tilespmem:v16+s16+$0x0] =	vst.idx.msk $0xffff, v15  }
0x2f9: {  	v25 =	vsel vm0, v39, v38;
	v26 =	vsel vm0, v43, v42;
	v16 =	vld.idx.msk [tilespmem:v17+s12+$0x0], $0xffff  }
0x2fa: {  	v45 =	vld [tilespmem:$0x1FDB0];
	v15 =	vcombine.low v26, v25  }
0x2fb: {  	v46 =	vld [tilespmem:$0x1FDC0];
	v17 =	vor.u32 v0, v40  }
0x2fc: {  	v47 =	vld [tilespmem:$0x1FDD0];
	v18 =	vor.u32 v15, v41;
	_ =	sdelay $0x1  }
0x2fd: {  	v0 =	vld [tilespmem:$0x1FAD0];
	v16 =	vmul.f32 $8.000000000e+00, v16;
	_ =	sdelay $0x1  }
0x2fe: {  	[tilespmem:v17+s16+$0x0] =	vst.idx.msk $0xffff, v16  }
0x2ff: {  	v27 =	vsel vm0, v45, v44;
	v28 =	vsel vm0, v47, v46;
	v17 =	vld.idx.msk [tilespmem:v18+s12+$0x0], $0xffff  }
0x300: {  	v16 =	vcombine.low v28, v27  }
0x301: {  	v18 =	vor.u32 v0, v40  }
0x302: {  	v19 =	vor.u32 v16, v41;
	_ =	sdelay $0x1  }
0x303: {  	v0 =	vld [tilespmem:$0x1FAE0];
	v17 =	vmul.f32 $8.000000000e+00, v17;
	_ =	sdelay $0x1  }
0x304: {  	[tilespmem:v18+s16+$0x0] =	vst.idx.msk $0xffff, v17  }
0x305: {  	v29 =	vsel vm0, v3, v2;
	v30 =	vsel vm0, v1, v4;
	v18 =	vld.idx.msk [tilespmem:v19+s12+$0x0], $0xffff  }
0x306: {  	v17 =	vcombine.low v30, v29  }
0x307: {  	v19 =	vor.u32 v0, v40  }
0x308: {  	v20 =	vor.u32 v17, v41;
	_ =	sdelay $0x1  }
0x309: {  	v0 =	vld [tilespmem:$0x1FAF0];
	v18 =	vmul.f32 $8.000000000e+00, v18;
	_ =	sdelay $0x1  }
0x30a: {  	[tilespmem:v19+s16+$0x0] =	vst.idx.msk $0xffff, v18  }
0x30b: {  	v31 =	vsel vm0, v7, v6;
	v36 =	vsel vm0, v5, v8;
	v19 =	vld.idx.msk [tilespmem:v20+s12+$0x0], $0xffff  }
0x30c: {  	v18 =	vcombine.low v36, v31  }
0x30d: {  	v20 =	vor.u32 v0, v40  }
0x30e: {  	v37 =	vor.u32 v18, v41;
	_ =	sdelay $0x1  }
0x30f: {  	v0 =	vld [tilespmem:$0x1FB00];
	v19 =	vmul.f32 $8.000000000e+00, v19;
	_ =	sdelay $0x1  }
0x310: {  	[tilespmem:v20+s16+$0x0] =	vst.idx.msk $0xffff, v19  }
0x311: {  	v49 =	vsel vm0, v42, v39;
	v38 =	vsel vm0, v38, v43;
	v20 =	vld.idx.msk [tilespmem:v37+s12+$0x0], $0xffff  }
0x312: {  	v19 =	vcombine.low v38, v49  }
0x313: {  	v54 =	vor.u32 v0, v40  }
0x314: {  	v55 =	vor.u32 v19, v41;
	_ =	sdelay $0x1  }
0x315: {  	v0 =	vld [tilespmem:$0x1FB10];
	v20 =	vmul.f32 $8.000000000e+00, v20;
	_ =	sdelay $0x1  }
0x316: {  	[tilespmem:v54+s16+$0x0] =	vst.idx.msk $0xffff, v20  }
0x317: {  	v56 =	vsel vm0, v44, v47;
	v20 =	vsel vm0, v46, v45;
	v39 =	vld.idx.msk [tilespmem:v55+s12+$0x0], $0xffff  }
0x318: {  	v20 =	vcombine.low v56, v20  }
0x319: {  	v60 =	vor.u32 v0, v40  }
0x31a: {  	v32 =	vor.u32 v20, v41;
	_ =	sdelay $0x1  }
0x31b: {  	v0 =	vld [tilespmem:$0x1FB20];
	v39 =	vmul.f32 $8.000000000e+00, v39;
	_ =	sdelay $0x1  }
0x31c: {  	[tilespmem:v60+s16+$0x0] =	vst.idx.msk $0xffff, v39  }
0x31d: {  	v39 =	vld.idx.msk [tilespmem:v32+s12+$0x0], $0xffff  }
0x31e: {  	v21 =	vcombine.low v21, v22  }
0x31f: {  	v22 =	vor.u32 v0, v40  }
0x320: {  	v45 =	vor.u32 v21, v41;
	_ =	sdelay $0x1  }
0x321: {  	v0 =	vld [tilespmem:$0x1FB30];
	v39 =	vmul.f32 $8.000000000e+00, v39;
	_ =	sdelay $0x1  }
0x322: {  	[tilespmem:v22+s16+$0x0] =	vst.idx.msk $0xffff, v39  }
0x323: {  	v39 =	vld.idx.msk [tilespmem:v45+s12+$0x0], $0xffff  }
0x324: {  	v22 =	vcombine.low v23, v24  }
0x325: {  	v23 =	vor.u32 v0, v40  }
0x326: {  	v24 =	vor.u32 v22, v41;
	_ =	sdelay $0x1  }
0x327: {  	v0 =	vld [tilespmem:$0x1FB40];
	v39 =	vmul.f32 $8.000000000e+00, v39;
	_ =	sdelay $0x1  }
0x328: {  	[tilespmem:v23+s16+$0x0] =	vst.idx.msk $0xffff, v39  }
0x329: {  	v24 =	vld.idx.msk [tilespmem:v24+s12+$0x0], $0xffff  }
0x32a: {  	v23 =	vcombine.low v25, v26  }
0x32b: {  	v25 =	vor.u32 v0, v40  }
0x32c: {  	v26 =	vor.u32 v23, v41;
	_ =	sdelay $0x1  }
0x32d: {  	v0 =	vld [tilespmem:$0x1FB50];
	v24 =	vmul.f32 $8.000000000e+00, v24;
	_ =	sdelay $0x1  }
0x32e: {  	[tilespmem:v25+s16+$0x0] =	vst.idx.msk $0xffff, v24  }
0x32f: {  	v25 =	vld.idx.msk [tilespmem:v26+s12+$0x0], $0xffff  }
0x330: {  	v24 =	vcombine.low v27, v28  }
0x331: {  	v26 =	vor.u32 v0, v40  }
0x332: {  	v27 =	vor.u32 v24, v41;
	_ =	sdelay $0x1  }
0x333: {  	v0 =	vld [tilespmem:$0x1FB60];
	v25 =	vmul.f32 $8.000000000e+00, v25;
	_ =	sdelay $0x1  }
0x334: {  	[tilespmem:v26+s16+$0x0] =	vst.idx.msk $0xffff, v25  }
0x335: {  	v26 =	vld.idx.msk [tilespmem:v27+s12+$0x0], $0xffff  }
0x336: {  	v25 =	vcombine.low v29, v30  }
0x337: {  	v27 =	vor.u32 v0, v40  }
0x338: {  	v28 =	vor.u32 v25, v41;
	_ =	sdelay $0x1  }
0x339: {  	v0 =	vld [tilespmem:$0x1FB70];
	v26 =	vmul.f32 $8.000000000e+00, v26;
	_ =	sdelay $0x1  }
0x33a: {  	[tilespmem:v27+s16+$0x0] =	vst.idx.msk $0xffff, v26  }
0x33b: {  	v27 =	vld.idx.msk [tilespmem:v28+s12+$0x0], $0xffff  }
0x33c: {  	v26 =	vcombine.low v31, v36  }
0x33d: {  	v28 =	vor.u32 v0, v40  }
0x33e: {  	v29 =	vor.u32 v26, v41;
	_ =	sdelay $0x1  }
0x33f: {  	v0 =	vld [tilespmem:$0x1FB80];
	v27 =	vmul.f32 $8.000000000e+00, v27;
	_ =	sdelay $0x1  }
0x340: {  	[tilespmem:v28+s16+$0x0] =	vst.idx.msk $0xffff, v27  }
0x341: {  	v28 =	vld.idx.msk [tilespmem:v29+s12+$0x0], $0xffff  }
0x342: {  	v27 =	vcombine.low v49, v38  }
0x343: {  	v29 =	vor.u32 v0, v40  }
0x344: {  	v30 =	vor.u32 v27, v41;
	_ =	sdelay $0x1  }
0x345: {  	v0 =	vld [tilespmem:$0x1FB90];
	v28 =	vmul.f32 $8.000000000e+00, v28;
	_ =	sdelay $0x1  }
0x346: {  	v3 =	vld [tilespmem:$0x1FE00];
	[tilespmem:v29+s16+$0x0] =	vst.idx.msk $0xffff, v28  }
0x347: {  	v29 =	vld.idx.msk [tilespmem:v30+s12+$0x0], $0xffff  }
0x348: {  	v1 =	vld [tilespmem:$0x1FDE0]  }
0x349: {  	v2 =	vld [tilespmem:$0x1FDF0];
	v28 =	vor.u32 $0x30, v51;
	v30 =	vor.u32 v0, v40  }
0x34a: {  	v4 =	vld [tilespmem:$0x1FE10];
	v31 =	vor.u32 v28, v41;
	_ =	sdelay $0x1  }
0x34b: {  	v0 =	vld [tilespmem:$0x1FBA0];
	v29 =	vmul.f32 $8.000000000e+00, v29;
	_ =	sdelay $0x1  }
0x34c: {  	v5 =	vld [tilespmem:$0x1FE30];
	[tilespmem:v30+s16+$0x0] =	vst.idx.msk $0xffff, v29  }
0x34d: {  	v43 =	vsel vm0, v2, v1;
	v44 =	vsel vm0, v4, v3;
	v30 =	vld.idx.msk [tilespmem:v31+s12+$0x0], $0xffff  }
0x34e: {  	v54 =	vld [tilespmem:$0x1FE40];
	v29 =	vcombine.low v44, v43  }
0x34f: {  	v55 =	vld [tilespmem:$0x1FE50];
	v31 =	vor.u32 v0, v40  }
0x350: {  	v60 =	vld [tilespmem:$0x1FE20];
	v46 =	vor.u32 v29, v41;
	_ =	sdelay $0x1  }
0x351: {  	v0 =	vld [tilespmem:$0x1FBB0];
	v30 =	vmul.f32 $8.000000000e+00, v30;
	_ =	sdelay $0x1  }
0x352: {  	v9 =	vld [tilespmem:$0x1FE80];
	[tilespmem:v31+s16+$0x0] =	vst.idx.msk $0xffff, v30  }
0x353: {  	v45 =	vsel vm0, v5, v60;
	v31 =	vld.idx.msk [tilespmem:v46+s12+$0x0], $0xffff;
	v46 =	vsel vm0, v55, v54  }
0x354: {  	v10 =	vld [tilespmem:$0x1FE90];
	v30 =	vcombine.low v46, v45  }
0x355: {  	v56 =	vld [tilespmem:$0x1FE60];
	v47 =	vor.u32 v0, v40  }
0x356: {  	v32 =	vld [tilespmem:$0x1FE70];
	v48 =	vor.u32 v30, v41;
	_ =	sdelay $0x1  }
0x357: {  	v0 =	vld [tilespmem:$0x1FBC0];
	v31 =	vmul.f32 $8.000000000e+00, v31;
	_ =	sdelay $0x1  }
0x358: {  	v11 =	vld [tilespmem:$0x1FEA0];
	[tilespmem:v47+s16+$0x0] =	vst.idx.msk $0xffff, v31  }
0x359: {  	v47 =	vsel vm0, v32, v56;
	v36 =	vld.idx.msk [tilespmem:v48+s12+$0x0], $0xffff;
	v48 =	vsel vm0, v10, v9  }
0x35a: {  	v12 =	vld [tilespmem:$0x1FEB0];
	v31 =	vcombine.low v48, v47  }
0x35b: {  	v13 =	vld [tilespmem:$0x1FEC0];
	v49 =	vor.u32 v0, v40  }
0x35c: {  	v14 =	vld [tilespmem:$0x1FED0];
	v51 =	vor.u32 v31, v41;
	_ =	sdelay $0x1  }
0x35d: {  	v0 =	vld [tilespmem:$0x1FBD0];
	v36 =	vmul.f32 $8.000000000e+00, v36;
	_ =	sdelay $0x1  }
0x35e: {  	[tilespmem:v49+s16+$0x0] =	vst.idx.msk $0xffff, v36  }
0x35f: {  	v8 =	vmov v50;
	v50 =	vsel vm0, v14, v13;
	v49 =	vsel vm0, v12, v11;
	v37 =	vld.idx.msk [tilespmem:v51+s12+$0x0], $0xffff  }
0x360: {  	v36 =	vcombine.low v50, v49  }
0x361: {  	v42 =	vor.u32 v0, v40  }
0x362: {  	v51 =	vor.u32 v36, v41;
	_ =	sdelay $0x1  }
0x363: {  	v0 =	vld [tilespmem:$0x1FBF0];
	v37 =	vmul.f32 $8.000000000e+00, v37;
	_ =	sdelay $0x1  }
0x364: {  	[tilespmem:v42+s16+$0x0] =	vst.idx.msk $0xffff, v37  }
0x365: {  	v7 =	vmov v52;
	v52 =	vsel vm0, v1, v4;
	v38 =	vld.idx.msk [tilespmem:v51+s12+$0x0], $0xffff;
	v51 =	vsel vm0, v3, v2  }
0x366: {  	v37 =	vcombine.low v52, v51  }
0x367: {  	v39 =	vor.u32 v0, v40  }
0x368: {  	v42 =	vor.u32 v37, v41;
	_ =	sdelay $0x1  }
0x369: {  	v0 =	vld [tilespmem:$0x1FC10];
	v38 =	vmul.f32 $8.000000000e+00, v38;
	_ =	sdelay $0x1  }
0x36a: {  	[tilespmem:v39+s16+$0x0] =	vst.idx.msk $0xffff, v38  }
0x36b: {  	v6 =	vmov v53;
	v53 =	vsel vm0, v54, v5;
	v54 =	vsel vm0, v60, v55;
	v39 =	vld.idx.msk [tilespmem:v42+s12+$0x0], $0xffff  }
0x36c: {  	v38 =	vcombine.low v54, v53  }
0x36d: {  	v5 =	vmov v35;
	v35 =	vmov v57;
	v57 =	vor.u32 v0, v40  }
0x36e: {  	v60 =	vor.u32 v38, v41;
	_ =	sdelay $0x1  }
0x36f: {  	v3 =	vld [tilespmem:$0x1FC20];
	v39 =	vmul.f32 $8.000000000e+00, v39;
	_ =	sdelay $0x1  }
0x370: {  	[tilespmem:v57+s16+$0x0] =	vst.idx.msk $0xffff, v39  }
0x371: {  	v55 =	vsel vm0, v9, v32;
	v56 =	vsel vm0, v56, v10;
	v42 =	vld.idx.msk [tilespmem:v60+s12+$0x0], $0xffff  }
0x372: {  	v39 =	vcombine.low v56, v55  }
0x373: {  	v32 =	vor.u32 v3, v40  }
0x374: {  	v60 =	vor.u32 v39, v41;
	_ =	sdelay $0x1  }
0x375: {  	v4 =	vld [tilespmem:$0x1FC40];
	v42 =	vmul.f32 $8.000000000e+00, v42;
	_ =	sdelay $0x1  }
0x376: {  	[tilespmem:v32+s16+$0x0] =	vst.idx.msk $0xffff, v42  }
0x377: {  	v57 =	vld.idx.msk [tilespmem:v60+s12+$0x0], $0xffff;
	_ =	sdelay $0x1  }
0x378: {  	v0 =	vmovc v59;
	v59 =	vor.u32 v4, v40;
	v32 =	vsel vm0, v13, v12;
	v60 =	vsel vm0, v11, v14  }
0x379: {  	v42 =	vcombine.low v60, v32;
	_ =	sdelay $0x1  }
0x37a: {  	v32 =	vor.u32 v42, v41;
	v57 =	vmul.f32 $8.000000000e+00, v57;
	_ =	sdelay $0x1  }
0x37b: {  	[tilespmem:v59+s16+$0x0] =	vst.idx.msk $0xffff, v57;
	v59 =	vld [tilespmem:$0x1FC50];
	_ =	sdelay $0x2  }
0x37c: {  	v57 =	vld.idx.msk [tilespmem:v32+s12+$0x0], $0xffff  }
0x37d: {  	v43 =	vcombine.low v43, v44  }
0x37e: {  	v44 =	vor.u32 v59, v40  }
0x37f: {  	v60 =	vor.u32 v43, v41;
	_ =	sdelay $0x1  }
0x380: {  	v32 =	vld [tilespmem:$0x1FC60];
	v57 =	vmul.f32 $8.000000000e+00, v57;
	_ =	sdelay $0x1  }
0x381: {  	[tilespmem:v44+s16+$0x0] =	vst.idx.msk $0xffff, v57  }
0x382: {  	v57 =	vld.idx.msk [tilespmem:v60+s12+$0x0], $0xffff  }
0x383: {  	v44 =	vcombine.low v45, v46  }
0x384: {  	v45 =	vor.u32 v32, v40  }
0x385: {  	v46 =	vor.u32 v44, v41;
	_ =	sdelay $0x1  }
0x386: {  	v2 =	vld [tilespmem:$0x1FC70];
	v57 =	vmul.f32 $8.000000000e+00, v57;
	_ =	sdelay $0x1  }
0x387: {  	[tilespmem:v45+s16+$0x0] =	vst.idx.msk $0xffff, v57  }
0x388: {  	v46 =	vld.idx.msk [tilespmem:v46+s12+$0x0], $0xffff  }
0x389: {  	v45 =	vcombine.low v47, v48  }
0x38a: {  	v57 =	vor.u32 v2, v40  }
0x38b: {  	v48 =	vor.u32 v45, v41;
	_ =	sdelay $0x1  }
0x38c: {  	v2 =	vld [tilespmem:$0x1FC90];
	v46 =	vmul.f32 $8.000000000e+00, v46;
	_ =	sdelay $0x1  }
0x38d: {  	[tilespmem:v57+s16+$0x0] =	vst.idx.msk $0xffff, v46  }
0x38e: {  	v47 =	vld.idx.msk [tilespmem:v48+s12+$0x0], $0xffff  }
0x38f: {  	v46 =	vcombine.low v49, v50  }
0x390: {  	v59 =	vor.u32 v2, v40  }
0x391: {  	v49 =	vor.u32 v46, v41;
	_ =	sdelay $0x1  }
0x392: {  	v2 =	vld [tilespmem:$0x1FCB0];
	v47 =	vmul.f32 $8.000000000e+00, v47;
	_ =	sdelay $0x1  }
0x393: {  	[tilespmem:v59+s16+$0x0] =	vst.idx.msk $0xffff, v47  }
0x394: {  	v48 =	vld.idx.msk [tilespmem:v49+s12+$0x0], $0xffff  }
0x395: {  	v47 =	vcombine.low v51, v52  }
0x396: {  	v57 =	vor.u32 v2, v40  }
0x397: {  	v59 =	vor.u32 v47, v41;
	_ =	sdelay $0x1  }
0x398: {  	v2 =	vld [tilespmem:$0x1FCC0];
	v48 =	vmul.f32 $8.000000000e+00, v48;
	_ =	sdelay $0x1  }
0x399: {  	[tilespmem:v57+s16+$0x0] =	vst.idx.msk $0xffff, v48  }
0x39a: {  	v49 =	vld.idx.msk [tilespmem:v59+s12+$0x0], $0xffff  }
0x39b: {  	v48 =	vcombine.low v53, v54  }
0x39c: {  	v54 =	vor.u32 v2, v40  }
0x39d: {  	v59 =	vor.u32 v48, v41;
	_ =	sdelay $0x1  }
0x39e: {  	v49 =	vmul.f32 $8.000000000e+00, v49;
	_ =	sdelay $0x1  }
0x39f: {  	[tilespmem:v54+s16+$0x0] =	vst.idx.msk $0xffff, v49  }
0x3a0: {  	v50 =	vld.idx.msk [tilespmem:v59+s12+$0x0], $0xffff  }
0x3a1: {  	v49 =	vcombine.low v55, v56  }
0x3a2: {  	v54 =	vor.u32 v7, v40  }
0x3a3: {  	v41 =	vor.u32 v49, v41;
	_ =	sdelay $0x1  }
0x3a4: {  	v50 =	vmul.f32 $8.000000000e+00, v50;
	_ =	sdelay $0x1  }
0x3a5: {  	v4 =	vld [tilespmem:$0x1FCD0];
	[tilespmem:v54+s16+$0x0] =	vst.idx.msk $0xffff, v50  }
0x3a6: {  	v41 =	vld.idx.msk [tilespmem:v41+s12+$0x0], $0xffff  }
0x3a7: {  	v3 =	vld [tilespmem:$0x1F9F0]  }
0x3a8: {  	p1 =	sne.s32 s26, $0x70;
	v32 =	vld [tilespmem:$0x1FBE0];
	v40 =	vor.u32 v8, v40  }
.Ltmp1:
0x3a9: {  	v60 =	vld [tilespmem:$0x1FC00];
	(pc) =	sbr.rel @p1 .LBB2_5-.Ltmp1, $4  }
0x3aa: {  	v53 =	vmov v6;
	v6 =	vld [tilespmem:$0x1FCA0]  }
0x3ab: {  	v57 =	vmov v35;
	v35 =	vmov v5;
	v5 =	vld [tilespmem:$0x1FC80];
	v41 =	vmul.f32 $8.000000000e+00, v41  }
0x3ac: {  	v56 =	vld [tilespmem:$0x1FFE0]  }
0x3ad: {  	s26 =	sadd.s32 $0x10, s26;
	v52 =	vmovc v7;
	v51 =	vlaneseq.u32;
	v55 =	vld [tilespmem:$0x1FFF0];
	v59 =	vmov v0;
	v50 =	vmov v8;
	[tilespmem:v40+s16+$0x0] =	vst.idx.msk $0xffff, v41  }
0x3ae: {  	p1 =	seq.s32 s24, $0x63  }
0x3af: {  	s31 =	sshll.u32 s24, $0x10;
	s25 =	sshrl.u32 @!p1 s25, $0x2  }
0x3b0: {  	s28 =	simm.s32 @!p1 $0x80;
	s29 =	simm.s32 @!p1 $0xC800;
	s26 =	sadd.s32 @!p1 $0x6500, s25  }
0x3b1: {  	[tilespmem:s29], [sflag:$0x1] =	stream.indirect.gather @!p1 [hbm4b:s4+s28], $0x40, s26, s28, $0xb8;
	[tilespmem:$0x14800] =	vst v63  }
0x3b2: {  	s26 =	sor.u32 s7, s31  }
0x3b3: {  	s28 =	sadd.s32 s1, s26  }
0x3b4: {  	[hbm4b:s28+s17] =	stream.strided.scatter [tilespmem:s16], [sflag:$0x3], $0x2000, s18, s17, $0x38;
	[tilespmem:$0x14800] =	vst v63  }
0x3b5: {  	_ =	swait.ge [sflag:s19], $0x2000  }
0x3b6: {  	[sflag:s19] =	ssyncset.done $0x0  }
0x3b7: {  	s28 =	simm.s32 @!p0 $0x4;
	[sflag:s19] =	ssyncadd.s32 $0xFFFFE000  }
0x3b8: {  	_ =	swait.ge @!p0 [sflag:s28], $0x2000  }
0x3b9: {  	v0 =	vld [tilespmem:$0x1F800]  }
0x3ba: {  	v1 =	vld [tilespmem:$0x1F810]  }
0x3bb: {  	v2 =	vld [tilespmem:$0x1F820]  }
0x3bc: {  	[sflag:s28] =	ssyncset.done @!p0 $0x0;
	v9 =	vld [tilespmem:$0x1F790]  }
0x3bd: {  	v13 =	vmov v34;
	v14 =	vmov v33;
	v10 =	vld [tilespmem:$0x1F7A0];
	[sflag:s28] =	ssyncadd.s32 @!p0 $0xFFFFE000;
	s28 =	simm.s32 $0x0  }
.LBB2_7:
0x3be: {  	v40 =	vor.u32 s28, v51  }
0x3bf: {  	v41 =	vshll.u32 v40, $0x6  }
0x3c0: {  	v50 =	vor.u32 v51, v41;
	_ =	sdelay $0x4  }
0x3c1: {  	v50 =	vld.idx.msk [tilespmem:v50+s14+$0x0], $0xffff  }
0x3c2: {  	v40 =	vand.u32 $0x78, v40  }
0x3c3: {  	v33 =	vor.u32 v61, v40;
	_ =	sdelay $0x1  }
0x3c4: {  	v52 =	vor.u32 v62, v41  }
0x3c5: {  	v50 =	vmul.f32 $8.000000000e+00, v50;
	_ =	sdelay $0x1  }
0x3c6: {  	[tilespmem:v33+s20+$0x0] =	vst.idx.msk $0xffff, v50;
	v33 =	vld [tilespmem:$0x1F7B0];
	_ =	sdelay $0x1  }
0x3c7: {  	v50 =	vld.idx.msk [tilespmem:v52+s14+$0x0], $0xffff;
	_ =	sdelay $0x1  }
0x3c8: {  	v51 =	vor.u32 v56, v40  }
0x3c9: {  	v34 =	vor.u32 v33, v41;
	_ =	sdelay $0x1  }
0x3ca: {  	v50 =	vmul.f32 $8.000000000e+00, v50;
	_ =	sdelay $0x1  }
0x3cb: {  	[tilespmem:v51+s20+$0x0] =	vst.idx.msk $0xffff, v50  }
0x3cc: {  	v50 =	vld.idx.msk [tilespmem:v34+s14+$0x0], $0xffff  }
0x3cd: {  	v34 =	vld [tilespmem:$0x1F7C0]  }
0x3ce: {  	v54 =	vld [tilespmem:$0x1F7D0];
	_ =	sdelay $0x3  }
0x3cf: {  	v51 =	vor.u32 v34, v40  }
0x3d0: {  	v34 =	vor.u32 v54, v41;
	_ =	sdelay $0x1  }
0x3d1: {  	v50 =	vmul.f32 $8.000000000e+00, v50;
	v54 =	vld [tilespmem:$0x1F7E0];
	_ =	sdelay $0x1  }
0x3d2: {  	[tilespmem:v51+s20+$0x0] =	vst.idx.msk $0xffff, v50  }
0x3d3: {  	v50 =	vld.idx.msk [tilespmem:v34+s14+$0x0], $0xffff;
	_ =	sdelay $0x1  }
0x3d4: {  	v33 =	vor.u32 v54, v40  }
0x3d5: {  	v34 =	vor.u32 v57, v41;
	_ =	sdelay $0x1  }
0x3d6: {  	v50 =	vmul.f32 $8.000000000e+00, v50;
	_ =	sdelay $0x1  }
0x3d7: {  	[tilespmem:v33+s20+$0x0] =	vst.idx.msk $0xffff, v50  }
0x3d8: {  	v50 =	vld.idx.msk [tilespmem:v34+s14+$0x0], $0xffff;
	_ =	sdelay $0x1  }
0x3d9: {  	v33 =	vor.u32 v59, v40  }
0x3da: {  	v34 =	vor.u32 v55, v41;
	_ =	sdelay $0x1  }
0x3db: {  	v50 =	vmul.f32 $8.000000000e+00, v50;
	_ =	sdelay $0x1  }
0x3dc: {  	[tilespmem:v33+s20+$0x0] =	vst.idx.msk $0xffff, v50  }
0x3dd: {  	v50 =	vld.idx.msk [tilespmem:v34+s14+$0x0], $0xffff;
	_ =	sdelay $0x1  }
0x3de: {  	v33 =	vor.u32 v32, v40  }
0x3df: {  	v34 =	vor.u32 v60, v41;
	_ =	sdelay $0x1  }
0x3e0: {  	v50 =	vmul.f32 $8.000000000e+00, v50  }
0x3e1: {  	v54 =	vld [tilespmem:$0x1F7F0]  }
0x3e2: {  	[tilespmem:v33+s20+$0x0] =	vst.idx.msk $0xffff, v50  }
0x3e3: {  	v50 =	vld.idx.msk [tilespmem:v34+s14+$0x0], $0xffff;
	_ =	sdelay $0x1  }
0x3e4: {  	v51 =	vor.u32 v3, v40  }
0x3e5: {  	v34 =	vor.u32 v54, v41;
	_ =	sdelay $0x1  }
0x3e6: {  	v50 =	vmul.f32 $8.000000000e+00, v50;
	_ =	sdelay $0x1  }
0x3e7: {  	[tilespmem:v51+s20+$0x0] =	vst.idx.msk $0xffff, v50  }
0x3e8: {  	v50 =	vld.idx.msk [tilespmem:v34+s14+$0x0], $0xffff;
	_ =	sdelay $0x1  }
0x3e9: {  	v33 =	vor.u32 v4, v40  }
0x3ea: {  	v34 =	vor.u32 v35, v41;
	_ =	sdelay $0x1  }
0x3eb: {  	v50 =	vmul.f32 $8.000000000e+00, v50;
	_ =	sdelay $0x1  }
0x3ec: {  	[tilespmem:v33+s20+$0x0] =	vst.idx.msk $0xffff, v50  }
0x3ed: {  	v50 =	vld.idx.msk [tilespmem:v34+s14+$0x0], $0xffff;
	_ =	sdelay $0x1  }
0x3ee: {  	v33 =	vor.u32 v5, v40  }
0x3ef: {  	v34 =	vor.u32 v53, v41;
	_ =	sdelay $0x1  }
0x3f0: {  	v50 =	vmul.f32 $8.000000000e+00, v50;
	_ =	sdelay $0x1  }
0x3f1: {  	[tilespmem:v33+s20+$0x0] =	vst.idx.msk $0xffff, v50  }
0x3f2: {  	v50 =	vld.idx.msk [tilespmem:v34+s14+$0x0], $0xffff;
	_ =	sdelay $0x1  }
0x3f3: {  	v33 =	vor.u32 v6, v40  }
0x3f4: {  	v34 =	vor.u32 v0, v41;
	_ =	sdelay $0x1  }
0x3f5: {  	v50 =	vmul.f32 $8.000000000e+00, v50;
	_ =	sdelay $0x1  }
0x3f6: {  	[tilespmem:v33+s20+$0x0] =	vst.idx.msk $0xffff, v50  }
0x3f7: {  	v50 =	vld.idx.msk [tilespmem:v34+s14+$0x0], $0xffff;
	_ =	sdelay $0x1  }
0x3f8: {  	v33 =	vor.u32 v1, v40  }
0x3f9: {  	v34 =	vor.u32 v2, v41;
	_ =	sdelay $0x1  }
0x3fa: {  	v50 =	vmul.f32 $8.000000000e+00, v50;
	_ =	sdelay $0x1  }
0x3fb: {  	[tilespmem:v33+s20+$0x0] =	vst.idx.msk $0xffff, v50;
	v33 =	vld [tilespmem:$0x1F830]  }
0x3fc: {  	v50 =	vld.idx.msk [tilespmem:v34+s14+$0x0], $0xffff  }
0x3fd: {  	v34 =	vld [tilespmem:$0x1F840];
	_ =	sdelay $0x3  }
0x3fe: {  	v51 =	vor.u32 v33, v40  }
0x3ff: {  	v52 =	vor.u32 v34, v41;
	_ =	sdelay $0x1  }
0x400: {  	v33 =	vld [tilespmem:$0x1F850];
	v50 =	vmul.f32 $8.000000000e+00, v50  }
0x401: {  	v34 =	vld [tilespmem:$0x1F860]  }
0x402: {  	[tilespmem:v51+s20+$0x0] =	vst.idx.msk $0xffff, v50  }
0x403: {  	v50 =	vld.idx.msk [tilespmem:v52+s14+$0x0], $0xffff;
	_ =	sdelay $0x1  }
0x404: {  	v51 =	vor.u32 v33, v40  }
0x405: {  	v52 =	vor.u32 v34, v41;
	_ =	sdelay $0x1  }
0x406: {  	v33 =	vld [tilespmem:$0x1F870];
	v50 =	vmul.f32 $8.000000000e+00, v50  }
0x407: {  	v34 =	vld [tilespmem:$0x1F880]  }
0x408: {  	[tilespmem:v51+s20+$0x0] =	vst.idx.msk $0xffff, v50  }
0x409: {  	v50 =	vld.idx.msk [tilespmem:v52+s14+$0x0], $0xffff;
	_ =	sdelay $0x1  }
0x40a: {  	v51 =	vor.u32 v33, v40  }
0x40b: {  	v52 =	vor.u32 v34, v41;
	_ =	sdelay $0x1  }
0x40c: {  	v33 =	vld [tilespmem:$0x1F890];
	v50 =	vmul.f32 $8.000000000e+00, v50  }
0x40d: {  	v34 =	vld [tilespmem:$0x1F8A0]  }
0x40e: {  	[tilespmem:v51+s20+$0x0] =	vst.idx.msk $0xffff, v50  }
0x40f: {  	v50 =	vld.idx.msk [tilespmem:v52+s14+$0x0], $0xffff;
	_ =	sdelay $0x1  }
0x410: {  	v51 =	vor.u32 v33, v40  }
0x411: {  	v52 =	vor.u32 v34, v41;
	_ =	sdelay $0x1  }
0x412: {  	v33 =	vld [tilespmem:$0x1F8B0];
	v50 =	vmul.f32 $8.000000000e+00, v50  }
0x413: {  	v34 =	vld [tilespmem:$0x1FF20]  }
0x414: {  	[tilespmem:v51+s20+$0x0] =	vst.idx.msk $0xffff, v50  }
0x415: {  	v50 =	vld.idx.msk [tilespmem:v52+s14+$0x0], $0xffff;
	_ =	sdelay $0x1  }
0x416: {  	v51 =	vor.u32 v33, v40  }
0x417: {  	v52 =	vor.u32 v34, v41;
	_ =	sdelay $0x1  }
0x418: {  	v33 =	vld [tilespmem:$0x1F8C0];
	v50 =	vmul.f32 $8.000000000e+00, v50  }
0x419: {  	v34 =	vld [tilespmem:$0x1FF50]  }
0x41a: {  	[tilespmem:v51+s20+$0x0] =	vst.idx.msk $0xffff, v50  }
0x41b: {  	v50 =	vld.idx.msk [tilespmem:v52+s14+$0x0], $0xffff;
	_ =	sdelay $0x1  }
0x41c: {  	v51 =	vor.u32 v33, v40  }
0x41d: {  	v52 =	vor.u32 v34, v41;
	_ =	sdelay $0x1  }
0x41e: {  	v33 =	vld [tilespmem:$0x1F8D0];
	v50 =	vmul.f32 $8.000000000e+00, v50  }
0x41f: {  	v34 =	vld [tilespmem:$0x1F6E0]  }
0x420: {  	[tilespmem:v51+s20+$0x0] =	vst.idx.msk $0xffff, v50  }
0x421: {  	v50 =	vld.idx.msk [tilespmem:v52+s14+$0x0], $0xffff;
	_ =	sdelay $0x1  }
0x422: {  	v51 =	vor.u32 v33, v40  }
0x423: {  	v52 =	vor.u32 v34, v41;
	_ =	sdelay $0x1  }
0x424: {  	v33 =	vld [tilespmem:$0x1F920];
	v50 =	vmul.f32 $8.000000000e+00, v50  }
0x425: {  	v34 =	vld [tilespmem:$0x1F6F0]  }
0x426: {  	[tilespmem:v51+s20+$0x0] =	vst.idx.msk $0xffff, v50  }
0x427: {  	v50 =	vld.idx.msk [tilespmem:v52+s14+$0x0], $0xffff;
	_ =	sdelay $0x1  }
0x428: {  	v51 =	vor.u32 v33, v40  }
0x429: {  	v52 =	vor.u32 v34, v41;
	_ =	sdelay $0x1  }
0x42a: {  	v33 =	vld [tilespmem:$0x1F970];
	v50 =	vmul.f32 $8.000000000e+00, v50  }
0x42b: {  	v34 =	vld [tilespmem:$0x1F700]  }
0x42c: {  	[tilespmem:v51+s20+$0x0] =	vst.idx.msk $0xffff, v50  }
0x42d: {  	v50 =	vld.idx.msk [tilespmem:v52+s14+$0x0], $0xffff;
	_ =	sdelay $0x1  }
0x42e: {  	v51 =	vor.u32 v33, v40  }
0x42f: {  	v52 =	vor.u32 v34, v41;
	_ =	sdelay $0x1  }
0x430: {  	v33 =	vld [tilespmem:$0x1F9D0];
	v50 =	vmul.f32 $8.000000000e+00, v50  }
0x431: {  	v34 =	vld [tilespmem:$0x1F710]  }
0x432: {  	[tilespmem:v51+s20+$0x0] =	vst.idx.msk $0xffff, v50  }
0x433: {  	v50 =	vld.idx.msk [tilespmem:v52+s14+$0x0], $0xffff;
	_ =	sdelay $0x1  }
0x434: {  	v51 =	vor.u32 v33, v40  }
0x435: {  	v52 =	vor.u32 v34, v41;
	_ =	sdelay $0x1  }
0x436: {  	v33 =	vld [tilespmem:$0x1F9E0];
	v50 =	vmul.f32 $8.000000000e+00, v50  }
0x437: {  	v34 =	vld [tilespmem:$0x1F720]  }
0x438: {  	[tilespmem:v51+s20+$0x0] =	vst.idx.msk $0xffff, v50  }
0x439: {  	v50 =	vld.idx.msk [tilespmem:v52+s14+$0x0], $0xffff;
	_ =	sdelay $0x1  }
0x43a: {  	v51 =	vor.u32 v33, v40  }
0x43b: {  	v52 =	vor.u32 v34, v41;
	_ =	sdelay $0x1  }
0x43c: {  	v33 =	vld [tilespmem:$0x1FA00];
	v50 =	vmul.f32 $8.000000000e+00, v50  }
0x43d: {  	v34 =	vld [tilespmem:$0x1F730]  }
0x43e: {  	[tilespmem:v51+s20+$0x0] =	vst.idx.msk $0xffff, v50  }
0x43f: {  	v50 =	vld.idx.msk [tilespmem:v52+s14+$0x0], $0xffff;
	_ =	sdelay $0x1  }
0x440: {  	v51 =	vor.u32 v33, v40  }
0x441: {  	v52 =	vor.u32 v34, v41;
	_ =	sdelay $0x1  }
0x442: {  	v33 =	vld [tilespmem:$0x1FA10];
	v50 =	vmul.f32 $8.000000000e+00, v50  }
0x443: {  	v34 =	vld [tilespmem:$0x1F740]  }
0x444: {  	[tilespmem:v51+s20+$0x0] =	vst.idx.msk $0xffff, v50  }
0x445: {  	v50 =	vld.idx.msk [tilespmem:v52+s14+$0x0], $0xffff;
	_ =	sdelay $0x1  }
0x446: {  	v51 =	vor.u32 v33, v40  }
0x447: {  	v52 =	vor.u32 v34, v41;
	_ =	sdelay $0x1  }
0x448: {  	v33 =	vld [tilespmem:$0x1FA20];
	v50 =	vmul.f32 $8.000000000e+00, v50  }
0x449: {  	v34 =	vld [tilespmem:$0x1F750]  }
0x44a: {  	[tilespmem:v51+s20+$0x0] =	vst.idx.msk $0xffff, v50  }
0x44b: {  	v50 =	vld.idx.msk [tilespmem:v52+s14+$0x0], $0xffff;
	_ =	sdelay $0x1  }
0x44c: {  	v51 =	vor.u32 v33, v40  }
0x44d: {  	v52 =	vor.u32 v34, v41;
	_ =	sdelay $0x1  }
0x44e: {  	v33 =	vld [tilespmem:$0x1FA30];
	v50 =	vmul.f32 $8.000000000e+00, v50  }
0x44f: {  	v34 =	vld [tilespmem:$0x1F760]  }
0x450: {  	[tilespmem:v51+s20+$0x0] =	vst.idx.msk $0xffff, v50  }
0x451: {  	v50 =	vld.idx.msk [tilespmem:v52+s14+$0x0], $0xffff;
	_ =	sdelay $0x1  }
0x452: {  	v51 =	vor.u32 v33, v40  }
0x453: {  	v52 =	vor.u32 v34, v41;
	_ =	sdelay $0x1  }
0x454: {  	v33 =	vld [tilespmem:$0x1FA40];
	v50 =	vmul.f32 $8.000000000e+00, v50  }
0x455: {  	v34 =	vld [tilespmem:$0x1F770]  }
0x456: {  	[tilespmem:v51+s20+$0x0] =	vst.idx.msk $0xffff, v50  }
0x457: {  	v50 =	vld.idx.msk [tilespmem:v52+s14+$0x0], $0xffff;
	_ =	sdelay $0x1  }
0x458: {  	v51 =	vor.u32 v33, v40  }
0x459: {  	v52 =	vor.u32 v34, v41;
	_ =	sdelay $0x1  }
0x45a: {  	v33 =	vld [tilespmem:$0x1FA50];
	v50 =	vmul.f32 $8.000000000e+00, v50  }
0x45b: {  	v34 =	vld [tilespmem:$0x1F780]  }
0x45c: {  	[tilespmem:v51+s20+$0x0] =	vst.idx.msk $0xffff, v50  }
0x45d: {  	v50 =	vld.idx.msk [tilespmem:v52+s14+$0x0], $0xffff;
	_ =	sdelay $0x1  }
0x45e: {  	v51 =	vor.u32 v33, v40  }
0x45f: {  	v52 =	vor.u32 v34, v41;
	_ =	sdelay $0x1  }
0x460: {  	v33 =	vld [tilespmem:$0x1FA60];
	v50 =	vmul.f32 $8.000000000e+00, v50;
	_ =	sdelay $0x1  }
0x461: {  	[tilespmem:v51+s20+$0x0] =	vst.idx.msk $0xffff, v50  }
0x462: {  	v50 =	vld.idx.msk [tilespmem:v52+s14+$0x0], $0xffff;
	_ =	sdelay $0x1  }
0x463: {  	v51 =	vor.u32 v33, v40  }
0x464: {  	v34 =	vor.u32 v9, v41;
	_ =	sdelay $0x1  }
0x465: {  	v33 =	vld [tilespmem:$0x1FA70];
	v50 =	vmul.f32 $8.000000000e+00, v50;
	_ =	sdelay $0x1  }
0x466: {  	[tilespmem:v51+s20+$0x0] =	vst.idx.msk $0xffff, v50  }
0x467: {  	v50 =	vld.idx.msk [tilespmem:v34+s14+$0x0], $0xffff;
	_ =	sdelay $0x1  }
0x468: {  	v51 =	vor.u32 v33, v40  }
0x469: {  	v34 =	vor.u32 v10, v41;
	_ =	sdelay $0x1  }
0x46a: {  	v33 =	vld [tilespmem:$0x1FA80];
	v50 =	vmul.f32 $8.000000000e+00, v50;
	_ =	sdelay $0x1  }
0x46b: {  	[tilespmem:v51+s20+$0x0] =	vst.idx.msk $0xffff, v50  }
0x46c: {  	v50 =	vld.idx.msk [tilespmem:v34+s14+$0x0], $0xffff;
	_ =	sdelay $0x1  }
0x46d: {  	v51 =	vor.u32 v33, v40  }
0x46e: {  	v34 =	vor.u32 v63, v41;
	_ =	sdelay $0x1  }
0x46f: {  	v33 =	vld [tilespmem:$0x1FA90];
	v50 =	vmul.f32 $8.000000000e+00, v50;
	_ =	sdelay $0x1  }
0x470: {  	[tilespmem:v51+s20+$0x0] =	vst.idx.msk $0xffff, v50  }
0x471: {  	v50 =	vld.idx.msk [tilespmem:v34+s14+$0x0], $0xffff;
	_ =	sdelay $0x1  }
0x472: {  	v51 =	vor.u32 v33, v40  }
0x473: {  	v34 =	vor.u32 v58, v41;
	_ =	sdelay $0x1  }
0x474: {  	v33 =	vld [tilespmem:$0x1FAA0];
	v50 =	vmul.f32 $8.000000000e+00, v50;
	_ =	sdelay $0x1  }
0x475: {  	[tilespmem:v51+s20+$0x0] =	vst.idx.msk $0xffff, v50  }
0x476: {  	v50 =	vld.idx.msk [tilespmem:v34+s14+$0x0], $0xffff;
	_ =	sdelay $0x1  }
0x477: {  	v51 =	vor.u32 v33, v40  }
0x478: {  	v34 =	vor.u32 v13, v41;
	_ =	sdelay $0x1  }
0x479: {  	v33 =	vld [tilespmem:$0x1FAB0];
	v50 =	vmul.f32 $8.000000000e+00, v50;
	_ =	sdelay $0x1  }
0x47a: {  	[tilespmem:v51+s20+$0x0] =	vst.idx.msk $0xffff, v50  }
0x47b: {  	v50 =	vld.idx.msk [tilespmem:v34+s14+$0x0], $0xffff;
	_ =	sdelay $0x1  }
0x47c: {  	v51 =	vor.u32 v33, v40  }
0x47d: {  	v34 =	vor.u32 v14, v41;
	_ =	sdelay $0x1  }
0x47e: {  	v33 =	vld [tilespmem:$0x1FAC0];
	v50 =	vmul.f32 $8.000000000e+00, v50;
	_ =	sdelay $0x1  }
0x47f: {  	[tilespmem:v51+s20+$0x0] =	vst.idx.msk $0xffff, v50  }
0x480: {  	v50 =	vld.idx.msk [tilespmem:v34+s14+$0x0], $0xffff;
	_ =	sdelay $0x1  }
0x481: {  	v51 =	vor.u32 v33, v40  }
0x482: {  	v34 =	vor.u32 v15, v41;
	_ =	sdelay $0x1  }
0x483: {  	v33 =	vld [tilespmem:$0x1FAD0];
	v50 =	vmul.f32 $8.000000000e+00, v50;
	_ =	sdelay $0x1  }
0x484: {  	[tilespmem:v51+s20+$0x0] =	vst.idx.msk $0xffff, v50  }
0x485: {  	v50 =	vld.idx.msk [tilespmem:v34+s14+$0x0], $0xffff;
	_ =	sdelay $0x1  }
0x486: {  	v51 =	vor.u32 v33, v40  }
0x487: {  	v34 =	vor.u32 v16, v41;
	_ =	sdelay $0x1  }
0x488: {  	v33 =	vld [tilespmem:$0x1FAE0];
	v50 =	vmul.f32 $8.000000000e+00, v50;
	_ =	sdelay $0x1  }
0x489: {  	[tilespmem:v51+s20+$0x0] =	vst.idx.msk $0xffff, v50  }
0x48a: {  	v50 =	vld.idx.msk [tilespmem:v34+s14+$0x0], $0xffff;
	_ =	sdelay $0x1  }
0x48b: {  	v51 =	vor.u32 v33, v40  }
0x48c: {  	v34 =	vor.u32 v17, v41;
	_ =	sdelay $0x1  }
0x48d: {  	v33 =	vld [tilespmem:$0x1FAF0];
	v50 =	vmul.f32 $8.000000000e+00, v50;
	_ =	sdelay $0x1  }
0x48e: {  	[tilespmem:v51+s20+$0x0] =	vst.idx.msk $0xffff, v50  }
0x48f: {  	v50 =	vld.idx.msk [tilespmem:v34+s14+$0x0], $0xffff;
	_ =	sdelay $0x1  }
0x490: {  	v51 =	vor.u32 v33, v40  }
0x491: {  	v34 =	vor.u32 v18, v41;
	_ =	sdelay $0x1  }
0x492: {  	v33 =	vld [tilespmem:$0x1FB00];
	v50 =	vmul.f32 $8.000000000e+00, v50;
	_ =	sdelay $0x1  }
0x493: {  	[tilespmem:v51+s20+$0x0] =	vst.idx.msk $0xffff, v50  }
0x494: {  	v50 =	vld.idx.msk [tilespmem:v34+s14+$0x0], $0xffff;
	_ =	sdelay $0x1  }
0x495: {  	v51 =	vor.u32 v33, v40  }
0x496: {  	v34 =	vor.u32 v19, v41;
	_ =	sdelay $0x1  }
0x497: {  	v33 =	vld [tilespmem:$0x1FB10];
	v50 =	vmul.f32 $8.000000000e+00, v50;
	_ =	sdelay $0x1  }
0x498: {  	[tilespmem:v51+s20+$0x0] =	vst.idx.msk $0xffff, v50  }
0x499: {  	v50 =	vld.idx.msk [tilespmem:v34+s14+$0x0], $0xffff;
	_ =	sdelay $0x1  }
0x49a: {  	v51 =	vor.u32 v33, v40  }
0x49b: {  	v34 =	vor.u32 v20, v41;
	_ =	sdelay $0x1  }
0x49c: {  	v33 =	vld [tilespmem:$0x1FB20];
	v50 =	vmul.f32 $8.000000000e+00, v50;
	_ =	sdelay $0x1  }
0x49d: {  	[tilespmem:v51+s20+$0x0] =	vst.idx.msk $0xffff, v50  }
0x49e: {  	v50 =	vld.idx.msk [tilespmem:v34+s14+$0x0], $0xffff;
	_ =	sdelay $0x1  }
0x49f: {  	v51 =	vor.u32 v33, v40  }
0x4a0: {  	v34 =	vor.u32 v21, v41;
	_ =	sdelay $0x1  }
0x4a1: {  	v33 =	vld [tilespmem:$0x1FB30];
	v50 =	vmul.f32 $8.000000000e+00, v50;
	_ =	sdelay $0x1  }
0x4a2: {  	[tilespmem:v51+s20+$0x0] =	vst.idx.msk $0xffff, v50  }
0x4a3: {  	v50 =	vld.idx.msk [tilespmem:v34+s14+$0x0], $0xffff;
	_ =	sdelay $0x1  }
0x4a4: {  	v51 =	vor.u32 v33, v40  }
0x4a5: {  	v34 =	vor.u32 v22, v41;
	_ =	sdelay $0x1  }
0x4a6: {  	v33 =	vld [tilespmem:$0x1FB40];
	v50 =	vmul.f32 $8.000000000e+00, v50;
	_ =	sdelay $0x1  }
0x4a7: {  	[tilespmem:v51+s20+$0x0] =	vst.idx.msk $0xffff, v50  }
0x4a8: {  	v50 =	vld.idx.msk [tilespmem:v34+s14+$0x0], $0xffff;
	_ =	sdelay $0x1  }
0x4a9: {  	v51 =	vor.u32 v33, v40  }
0x4aa: {  	v34 =	vor.u32 v23, v41;
	_ =	sdelay $0x1  }
0x4ab: {  	v33 =	vld [tilespmem:$0x1FB50];
	v50 =	vmul.f32 $8.000000000e+00, v50;
	_ =	sdelay $0x1  }
0x4ac: {  	[tilespmem:v51+s20+$0x0] =	vst.idx.msk $0xffff, v50  }
0x4ad: {  	v50 =	vld.idx.msk [tilespmem:v34+s14+$0x0], $0xffff;
	_ =	sdelay $0x1  }
0x4ae: {  	v51 =	vor.u32 v33, v40  }
0x4af: {  	v34 =	vor.u32 v24, v41;
	_ =	sdelay $0x1  }
0x4b0: {  	v33 =	vld [tilespmem:$0x1FB60];
	v50 =	vmul.f32 $8.000000000e+00, v50;
	_ =	sdelay $0x1  }
0x4b1: {  	[tilespmem:v51+s20+$0x0] =	vst.idx.msk $0xffff, v50  }
0x4b2: {  	v50 =	vld.idx.msk [tilespmem:v34+s14+$0x0], $0xffff;
	_ =	sdelay $0x1  }
0x4b3: {  	v51 =	vor.u32 v33, v40  }
0x4b4: {  	v34 =	vor.u32 v25, v41;
	_ =	sdelay $0x1  }
0x4b5: {  	v33 =	vld [tilespmem:$0x1FB70];
	v50 =	vmul.f32 $8.000000000e+00, v50;
	_ =	sdelay $0x1  }
0x4b6: {  	[tilespmem:v51+s20+$0x0] =	vst.idx.msk $0xffff, v50  }
0x4b7: {  	v50 =	vld.idx.msk [tilespmem:v34+s14+$0x0], $0xffff;
	_ =	sdelay $0x1  }
0x4b8: {  	v51 =	vor.u32 v33, v40  }
0x4b9: {  	v34 =	vor.u32 v26, v41;
	_ =	sdelay $0x1  }
0x4ba: {  	v33 =	vld [tilespmem:$0x1FB80];
	v50 =	vmul.f32 $8.000000000e+00, v50;
	_ =	sdelay $0x1  }
0x4bb: {  	[tilespmem:v51+s20+$0x0] =	vst.idx.msk $0xffff, v50  }
0x4bc: {  	v50 =	vld.idx.msk [tilespmem:v34+s14+$0x0], $0xffff;
	_ =	sdelay $0x1  }
0x4bd: {  	v51 =	vor.u32 v33, v40  }
0x4be: {  	v34 =	vor.u32 v27, v41;
	_ =	sdelay $0x1  }
0x4bf: {  	v33 =	vld [tilespmem:$0x1FB90];
	v50 =	vmul.f32 $8.000000000e+00, v50;
	_ =	sdelay $0x1  }
0x4c0: {  	[tilespmem:v51+s20+$0x0] =	vst.idx.msk $0xffff, v50  }
0x4c1: {  	v50 =	vld.idx.msk [tilespmem:v34+s14+$0x0], $0xffff;
	_ =	sdelay $0x1  }
0x4c2: {  	v51 =	vor.u32 v33, v40  }
0x4c3: {  	v34 =	vor.u32 v28, v41;
	_ =	sdelay $0x1  }
0x4c4: {  	v33 =	vld [tilespmem:$0x1FBA0];
	v50 =	vmul.f32 $8.000000000e+00, v50;
	_ =	sdelay $0x1  }
0x4c5: {  	[tilespmem:v51+s20+$0x0] =	vst.idx.msk $0xffff, v50  }
0x4c6: {  	v50 =	vld.idx.msk [tilespmem:v34+s14+$0x0], $0xffff;
	_ =	sdelay $0x1  }
0x4c7: {  	v51 =	vor.u32 v33, v40  }
0x4c8: {  	v34 =	vor.u32 v29, v41;
	_ =	sdelay $0x1  }
0x4c9: {  	v33 =	vld [tilespmem:$0x1FBB0];
	v50 =	vmul.f32 $8.000000000e+00, v50;
	_ =	sdelay $0x1  }
0x4ca: {  	[tilespmem:v51+s20+$0x0] =	vst.idx.msk $0xffff, v50  }
0x4cb: {  	v50 =	vld.idx.msk [tilespmem:v34+s14+$0x0], $0xffff;
	_ =	sdelay $0x1  }
0x4cc: {  	v51 =	vor.u32 v33, v40  }
0x4cd: {  	v34 =	vor.u32 v30, v41;
	_ =	sdelay $0x1  }
0x4ce: {  	v33 =	vld [tilespmem:$0x1FBC0];
	v50 =	vmul.f32 $8.000000000e+00, v50;
	_ =	sdelay $0x1  }
0x4cf: {  	[tilespmem:v51+s20+$0x0] =	vst.idx.msk $0xffff, v50  }
0x4d0: {  	v50 =	vld.idx.msk [tilespmem:v34+s14+$0x0], $0xffff;
	_ =	sdelay $0x1  }
0x4d1: {  	v51 =	vor.u32 v33, v40  }
0x4d2: {  	v34 =	vor.u32 v31, v41;
	_ =	sdelay $0x1  }
0x4d3: {  	v33 =	vld [tilespmem:$0x1FBD0];
	v50 =	vmul.f32 $8.000000000e+00, v50;
	_ =	sdelay $0x1  }
0x4d4: {  	[tilespmem:v51+s20+$0x0] =	vst.idx.msk $0xffff, v50  }
0x4d5: {  	v50 =	vld.idx.msk [tilespmem:v34+s14+$0x0], $0xffff;
	_ =	sdelay $0x1  }
0x4d6: {  	v51 =	vor.u32 v33, v40  }
0x4d7: {  	v34 =	vor.u32 v36, v41;
	_ =	sdelay $0x1  }
0x4d8: {  	v33 =	vld [tilespmem:$0x1FBF0];
	v50 =	vmul.f32 $8.000000000e+00, v50;
	_ =	sdelay $0x1  }
0x4d9: {  	[tilespmem:v51+s20+$0x0] =	vst.idx.msk $0xffff, v50  }
0x4da: {  	v50 =	vld.idx.msk [tilespmem:v34+s14+$0x0], $0xffff;
	_ =	sdelay $0x1  }
0x4db: {  	v51 =	vor.u32 v33, v40  }
0x4dc: {  	v34 =	vor.u32 v37, v41;
	_ =	sdelay $0x1  }
0x4dd: {  	v33 =	vld [tilespmem:$0x1FC10];
	v50 =	vmul.f32 $8.000000000e+00, v50;
	_ =	sdelay $0x1  }
0x4de: {  	[tilespmem:v51+s20+$0x0] =	vst.idx.msk $0xffff, v50  }
0x4df: {  	v50 =	vld.idx.msk [tilespmem:v34+s14+$0x0], $0xffff;
	_ =	sdelay $0x1  }
0x4e0: {  	v51 =	vor.u32 v33, v40  }
0x4e1: {  	v34 =	vor.u32 v38, v41;
	_ =	sdelay $0x1  }
0x4e2: {  	v33 =	vld [tilespmem:$0x1FC20];
	v50 =	vmul.f32 $8.000000000e+00, v50;
	_ =	sdelay $0x1  }
0x4e3: {  	[tilespmem:v51+s20+$0x0] =	vst.idx.msk $0xffff, v50  }
0x4e4: {  	v50 =	vld.idx.msk [tilespmem:v34+s14+$0x0], $0xffff;
	_ =	sdelay $0x1  }
0x4e5: {  	v51 =	vor.u32 v33, v40  }
0x4e6: {  	v34 =	vor.u32 v39, v41;
	_ =	sdelay $0x1  }
0x4e7: {  	v33 =	vld [tilespmem:$0x1FC40];
	v50 =	vmul.f32 $8.000000000e+00, v50;
	_ =	sdelay $0x1  }
0x4e8: {  	[tilespmem:v51+s20+$0x0] =	vst.idx.msk $0xffff, v50  }
0x4e9: {  	v50 =	vld.idx.msk [tilespmem:v34+s14+$0x0], $0xffff;
	_ =	sdelay $0x1  }
0x4ea: {  	v51 =	vor.u32 v33, v40  }
0x4eb: {  	v34 =	vor.u32 v42, v41;
	_ =	sdelay $0x1  }
0x4ec: {  	v33 =	vld [tilespmem:$0x1FC50];
	v50 =	vmul.f32 $8.000000000e+00, v50;
	_ =	sdelay $0x1  }
0x4ed: {  	[tilespmem:v51+s20+$0x0] =	vst.idx.msk $0xffff, v50  }
0x4ee: {  	v50 =	vld.idx.msk [tilespmem:v34+s14+$0x0], $0xffff;
	_ =	sdelay $0x1  }
0x4ef: {  	v51 =	vor.u32 v33, v40  }
0x4f0: {  	v34 =	vor.u32 v43, v41;
	_ =	sdelay $0x1  }
0x4f1: {  	v33 =	vld [tilespmem:$0x1FC60];
	v50 =	vmul.f32 $8.000000000e+00, v50;
	_ =	sdelay $0x1  }
0x4f2: {  	[tilespmem:v51+s20+$0x0] =	vst.idx.msk $0xffff, v50  }
0x4f3: {  	v50 =	vld.idx.msk [tilespmem:v34+s14+$0x0], $0xffff;
	_ =	sdelay $0x1  }
0x4f4: {  	v51 =	vor.u32 v33, v40  }
0x4f5: {  	v34 =	vor.u32 v44, v41;
	_ =	sdelay $0x1  }
0x4f6: {  	v33 =	vld [tilespmem:$0x1FC70];
	v50 =	vmul.f32 $8.000000000e+00, v50;
	_ =	sdelay $0x1  }
0x4f7: {  	[tilespmem:v51+s20+$0x0] =	vst.idx.msk $0xffff, v50  }
0x4f8: {  	v50 =	vld.idx.msk [tilespmem:v34+s14+$0x0], $0xffff;
	_ =	sdelay $0x1  }
0x4f9: {  	v51 =	vor.u32 v33, v40  }
0x4fa: {  	v34 =	vor.u32 v45, v41;
	_ =	sdelay $0x1  }
0x4fb: {  	v33 =	vld [tilespmem:$0x1FC90];
	v50 =	vmul.f32 $8.000000000e+00, v50;
	_ =	sdelay $0x1  }
0x4fc: {  	[tilespmem:v51+s20+$0x0] =	vst.idx.msk $0xffff, v50  }
0x4fd: {  	v50 =	vld.idx.msk [tilespmem:v34+s14+$0x0], $0xffff;
	_ =	sdelay $0x1  }
0x4fe: {  	v51 =	vor.u32 v33, v40  }
0x4ff: {  	v34 =	vor.u32 v46, v41;
	_ =	sdelay $0x1  }
0x500: {  	v33 =	vld [tilespmem:$0x1FCB0];
	v50 =	vmul.f32 $8.000000000e+00, v50;
	_ =	sdelay $0x1  }
0x501: {  	[tilespmem:v51+s20+$0x0] =	vst.idx.msk $0xffff, v50  }
0x502: {  	v50 =	vld.idx.msk [tilespmem:v34+s14+$0x0], $0xffff;
	_ =	sdelay $0x1  }
0x503: {  	v51 =	vor.u32 v33, v40  }
0x504: {  	v34 =	vor.u32 v47, v41;
	_ =	sdelay $0x1  }
0x505: {  	v33 =	vld [tilespmem:$0x1FCC0];
	v50 =	vmul.f32 $8.000000000e+00, v50;
	_ =	sdelay $0x1  }
0x506: {  	[tilespmem:v51+s20+$0x0] =	vst.idx.msk $0xffff, v50  }
0x507: {  	v50 =	vld.idx.msk [tilespmem:v34+s14+$0x0], $0xffff;
	_ =	sdelay $0x1  }
0x508: {  	v51 =	vor.u32 v33, v40  }
0x509: {  	v34 =	vor.u32 v48, v41;
	_ =	sdelay $0x1  }
0x50a: {  	v50 =	vmul.f32 $8.000000000e+00, v50;
	_ =	sdelay $0x1  }
0x50b: {  	[tilespmem:v51+s20+$0x0] =	vst.idx.msk $0xffff, v50  }
0x50c: {  	v50 =	vld.idx.msk [tilespmem:v34+s14+$0x0], $0xffff;
	_ =	sdelay $0x1  }
0x50d: {  	v54 =	vor.u32 v7, v40  }
0x50e: {  	v41 =	vor.u32 v49, v41;
	_ =	sdelay $0x1  }
0x50f: {  	v50 =	vmul.f32 $8.000000000e+00, v50;
	_ =	sdelay $0x1  }
0x510: {  	[tilespmem:v54+s20+$0x0] =	vst.idx.msk $0xffff, v50  }
0x511: {  	v41 =	vld.idx.msk [tilespmem:v41+s14+$0x0], $0xffff;
	_ =	sdelay $0x1  }
0x512: {  	p0 =	sne.s32 s28, $0x70;
	v40 =	vor.u32 v8, v40  }
.Ltmp2:
0x513: {  	_ = 	snop;
	(pc) =	sbr.rel @p0 .LBB2_7-.Ltmp2, $3  }
0x514: {  	_ = 	snop  }
0x515: {  	v41 =	vmul.f32 $8.000000000e+00, v41;
	_ =	sdelay $0x1  }
0x516: {  	s28 =	sadd.s32 $0x10, s28;
	v51 =	vlaneseq.u32;
	[tilespmem:v40+s20+$0x0] =	vst.idx.msk $0xffff, v41  }
0x517: {  	s24 =	sadd.s32 $0x1, s24  }
0x518: {  	p0 =	sne.s32 s24, $0x64  }
.Ltmp3:
0x519: {  	_ = 	snop;
	(pc) =	sbr.rel @p0 .LBB2_4-.Ltmp3, $4  }
0x51a: {  	s25 =	sadd.s32 @!p1 $0x6580, s25;
	s28 =	simm.s32 @!p1 $0x80;
	s29 =	simm.s32 @!p1 $0xE800  }
0x51b: {  	[tilespmem:s29], [sflag:$0x2] =	stream.indirect.gather @!p1 [hbm4b:s4+s28], $0x40, s25, s28, $0xb8;
	[tilespmem:$0x14800] =	vst v63  }
0x51c: {  	s31 =	sadd.s32 s26, s6  }
0x51d: {  	v52 =	vmov v7;
	v50 =	vmov v8;
	[hbm4b:s31+s17] =	stream.strided.scatter [tilespmem:s20], [sflag:$0x4], $0x2000, s18, s17, $0x38;
	[tilespmem:$0x14800] =	vst v63  }
0x51e: {  	_ =	swait.ge [sflag:s21], $0x2000  }
0x51f: {  	[sflag:s21] =	ssyncset.done $0x0  }
0x520: {  	[sflag:s21] =	ssyncadd.s32 $0xFFFFE000  }
0x521: {  	_ =	swait.ge [sflag:s22], $0x2000  }
0x522: {  	v7 =	vld [tilespmem:$0x1FF60]  }
0x523: {  	s23 =	sadd.s32 $0x1, s23;
	v8 =	vld [tilespmem:$0x1FF70]  }
0x524: {  	p0 =	sne.s32 s23, s8;
	v9 =	vld [tilespmem:$0x1FF80]  }
.Ltmp4:
0x525: {  	v10 =	vld [tilespmem:$0x1FF90];
	(pc) =	sbr.rel @p0 .LBB2_1-.Ltmp4, $4  }
0x526: {  	v11 =	vld [tilespmem:$0x1FFA0]  }
0x527: {  	v12 =	vld [tilespmem:$0x1FFB0]  }
0x528: {  	[sflag:s22] =	ssyncset.done $0x0;
	v13 =	vld [tilespmem:$0x1FFC0]  }
0x529: {  	v14 =	vld [tilespmem:$0x1FFD0];
	[sflag:s22] =	ssyncadd.s32 $0xFFFFE000  }
0x52a: {  	_ =	sfence.sel $0x180000  }
0x52b: {  	[bflag:$0x0] =	sbarrier.arrive $0xFFFF  }
0x52c: {  	p0 =	sne.s32 s0, $0x0;
	_ =	strace $0x90000047  }
0x52d: {  	s0 =	sadd.s32 @!p0 $0x100000, s3;
	[bflag:$0x2] =	sbarrier.arrive $0xFFFF  }
0x52e: {  	[sflag:s0] =	ssyncadd.tile.s32 @!p0 $0x1;
	_ =	shalt  }
.Lfunc_end2:
_tile_overlayer_lowered:
.L_overlay_start_2:
0x52f: {  	(tag) =	ssettag $0x2  }
0x530: {  	s0 =	rddreg [dreg:$0x0];
	s2 =	stileid.u32  }
0x531: {  	s1 =	rddreg [dreg:$0x1];
	p0 =	sne.s32 s2, $0x0  }
0x532: {  	s3 =	rddreg [dreg:$0x2];
	[bflag:$0x3] =	sbarrier.arrive $0xFFFF;
	s2 =	simm.s32 @!p0 $0x1C05  }
0x533: {  	[timem:s3], [sflag:s2] =	dma.local @!p0 [hbm:s0], s1  }
0x534: {  	s0 =	simm.s32 @!p0 $0x5  }
0x535: {  	_ =	swait.ge @!p0 [sflag:s0], s1  }
0x536: {  	s1 =	ssub.s32 @!p0 $0x0, s1;
	[sflag:s0] =	ssyncset.done @!p0 $0x0  }
0x537: {  	[sflag:s0] =	ssyncadd.s32 @!p0 s1  }
0x538: {  	[bflag:$0x3] =	sbarrier.arrive $0xFFFF  }
0x539: {  	_ =	shalt  }

</sc_bundles>
